<compile_context>
chip_gen: v7x
topology: tpu7x:2x2x1
jax: 0.10.2.dev20260603
libtpu: 0.0.44.dev20260713+nightly
codegen_flags: <defaults>
</compile_context>

<pallas_src>
import jax
import jax.numpy as jnp
from jax import lax
from jax.experimental import pallas as pl
from jax.experimental.pallas import tpu as pltpu
from jax.experimental.pallas import tpu_sc as plsc

_NC = 2
_NS = 16
_NW = _NC * _NS
_LANES = 16
_CHUNK = 80



def _prep_body(x_ref, u_ref, w1s_ref, w1d_ref, w1u_ref, eb1_ref, xs_ref, xd_ref):
    c0 = jnp.dot(u_ref[...], w1u_ref[...], preferred_element_type=jnp.float32) + eb1_ref[...]
    xs_ref[...] = jnp.dot(x_ref[...], w1s_ref[...], preferred_element_type=jnp.float32) + c0
    xd_ref[...] = jnp.dot(x_ref[...], w1d_ref[...], preferred_element_type=jnp.float32)


def _prep(x, u2, w1s, w1d, w1u, eb1, bn):
    n, vin = x.shape
    h = w1s.shape[1]
    return pl.pallas_call(
        _prep_body,
        grid=(n // bn,),
        in_specs=[
            pl.BlockSpec((bn, vin), lambda i: (i, 0)),
            pl.BlockSpec(u2.shape, lambda i: (0, 0)),
            pl.BlockSpec(w1s.shape, lambda i: (0, 0)),
            pl.BlockSpec(w1d.shape, lambda i: (0, 0)),
            pl.BlockSpec(w1u.shape, lambda i: (0, 0)),
            pl.BlockSpec(eb1.shape, lambda i: (0, 0)),
        ],
        out_specs=[pl.BlockSpec((bn, h), lambda i: (i, 0)),
                   pl.BlockSpec((bn, h), lambda i: (i, 0))],
        out_shape=[jax.ShapeDtypeStruct((n, h), jnp.float32),
                   jax.ShapeDtypeStruct((n, h), jnp.float32)],
    )(x, u2, w1s, w1d, w1u, eb1)



_GSLOTS = 3


def _sc_gather_add(xs, xd, row, col):
    e = row.shape[0]
    h = xs.shape[1]
    epw = e // _NW
    nchunks = epw // _CHUNK
    ngroups = nchunks // _GSLOTS
    ntail = nchunks - ngroups * _GSLOTS
    mesh = plsc.VectorSubcoreMesh(core_axis_name="c", subcore_axis_name="s")

    def body(xs_hbm, xd_hbm, row_hbm, col_hbm, s_hbm, *scr):
        ir = scr[0:_GSLOTS]
        ic = scr[_GSLOTS:2 * _GSLOTS]
        av = scr[2 * _GSLOTS:3 * _GSLOTS]
        bv = scr[3 * _GSLOTS:4 * _GSLOTS]
        isem = scr[4 * _GSLOTS:5 * _GSLOTS]
        gsem = scr[5 * _GSLOTS:6 * _GSLOTS]
        wsem = scr[6 * _GSLOTS]
        wid = lax.axis_index("s") * _NC + lax.axis_index("c")

        def run_chunks(k0, nslots):
            iobjs = []
            for s in range(nslots):
                base = pl.multiple_of(wid * epw + (k0 + s) * _CHUNK, 8)
                o1 = pltpu.async_copy(row_hbm.at[pl.ds(base, _CHUNK)], ir[s], isem[s])
                o2 = pltpu.async_copy(col_hbm.at[pl.ds(base, _CHUNK)], ic[s], isem[s])
                iobjs.append((base, o1, o2))
            gobjs = []
            for s in range(nslots):
                base, o1, o2 = iobjs[s]
                o1.wait()
                o2.wait()
                ga = pltpu.async_copy(xs_hbm.at[ir[s]], av[s], gsem[s])
                gb = pltpu.async_copy(xd_hbm.at[ic[s]], bv[s], gsem[s])
                gobjs.append((base, ga, gb))
            wobjs = []
            for s in range(nslots):
                base, ga, gb = gobjs[s]
                ga.wait()
                gb.wait()

                def addrow(j, c2, s=s):
                    for q in range(h // _LANES):
                        sl = pl.ds(q * _LANES, _LANES)
                        av[s][j, sl] = av[s][j, sl] + bv[s][j, sl]
                    return c2

                lax.fori_loop(0, _CHUNK, addrow, 0)
                wobjs.append(pltpu.async_copy(av[s], s_hbm.at[pl.ds(base, _CHUNK)], wsem))
            for w in wobjs:
                w.wait()

        def group(g, carry):
            run_chunks(g * _GSLOTS, _GSLOTS)
            return carry

        lax.fori_loop(0, ngroups, group, 0)
        if ntail:
            run_chunks(ngroups * _GSLOTS, ntail)

    f = pl.kernel(
        body,
        out_type=jax.ShapeDtypeStruct((e, h), jnp.float32),
        mesh=mesh,
        scratch_types=(
            [pltpu.VMEM((_CHUNK,), jnp.int32) for _ in range(2 * _GSLOTS)]
            + [pltpu.VMEM((_CHUNK, h), jnp.float32) for _ in range(2 * _GSLOTS)]
            + [pltpu.SemaphoreType.DMA for _ in range(2 * _GSLOTS)]
            + [pltpu.SemaphoreType.DMA]
        ),
    )
    return f(xs, xd, row, col)



def _edge_body(s_ref, ea_ref, w1e_ref, w2_ref, eb2_ref, ne_ref, esum_ref, acc_ref):
    i = pl.program_id(0)
    pre = s_ref[...] + jnp.dot(ea_ref[...], w1e_ref[...], preferred_element_type=jnp.float32)
    hh = jnp.maximum(pre, 0.0)
    ne = jnp.dot(hh, w2_ref[...], preferred_element_type=jnp.float32) + eb2_ref[...]
    ne_ref[...] = ne

    @pl.when(i == 0)
    def _():
        acc_ref[...] = jnp.zeros_like(acc_ref)

    acc_ref[...] += jnp.sum(ne, axis=0, keepdims=True)

    @pl.when(i == pl.num_programs(0) - 1)
    def _():
        esum_ref[...] = acc_ref[...]


def _edge_mlp_first(s_e, ea, w1e, w2, eb2, be, e_total):
    eh, h = s_e.shape
    ein = ea.shape[1]
    return pl.pallas_call(
        _edge_body,
        grid=(eh // be,),
        in_specs=[
            pl.BlockSpec((be, h), lambda i: (i, 0)),
            pl.BlockSpec((be, ein), lambda i: (i, 0)),
            pl.BlockSpec(w1e.shape, lambda i: (0, 0)),
            pl.BlockSpec(w2.shape, lambda i: (0, 0)),
            pl.BlockSpec(eb2.shape, lambda i: (0, 0)),
        ],
        out_specs=[pl.BlockSpec((be, h), lambda i: (i, 0)),
                   pl.BlockSpec((1, h), lambda i: (0, 0))],
        out_shape=[jax.ShapeDtypeStruct((e_total, h), jnp.float32),
                   jax.ShapeDtypeStruct((1, h), jnp.float32)],
        scratch_shapes=[pltpu.VMEM((1, h), jnp.float32)],
    )(s_e, ea, w1e, w2, eb2)


def _edge_body_b(ne_in_ref, s_ref, ea_ref, w1e_ref, w2_ref, eb2_ref,
                 ne_ref, esum_ref, acc_ref):
    del ne_in_ref
    _edge_body(s_ref, ea_ref, w1e_ref, w2_ref, eb2_ref, ne_ref, esum_ref, acc_ref)


def _edge_mlp_second(ne_a, s_e, ea, w1e, w2, eb2, be, blk_off):
    eh, h = s_e.shape
    ein = ea.shape[1]
    e_total = ne_a.shape[0]
    return pl.pallas_call(
        _edge_body_b,
        grid=(eh // be,),
        in_specs=[
            pl.BlockSpec(memory_space=pltpu.MemorySpace.HBM),
            pl.BlockSpec((be, h), lambda i: (i, 0)),
            pl.BlockSpec((be, ein), lambda i: (i, 0)),
            pl.BlockSpec(w1e.shape, lambda i: (0, 0)),
            pl.BlockSpec(w2.shape, lambda i: (0, 0)),
            pl.BlockSpec(eb2.shape, lambda i: (0, 0)),
        ],
        out_specs=[pl.BlockSpec((be, h), lambda i, blk_off=blk_off: (i + blk_off, 0)),
                   pl.BlockSpec((1, h), lambda i: (0, 0))],
        out_shape=[jax.ShapeDtypeStruct((e_total, h), jnp.float32),
                   jax.ShapeDtypeStruct((1, h), jnp.float32)],
        scratch_shapes=[pltpu.VMEM((1, h), jnp.float32)],
        input_output_aliases={0: 0},
    )(ne_a, s_e, ea, w1e, w2, eb2)



_SSLOTS = 2


def _sc_scatter_add(ne, col, n, off):
    e = col.shape[0]
    h = ne.shape[1]
    epw = e // _NW
    nchunks = epw // _CHUNK
    rc = _CHUNK
    nrch = n // rc
    per = (nrch + _NS - 1) // _NS
    mesh = plsc.VectorSubcoreMesh(core_axis_name="c", subcore_axis_name="s")

    ngroups = nchunks // _SSLOTS
    ntail = nchunks - ngroups * _SSLOTS

    def body(ne_hbm, col_hbm, out_hbm, *scr):
        iv = scr[0:_SSLOTS]
        nv = scr[_SSLOTS:2 * _SSLOTS]
        agg_sh = scr[2 * _SSLOTS]
        isem = scr[2 * _SSLOTS + 1:2 * _SSLOTS + 1 + _SSLOTS]
        nsem = scr[2 * _SSLOTS + 1 + _SSLOTS:2 * _SSLOTS + 1 + 2 * _SSLOTS]

        cid = lax.axis_index("c")
        sid = lax.axis_index("s")
        wid = sid * _NC + cid

        def zrow(j, carry):
            for q in range(h // _LANES):
                nv[0][j, pl.ds(q * _LANES, _LANES)] = jnp.zeros((_LANES,), jnp.float32)
            return carry

        lax.fori_loop(0, rc, zrow, 0)
        for t in range(per):
            cix = sid + _NS * t

            @pl.when(cix < nrch)
            def _(cix=cix):
                r0 = pl.multiple_of(cix * rc, 8)
                pltpu.sync_copy(nv[0], agg_sh.at[pl.ds(r0, rc)])

        plsc.subcore_barrier()

        def run_chunks(k0, nslots):
            lobjs = []
            for s in range(nslots):
                base = pl.multiple_of(wid * epw + (k0 + s) * _CHUNK, 8)
                nbase = pl.multiple_of(off + base, 8)
                o1 = pltpu.async_copy(col_hbm.at[pl.ds(base, _CHUNK)], iv[s], isem[s])
                o2 = pltpu.async_copy(ne_hbm.at[pl.ds(nbase, _CHUNK)], nv[s], nsem[s])
                lobjs.append((o1, o2))
            for s in range(nslots):
                o1, o2 = lobjs[s]
                o1.wait()
                o2.wait()
                pltpu.sync_copy(nv[s], agg_sh.at[iv[s]], add=True)

        def group(g, carry):
            run_chunks(g * _SSLOTS, _SSLOTS)
            return carry

        lax.fori_loop(0, ngroups, group, 0)
        if ntail:
            run_chunks(ngroups * _SSLOTS, ntail)
        plsc.subcore_barrier()
        for t in range(per):
            cix = sid + _NS * t

            @pl.when(cix < nrch)
            def _(cix=cix):
                r0 = pl.multiple_of(cix * rc, 8)
                pltpu.sync_copy(agg_sh.at[pl.ds(r0, rc)], nv[0])
                pltpu.sync_copy(nv[0], out_hbm.at[cid, pl.ds(r0, rc)])

    f = pl.kernel(
        body,
        out_type=jax.ShapeDtypeStruct((_NC, n, h), jnp.float32),
        mesh=mesh,
        scratch_types=(
            [pltpu.VMEM((_CHUNK,), jnp.int32) for _ in range(_SSLOTS)]
            + [pltpu.VMEM((_CHUNK, h), jnp.float32) for _ in range(_SSLOTS)]
            + [pltpu.VMEM_SHARED((n, h), jnp.float32)]
            + [pltpu.SemaphoreType.DMA for _ in range(2 * _SSLOTS)]
        ),
    )
    return f(ne, col)



def _logits_body(x_ref, a0_ref, a1_ref, a2_ref, a3_ref, u_ref,
                 mkx_ref, mka_ref, mku_ref, l_ref):
    agg = (a0_ref[0] + a1_ref[0]) + (a2_ref[0] + a3_ref[0])
    l_ref[...] = (
        jnp.dot(x_ref[...], mkx_ref[...], preferred_element_type=jnp.float32)
        + jnp.dot(agg, mka_ref[...], preferred_element_type=jnp.float32)
        + jnp.dot(u_ref[...], mku_ref[...], preferred_element_type=jnp.float32)
    )


def _logits(x, aggp1, aggp2, u2, mkx, mka, mku, bn):
    n, vin = x.shape
    h = aggp1.shape[2]
    m = mkx.shape[1]
    pspec = lambda c: pl.BlockSpec((1, bn, h), lambda i, c=c: (c, i, 0))
    return pl.pallas_call(
        _logits_body,
        grid=(n // bn,),
        in_specs=[
            pl.BlockSpec((bn, vin), lambda i: (i, 0)),
            pspec(0), pspec(1), pspec(0), pspec(1),
            pl.BlockSpec(u2.shape, lambda i: (0, 0)),
            pl.BlockSpec(mkx.shape, lambda i: (0, 0)),
            pl.BlockSpec(mka.shape, lambda i: (0, 0)),
            pl.BlockSpec(mku.shape, lambda i: (0, 0)),
        ],
        out_specs=pl.BlockSpec((bn, m), lambda i: (i, 0)),
        out_shape=jax.ShapeDtypeStruct((n, m), jnp.float32),
    )(x, aggp1, aggp1, aggp2, aggp2, u2, mkx, mka, mku)



def _stats_body(l_ref, m_ref, s_ref, macc_ref, sacc_ref):
    i = pl.program_id(0)

    @pl.when(i == 0)
    def _():
        macc_ref[...] = jnp.full_like(macc_ref, -1e30)
        sacc_ref[...] = jnp.zeros_like(sacc_ref)

    l = l_ref[...]
    bm = jnp.max(l, axis=0, keepdims=True)
    mold = macc_ref[...]
    mnew = jnp.maximum(mold, bm)
    sacc_ref[...] = sacc_ref[...] * jnp.exp(mold - mnew) + jnp.sum(
        jnp.exp(l - mnew), axis=0, keepdims=True)
    macc_ref[...] = mnew

    @pl.when(i == pl.num_programs(0) - 1)
    def _():
        m_ref[...] = macc_ref[...]
        s_ref[...] = sacc_ref[...]


def _softmax_stats(logits, bn):
    n, m = logits.shape
    return pl.pallas_call(
        _stats_body,
        grid=(n // bn,),
        in_specs=[pl.BlockSpec((bn, m), lambda i: (i, 0))],
        out_specs=[pl.BlockSpec((1, m), lambda i: (0, 0)),
                   pl.BlockSpec((1, m), lambda i: (0, 0))],
        out_shape=[jax.ShapeDtypeStruct((1, m), jnp.float32),
                   jax.ShapeDtypeStruct((1, m), jnp.float32)],
        scratch_shapes=[pltpu.VMEM((1, m), jnp.float32),
                        pltpu.VMEM((1, m), jnp.float32)],
    )(logits)



def _node_body(n_nodes, n_edges,
               l_ref, m_ref, s_ref, mv_ref, nw1_ref, nb1_ref, nw2_ref, nb2_ref,
               u_ref, esum_ref, esum2_ref, gw1_ref, gb1_ref, gw2_ref, gb2_ref,
               nx_ref, nu_ref, acc_ref):
    i = pl.program_id(0)
    attn = jnp.exp(l_ref[...] - m_ref[...]) / s_ref[...]
    attn = attn / jnp.sum(attn, axis=1, keepdims=True)
    ao = jnp.dot(attn, mv_ref[...], preferred_element_type=jnp.float32)
    hn = jnp.maximum(
        jnp.dot(ao, nw1_ref[...], preferred_element_type=jnp.float32) + nb1_ref[...], 0.0)
    nx = jnp.dot(hn, nw2_ref[...], preferred_element_type=jnp.float32) + nb2_ref[...]
    nx_ref[...] = nx

    @pl.when(i == 0)
    def _():
        acc_ref[...] = jnp.zeros_like(acc_ref)

    acc_ref[...] += jnp.sum(nx, axis=0, keepdims=True)

    @pl.when(i == pl.num_programs(0) - 1)
    def _():
        node_agg = acc_ref[...] * (1.0 / n_nodes)
        edge_agg = (esum_ref[...] + esum2_ref[...]) * (1.0 / n_edges)
        gcat = jnp.concatenate([u_ref[...], node_agg, edge_agg], axis=1)
        gh = jnp.maximum(
            jnp.dot(gcat, gw1_ref[...], preferred_element_type=jnp.float32) + gb1_ref[...], 0.0)
        nu_ref[...] = jnp.dot(gh, gw2_ref[...], preferred_element_type=jnp.float32) + gb2_ref[...]


def _node_global_call(logits, mcol, scol, mv, nw1, nb1, nw2, nb2, u2, esum,
                      esum2, gw1, gb1, gw2, gb2, bn, n_edges):
    import functools
    n, m = logits.shape
    h = nw2.shape[1]
    body = functools.partial(_node_body, float(n), float(n_edges))
    full = lambda a: pl.BlockSpec(a.shape, lambda i: tuple(0 for _ in a.shape))
    return pl.pallas_call(
        body,
        grid=(n // bn,),
        in_specs=[
            pl.BlockSpec((bn, m), lambda i: (i, 0)),
            full(mcol), full(scol), full(mv), full(nw1), full(nb1),
            full(nw2), full(nb2), full(u2), full(esum), full(esum2),
            full(gw1), full(gb1), full(gw2), full(gb2),
        ],
        out_specs=[pl.BlockSpec((bn, h), lambda i: (i, 0)),
                   pl.BlockSpec((1, h), lambda i: (0, 0))],
        out_shape=[jax.ShapeDtypeStruct((n, h), jnp.float32),
                   jax.ShapeDtypeStruct((1, h), jnp.float32)],
        scratch_shapes=[pltpu.VMEM((1, h), jnp.float32)],
    )(logits, mcol, scol, mv, nw1, nb1, nw2, nb2, u2, esum, esum2,
      gw1, gb1, gw2, gb2)



def kernel(x, edge_index, edge_attr, u, batch,
           e_W1, e_b1, e_W2, e_b2, Mk, Mv,
           n_W1, n_b1, n_W2, n_b2, g_W1, g_b1, g_W2, g_b2):
    n, vin = x.shape
    e = edge_index.shape[1]
    ein = edge_attr.shape[1]
    uin = u.shape[1]
    h = e_W2.shape[1]

    row = edge_index[0]
    col = edge_index[1]
    w1s = e_W1[:vin]
    w1d = e_W1[vin:2 * vin]
    w1e = e_W1[2 * vin:2 * vin + ein]
    w1u = e_W1[2 * vin + ein:]
    u2 = u.reshape(1, uin)
    eb1 = e_b1.reshape(1, h)
    eb2 = e_b2.reshape(1, h)

    xs, xd = _prep(x, u2, w1s, w1d, w1u, eb1, 2000)

    e1 = (e * 3 // 5) // (_NW * _CHUNK) * (_NW * _CHUNK)
    be = 2000
    s1 = _sc_gather_add(xs, xd, row[:e1], col[:e1])
    s2 = _sc_gather_add(xs, xd, row[e1:], col[e1:])
    ne_a, esum1 = _edge_mlp_first(s1, edge_attr[:e1], w1e, e_W2, eb2, be, e)
    aggp1 = _sc_scatter_add(ne_a, col[:e1], n, 0)
    ne, esum2 = _edge_mlp_second(ne_a, s2, edge_attr[e1:], w1e, e_W2, eb2,
                                 be, e1 // be)
    aggp2 = _sc_scatter_add(ne, col[e1:], n, e1)

    mkx = Mk[:, :vin].T
    mka = Mk[:, vin:vin + h].T
    mku = Mk[:, vin + h:].T
    logits = _logits(x, aggp1, aggp2, u2, mkx, mka, mku, 2000)
    mcol, scol = _softmax_stats(logits, 2000)
    new_x, new_u = _node_global_call(
        logits, mcol, scol, Mv, n_W1, n_b1.reshape(1, h), n_W2,
        n_b2.reshape(1, h), u2, esum1, esum2, g_W1, g_b1.reshape(1, h), g_W2,
        g_b2.reshape(1, h), 2000, e)
    return (new_x, ne, new_u)

# --- scband reference (transcript-rebuilt; emitter-appended) ---
"""Pipeline reference for scband-ghgeat-48541720379569 (READ-ONLY COPY).

The authoritative reference and input builder live on the scoring server;
editing this copy changes nothing except your own understanding.
"""

import jax, jax.numpy as jnp
import numpy as np

N = 10000
E = 320000
V_IN = 128
E_IN = 16
U_IN = 32
H = 128
M = 128
B = 1


def _lin(k, fin, fout):
    kw, kb = jax.random.split(k)
    W = jax.random.normal(kw, (fin, fout), jnp.float32) * (1.0 / np.sqrt(fin))
    b = jax.random.normal(kb, (fout,), jnp.float32) * 0.01
    return W, b


def setup_inputs(seed: int = 0) -> dict:
    key = jax.random.key(seed)
    ks = jax.random.split(key, 12)
    x = jax.random.normal(ks[0], (N, V_IN), jnp.float32)
    edge_index = jax.random.randint(ks[1], (2, E), 0, N)
    edge_attr = jax.random.normal(ks[2], (E, E_IN), jnp.float32)
    u = jax.random.normal(ks[3], (B, U_IN), jnp.float32)
    batch = jnp.zeros((N,), jnp.int32)
    e_W1, e_b1 = _lin(ks[4], 2 * V_IN + E_IN + U_IN, H)
    e_W2, e_b2 = _lin(ks[5], H, H)
    Mk = jax.random.normal(ks[6], (M, V_IN + H + U_IN), jnp.float32) * (1.0 / np.sqrt(V_IN + H + U_IN))
    Mv = jax.random.normal(ks[7], (M, 2 * H + U_IN), jnp.float32) * (1.0 / np.sqrt(M))
    n_W1, n_b1 = _lin(ks[8], 2 * H + U_IN, H)
    n_W2, n_b2 = _lin(ks[9], H, H)
    g_W1, g_b1 = _lin(ks[10], 2 * H + U_IN, H)
    g_W2, g_b2 = _lin(ks[11], H, H)
    return dict(x=x, edge_index=edge_index, edge_attr=edge_attr, u=u, batch=batch,
                e_W1=e_W1, e_b1=e_b1, e_W2=e_W2, e_b2=e_b2,
                Mk=Mk, Mv=Mv, n_W1=n_W1, n_b1=n_b1, n_W2=n_W2, n_b2=n_b2,
                g_W1=g_W1, g_b1=g_b1, g_W2=g_W2, g_b2=g_b2)


def reference(x, edge_index, edge_attr, u, batch,
              e_W1, e_b1, e_W2, e_b2, Mk, Mv,
              n_W1, n_b1, n_W2, n_b2, g_W1, g_b1, g_W2, g_b2):
    row = edge_index[0]
    col = edge_index[1]
    # EdgeModel: per-edge MLP over [src, dst, edge_attr, u[batch[row]]]
    cat_e = jnp.concatenate([x[row], x[col], edge_attr, u[batch[row]]], axis=1)
    h = jnp.maximum(cat_e @ e_W1 + e_b1, 0.0)
    new_edge = h @ e_W2 + e_b2  # [E, H]
    # NodeModel: scatter-add messages to dst, external attention over memory
    agg = jnp.zeros((x.shape[0], new_edge.shape[1]), x.dtype).at[col].add(new_edge)
    combined = jnp.concatenate([x, agg, u[batch]], axis=1)  # [N, V_IN+H+U_IN]
    attn = combined[None, :, :] @ Mk.T  # [1, N, M]
    attn = jax.nn.softmax(attn, axis=1)  # softmax over node dim (faithful to F.softmax(dim=1))
    attn = attn / jnp.sum(attn, axis=2, keepdims=True)
    attn_out = (attn @ Mv)[0]  # [N, 2H+U_IN]
    # attention_weight >= 1.0 -> out = attn_out
    hn = jnp.maximum(attn_out @ n_W1 + n_b1, 0.0)
    new_x = hn @ n_W2 + n_b2  # [N, H]
    # GlobalModel: scatter-mean of nodes and edges per graph
    Bn = u.shape[0]
    node_cnt = jnp.maximum(jax.ops.segment_sum(jnp.ones((x.shape[0],), x.dtype), batch, num_segments=Bn), 1.0)
    node_agg = jax.ops.segment_sum(new_x, batch, num_segments=Bn) / node_cnt[:, None]
    eseg = batch[col]
    edge_cnt = jnp.maximum(jax.ops.segment_sum(jnp.ones((new_edge.shape[0],), x.dtype), eseg, num_segments=Bn), 1.0)
    edge_agg = jax.ops.segment_sum(new_edge, eseg, num_segments=Bn) / edge_cnt[:, None]
    gcat = jnp.concatenate([u, node_agg, edge_agg], axis=1)
    new_u = jnp.maximum(gcat @ g_W1 + g_b1, 0.0) @ g_W2 + g_b2  # [B, H]
    return (new_x, new_edge, new_u)

if __name__ == "__main__":
    import jax
    _d = setup_inputs()
    print(jax.jit(kernel)(*tuple(_d.values())))

</pallas_src>

<mosaic_0001>
#map = affine_map<(d0, d1) -> (0, 0)>
#map1 = affine_map<(d0, d1) -> (0)>
module attributes {stable_mosaic.version = 14 : i64} {
  func.func @body(%arg0: i32, %arg1: i32, %arg2: memref<10000x128xf32, #tpu.memory_space<hbm>>, %arg3: memref<10000x128xf32, #tpu.memory_space<hbm>>, %arg4: memref<192000xi32, #tpu.memory_space<hbm>>, %arg5: memref<192000xi32, #tpu.memory_space<hbm>>, %arg6: memref<192000x128xf32, #tpu.memory_space<hbm>>, %arg7: memref<80xi32, #tpu.memory_space<vmem>>, %arg8: memref<80xi32, #tpu.memory_space<vmem>>, %arg9: memref<80xi32, #tpu.memory_space<vmem>>, %arg10: memref<80xi32, #tpu.memory_space<vmem>>, %arg11: memref<80xi32, #tpu.memory_space<vmem>>, %arg12: memref<80xi32, #tpu.memory_space<vmem>>, %arg13: memref<80x128xf32, #tpu.memory_space<vmem>>, %arg14: memref<80x128xf32, #tpu.memory_space<vmem>>, %arg15: memref<80x128xf32, #tpu.memory_space<vmem>>, %arg16: memref<80x128xf32, #tpu.memory_space<vmem>>, %arg17: memref<80x128xf32, #tpu.memory_space<vmem>>, %arg18: memref<80x128xf32, #tpu.memory_space<vmem>>, %arg19: memref<!tpu.dma_semaphore, #tpu.memory_space<semaphore_mem>>, %arg20: memref<!tpu.dma_semaphore, #tpu.memory_space<semaphore_mem>>, %arg21: memref<!tpu.dma_semaphore, #tpu.memory_space<semaphore_mem>>, %arg22: memref<!tpu.dma_semaphore, #tpu.memory_space<semaphore_mem>>, %arg23: memref<!tpu.dma_semaphore, #tpu.memory_space<semaphore_mem>>, %arg24: memref<!tpu.dma_semaphore, #tpu.memory_space<semaphore_mem>>, %arg25: memref<!tpu.dma_semaphore, #tpu.memory_space<semaphore_mem>>) attributes {dimension_semantics = [#tpu.dimension_semantics<core_parallel>, #tpu.dimension_semantics<subcore_parallel>], iteration_bounds = array<i64: 2, 16>, scalar_prefetch = 0 : i64, scratch_operands = 19 : i64, tpu.core_type = #tpu.core_type<sc_vector_subcore>, window_params = [{transform_indices = #map}, {transform_indices = #map}, {transform_indices = #map1}, {transform_indices = #map1}, {transform_indices = #map}]} {
    %mul3A = arith.constant 2 : i32
    %mul3A_0 = arith.muli %arg1, %mul3A : i32
    %add3A = arith.addi %mul3A_0, %arg0 : i32
    %scan3A = arith.constant 0 : i32
    %scan3A_1 = arith.constant 0 : i32
    %scan3A_2 = arith.constant 25 : i32
    %scan3A_3 = arith.addi %scan3A_1, %scan3A_2 : i32
    %scan3A_4 = arith.constant 1 : i32
    scf.for %scan3A_6 = %scan3A_1 to %scan3A_3 step %scan3A_4  : i32 {
      %mul3A_7 = arith.constant 3 : i32
      %mul3A_8 = arith.muli %scan3A_6, %mul3A_7 : i32
      %mul3A_9 = arith.constant 6000 : i32
      %mul3A_10 = arith.muli %add3A, %mul3A_9 : i32
      %add3A_11 = arith.constant 0 : i32
      %add3A_12 = arith.addi %mul3A_8, %add3A_11 : i32
      %mul3A_13 = arith.constant 80 : i32
      %mul3A_14 = arith.muli %add3A_12, %mul3A_13 : i32
      %add3A_15 = arith.addi %mul3A_10, %mul3A_14 : i32
      %multiple_of3A = tpu.assume_multiple %add3A_15, 8 : i32
      %dma_start3A = tpu.memref_slice %arg4[%multiple_of3A] : memref<192000xi32, #tpu.memory_space<hbm>> -> memref<80xi32, #tpu.memory_space<hbm>>
      %dma_start3A_16 = tpu.memref_slice %arg4[%multiple_of3A] : memref<192000xi32, #tpu.memory_space<hbm>> -> memref<80xi32, #tpu.memory_space<hbm>>
      tpu.enqueue_dma source(%dma_start3A_16 : memref<80xi32, #tpu.memory_space<hbm>>) target(%arg7 : memref<80xi32, #tpu.memory_space<vmem>>) target_semaphore(%arg19 : memref<!tpu.dma_semaphore, #tpu.memory_space<semaphore_mem>>)
      %dma_start3A_17 = tpu.memref_slice %arg5[%multiple_of3A] : memref<192000xi32, #tpu.memory_space<hbm>> -> memref<80xi32, #tpu.memory_space<hbm>>
      %dma_start3A_18 = tpu.memref_slice %arg5[%multiple_of3A] : memref<192000xi32, #tpu.memory_space<hbm>> -> memref<80xi32, #tpu.memory_space<hbm>>
      tpu.enqueue_dma source(%dma_start3A_18 : memref<80xi32, #tpu.memory_space<hbm>>) target(%arg10 : memref<80xi32, #tpu.memory_space<vmem>>) target_semaphore(%arg19 : memref<!tpu.dma_semaphore, #tpu.memory_space<semaphore_mem>>)
      %mul3A_19 = arith.constant 6000 : i32
      %mul3A_20 = arith.muli %add3A, %mul3A_19 : i32
      %add3A_21 = arith.constant 1 : i32
      %add3A_22 = arith.addi %mul3A_8, %add3A_21 : i32
      %mul3A_23 = arith.constant 80 : i32
      %mul3A_24 = arith.muli %add3A_22, %mul3A_23 : i32
      %add3A_25 = arith.addi %mul3A_20, %mul3A_24 : i32
      %multiple_of3A_26 = tpu.assume_multiple %add3A_25, 8 : i32
      %dma_start3A_27 = tpu.memref_slice %arg4[%multiple_of3A_26] : memref<192000xi32, #tpu.memory_space<hbm>> -> memref<80xi32, #tpu.memory_space<hbm>>
      %dma_start3A_28 = tpu.memref_slice %arg4[%multiple_of3A_26] : memref<192000xi32, #tpu.memory_space<hbm>> -> memref<80xi32, #tpu.memory_space<hbm>>
      tpu.enqueue_dma source(%dma_start3A_28 : memref<80xi32, #tpu.memory_space<hbm>>) target(%arg8 : memref<80xi32, #tpu.memory_space<vmem>>) target_semaphore(%arg20 : memref<!tpu.dma_semaphore, #tpu.memory_space<semaphore_mem>>)
      %dma_start3A_29 = tpu.memref_slice %arg5[%multiple_of3A_26] : memref<192000xi32, #tpu.memory_space<hbm>> -> memref<80xi32, #tpu.memory_space<hbm>>
      %dma_start3A_30 = tpu.memref_slice %arg5[%multiple_of3A_26] : memref<192000xi32, #tpu.memory_space<hbm>> -> memref<80xi32, #tpu.memory_space<hbm>>
      tpu.enqueue_dma source(%dma_start3A_30 : memref<80xi32, #tpu.memory_space<hbm>>) target(%arg11 : memref<80xi32, #tpu.memory_space<vmem>>) target_semaphore(%arg20 : memref<!tpu.dma_semaphore, #tpu.memory_space<semaphore_mem>>)
      %mul3A_31 = arith.constant 6000 : i32
      %mul3A_32 = arith.muli %add3A, %mul3A_31 : i32
      %add3A_33 = arith.constant 2 : i32
      %add3A_34 = arith.addi %mul3A_8, %add3A_33 : i32
      %mul3A_35 = arith.constant 80 : i32
      %mul3A_36 = arith.muli %add3A_34, %mul3A_35 : i32
      %add3A_37 = arith.addi %mul3A_32, %mul3A_36 : i32
      %multiple_of3A_38 = tpu.assume_multiple %add3A_37, 8 : i32
      %dma_start3A_39 = tpu.memref_slice %arg4[%multiple_of3A_38] : memref<192000xi32, #tpu.memory_space<hbm>> -> memref<80xi32, #tpu.memory_space<hbm>>
      %dma_start3A_40 = tpu.memref_slice %arg4[%multiple_of3A_38] : memref<192000xi32, #tpu.memory_space<hbm>> -> memref<80xi32, #tpu.memory_space<hbm>>
      tpu.enqueue_dma source(%dma_start3A_40 : memref<80xi32, #tpu.memory_space<hbm>>) target(%arg9 : memref<80xi32, #tpu.memory_space<vmem>>) target_semaphore(%arg21 : memref<!tpu.dma_semaphore, #tpu.memory_space<semaphore_mem>>)
      %dma_start3A_41 = tpu.memref_slice %arg5[%multiple_of3A_38] : memref<192000xi32, #tpu.memory_space<hbm>> -> memref<80xi32, #tpu.memory_space<hbm>>
      %dma_start3A_42 = tpu.memref_slice %arg5[%multiple_of3A_38] : memref<192000xi32, #tpu.memory_space<hbm>> -> memref<80xi32, #tpu.memory_space<hbm>>
      tpu.enqueue_dma source(%dma_start3A_42 : memref<80xi32, #tpu.memory_space<hbm>>) target(%arg12 : memref<80xi32, #tpu.memory_space<vmem>>) target_semaphore(%arg21 : memref<!tpu.dma_semaphore, #tpu.memory_space<semaphore_mem>>)
      %dma_wait3A = tpu.memref_slice %arg4[%multiple_of3A] : memref<192000xi32, #tpu.memory_space<hbm>> -> memref<80xi32, #tpu.memory_space<hbm>>
      %dma_wait3A_43 = tpu.memref_slice %arg4[%multiple_of3A] : memref<192000xi32, #tpu.memory_space<hbm>> -> memref<80xi32, #tpu.memory_space<hbm>>
      tpu.wait_dma2 semaphore(%arg19 : memref<!tpu.dma_semaphore, #tpu.memory_space<semaphore_mem>>) src(%dma_wait3A_43 : memref<80xi32, #tpu.memory_space<hbm>>) dst(%arg7 : memref<80xi32, #tpu.memory_space<vmem>>)
      %dma_wait3A_44 = tpu.memref_slice %arg5[%multiple_of3A] : memref<192000xi32, #tpu.memory_space<hbm>> -> memref<80xi32, #tpu.memory_space<hbm>>
      %dma_wait3A_45 = tpu.memref_slice %arg5[%multiple_of3A] : memref<192000xi32, #tpu.memory_space<hbm>> -> memref<80xi32, #tpu.memory_space<hbm>>
      tpu.wait_dma2 semaphore(%arg19 : memref<!tpu.dma_semaphore, #tpu.memory_space<semaphore_mem>>) src(%dma_wait3A_45 : memref<80xi32, #tpu.memory_space<hbm>>) dst(%arg10 : memref<80xi32, #tpu.memory_space<vmem>>)
      %dma_start3A_46 = arith.constant 0 : i32
      %dma_start3A_47 = arith.constant 0 : i32
      %dma_start3A_48 = tpu.memref_slice %arg2[%dma_start3A_46, %dma_start3A_47] : memref<10000x128xf32, #tpu.memory_space<hbm>> -> memref<10000x128xf32, #tpu.memory_space<hbm>>
      tpu.enqueue_indirect_dma source(%dma_start3A_48 : memref<10000x128xf32, #tpu.memory_space<hbm>>) target(%arg13 : memref<80x128xf32, #tpu.memory_space<vmem>>) offsets(%arg7 : memref<80xi32, #tpu.memory_space<vmem>>) semaphore(%arg22 : memref<!tpu.dma_semaphore, #tpu.memory_space<semaphore_mem>>)
      %dma_start3A_49 = arith.constant 0 : i32
      %dma_start3A_50 = arith.constant 0 : i32
      %dma_start3A_51 = tpu.memref_slice %arg3[%dma_start3A_49, %dma_start3A_50] : memref<10000x128xf32, #tpu.memory_space<hbm>> -> memref<10000x128xf32, #tpu.memory_space<hbm>>
      tpu.enqueue_indirect_dma source(%dma_start3A_51 : memref<10000x128xf32, #tpu.memory_space<hbm>>) target(%arg16 : memref<80x128xf32, #tpu.memory_space<vmem>>) offsets(%arg10 : memref<80xi32, #tpu.memory_space<vmem>>) semaphore(%arg22 : memref<!tpu.dma_semaphore, #tpu.memory_space<semaphore_mem>>)
      %dma_wait3A_52 = tpu.memref_slice %arg4[%multiple_of3A_26] : memref<192000xi32, #tpu.memory_space<hbm>> -> memref<80xi32, #tpu.memory_space<hbm>>
      %dma_wait3A_53 = tpu.memref_slice %arg4[%multiple_of3A_26] : memref<192000xi32, #tpu.memory_space<hbm>> -> memref<80xi32, #tpu.memory_space<hbm>>
      tpu.wait_dma2 semaphore(%arg20 : memref<!tpu.dma_semaphore, #tpu.memory_space<semaphore_mem>>) src(%dma_wait3A_53 : memref<80xi32, #tpu.memory_space<hbm>>) dst(%arg8 : memref<80xi32, #tpu.memory_space<vmem>>)
      %dma_wait3A_54 = tpu.memref_slice %arg5[%multiple_of3A_26] : memref<192000xi32, #tpu.memory_space<hbm>> -> memref<80xi32, #tpu.memory_space<hbm>>
      %dma_wait3A_55 = tpu.memref_slice %arg5[%multiple_of3A_26] : memref<192000xi32, #tpu.memory_space<hbm>> -> memref<80xi32, #tpu.memory_space<hbm>>
      tpu.wait_dma2 semaphore(%arg20 : memref<!tpu.dma_semaphore, #tpu.memory_space<semaphore_mem>>) src(%dma_wait3A_55 : memref<80xi32, #tpu.memory_space<hbm>>) dst(%arg11 : memref<80xi32, #tpu.memory_space<vmem>>)
      %dma_start3A_56 = arith.constant 0 : i32
      %dma_start3A_57 = arith.constant 0 : i32
      %dma_start3A_58 = tpu.memref_slice %arg2[%dma_start3A_56, %dma_start3A_57] : memref<10000x128xf32, #tpu.memory_space<hbm>> -> memref<10000x128xf32, #tpu.memory_space<hbm>>
      tpu.enqueue_indirect_dma source(%dma_start3A_58 : memref<10000x128xf32, #tpu.memory_space<hbm>>) target(%arg14 : memref<80x128xf32, #tpu.memory_space<vmem>>) offsets(%arg8 : memref<80xi32, #tpu.memory_space<vmem>>) semaphore(%arg23 : memref<!tpu.dma_semaphore, #tpu.memory_space<semaphore_mem>>)
      %dma_start3A_59 = arith.constant 0 : i32
      %dma_start3A_60 = arith.constant 0 : i32
      %dma_start3A_61 = tpu.memref_slice %arg3[%dma_start3A_59, %dma_start3A_60] : memref<10000x128xf32, #tpu.memory_space<hbm>> -> memref<10000x128xf32, #tpu.memory_space<hbm>>
      tpu.enqueue_indirect_dma source(%dma_start3A_61 : memref<10000x128xf32, #tpu.memory_space<hbm>>) target(%arg17 : memref<80x128xf32, #tpu.memory_space<vmem>>) offsets(%arg11 : memref<80xi32, #tpu.memory_space<vmem>>) semaphore(%arg23 : memref<!tpu.dma_semaphore, #tpu.memory_space<semaphore_mem>>)
      %dma_wait3A_62 = tpu.memref_slice %arg4[%multiple_of3A_38] : memref<192000xi32, #tpu.memory_space<hbm>> -> memref<80xi32, #tpu.memory_space<hbm>>
      %dma_wait3A_63 = tpu.memref_slice %arg4[%multiple_of3A_38] : memref<192000xi32, #tpu.memory_space<hbm>> -> memref<80xi32, #tpu.memory_space<hbm>>
      tpu.wait_dma2 semaphore(%arg21 : memref<!tpu.dma_semaphore, #tpu.memory_space<semaphore_mem>>) src(%dma_wait3A_63 : memref<80xi32, #tpu.memory_space<hbm>>) dst(%arg9 : memref<80xi32, #tpu.memory_space<vmem>>)
      %dma_wait3A_64 = tpu.memref_slice %arg5[%multiple_of3A_38] : memref<192000xi32, #tpu.memory_space<hbm>> -> memref<80xi32, #tpu.memory_space<hbm>>
      %dma_wait3A_65 = tpu.memref_slice %arg5[%multiple_of3A_38] : memref<192000xi32, #tpu.memory_space<hbm>> -> memref<80xi32, #tpu.memory_space<hbm>>
      tpu.wait_dma2 semaphore(%arg21 : memref<!tpu.dma_semaphore, #tpu.memory_space<semaphore_mem>>) src(%dma_wait3A_65 : memref<80xi32, #tpu.memory_space<hbm>>) dst(%arg12 : memref<80xi32, #tpu.memory_space<vmem>>)
      %dma_start3A_66 = arith.constant 0 : i32
      %dma_start3A_67 = arith.constant 0 : i32
      %dma_start3A_68 = tpu.memref_slice %arg2[%dma_start3A_66, %dma_start3A_67] : memref<10000x128xf32, #tpu.memory_space<hbm>> -> memref<10000x128xf32, #tpu.memory_space<hbm>>
      tpu.enqueue_indirect_dma source(%dma_start3A_68 : memref<10000x128xf32, #tpu.memory_space<hbm>>) target(%arg15 : memref<80x128xf32, #tpu.memory_space<vmem>>) offsets(%arg9 : memref<80xi32, #tpu.memory_space<vmem>>) semaphore(%arg24 : memref<!tpu.dma_semaphore, #tpu.memory_space<semaphore_mem>>)
      %dma_start3A_69 = arith.constant 0 : i32
      %dma_start3A_70 = arith.constant 0 : i32
      %dma_start3A_71 = tpu.memref_slice %arg3[%dma_start3A_69, %dma_start3A_70] : memref<10000x128xf32, #tpu.memory_space<hbm>> -> memref<10000x128xf32, #tpu.memory_space<hbm>>
      tpu.enqueue_indirect_dma source(%dma_start3A_71 : memref<10000x128xf32, #tpu.memory_space<hbm>>) target(%arg18 : memref<80x128xf32, #tpu.memory_space<vmem>>) offsets(%arg12 : memref<80xi32, #tpu.memory_space<vmem>>) semaphore(%arg24 : memref<!tpu.dma_semaphore, #tpu.memory_space<semaphore_mem>>)
      %dma_wait3A_72 = arith.constant 0 : i32
      %dma_wait3A_73 = arith.constant 0 : i32
      %dma_wait3A_74 = tpu.memref_slice %arg2[%dma_wait3A_72, %dma_wait3A_73] : memref<10000x128xf32, #tpu.memory_space<hbm>> -> memref<10000x128xf32, #tpu.memory_space<hbm>>
      tpu.wait_indirect_dma semaphore(%arg22 : memref<!tpu.dma_semaphore, #tpu.memory_space<semaphore_mem>>) src(%dma_wait3A_74 : memref<10000x128xf32, #tpu.memory_space<hbm>>) dst(%arg13 : memref<80x128xf32, #tpu.memory_space<vmem>>)
      %dma_wait3A_75 = arith.constant 0 : i32
      %dma_wait3A_76 = arith.constant 0 : i32
      %dma_wait3A_77 = tpu.memref_slice %arg3[%dma_wait3A_75, %dma_wait3A_76] : memref<10000x128xf32, #tpu.memory_space<hbm>> -> memref<10000x128xf32, #tpu.memory_space<hbm>>
      tpu.wait_indirect_dma semaphore(%arg22 : memref<!tpu.dma_semaphore, #tpu.memory_space<semaphore_mem>>) src(%dma_wait3A_77 : memref<10000x128xf32, #tpu.memory_space<hbm>>) dst(%arg16 : memref<80x128xf32, #tpu.memory_space<vmem>>)
      %scan3A_78 = arith.constant 0 : i32
      %scan3A_79 = arith.constant 0 : i32
      %scan3A_80 = arith.constant 80 : i32
      %scan3A_81 = arith.addi %scan3A_79, %scan3A_80 : i32
      %scan3A_82 = arith.constant 1 : i32
      scf.for %scan3A_132 = %scan3A_79 to %scan3A_81 step %scan3A_82  : i32 {
        %get3A = arith.index_cast %scan3A_132 : i32 to index
        %get3A_133 = arith.constant 0 : index
        %get3A_134 = tpu.vector_load %arg13[%get3A, %get3A_133] {strides = array<i32>} : memref<80x128xf32, #tpu.memory_space<vmem>>, vector<1x16xf32>,
        %get3A_135 = vector.shape_cast %get3A_134 : vector<1x16xf32> to vector<16xf32>
        %get3A_136 = arith.index_cast %scan3A_132 : i32 to index
        %get3A_137 = arith.constant 0 : index
        %get3A_138 = tpu.vector_load %arg16[%get3A_136, %get3A_137] {strides = array<i32>} : memref<80x128xf32, #tpu.memory_space<vmem>>, vector<1x16xf32>,
        %get3A_139 = vector.shape_cast %get3A_138 : vector<1x16xf32> to vector<16xf32>
        %add3A_140 = arith.addf %get3A_135, %get3A_139 : vector<16xf32>
        %swap3A = arith.index_cast %scan3A_132 : i32 to index
        %swap3A_141 = arith.constant 0 : index
        %swap3A_142 = tpu.vector_load %arg13[%swap3A, %swap3A_141] {strides = array<i32>} : memref<80x128xf32, #tpu.memory_space<vmem>>, vector<1x16xf32>,
        %swap3A_143 = vector.shape_cast %swap3A_142 : vector<1x16xf32> to vector<16xf32>
        %swap3A_144 = vector.shape_cast %add3A_140 : vector<16xf32> to vector<1x16xf32>
        tpu.vector_store %arg13[%swap3A, %swap3A_141], %swap3A_144 {strides = array<i32>} : memref<80x128xf32, #tpu.memory_space<vmem>>, vector<1x16xf32>,
        %get3A_145 = arith.index_cast %scan3A_132 : i32 to index
        %get3A_146 = arith.constant 16 : index
        %get3A_147 = tpu.vector_load %arg13[%get3A_145, %get3A_146] {strides = array<i32>} : memref<80x128xf32, #tpu.memory_space<vmem>>, vector<1x16xf32>,
        %get3A_148 = vector.shape_cast %get3A_147 : vector<1x16xf32> to vector<16xf32>
        %get3A_149 = arith.index_cast %scan3A_132 : i32 to index
        %get3A_150 = arith.constant 16 : index
        %get3A_151 = tpu.vector_load %arg16[%get3A_149, %get3A_150] {strides = array<i32>} : memref<80x128xf32, #tpu.memory_space<vmem>>, vector<1x16xf32>,
        %get3A_152 = vector.shape_cast %get3A_151 : vector<1x16xf32> to vector<16xf32>
        %add3A_153 = arith.addf %get3A_148, %get3A_152 : vector<16xf32>
        %swap3A_154 = arith.index_cast %scan3A_132 : i32 to index
        %swap3A_155 = arith.constant 16 : index
        %swap3A_156 = tpu.vector_load %arg13[%swap3A_154, %swap3A_155] {strides = array<i32>} : memref<80x128xf32, #tpu.memory_space<vmem>>, vector<1x16xf32>,
        %swap3A_157 = vector.shape_cast %swap3A_156 : vector<1x16xf32> to vector<16xf32>
        %swap3A_158 = vector.shape_cast %add3A_153 : vector<16xf32> to vector<1x16xf32>
        tpu.vector_store %arg13[%swap3A_154, %swap3A_155], %swap3A_158 {strides = array<i32>} : memref<80x128xf32, #tpu.memory_space<vmem>>, vector<1x16xf32>,
        %get3A_159 = arith.index_cast %scan3A_132 : i32 to index
        %get3A_160 = arith.constant 32 : index
        %get3A_161 = tpu.vector_load %arg13[%get3A_159, %get3A_160] {strides = array<i32>} : memref<80x128xf32, #tpu.memory_space<vmem>>, vector<1x16xf32>,
        %get3A_162 = vector.shape_cast %get3A_161 : vector<1x16xf32> to vector<16xf32>
        %get3A_163 = arith.index_cast %scan3A_132 : i32 to index
        %get3A_164 = arith.constant 32 : index
        %get3A_165 = tpu.vector_load %arg16[%get3A_163, %get3A_164] {strides = array<i32>} : memref<80x128xf32, #tpu.memory_space<vmem>>, vector<1x16xf32>,
        %get3A_166 = vector.shape_cast %get3A_165 : vector<1x16xf32> to vector<16xf32>
        %add3A_167 = arith.addf %get3A_162, %get3A_166 : vector<16xf32>
        %swap3A_168 = arith.index_cast %scan3A_132 : i32 to index
        %swap3A_169 = arith.constant 32 : index
        %swap3A_170 = tpu.vector_load %arg13[%swap3A_168, %swap3A_169] {strides = array<i32>} : memref<80x128xf32, #tpu.memory_space<vmem>>, vector<1x16xf32>,
        %swap3A_171 = vector.shape_cast %swap3A_170 : vector<1x16xf32> to vector<16xf32>
        %swap3A_172 = vector.shape_cast %add3A_167 : vector<16xf32> to vector<1x16xf32>
        tpu.vector_store %arg13[%swap3A_168, %swap3A_169], %swap3A_172 {strides = array<i32>} : memref<80x128xf32, #tpu.memory_space<vmem>>, vector<1x16xf32>,
        %get3A_173 = arith.index_cast %scan3A_132 : i32 to index
        %get3A_174 = arith.constant 48 : index
        %get3A_175 = tpu.vector_load %arg13[%get3A_173, %get3A_174] {strides = array<i32>} : memref<80x128xf32, #tpu.memory_space<vmem>>, vector<1x16xf32>,
        %get3A_176 = vector.shape_cast %get3A_175 : vector<1x16xf32> to vector<16xf32>
        %get3A_177 = arith.index_cast %scan3A_132 : i32 to index
        %get3A_178 = arith.constant 48 : index
        %get3A_179 = tpu.vector_load %arg16[%get3A_177, %get3A_178] {strides = array<i32>} : memref<80x128xf32, #tpu.memory_space<vmem>>, vector<1x16xf32>,
        %get3A_180 = vector.shape_cast %get3A_179 : vector<1x16xf32> to vector<16xf32>
        %add3A_181 = arith.addf %get3A_176, %get3A_180 : vector<16xf32>
        %swap3A_182 = arith.index_cast %scan3A_132 : i32 to index
        %swap3A_183 = arith.constant 48 : index
        %swap3A_184 = tpu.vector_load %arg13[%swap3A_182, %swap3A_183] {strides = array<i32>} : memref<80x128xf32, #tpu.memory_space<vmem>>, vector<1x16xf32>,
        %swap3A_185 = vector.shape_cast %swap3A_184 : vector<1x16xf32> to vector<16xf32>
        %swap3A_186 = vector.shape_cast %add3A_181 : vector<16xf32> to vector<1x16xf32>
        tpu.vector_store %arg13[%swap3A_182, %swap3A_183], %swap3A_186 {strides = array<i32>} : memref<80x128xf32, #tpu.memory_space<vmem>>, vector<1x16xf32>,
        %get3A_187 = arith.index_cast %scan3A_132 : i32 to index
        %get3A_188 = arith.constant 64 : index
        %get3A_189 = tpu.vector_load %arg13[%get3A_187, %get3A_188] {strides = array<i32>} : memref<80x128xf32, #tpu.memory_space<vmem>>, vector<1x16xf32>,
        %get3A_190 = vector.shape_cast %get3A_189 : vector<1x16xf32> to vector<16xf32>
        %get3A_191 = arith.index_cast %scan3A_132 : i32 to index
        %get3A_192 = arith.constant 64 : index
        %get3A_193 = tpu.vector_load %arg16[%get3A_191, %get3A_192] {strides = array<i32>} : memref<80x128xf32, #tpu.memory_space<vmem>>, vector<1x16xf32>,
        %get3A_194 = vector.shape_cast %get3A_193 : vector<1x16xf32> to vector<16xf32>
        %add3A_195 = arith.addf %get3A_190, %get3A_194 : vector<16xf32>
        %swap3A_196 = arith.index_cast %scan3A_132 : i32 to index
        %swap3A_197 = arith.constant 64 : index
        %swap3A_198 = tpu.vector_load %arg13[%swap3A_196, %swap3A_197] {strides = array<i32>} : memref<80x128xf32, #tpu.memory_space<vmem>>, vector<1x16xf32>,
        %swap3A_199 = vector.shape_cast %swap3A_198 : vector<1x16xf32> to vector<16xf32>
        %swap3A_200 = vector.shape_cast %add3A_195 : vector<16xf32> to vector<1x16xf32>
        tpu.vector_store %arg13[%swap3A_196, %swap3A_197], %swap3A_200 {strides = array<i32>} : memref<80x128xf32, #tpu.memory_space<vmem>>, vector<1x16xf32>,
        %get3A_201 = arith.index_cast %scan3A_132 : i32 to index
        %get3A_202 = arith.constant 80 : index
        %get3A_203 = tpu.vector_load %arg13[%get3A_201, %get3A_202] {strides = array<i32>} : memref<80x128xf32, #tpu.memory_space<vmem>>, vector<1x16xf32>,
        %get3A_204 = vector.shape_cast %get3A_203 : vector<1x16xf32> to vector<16xf32>
        %get3A_205 = arith.index_cast %scan3A_132 : i32 to index
        %get3A_206 = arith.constant 80 : index
        %get3A_207 = tpu.vector_load %arg16[%get3A_205, %get3A_206] {strides = array<i32>} : memref<80x128xf32, #tpu.memory_space<vmem>>, vector<1x16xf32>,
        %get3A_208 = vector.shape_cast %get3A_207 : vector<1x16xf32> to vector<16xf32>
        %add3A_209 = arith.addf %get3A_204, %get3A_208 : vector<16xf32>
        %swap3A_210 = arith.index_cast %scan3A_132 : i32 to index
        %swap3A_211 = arith.constant 80 : index
        %swap3A_212 = tpu.vector_load %arg13[%swap3A_210, %swap3A_211] {strides = array<i32>} : memref<80x128xf32, #tpu.memory_space<vmem>>, vector<1x16xf32>,
        %swap3A_213 = vector.shape_cast %swap3A_212 : vector<1x16xf32> to vector<16xf32>
        %swap3A_214 = vector.shape_cast %add3A_209 : vector<16xf32> to vector<1x16xf32>
        tpu.vector_store %arg13[%swap3A_210, %swap3A_211], %swap3A_214 {strides = array<i32>} : memref<80x128xf32, #tpu.memory_space<vmem>>, vector<1x16xf32>,
        %get3A_215 = arith.index_cast %scan3A_132 : i32 to index
        %get3A_216 = arith.constant 96 : index
        %get3A_217 = tpu.vector_load %arg13[%get3A_215, %get3A_216] {strides = array<i32>} : memref<80x128xf32, #tpu.memory_space<vmem>>, vector<1x16xf32>,
        %get3A_218 = vector.shape_cast %get3A_217 : vector<1x16xf32> to vector<16xf32>
        %get3A_219 = arith.index_cast %scan3A_132 : i32 to index
        %get3A_220 = arith.constant 96 : index
        %get3A_221 = tpu.vector_load %arg16[%get3A_219, %get3A_220] {strides = array<i32>} : memref<80x128xf32, #tpu.memory_space<vmem>>, vector<1x16xf32>,
        %get3A_222 = vector.shape_cast %get3A_221 : vector<1x16xf32> to vector<16xf32>
        %add3A_223 = arith.addf %get3A_218, %get3A_222 : vector<16xf32>
        %swap3A_224 = arith.index_cast %scan3A_132 : i32 to index
        %swap3A_225 = arith.constant 96 : index
        %swap3A_226 = tpu.vector_load %arg13[%swap3A_224, %swap3A_225] {strides = array<i32>} : memref<80x128xf32, #tpu.memory_space<vmem>>, vector<1x16xf32>,
        %swap3A_227 = vector.shape_cast %swap3A_226 : vector<1x16xf32> to vector<16xf32>
        %swap3A_228 = vector.shape_cast %add3A_223 : vector<16xf32> to vector<1x16xf32>
        tpu.vector_store %arg13[%swap3A_224, %swap3A_225], %swap3A_228 {strides = array<i32>} : memref<80x128xf32, #tpu.memory_space<vmem>>, vector<1x16xf32>,
        %get3A_229 = arith.index_cast %scan3A_132 : i32 to index
        %get3A_230 = arith.constant 112 : index
        %get3A_231 = tpu.vector_load %arg13[%get3A_229, %get3A_230] {strides = array<i32>} : memref<80x128xf32, #tpu.memory_space<vmem>>, vector<1x16xf32>,
        %get3A_232 = vector.shape_cast %get3A_231 : vector<1x16xf32> to vector<16xf32>
        %get3A_233 = arith.index_cast %scan3A_132 : i32 to index
        %get3A_234 = arith.constant 112 : index
        %get3A_235 = tpu.vector_load %arg16[%get3A_233, %get3A_234] {strides = array<i32>} : memref<80x128xf32, #tpu.memory_space<vmem>>, vector<1x16xf32>,
        %get3A_236 = vector.shape_cast %get3A_235 : vector<1x16xf32> to vector<16xf32>
        %add3A_237 = arith.addf %get3A_232, %get3A_236 : vector<16xf32>
        %swap3A_238 = arith.index_cast %scan3A_132 : i32 to index
        %swap3A_239 = arith.constant 112 : index
        %swap3A_240 = tpu.vector_load %arg13[%swap3A_238, %swap3A_239] {strides = array<i32>} : memref<80x128xf32, #tpu.memory_space<vmem>>, vector<1x16xf32>,
        %swap3A_241 = vector.shape_cast %swap3A_240 : vector<1x16xf32> to vector<16xf32>
        %swap3A_242 = vector.shape_cast %add3A_237 : vector<16xf32> to vector<1x16xf32>
        tpu.vector_store %arg13[%swap3A_238, %swap3A_239], %swap3A_242 {strides = array<i32>} : memref<80x128xf32, #tpu.memory_space<vmem>>, vector<1x16xf32>,
      }
      %scan3A_83 = arith.constant 80 : i32
      %dma_start3A_84 = arith.constant 0 : i32
      %dma_start3A_85 = tpu.memref_slice %arg6[%multiple_of3A, %dma_start3A_84] : memref<192000x128xf32, #tpu.memory_space<hbm>> -> memref<80x128xf32, #tpu.memory_space<hbm>>
      %dma_start3A_86 = arith.constant 0 : i32
      %dma_start3A_87 = tpu.memref_slice %arg6[%multiple_of3A, %dma_start3A_86] : memref<192000x128xf32, #tpu.memory_space<hbm>> -> memref<80x128xf32, #tpu.memory_space<hbm>>
      tpu.enqueue_dma source(%arg13 : memref<80x128xf32, #tpu.memory_space<vmem>>) target(%dma_start3A_87 : memref<80x128xf32, #tpu.memory_space<hbm>>) target_semaphore(%arg25 : memref<!tpu.dma_semaphore, #tpu.memory_space<semaphore_mem>>)
      %dma_wait3A_88 = arith.constant 0 : i32
      %dma_wait3A_89 = arith.constant 0 : i32
      %dma_wait3A_90 = tpu.memref_slice %arg2[%dma_wait3A_88, %dma_wait3A_89] : memref<10000x128xf32, #tpu.memory_space<hbm>> -> memref<10000x128xf32, #tpu.memory_space<hbm>>
      tpu.wait_indirect_dma semaphore(%arg23 : memref<!tpu.dma_semaphore, #tpu.memory_space<semaphore_mem>>) src(%dma_wait3A_90 : memref<10000x128xf32, #tpu.memory_space<hbm>>) dst(%arg14 : memref<80x128xf32, #tpu.memory_space<vmem>>)
      %dma_wait3A_91 = arith.constant 0 : i32
      %dma_wait3A_92 = arith.constant 0 : i32
      %dma_wait3A_93 = tpu.memref_slice %arg3[%dma_wait3A_91, %dma_wait3A_92] : memref<10000x128xf32, #tpu.memory_space<hbm>> -> memref<10000x128xf32, #tpu.memory_space<hbm>>
      tpu.wait_indirect_dma semaphore(%arg23 : memref<!tpu.dma_semaphore, #tpu.memory_space<semaphore_mem>>) src(%dma_wait3A_93 : memref<10000x128xf32, #tpu.memory_space<hbm>>) dst(%arg17 : memref<80x128xf32, #tpu.memory_space<vmem>>)
      %scan3A_94 = arith.constant 0 : i32
      %scan3A_95 = arith.constant 0 : i32
      %scan3A_96 = arith.constant 80 : i32
      %scan3A_97 = arith.addi %scan3A_95, %scan3A_96 : i32
      %scan3A_98 = arith.constant 1 : i32
      scf.for %scan3A_132 = %scan3A_95 to %scan3A_97 step %scan3A_98  : i32 {
        %get3A = arith.index_cast %scan3A_132 : i32 to index
        %get3A_133 = arith.constant 0 : index
        %get3A_134 = tpu.vector_load %arg14[%get3A, %get3A_133] {strides = array<i32>} : memref<80x128xf32, #tpu.memory_space<vmem>>, vector<1x16xf32>,
        %get3A_135 = vector.shape_cast %get3A_134 : vector<1x16xf32> to vector<16xf32>
        %get3A_136 = arith.index_cast %scan3A_132 : i32 to index
        %get3A_137 = arith.constant 0 : index
        %get3A_138 = tpu.vector_load %arg17[%get3A_136, %get3A_137] {strides = array<i32>} : memref<80x128xf32, #tpu.memory_space<vmem>>, vector<1x16xf32>,
        %get3A_139 = vector.shape_cast %get3A_138 : vector<1x16xf32> to vector<16xf32>
        %add3A_140 = arith.addf %get3A_135, %get3A_139 : vector<16xf32>
        %swap3A = arith.index_cast %scan3A_132 : i32 to index
        %swap3A_141 = arith.constant 0 : index
        %swap3A_142 = tpu.vector_load %arg14[%swap3A, %swap3A_141] {strides = array<i32>} : memref<80x128xf32, #tpu.memory_space<vmem>>, vector<1x16xf32>,
        %swap3A_143 = vector.shape_cast %swap3A_142 : vector<1x16xf32> to vector<16xf32>
        %swap3A_144 = vector.shape_cast %add3A_140 : vector<16xf32> to vector<1x16xf32>
        tpu.vector_store %arg14[%swap3A, %swap3A_141], %swap3A_144 {strides = array<i32>} : memref<80x128xf32, #tpu.memory_space<vmem>>, vector<1x16xf32>,
        %get3A_145 = arith.index_cast %scan3A_132 : i32 to index
        %get3A_146 = arith.constant 16 : index
        %get3A_147 = tpu.vector_load %arg14[%get3A_145, %get3A_146] {strides = array<i32>} : memref<80x128xf32, #tpu.memory_space<vmem>>, vector<1x16xf32>,
        %get3A_148 = vector.shape_cast %get3A_147 : vector<1x16xf32> to vector<16xf32>
        %get3A_149 = arith.index_cast %scan3A_132 : i32 to index
        %get3A_150 = arith.constant 16 : index
        %get3A_151 = tpu.vector_load %arg17[%get3A_149, %get3A_150] {strides = array<i32>} : memref<80x128xf32, #tpu.memory_space<vmem>>, vector<1x16xf32>,
        %get3A_152 = vector.shape_cast %get3A_151 : vector<1x16xf32> to vector<16xf32>
        %add3A_153 = arith.addf %get3A_148, %get3A_152 : vector<16xf32>
        %swap3A_154 = arith.index_cast %scan3A_132 : i32 to index
        %swap3A_155 = arith.constant 16 : index
        %swap3A_156 = tpu.vector_load %arg14[%swap3A_154, %swap3A_155] {strides = array<i32>} : memref<80x128xf32, #tpu.memory_space<vmem>>, vector<1x16xf32>,
        %swap3A_157 = vector.shape_cast %swap3A_156 : vector<1x16xf32> to vector<16xf32>
        %swap3A_158 = vector.shape_cast %add3A_153 : vector<16xf32> to vector<1x16xf32>
        tpu.vector_store %arg14[%swap3A_154, %swap3A_155], %swap3A_158 {strides = array<i32>} : memref<80x128xf32, #tpu.memory_space<vmem>>, vector<1x16xf32>,
        %get3A_159 = arith.index_cast %scan3A_132 : i32 to index
        %get3A_160 = arith.constant 32 : index
        %get3A_161 = tpu.vector_load %arg14[%get3A_159, %get3A_160] {strides = array<i32>} : memref<80x128xf32, #tpu.memory_space<vmem>>, vector<1x16xf32>,
        %get3A_162 = vector.shape_cast %get3A_161 : vector<1x16xf32> to vector<16xf32>
        %get3A_163 = arith.index_cast %scan3A_132 : i32 to index
        %get3A_164 = arith.constant 32 : index
        %get3A_165 = tpu.vector_load %arg17[%get3A_163, %get3A_164] {strides = array<i32>} : memref<80x128xf32, #tpu.memory_space<vmem>>, vector<1x16xf32>,
        %get3A_166 = vector.shape_cast %get3A_165 : vector<1x16xf32> to vector<16xf32>
        %add3A_167 = arith.addf %get3A_162, %get3A_166 : vector<16xf32>
        %swap3A_168 = arith.index_cast %scan3A_132 : i32 to index
        %swap3A_169 = arith.constant 32 : index
        %swap3A_170 = tpu.vector_load %arg14[%swap3A_168, %swap3A_169] {strides = array<i32>} : memref<80x128xf32, #tpu.memory_space<vmem>>, vector<1x16xf32>,
        %swap3A_171 = vector.shape_cast %swap3A_170 : vector<1x16xf32> to vector<16xf32>
        %swap3A_172 = vector.shape_cast %add3A_167 : vector<16xf32> to vector<1x16xf32>
        tpu.vector_store %arg14[%swap3A_168, %swap3A_169], %swap3A_172 {strides = array<i32>} : memref<80x128xf32, #tpu.memory_space<vmem>>, vector<1x16xf32>,
        %get3A_173 = arith.index_cast %scan3A_132 : i32 to index
        %get3A_174 = arith.constant 48 : index
        %get3A_175 = tpu.vector_load %arg14[%get3A_173, %get3A_174] {strides = array<i32>} : memref<80x128xf32, #tpu.memory_space<vmem>>, vector<1x16xf32>,
        %get3A_176 = vector.shape_cast %get3A_175 : vector<1x16xf32> to vector<16xf32>
        %get3A_177 = arith.index_cast %scan3A_132 : i32 to index
        %get3A_178 = arith.constant 48 : index
        %get3A_179 = tpu.vector_load %arg17[%get3A_177, %get3A_178] {strides = array<i32>} : memref<80x128xf32, #tpu.memory_space<vmem>>, vector<1x16xf32>,
        %get3A_180 = vector.shape_cast %get3A_179 : vector<1x16xf32> to vector<16xf32>
        %add3A_181 = arith.addf %get3A_176, %get3A_180 : vector<16xf32>
        %swap3A_182 = arith.index_cast %scan3A_132 : i32 to index
        %swap3A_183 = arith.constant 48 : index
        %swap3A_184 = tpu.vector_load %arg14[%swap3A_182, %swap3A_183] {strides = array<i32>} : memref<80x128xf32, #tpu.memory_space<vmem>>, vector<1x16xf32>,
        %swap3A_185 = vector.shape_cast %swap3A_184 : vector<1x16xf32> to vector<16xf32>
        %swap3A_186 = vector.shape_cast %add3A_181 : vector<16xf32> to vector<1x16xf32>
        tpu.vector_store %arg14[%swap3A_182, %swap3A_183], %swap3A_186 {strides = array<i32>} : memref<80x128xf32, #tpu.memory_space<vmem>>, vector<1x16xf32>,
        %get3A_187 = arith.index_cast %scan3A_132 : i32 to index
        %get3A_188 = arith.constant 64 : index
        %get3A_189 = tpu.vector_load %arg14[%get3A_187, %get3A_188] {strides = array<i32>} : memref<80x128xf32, #tpu.memory_space<vmem>>, vector<1x16xf32>,
        %get3A_190 = vector.shape_cast %get3A_189 : vector<1x16xf32> to vector<16xf32>
        %get3A_191 = arith.index_cast %scan3A_132 : i32 to index
        %get3A_192 = arith.constant 64 : index
        %get3A_193 = tpu.vector_load %arg17[%get3A_191, %get3A_192] {strides = array<i32>} : memref<80x128xf32, #tpu.memory_space<vmem>>, vector<1x16xf32>,
        %get3A_194 = vector.shape_cast %get3A_193 : vector<1x16xf32> to vector<16xf32>
        %add3A_195 = arith.addf %get3A_190, %get3A_194 : vector<16xf32>
        %swap3A_196 = arith.index_cast %scan3A_132 : i32 to index
        %swap3A_197 = arith.constant 64 : index
        %swap3A_198 = tpu.vector_load %arg14[%swap3A_196, %swap3A_197] {strides = array<i32>} : memref<80x128xf32, #tpu.memory_space<vmem>>, vector<1x16xf32>,
        %swap3A_199 = vector.shape_cast %swap3A_198 : vector<1x16xf32> to vector<16xf32>
        %swap3A_200 = vector.shape_cast %add3A_195 : vector<16xf32> to vector<1x16xf32>
        tpu.vector_store %arg14[%swap3A_196, %swap3A_197], %swap3A_200 {strides = array<i32>} : memref<80x128xf32, #tpu.memory_space<vmem>>, vector<1x16xf32>,
        %get3A_201 = arith.index_cast %scan3A_132 : i32 to index
        %get3A_202 = arith.constant 80 : index
        %get3A_203 = tpu.vector_load %arg14[%get3A_201, %get3A_202] {strides = array<i32>} : memref<80x128xf32, #tpu.memory_space<vmem>>, vector<1x16xf32>,
        %get3A_204 = vector.shape_cast %get3A_203 : vector<1x16xf32> to vector<16xf32>
        %get3A_205 = arith.index_cast %scan3A_132 : i32 to index
        %get3A_206 = arith.constant 80 : index
        %get3A_207 = tpu.vector_load %arg17[%get3A_205, %get3A_206] {strides = array<i32>} : memref<80x128xf32, #tpu.memory_space<vmem>>, vector<1x16xf32>,
        %get3A_208 = vector.shape_cast %get3A_207 : vector<1x16xf32> to vector<16xf32>
        %add3A_209 = arith.addf %get3A_204, %get3A_208 : vector<16xf32>
        %swap3A_210 = arith.index_cast %scan3A_132 : i32 to index
        %swap3A_211 = arith.constant 80 : index
        %swap3A_212 = tpu.vector_load %arg14[%swap3A_210, %swap3A_211] {strides = array<i32>} : memref<80x128xf32, #tpu.memory_space<vmem>>, vector<1x16xf32>,
        %swap3A_213 = vector.shape_cast %swap3A_212 : vector<1x16xf32> to vector<16xf32>
        %swap3A_214 = vector.shape_cast %add3A_209 : vector<16xf32> to vector<1x16xf32>
        tpu.vector_store %arg14[%swap3A_210, %swap3A_211], %swap3A_214 {strides = array<i32>} : memref<80x128xf32, #tpu.memory_space<vmem>>, vector<1x16xf32>,
        %get3A_215 = arith.index_cast %scan3A_132 : i32 to index
        %get3A_216 = arith.constant 96 : index
        %get3A_217 = tpu.vector_load %arg14[%get3A_215, %get3A_216] {strides = array<i32>} : memref<80x128xf32, #tpu.memory_space<vmem>>, vector<1x16xf32>,
        %get3A_218 = vector.shape_cast %get3A_217 : vector<1x16xf32> to vector<16xf32>
        %get3A_219 = arith.index_cast %scan3A_132 : i32 to index
        %get3A_220 = arith.constant 96 : index
        %get3A_221 = tpu.vector_load %arg17[%get3A_219, %get3A_220] {strides = array<i32>} : memref<80x128xf32, #tpu.memory_space<vmem>>, vector<1x16xf32>,
        %get3A_222 = vector.shape_cast %get3A_221 : vector<1x16xf32> to vector<16xf32>
        %add3A_223 = arith.addf %get3A_218, %get3A_222 : vector<16xf32>
        %swap3A_224 = arith.index_cast %scan3A_132 : i32 to index
        %swap3A_225 = arith.constant 96 : index
        %swap3A_226 = tpu.vector_load %arg14[%swap3A_224, %swap3A_225] {strides = array<i32>} : memref<80x128xf32, #tpu.memory_space<vmem>>, vector<1x16xf32>,
        %swap3A_227 = vector.shape_cast %swap3A_226 : vector<1x16xf32> to vector<16xf32>
        %swap3A_228 = vector.shape_cast %add3A_223 : vector<16xf32> to vector<1x16xf32>
        tpu.vector_store %arg14[%swap3A_224, %swap3A_225], %swap3A_228 {strides = array<i32>} : memref<80x128xf32, #tpu.memory_space<vmem>>, vector<1x16xf32>,
        %get3A_229 = arith.index_cast %scan3A_132 : i32 to index
        %get3A_230 = arith.constant 112 : index
        %get3A_231 = tpu.vector_load %arg14[%get3A_229, %get3A_230] {strides = array<i32>} : memref<80x128xf32, #tpu.memory_space<vmem>>, vector<1x16xf32>,
        %get3A_232 = vector.shape_cast %get3A_231 : vector<1x16xf32> to vector<16xf32>
        %get3A_233 = arith.index_cast %scan3A_132 : i32 to index
        %get3A_234 = arith.constant 112 : index
        %get3A_235 = tpu.vector_load %arg17[%get3A_233, %get3A_234] {strides = array<i32>} : memref<80x128xf32, #tpu.memory_space<vmem>>, vector<1x16xf32>,
        %get3A_236 = vector.shape_cast %get3A_235 : vector<1x16xf32> to vector<16xf32>
        %add3A_237 = arith.addf %get3A_232, %get3A_236 : vector<16xf32>
        %swap3A_238 = arith.index_cast %scan3A_132 : i32 to index
        %swap3A_239 = arith.constant 112 : index
        %swap3A_240 = tpu.vector_load %arg14[%swap3A_238, %swap3A_239] {strides = array<i32>} : memref<80x128xf32, #tpu.memory_space<vmem>>, vector<1x16xf32>,
        %swap3A_241 = vector.shape_cast %swap3A_240 : vector<1x16xf32> to vector<16xf32>
        %swap3A_242 = vector.shape_cast %add3A_237 : vector<16xf32> to vector<1x16xf32>
        tpu.vector_store %arg14[%swap3A_238, %swap3A_239], %swap3A_242 {strides = array<i32>} : memref<80x128xf32, #tpu.memory_space<vmem>>, vector<1x16xf32>,
      }
      %scan3A_99 = arith.constant 80 : i32
      %dma_start3A_100 = arith.constant 0 : i32
      %dma_start3A_101 = tpu.memref_slice %arg6[%multiple_of3A_26, %dma_start3A_100] : memref<192000x128xf32, #tpu.memory_space<hbm>> -> memref<80x128xf32, #tpu.memory_space<hbm>>
      %dma_start3A_102 = arith.constant 0 : i32
      %dma_start3A_103 = tpu.memref_slice %arg6[%multiple_of3A_26, %dma_start3A_102] : memref<192000x128xf32, #tpu.memory_space<hbm>> -> memref<80x128xf32, #tpu.memory_space<hbm>>
      tpu.enqueue_dma source(%arg14 : memref<80x128xf32, #tpu.memory_space<vmem>>) target(%dma_start3A_103 : memref<80x128xf32, #tpu.memory_space<hbm>>) target_semaphore(%arg25 : memref<!tpu.dma_semaphore, #tpu.memory_space<semaphore_mem>>)
      %dma_wait3A_104 = arith.constant 0 : i32
      %dma_wait3A_105 = arith.constant 0 : i32
      %dma_wait3A_106 = tpu.memref_slice %arg2[%dma_wait3A_104, %dma_wait3A_105] : memref<10000x128xf32, #tpu.memory_space<hbm>> -> memref<10000x128xf32, #tpu.memory_space<hbm>>
      tpu.wait_indirect_dma semaphore(%arg24 : memref<!tpu.dma_semaphore, #tpu.memory_space<semaphore_mem>>) src(%dma_wait3A_106 : memref<10000x128xf32, #tpu.memory_space<hbm>>) dst(%arg15 : memref<80x128xf32, #tpu.memory_space<vmem>>)
      %dma_wait3A_107 = arith.constant 0 : i32
      %dma_wait3A_108 = arith.constant 0 : i32
      %dma_wait3A_109 = tpu.memref_slice %arg3[%dma_wait3A_107, %dma_wait3A_108] : memref<10000x128xf32, #tpu.memory_space<hbm>> -> memref<10000x128xf32, #tpu.memory_space<hbm>>
      tpu.wait_indirect_dma semaphore(%arg24 : memref<!tpu.dma_semaphore, #tpu.memory_space<semaphore_mem>>) src(%dma_wait3A_109 : memref<10000x128xf32, #tpu.memory_space<hbm>>) dst(%arg18 : memref<80x128xf32, #tpu.memory_space<vmem>>)
      %scan3A_110 = arith.constant 0 : i32
      %scan3A_111 = arith.constant 0 : i32
      %scan3A_112 = arith.constant 80 : i32
      %scan3A_113 = arith.addi %scan3A_111, %scan3A_112 : i32
      %scan3A_114 = arith.constant 1 : i32
      scf.for %scan3A_132 = %scan3A_111 to %scan3A_113 step %scan3A_114  : i32 {
        %get3A = arith.index_cast %scan3A_132 : i32 to index
        %get3A_133 = arith.constant 0 : index
        %get3A_134 = tpu.vector_load %arg15[%get3A, %get3A_133] {strides = array<i32>} : memref<80x128xf32, #tpu.memory_space<vmem>>, vector<1x16xf32>,
        %get3A_135 = vector.shape_cast %get3A_134 : vector<1x16xf32> to vector<16xf32>
        %get3A_136 = arith.index_cast %scan3A_132 : i32 to index
        %get3A_137 = arith.constant 0 : index
        %get3A_138 = tpu.vector_load %arg18[%get3A_136, %get3A_137] {strides = array<i32>} : memref<80x128xf32, #tpu.memory_space<vmem>>, vector<1x16xf32>,
        %get3A_139 = vector.shape_cast %get3A_138 : vector<1x16xf32> to vector<16xf32>
        %add3A_140 = arith.addf %get3A_135, %get3A_139 : vector<16xf32>
        %swap3A = arith.index_cast %scan3A_132 : i32 to index
        %swap3A_141 = arith.constant 0 : index
        %swap3A_142 = tpu.vector_load %arg15[%swap3A, %swap3A_141] {strides = array<i32>} : memref<80x128xf32, #tpu.memory_space<vmem>>, vector<1x16xf32>,
        %swap3A_143 = vector.shape_cast %swap3A_142 : vector<1x16xf32> to vector<16xf32>
        %swap3A_144 = vector.shape_cast %add3A_140 : vector<16xf32> to vector<1x16xf32>
        tpu.vector_store %arg15[%swap3A, %swap3A_141], %swap3A_144 {strides = array<i32>} : memref<80x128xf32, #tpu.memory_space<vmem>>, vector<1x16xf32>,
        %get3A_145 = arith.index_cast %scan3A_132 : i32 to index
        %get3A_146 = arith.constant 16 : index
        %get3A_147 = tpu.vector_load %arg15[%get3A_145, %get3A_146] {strides = array<i32>} : memref<80x128xf32, #tpu.memory_space<vmem>>, vector<1x16xf32>,
        %get3A_148 = vector.shape_cast %get3A_147 : vector<1x16xf32> to vector<16xf32>
        %get3A_149 = arith.index_cast %scan3A_132 : i32 to index
        %get3A_150 = arith.constant 16 : index
        %get3A_151 = tpu.vector_load %arg18[%get3A_149, %get3A_150] {strides = array<i32>} : memref<80x128xf32, #tpu.memory_space<vmem>>, vector<1x16xf32>,
        %get3A_152 = vector.shape_cast %get3A_151 : vector<1x16xf32> to vector<16xf32>
        %add3A_153 = arith.addf %get3A_148, %get3A_152 : vector<16xf32>
        %swap3A_154 = arith.index_cast %scan3A_132 : i32 to index
        %swap3A_155 = arith.constant 16 : index
        %swap3A_156 = tpu.vector_load %arg15[%swap3A_154, %swap3A_155] {strides = array<i32>} : memref<80x128xf32, #tpu.memory_space<vmem>>, vector<1x16xf32>,
        %swap3A_157 = vector.shape_cast %swap3A_156 : vector<1x16xf32> to vector<16xf32>
        %swap3A_158 = vector.shape_cast %add3A_153 : vector<16xf32> to vector<1x16xf32>
        tpu.vector_store %arg15[%swap3A_154, %swap3A_155], %swap3A_158 {strides = array<i32>} : memref<80x128xf32, #tpu.memory_space<vmem>>, vector<1x16xf32>,
        %get3A_159 = arith.index_cast %scan3A_132 : i32 to index
        %get3A_160 = arith.constant 32 : index
        %get3A_161 = tpu.vector_load %arg15[%get3A_159, %get3A_160] {strides = array<i32>} : memref<80x128xf32, #tpu.memory_space<vmem>>, vector<1x16xf32>,
        %get3A_162 = vector.shape_cast %get3A_161 : vector<1x16xf32> to vector<16xf32>
        %get3A_163 = arith.index_cast %scan3A_132 : i32 to index
        %get3A_164 = arith.constant 32 : index
        %get3A_165 = tpu.vector_load %arg18[%get3A_163, %get3A_164] {strides = array<i32>} : memref<80x128xf32, #tpu.memory_space<vmem>>, vector<1x16xf32>,
        %get3A_166 = vector.shape_cast %get3A_165 : vector<1x16xf32> to vector<16xf32>
        %add3A_167 = arith.addf %get3A_162, %get3A_166 : vector<16xf32>
        %swap3A_168 = arith.index_cast %scan3A_132 : i32 to index
        %swap3A_169 = arith.constant 32 : index
        %swap3A_170 = tpu.vector_load %arg15[%swap3A_168, %swap3A_169] {strides = array<i32>} : memref<80x128xf32, #tpu.memory_space<vmem>>, vector<1x16xf32>,
        %swap3A_171 = vector.shape_cast %swap3A_170 : vector<1x16xf32> to vector<16xf32>
        %swap3A_172 = vector.shape_cast %add3A_167 : vector<16xf32> to vector<1x16xf32>
        tpu.vector_store %arg15[%swap3A_168, %swap3A_169], %swap3A_172 {strides = array<i32>} : memref<80x128xf32, #tpu.memory_space<vmem>>, vector<1x16xf32>,
        %get3A_173 = arith.index_cast %scan3A_132 : i32 to index
        %get3A_174 = arith.constant 48 : index
        %get3A_175 = tpu.vector_load %arg15[%get3A_173, %get3A_174] {strides = array<i32>} : memref<80x128xf32, #tpu.memory_space<vmem>>, vector<1x16xf32>,
        %get3A_176 = vector.shape_cast %get3A_175 : vector<1x16xf32> to vector<16xf32>
        %get3A_177 = arith.index_cast %scan3A_132 : i32 to index
        %get3A_178 = arith.constant 48 : index
        %get3A_179 = tpu.vector_load %arg18[%get3A_177, %get3A_178] {strides = array<i32>} : memref<80x128xf32, #tpu.memory_space<vmem>>, vector<1x16xf32>,
        %get3A_180 = vector.shape_cast %get3A_179 : vector<1x16xf32> to vector<16xf32>
        %add3A_181 = arith.addf %get3A_176, %get3A_180 : vector<16xf32>
        %swap3A_182 = arith.index_cast %scan3A_132 : i32 to index
        %swap3A_183 = arith.constant 48 : index
        %swap3A_184 = tpu.vector_load %arg15[%swap3A_182, %swap3A_183] {strides = array<i32>} : memref<80x128xf32, #tpu.memory_space<vmem>>, vector<1x16xf32>,
        %swap3A_185 = vector.shape_cast %swap3A_184 : vector<1x16xf32> to vector<16xf32>
        %swap3A_186 = vector.shape_cast %add3A_181 : vector<16xf32> to vector<1x16xf32>
        tpu.vector_store %arg15[%swap3A_182, %swap3A_183], %swap3A_186 {strides = array<i32>} : memref<80x128xf32, #tpu.memory_space<vmem>>, vector<1x16xf32>,
        %get3A_187 = arith.index_cast %scan3A_132 : i32 to index
        %get3A_188 = arith.constant 64 : index
        %get3A_189 = tpu.vector_load %arg15[%get3A_187, %get3A_188] {strides = array<i32>} : memref<80x128xf32, #tpu.memory_space<vmem>>, vector<1x16xf32>,
        %get3A_190 = vector.shape_cast %get3A_189 : vector<1x16xf32> to vector<16xf32>
        %get3A_191 = arith.index_cast %scan3A_132 : i32 to index
        %get3A_192 = arith.constant 64 : index
        %get3A_193 = tpu.vector_load %arg18[%get3A_191, %get3A_192] {strides = array<i32>} : memref<80x128xf32, #tpu.memory_space<vmem>>, vector<1x16xf32>,
        %get3A_194 = vector.shape_cast %get3A_193 : vector<1x16xf32> to vector<16xf32>
        %add3A_195 = arith.addf %get3A_190, %get3A_194 : vector<16xf32>
        %swap3A_196 = arith.index_cast %scan3A_132 : i32 to index
        %swap3A_197 = arith.constant 64 : index
        %swap3A_198 = tpu.vector_load %arg15[%swap3A_196, %swap3A_197] {strides = array<i32>} : memref<80x128xf32, #tpu.memory_space<vmem>>, vector<1x16xf32>,
        %swap3A_199 = vector.shape_cast %swap3A_198 : vector<1x16xf32> to vector<16xf32>
        %swap3A_200 = vector.shape_cast %add3A_195 : vector<16xf32> to vector<1x16xf32>
        tpu.vector_store %arg15[%swap3A_196, %swap3A_197], %swap3A_200 {strides = array<i32>} : memref<80x128xf32, #tpu.memory_space<vmem>>, vector<1x16xf32>,
        %get3A_201 = arith.index_cast %scan3A_132 : i32 to index
        %get3A_202 = arith.constant 80 : index
        %get3A_203 = tpu.vector_load %arg15[%get3A_201, %get3A_202] {strides = array<i32>} : memref<80x128xf32, #tpu.memory_space<vmem>>, vector<1x16xf32>,
        %get3A_204 = vector.shape_cast %get3A_203 : vector<1x16xf32> to vector<16xf32>
        %get3A_205 = arith.index_cast %scan3A_132 : i32 to index
        %get3A_206 = arith.constant 80 : index
        %get3A_207 = tpu.vector_load %arg18[%get3A_205, %get3A_206] {strides = array<i32>} : memref<80x128xf32, #tpu.memory_space<vmem>>, vector<1x16xf32>,
        %get3A_208 = vector.shape_cast %get3A_207 : vector<1x16xf32> to vector<16xf32>
        %add3A_209 = arith.addf %get3A_204, %get3A_208 : vector<16xf32>
        %swap3A_210 = arith.index_cast %scan3A_132 : i32 to index
        %swap3A_211 = arith.constant 80 : index
        %swap3A_212 = tpu.vector_load %arg15[%swap3A_210, %swap3A_211] {strides = array<i32>} : memref<80x128xf32, #tpu.memory_space<vmem>>, vector<1x16xf32>,
        %swap3A_213 = vector.shape_cast %swap3A_212 : vector<1x16xf32> to vector<16xf32>
        %swap3A_214 = vector.shape_cast %add3A_209 : vector<16xf32> to vector<1x16xf32>
        tpu.vector_store %arg15[%swap3A_210, %swap3A_211], %swap3A_214 {strides = array<i32>} : memref<80x128xf32, #tpu.memory_space<vmem>>, vector<1x16xf32>,
        %get3A_215 = arith.index_cast %scan3A_132 : i32 to index
        %get3A_216 = arith.constant 96 : index
        %get3A_217 = tpu.vector_load %arg15[%get3A_215, %get3A_216] {strides = array<i32>} : memref<80x128xf32, #tpu.memory_space<vmem>>, vector<1x16xf32>,
        %get3A_218 = vector.shape_cast %get3A_217 : vector<1x16xf32> to vector<16xf32>
        %get3A_219 = arith.index_cast %scan3A_132 : i32 to index
        %get3A_220 = arith.constant 96 : index
        %get3A_221 = tpu.vector_load %arg18[%get3A_219, %get3A_220] {strides = array<i32>} : memref<80x128xf32, #tpu.memory_space<vmem>>, vector<1x16xf32>,
        %get3A_222 = vector.shape_cast %get3A_221 : vector<1x16xf32> to vector<16xf32>
        %add3A_223 = arith.addf %get3A_218, %get3A_222 : vector<16xf32>
        %swap3A_224 = arith.index_cast %scan3A_132 : i32 to index
        %swap3A_225 = arith.constant 96 : index
        %swap3A_226 = tpu.vector_load %arg15[%swap3A_224, %swap3A_225] {strides = array<i32>} : memref<80x128xf32, #tpu.memory_space<vmem>>, vector<1x16xf32>,
        %swap3A_227 = vector.shape_cast %swap3A_226 : vector<1x16xf32> to vector<16xf32>
        %swap3A_228 = vector.shape_cast %add3A_223 : vector<16xf32> to vector<1x16xf32>
        tpu.vector_store %arg15[%swap3A_224, %swap3A_225], %swap3A_228 {strides = array<i32>} : memref<80x128xf32, #tpu.memory_space<vmem>>, vector<1x16xf32>,
        %get3A_229 = arith.index_cast %scan3A_132 : i32 to index
        %get3A_230 = arith.constant 112 : index
        %get3A_231 = tpu.vector_load %arg15[%get3A_229, %get3A_230] {strides = array<i32>} : memref<80x128xf32, #tpu.memory_space<vmem>>, vector<1x16xf32>,
        %get3A_232 = vector.shape_cast %get3A_231 : vector<1x16xf32> to vector<16xf32>
        %get3A_233 = arith.index_cast %scan3A_132 : i32 to index
        %get3A_234 = arith.constant 112 : index
        %get3A_235 = tpu.vector_load %arg18[%get3A_233, %get3A_234] {strides = array<i32>} : memref<80x128xf32, #tpu.memory_space<vmem>>, vector<1x16xf32>,
        %get3A_236 = vector.shape_cast %get3A_235 : vector<1x16xf32> to vector<16xf32>
        %add3A_237 = arith.addf %get3A_232, %get3A_236 : vector<16xf32>
        %swap3A_238 = arith.index_cast %scan3A_132 : i32 to index
        %swap3A_239 = arith.constant 112 : index
        %swap3A_240 = tpu.vector_load %arg15[%swap3A_238, %swap3A_239] {strides = array<i32>} : memref<80x128xf32, #tpu.memory_space<vmem>>, vector<1x16xf32>,
        %swap3A_241 = vector.shape_cast %swap3A_240 : vector<1x16xf32> to vector<16xf32>
        %swap3A_242 = vector.shape_cast %add3A_237 : vector<16xf32> to vector<1x16xf32>
        tpu.vector_store %arg15[%swap3A_238, %swap3A_239], %swap3A_242 {strides = array<i32>} : memref<80x128xf32, #tpu.memory_space<vmem>>, vector<1x16xf32>,
      }
      %scan3A_115 = arith.constant 80 : i32
      %dma_start3A_116 = arith.constant 0 : i32
      %dma_start3A_117 = tpu.memref_slice %arg6[%multiple_of3A_38, %dma_start3A_116] : memref<192000x128xf32, #tpu.memory_space<hbm>> -> memref<80x128xf32, #tpu.memory_space<hbm>>
      %dma_start3A_118 = arith.constant 0 : i32
      %dma_start3A_119 = tpu.memref_slice %arg6[%multiple_of3A_38, %dma_start3A_118] : memref<192000x128xf32, #tpu.memory_space<hbm>> -> memref<80x128xf32, #tpu.memory_space<hbm>>
      tpu.enqueue_dma source(%arg15 : memref<80x128xf32, #tpu.memory_space<vmem>>) target(%dma_start3A_119 : memref<80x128xf32, #tpu.memory_space<hbm>>) target_semaphore(%arg25 : memref<!tpu.dma_semaphore, #tpu.memory_space<semaphore_mem>>)
      %dma_wait3A_120 = arith.constant 0 : i32
      %dma_wait3A_121 = tpu.memref_slice %arg6[%multiple_of3A, %dma_wait3A_120] : memref<192000x128xf32, #tpu.memory_space<hbm>> -> memref<80x128xf32, #tpu.memory_space<hbm>>
      %dma_wait3A_122 = arith.constant 0 : i32
      %dma_wait3A_123 = tpu.memref_slice %arg6[%multiple_of3A, %dma_wait3A_122] : memref<192000x128xf32, #tpu.memory_space<hbm>> -> memref<80x128xf32, #tpu.memory_space<hbm>>
      tpu.wait_dma2 semaphore(%arg25 : memref<!tpu.dma_semaphore, #tpu.memory_space<semaphore_mem>>) src(%arg13 : memref<80x128xf32, #tpu.memory_space<vmem>>) dst(%dma_wait3A_123 : memref<80x128xf32, #tpu.memory_space<hbm>>)
      %dma_wait3A_124 = arith.constant 0 : i32
      %dma_wait3A_125 = tpu.memref_slice %arg6[%multiple_of3A_26, %dma_wait3A_124] : memref<192000x128xf32, #tpu.memory_space<hbm>> -> memref<80x128xf32, #tpu.memory_space<hbm>>
      %dma_wait3A_126 = arith.constant 0 : i32
      %dma_wait3A_127 = tpu.memref_slice %arg6[%multiple_of3A_26, %dma_wait3A_126] : memref<192000x128xf32, #tpu.memory_space<hbm>> -> memref<80x128xf32, #tpu.memory_space<hbm>>
      tpu.wait_dma2 semaphore(%arg25 : memref<!tpu.dma_semaphore, #tpu.memory_space<semaphore_mem>>) src(%arg14 : memref<80x128xf32, #tpu.memory_space<vmem>>) dst(%dma_wait3A_127 : memref<80x128xf32, #tpu.memory_space<hbm>>)
      %dma_wait3A_128 = arith.constant 0 : i32
      %dma_wait3A_129 = tpu.memref_slice %arg6[%multiple_of3A_38, %dma_wait3A_128] : memref<192000x128xf32, #tpu.memory_space<hbm>> -> memref<80x128xf32, #tpu.memory_space<hbm>>
      %dma_wait3A_130 = arith.constant 0 : i32
      %dma_wait3A_131 = tpu.memref_slice %arg6[%multiple_of3A_38, %dma_wait3A_130] : memref<192000x128xf32, #tpu.memory_space<hbm>> -> memref<80x128xf32, #tpu.memory_space<hbm>>
      tpu.wait_dma2 semaphore(%arg25 : memref<!tpu.dma_semaphore, #tpu.memory_space<semaphore_mem>>) src(%arg15 : memref<80x128xf32, #tpu.memory_space<vmem>>) dst(%dma_wait3A_131 : memref<80x128xf32, #tpu.memory_space<hbm>>)
    }
    %scan3A_5 = arith.constant 25 : i32
    return
  }
}

#map = affine_map<(d0, d1) -> (0, 0)>
#map1 = affine_map<(d0, d1) -> (0)>
#map2 = affine_map<(d0, d1) -> (0, 0, 0)>
module attributes {stable_mosaic.version = 14 : i64} {
  func.func @body(%arg0: i32, %arg1: i32, %arg2: memref<320000x128xf32, #tpu.memory_space<hbm>>, %arg3: memref<192000xi32, #tpu.memory_space<hbm>>, %arg4: memref<2x10000x128xf32, #tpu.memory_space<hbm>>, %arg5: memref<80xi32, #tpu.memory_space<vmem>>, %arg6: memref<80xi32, #tpu.memory_space<vmem>>, %arg7: memref<80x128xf32, #tpu.memory_space<vmem>>, %arg8: memref<80x128xf32, #tpu.memory_space<vmem>>, %arg9: memref<10000x128xf32, #tpu.memory_space<vmem_shared>>, %arg10: memref<!tpu.dma_semaphore, #tpu.memory_space<semaphore_mem>>, %arg11: memref<!tpu.dma_semaphore, #tpu.memory_space<semaphore_mem>>, %arg12: memref<!tpu.dma_semaphore, #tpu.memory_space<semaphore_mem>>, %arg13: memref<!tpu.dma_semaphore, #tpu.memory_space<semaphore_mem>>) attributes {dimension_semantics = [#tpu.dimension_semantics<core_parallel>, #tpu.dimension_semantics<subcore_parallel>], iteration_bounds = array<i64: 2, 16>, scalar_prefetch = 0 : i64, scratch_operands = 9 : i64, tpu.core_type = #tpu.core_type<sc_vector_subcore>, window_params = [{transform_indices = #map}, {transform_indices = #map1}, {transform_indices = #map2}]} {
    %mul3A = arith.constant 2 : i32
    %mul3A_0 = arith.muli %arg1, %mul3A : i32
    %add3A = arith.addi %mul3A_0, %arg0 : i32
    %scan3A = arith.constant 0 : i32
    %scan3A_1 = arith.constant 0 : i32
    %scan3A_2 = arith.constant 80 : i32
    %scan3A_3 = arith.addi %scan3A_1, %scan3A_2 : i32
    %scan3A_4 = arith.constant 1 : i32
    scf.for %scan3A_139 = %scan3A_1 to %scan3A_3 step %scan3A_4  : i32 {
      %broadcast_in_dim3A = arith.constant 0.000000e+00 : f32
      %broadcast_in_dim3A_140 = vector.broadcast %broadcast_in_dim3A : f32 to vector<16xf32>
      %swap3A = arith.index_cast %scan3A_139 : i32 to index
      %swap3A_141 = arith.constant 0 : index
      %swap3A_142 = tpu.vector_load %arg7[%swap3A, %swap3A_141] {strides = array<i32>} : memref<80x128xf32, #tpu.memory_space<vmem>>, vector<1x16xf32>,
      %swap3A_143 = vector.shape_cast %swap3A_142 : vector<1x16xf32> to vector<16xf32>
      %swap3A_144 = vector.shape_cast %broadcast_in_dim3A_140 : vector<16xf32> to vector<1x16xf32>
      tpu.vector_store %arg7[%swap3A, %swap3A_141], %swap3A_144 {strides = array<i32>} : memref<80x128xf32, #tpu.memory_space<vmem>>, vector<1x16xf32>,
      %broadcast_in_dim3A_145 = arith.constant 0.000000e+00 : f32
      %broadcast_in_dim3A_146 = vector.broadcast %broadcast_in_dim3A_145 : f32 to vector<16xf32>
      %swap3A_147 = arith.index_cast %scan3A_139 : i32 to index
      %swap3A_148 = arith.constant 16 : index
      %swap3A_149 = tpu.vector_load %arg7[%swap3A_147, %swap3A_148] {strides = array<i32>} : memref<80x128xf32, #tpu.memory_space<vmem>>, vector<1x16xf32>,
      %swap3A_150 = vector.shape_cast %swap3A_149 : vector<1x16xf32> to vector<16xf32>
      %swap3A_151 = vector.shape_cast %broadcast_in_dim3A_146 : vector<16xf32> to vector<1x16xf32>
      tpu.vector_store %arg7[%swap3A_147, %swap3A_148], %swap3A_151 {strides = array<i32>} : memref<80x128xf32, #tpu.memory_space<vmem>>, vector<1x16xf32>,
      %broadcast_in_dim3A_152 = arith.constant 0.000000e+00 : f32
      %broadcast_in_dim3A_153 = vector.broadcast %broadcast_in_dim3A_152 : f32 to vector<16xf32>
      %swap3A_154 = arith.index_cast %scan3A_139 : i32 to index
      %swap3A_155 = arith.constant 32 : index
      %swap3A_156 = tpu.vector_load %arg7[%swap3A_154, %swap3A_155] {strides = array<i32>} : memref<80x128xf32, #tpu.memory_space<vmem>>, vector<1x16xf32>,
      %swap3A_157 = vector.shape_cast %swap3A_156 : vector<1x16xf32> to vector<16xf32>
      %swap3A_158 = vector.shape_cast %broadcast_in_dim3A_153 : vector<16xf32> to vector<1x16xf32>
      tpu.vector_store %arg7[%swap3A_154, %swap3A_155], %swap3A_158 {strides = array<i32>} : memref<80x128xf32, #tpu.memory_space<vmem>>, vector<1x16xf32>,
      %broadcast_in_dim3A_159 = arith.constant 0.000000e+00 : f32
      %broadcast_in_dim3A_160 = vector.broadcast %broadcast_in_dim3A_159 : f32 to vector<16xf32>
      %swap3A_161 = arith.index_cast %scan3A_139 : i32 to index
      %swap3A_162 = arith.constant 48 : index
      %swap3A_163 = tpu.vector_load %arg7[%swap3A_161, %swap3A_162] {strides = array<i32>} : memref<80x128xf32, #tpu.memory_space<vmem>>, vector<1x16xf32>,
      %swap3A_164 = vector.shape_cast %swap3A_163 : vector<1x16xf32> to vector<16xf32>
      %swap3A_165 = vector.shape_cast %broadcast_in_dim3A_160 : vector<16xf32> to vector<1x16xf32>
      tpu.vector_store %arg7[%swap3A_161, %swap3A_162], %swap3A_165 {strides = array<i32>} : memref<80x128xf32, #tpu.memory_space<vmem>>, vector<1x16xf32>,
      %broadcast_in_dim3A_166 = arith.constant 0.000000e+00 : f32
      %broadcast_in_dim3A_167 = vector.broadcast %broadcast_in_dim3A_166 : f32 to vector<16xf32>
      %swap3A_168 = arith.index_cast %scan3A_139 : i32 to index
      %swap3A_169 = arith.constant 64 : index
      %swap3A_170 = tpu.vector_load %arg7[%swap3A_168, %swap3A_169] {strides = array<i32>} : memref<80x128xf32, #tpu.memory_space<vmem>>, vector<1x16xf32>,
      %swap3A_171 = vector.shape_cast %swap3A_170 : vector<1x16xf32> to vector<16xf32>
      %swap3A_172 = vector.shape_cast %broadcast_in_dim3A_167 : vector<16xf32> to vector<1x16xf32>
      tpu.vector_store %arg7[%swap3A_168, %swap3A_169], %swap3A_172 {strides = array<i32>} : memref<80x128xf32, #tpu.memory_space<vmem>>, vector<1x16xf32>,
      %broadcast_in_dim3A_173 = arith.constant 0.000000e+00 : f32
      %broadcast_in_dim3A_174 = vector.broadcast %broadcast_in_dim3A_173 : f32 to vector<16xf32>
      %swap3A_175 = arith.index_cast %scan3A_139 : i32 to index
      %swap3A_176 = arith.constant 80 : index
      %swap3A_177 = tpu.vector_load %arg7[%swap3A_175, %swap3A_176] {strides = array<i32>} : memref<80x128xf32, #tpu.memory_space<vmem>>, vector<1x16xf32>,
      %swap3A_178 = vector.shape_cast %swap3A_177 : vector<1x16xf32> to vector<16xf32>
      %swap3A_179 = vector.shape_cast %broadcast_in_dim3A_174 : vector<16xf32> to vector<1x16xf32>
      tpu.vector_store %arg7[%swap3A_175, %swap3A_176], %swap3A_179 {strides = array<i32>} : memref<80x128xf32, #tpu.memory_space<vmem>>, vector<1x16xf32>,
      %broadcast_in_dim3A_180 = arith.constant 0.000000e+00 : f32
      %broadcast_in_dim3A_181 = vector.broadcast %broadcast_in_dim3A_180 : f32 to vector<16xf32>
      %swap3A_182 = arith.index_cast %scan3A_139 : i32 to index
      %swap3A_183 = arith.constant 96 : index
      %swap3A_184 = tpu.vector_load %arg7[%swap3A_182, %swap3A_183] {strides = array<i32>} : memref<80x128xf32, #tpu.memory_space<vmem>>, vector<1x16xf32>,
      %swap3A_185 = vector.shape_cast %swap3A_184 : vector<1x16xf32> to vector<16xf32>
      %swap3A_186 = vector.shape_cast %broadcast_in_dim3A_181 : vector<16xf32> to vector<1x16xf32>
      tpu.vector_store %arg7[%swap3A_182, %swap3A_183], %swap3A_186 {strides = array<i32>} : memref<80x128xf32, #tpu.memory_space<vmem>>, vector<1x16xf32>,
      %broadcast_in_dim3A_187 = arith.constant 0.000000e+00 : f32
      %broadcast_in_dim3A_188 = vector.broadcast %broadcast_in_dim3A_187 : f32 to vector<16xf32>
      %swap3A_189 = arith.index_cast %scan3A_139 : i32 to index
      %swap3A_190 = arith.constant 112 : index
      %swap3A_191 = tpu.vector_load %arg7[%swap3A_189, %swap3A_190] {strides = array<i32>} : memref<80x128xf32, #tpu.memory_space<vmem>>, vector<1x16xf32>,
      %swap3A_192 = vector.shape_cast %swap3A_191 : vector<1x16xf32> to vector<16xf32>
      %swap3A_193 = vector.shape_cast %broadcast_in_dim3A_188 : vector<16xf32> to vector<1x16xf32>
      tpu.vector_store %arg7[%swap3A_189, %swap3A_190], %swap3A_193 {strides = array<i32>} : memref<80x128xf32, #tpu.memory_space<vmem>>, vector<1x16xf32>,
    }
    %scan3A_5 = arith.constant 80 : i32
    %add3A_6 = arith.constant 0 : i32
    %add3A_7 = arith.addi %arg1, %add3A_6 : i32
    %lt3A = arith.constant 125 : i32
    %lt3A_8 = arith.cmpi slt, %add3A_7, %lt3A : i32
    %convert_element_type3A = arith.extui %lt3A_8 : i1 to i32
    %cond3A = arith.constant 0 : i32
    %cond3A_9 = arith.cmpi ne, %convert_element_type3A, %cond3A : i32
    scf.if %cond3A_9 {
      %mul3A_139 = arith.constant 80 : i32
      %mul3A_140 = arith.muli %add3A_7, %mul3A_139 : i32
      %multiple_of3A_141 = tpu.assume_multiple %mul3A_140, 8 : i32
      "tpu.region"() ({
        %run_scoped3A = tpu.sem_alloc : memref<!tpu.dma_semaphore, #tpu.memory_space<semaphore_mem>>
        %dma_start3A_142 = arith.constant 0 : i32
        %dma_start3A_143 = tpu.memref_slice %arg9[%multiple_of3A_141, %dma_start3A_142] : memref<10000x128xf32, #tpu.memory_space<vmem_shared>> -> memref<80x128xf32, #tpu.memory_space<vmem_shared>>
        %dma_start3A_144 = arith.constant 0 : i32
        %dma_start3A_145 = tpu.memref_slice %arg9[%multiple_of3A_141, %dma_start3A_144] : memref<10000x128xf32, #tpu.memory_space<vmem_shared>> -> memref<80x128xf32, #tpu.memory_space<vmem_shared>>
        tpu.enqueue_dma source(%arg7 : memref<80x128xf32, #tpu.memory_space<vmem>>) target(%dma_start3A_145 : memref<80x128xf32, #tpu.memory_space<vmem_shared>>) target_semaphore(%run_scoped3A : memref<!tpu.dma_semaphore, #tpu.memory_space<semaphore_mem>>)
        %dma_wait3A_146 = arith.constant 0 : i32
        %dma_wait3A_147 = tpu.memref_slice %arg9[%multiple_of3A_141, %dma_wait3A_146] : memref<10000x128xf32, #tpu.memory_space<vmem_shared>> -> memref<80x128xf32, #tpu.memory_space<vmem_shared>>
        %dma_wait3A_148 = arith.constant 0 : i32
        %dma_wait3A_149 = tpu.memref_slice %arg9[%multiple_of3A_141, %dma_wait3A_148] : memref<10000x128xf32, #tpu.memory_space<vmem_shared>> -> memref<80x128xf32, #tpu.memory_space<vmem_shared>>
        tpu.wait_dma2 semaphore(%run_scoped3A : memref<!tpu.dma_semaphore, #tpu.memory_space<semaphore_mem>>) src(%arg7 : memref<80x128xf32, #tpu.memory_space<vmem>>) dst(%dma_wait3A_149 : memref<80x128xf32, #tpu.memory_space<vmem_shared>>)
        tpu.yield
      }) : () -> ()
    } else {
    }
    %add3A_10 = arith.constant 16 : i32
    %add3A_11 = arith.addi %arg1, %add3A_10 : i32
    %lt3A_12 = arith.constant 125 : i32
    %lt3A_13 = arith.cmpi slt, %add3A_11, %lt3A_12 : i32
    %convert_element_type3A_14 = arith.extui %lt3A_13 : i1 to i32
    %cond3A_15 = arith.constant 0 : i32
    %cond3A_16 = arith.cmpi ne, %convert_element_type3A_14, %cond3A_15 : i32
    scf.if %cond3A_16 {
      %mul3A_139 = arith.constant 80 : i32
      %mul3A_140 = arith.muli %add3A_11, %mul3A_139 : i32
      %multiple_of3A_141 = tpu.assume_multiple %mul3A_140, 8 : i32
      "tpu.region"() ({
        %run_scoped3A = tpu.sem_alloc : memref<!tpu.dma_semaphore, #tpu.memory_space<semaphore_mem>>
        %dma_start3A_142 = arith.constant 0 : i32
        %dma_start3A_143 = tpu.memref_slice %arg9[%multiple_of3A_141, %dma_start3A_142] : memref<10000x128xf32, #tpu.memory_space<vmem_shared>> -> memref<80x128xf32, #tpu.memory_space<vmem_shared>>
        %dma_start3A_144 = arith.constant 0 : i32
        %dma_start3A_145 = tpu.memref_slice %arg9[%multiple_of3A_141, %dma_start3A_144] : memref<10000x128xf32, #tpu.memory_space<vmem_shared>> -> memref<80x128xf32, #tpu.memory_space<vmem_shared>>
        tpu.enqueue_dma source(%arg7 : memref<80x128xf32, #tpu.memory_space<vmem>>) target(%dma_start3A_145 : memref<80x128xf32, #tpu.memory_space<vmem_shared>>) target_semaphore(%run_scoped3A : memref<!tpu.dma_semaphore, #tpu.memory_space<semaphore_mem>>)
        %dma_wait3A_146 = arith.constant 0 : i32
        %dma_wait3A_147 = tpu.memref_slice %arg9[%multiple_of3A_141, %dma_wait3A_146] : memref<10000x128xf32, #tpu.memory_space<vmem_shared>> -> memref<80x128xf32, #tpu.memory_space<vmem_shared>>
        %dma_wait3A_148 = arith.constant 0 : i32
        %dma_wait3A_149 = tpu.memref_slice %arg9[%multiple_of3A_141, %dma_wait3A_148] : memref<10000x128xf32, #tpu.memory_space<vmem_shared>> -> memref<80x128xf32, #tpu.memory_space<vmem_shared>>
        tpu.wait_dma2 semaphore(%run_scoped3A : memref<!tpu.dma_semaphore, #tpu.memory_space<semaphore_mem>>) src(%arg7 : memref<80x128xf32, #tpu.memory_space<vmem>>) dst(%dma_wait3A_149 : memref<80x128xf32, #tpu.memory_space<vmem_shared>>)
        tpu.yield
      }) : () -> ()
    } else {
    }
    %add3A_17 = arith.constant 32 : i32
    %add3A_18 = arith.addi %arg1, %add3A_17 : i32
    %lt3A_19 = arith.constant 125 : i32
    %lt3A_20 = arith.cmpi slt, %add3A_18, %lt3A_19 : i32
    %convert_element_type3A_21 = arith.extui %lt3A_20 : i1 to i32
    %cond3A_22 = arith.constant 0 : i32
    %cond3A_23 = arith.cmpi ne, %convert_element_type3A_21, %cond3A_22 : i32
    scf.if %cond3A_23 {
      %mul3A_139 = arith.constant 80 : i32
      %mul3A_140 = arith.muli %add3A_18, %mul3A_139 : i32
      %multiple_of3A_141 = tpu.assume_multiple %mul3A_140, 8 : i32
      "tpu.region"() ({
        %run_scoped3A = tpu.sem_alloc : memref<!tpu.dma_semaphore, #tpu.memory_space<semaphore_mem>>
        %dma_start3A_142 = arith.constant 0 : i32
        %dma_start3A_143 = tpu.memref_slice %arg9[%multiple_of3A_141, %dma_start3A_142] : memref<10000x128xf32, #tpu.memory_space<vmem_shared>> -> memref<80x128xf32, #tpu.memory_space<vmem_shared>>
        %dma_start3A_144 = arith.constant 0 : i32
        %dma_start3A_145 = tpu.memref_slice %arg9[%multiple_of3A_141, %dma_start3A_144] : memref<10000x128xf32, #tpu.memory_space<vmem_shared>> -> memref<80x128xf32, #tpu.memory_space<vmem_shared>>
        tpu.enqueue_dma source(%arg7 : memref<80x128xf32, #tpu.memory_space<vmem>>) target(%dma_start3A_145 : memref<80x128xf32, #tpu.memory_space<vmem_shared>>) target_semaphore(%run_scoped3A : memref<!tpu.dma_semaphore, #tpu.memory_space<semaphore_mem>>)
        %dma_wait3A_146 = arith.constant 0 : i32
        %dma_wait3A_147 = tpu.memref_slice %arg9[%multiple_of3A_141, %dma_wait3A_146] : memref<10000x128xf32, #tpu.memory_space<vmem_shared>> -> memref<80x128xf32, #tpu.memory_space<vmem_shared>>
        %dma_wait3A_148 = arith.constant 0 : i32
        %dma_wait3A_149 = tpu.memref_slice %arg9[%multiple_of3A_141, %dma_wait3A_148] : memref<10000x128xf32, #tpu.memory_space<vmem_shared>> -> memref<80x128xf32, #tpu.memory_space<vmem_shared>>
        tpu.wait_dma2 semaphore(%run_scoped3A : memref<!tpu.dma_semaphore, #tpu.memory_space<semaphore_mem>>) src(%arg7 : memref<80x128xf32, #tpu.memory_space<vmem>>) dst(%dma_wait3A_149 : memref<80x128xf32, #tpu.memory_space<vmem_shared>>)
        tpu.yield
      }) : () -> ()
    } else {
    }
    %add3A_24 = arith.constant 48 : i32
    %add3A_25 = arith.addi %arg1, %add3A_24 : i32
    %lt3A_26 = arith.constant 125 : i32
    %lt3A_27 = arith.cmpi slt, %add3A_25, %lt3A_26 : i32
    %convert_element_type3A_28 = arith.extui %lt3A_27 : i1 to i32
    %cond3A_29 = arith.constant 0 : i32
    %cond3A_30 = arith.cmpi ne, %convert_element_type3A_28, %cond3A_29 : i32
    scf.if %cond3A_30 {
      %mul3A_139 = arith.constant 80 : i32
      %mul3A_140 = arith.muli %add3A_25, %mul3A_139 : i32
      %multiple_of3A_141 = tpu.assume_multiple %mul3A_140, 8 : i32
      "tpu.region"() ({
        %run_scoped3A = tpu.sem_alloc : memref<!tpu.dma_semaphore, #tpu.memory_space<semaphore_mem>>
        %dma_start3A_142 = arith.constant 0 : i32
        %dma_start3A_143 = tpu.memref_slice %arg9[%multiple_of3A_141, %dma_start3A_142] : memref<10000x128xf32, #tpu.memory_space<vmem_shared>> -> memref<80x128xf32, #tpu.memory_space<vmem_shared>>
        %dma_start3A_144 = arith.constant 0 : i32
        %dma_start3A_145 = tpu.memref_slice %arg9[%multiple_of3A_141, %dma_start3A_144] : memref<10000x128xf32, #tpu.memory_space<vmem_shared>> -> memref<80x128xf32, #tpu.memory_space<vmem_shared>>
        tpu.enqueue_dma source(%arg7 : memref<80x128xf32, #tpu.memory_space<vmem>>) target(%dma_start3A_145 : memref<80x128xf32, #tpu.memory_space<vmem_shared>>) target_semaphore(%run_scoped3A : memref<!tpu.dma_semaphore, #tpu.memory_space<semaphore_mem>>)
        %dma_wait3A_146 = arith.constant 0 : i32
        %dma_wait3A_147 = tpu.memref_slice %arg9[%multiple_of3A_141, %dma_wait3A_146] : memref<10000x128xf32, #tpu.memory_space<vmem_shared>> -> memref<80x128xf32, #tpu.memory_space<vmem_shared>>
        %dma_wait3A_148 = arith.constant 0 : i32
        %dma_wait3A_149 = tpu.memref_slice %arg9[%multiple_of3A_141, %dma_wait3A_148] : memref<10000x128xf32, #tpu.memory_space<vmem_shared>> -> memref<80x128xf32, #tpu.memory_space<vmem_shared>>
        tpu.wait_dma2 semaphore(%run_scoped3A : memref<!tpu.dma_semaphore, #tpu.memory_space<semaphore_mem>>) src(%arg7 : memref<80x128xf32, #tpu.memory_space<vmem>>) dst(%dma_wait3A_149 : memref<80x128xf32, #tpu.memory_space<vmem_shared>>)
        tpu.yield
      }) : () -> ()
    } else {
    }
    %add3A_31 = arith.constant 64 : i32
    %add3A_32 = arith.addi %arg1, %add3A_31 : i32
    %lt3A_33 = arith.constant 125 : i32
    %lt3A_34 = arith.cmpi slt, %add3A_32, %lt3A_33 : i32
    %convert_element_type3A_35 = arith.extui %lt3A_34 : i1 to i32
    %cond3A_36 = arith.constant 0 : i32
    %cond3A_37 = arith.cmpi ne, %convert_element_type3A_35, %cond3A_36 : i32
    scf.if %cond3A_37 {
      %mul3A_139 = arith.constant 80 : i32
      %mul3A_140 = arith.muli %add3A_32, %mul3A_139 : i32
      %multiple_of3A_141 = tpu.assume_multiple %mul3A_140, 8 : i32
      "tpu.region"() ({
        %run_scoped3A = tpu.sem_alloc : memref<!tpu.dma_semaphore, #tpu.memory_space<semaphore_mem>>
        %dma_start3A_142 = arith.constant 0 : i32
        %dma_start3A_143 = tpu.memref_slice %arg9[%multiple_of3A_141, %dma_start3A_142] : memref<10000x128xf32, #tpu.memory_space<vmem_shared>> -> memref<80x128xf32, #tpu.memory_space<vmem_shared>>
        %dma_start3A_144 = arith.constant 0 : i32
        %dma_start3A_145 = tpu.memref_slice %arg9[%multiple_of3A_141, %dma_start3A_144] : memref<10000x128xf32, #tpu.memory_space<vmem_shared>> -> memref<80x128xf32, #tpu.memory_space<vmem_shared>>
        tpu.enqueue_dma source(%arg7 : memref<80x128xf32, #tpu.memory_space<vmem>>) target(%dma_start3A_145 : memref<80x128xf32, #tpu.memory_space<vmem_shared>>) target_semaphore(%run_scoped3A : memref<!tpu.dma_semaphore, #tpu.memory_space<semaphore_mem>>)
        %dma_wait3A_146 = arith.constant 0 : i32
        %dma_wait3A_147 = tpu.memref_slice %arg9[%multiple_of3A_141, %dma_wait3A_146] : memref<10000x128xf32, #tpu.memory_space<vmem_shared>> -> memref<80x128xf32, #tpu.memory_space<vmem_shared>>
        %dma_wait3A_148 = arith.constant 0 : i32
        %dma_wait3A_149 = tpu.memref_slice %arg9[%multiple_of3A_141, %dma_wait3A_148] : memref<10000x128xf32, #tpu.memory_space<vmem_shared>> -> memref<80x128xf32, #tpu.memory_space<vmem_shared>>
        tpu.wait_dma2 semaphore(%run_scoped3A : memref<!tpu.dma_semaphore, #tpu.memory_space<semaphore_mem>>) src(%arg7 : memref<80x128xf32, #tpu.memory_space<vmem>>) dst(%dma_wait3A_149 : memref<80x128xf32, #tpu.memory_space<vmem_shared>>)
        tpu.yield
      }) : () -> ()
    } else {
    }
    %add3A_38 = arith.constant 80 : i32
    %add3A_39 = arith.addi %arg1, %add3A_38 : i32
    %lt3A_40 = arith.constant 125 : i32
    %lt3A_41 = arith.cmpi slt, %add3A_39, %lt3A_40 : i32
    %convert_element_type3A_42 = arith.extui %lt3A_41 : i1 to i32
    %cond3A_43 = arith.constant 0 : i32
    %cond3A_44 = arith.cmpi ne, %convert_element_type3A_42, %cond3A_43 : i32
    scf.if %cond3A_44 {
      %mul3A_139 = arith.constant 80 : i32
      %mul3A_140 = arith.muli %add3A_39, %mul3A_139 : i32
      %multiple_of3A_141 = tpu.assume_multiple %mul3A_140, 8 : i32
      "tpu.region"() ({
        %run_scoped3A = tpu.sem_alloc : memref<!tpu.dma_semaphore, #tpu.memory_space<semaphore_mem>>
        %dma_start3A_142 = arith.constant 0 : i32
        %dma_start3A_143 = tpu.memref_slice %arg9[%multiple_of3A_141, %dma_start3A_142] : memref<10000x128xf32, #tpu.memory_space<vmem_shared>> -> memref<80x128xf32, #tpu.memory_space<vmem_shared>>
        %dma_start3A_144 = arith.constant 0 : i32
        %dma_start3A_145 = tpu.memref_slice %arg9[%multiple_of3A_141, %dma_start3A_144] : memref<10000x128xf32, #tpu.memory_space<vmem_shared>> -> memref<80x128xf32, #tpu.memory_space<vmem_shared>>
        tpu.enqueue_dma source(%arg7 : memref<80x128xf32, #tpu.memory_space<vmem>>) target(%dma_start3A_145 : memref<80x128xf32, #tpu.memory_space<vmem_shared>>) target_semaphore(%run_scoped3A : memref<!tpu.dma_semaphore, #tpu.memory_space<semaphore_mem>>)
        %dma_wait3A_146 = arith.constant 0 : i32
        %dma_wait3A_147 = tpu.memref_slice %arg9[%multiple_of3A_141, %dma_wait3A_146] : memref<10000x128xf32, #tpu.memory_space<vmem_shared>> -> memref<80x128xf32, #tpu.memory_space<vmem_shared>>
        %dma_wait3A_148 = arith.constant 0 : i32
        %dma_wait3A_149 = tpu.memref_slice %arg9[%multiple_of3A_141, %dma_wait3A_148] : memref<10000x128xf32, #tpu.memory_space<vmem_shared>> -> memref<80x128xf32, #tpu.memory_space<vmem_shared>>
        tpu.wait_dma2 semaphore(%run_scoped3A : memref<!tpu.dma_semaphore, #tpu.memory_space<semaphore_mem>>) src(%arg7 : memref<80x128xf32, #tpu.memory_space<vmem>>) dst(%dma_wait3A_149 : memref<80x128xf32, #tpu.memory_space<vmem_shared>>)
        tpu.yield
      }) : () -> ()
    } else {
    }
    %add3A_45 = arith.constant 96 : i32
    %add3A_46 = arith.addi %arg1, %add3A_45 : i32
    %lt3A_47 = arith.constant 125 : i32
    %lt3A_48 = arith.cmpi slt, %add3A_46, %lt3A_47 : i32
    %convert_element_type3A_49 = arith.extui %lt3A_48 : i1 to i32
    %cond3A_50 = arith.constant 0 : i32
    %cond3A_51 = arith.cmpi ne, %convert_element_type3A_49, %cond3A_50 : i32
    scf.if %cond3A_51 {
      %mul3A_139 = arith.constant 80 : i32
      %mul3A_140 = arith.muli %add3A_46, %mul3A_139 : i32
      %multiple_of3A_141 = tpu.assume_multiple %mul3A_140, 8 : i32
      "tpu.region"() ({
        %run_scoped3A = tpu.sem_alloc : memref<!tpu.dma_semaphore, #tpu.memory_space<semaphore_mem>>
        %dma_start3A_142 = arith.constant 0 : i32
        %dma_start3A_143 = tpu.memref_slice %arg9[%multiple_of3A_141, %dma_start3A_142] : memref<10000x128xf32, #tpu.memory_space<vmem_shared>> -> memref<80x128xf32, #tpu.memory_space<vmem_shared>>
        %dma_start3A_144 = arith.constant 0 : i32
        %dma_start3A_145 = tpu.memref_slice %arg9[%multiple_of3A_141, %dma_start3A_144] : memref<10000x128xf32, #tpu.memory_space<vmem_shared>> -> memref<80x128xf32, #tpu.memory_space<vmem_shared>>
        tpu.enqueue_dma source(%arg7 : memref<80x128xf32, #tpu.memory_space<vmem>>) target(%dma_start3A_145 : memref<80x128xf32, #tpu.memory_space<vmem_shared>>) target_semaphore(%run_scoped3A : memref<!tpu.dma_semaphore, #tpu.memory_space<semaphore_mem>>)
        %dma_wait3A_146 = arith.constant 0 : i32
        %dma_wait3A_147 = tpu.memref_slice %arg9[%multiple_of3A_141, %dma_wait3A_146] : memref<10000x128xf32, #tpu.memory_space<vmem_shared>> -> memref<80x128xf32, #tpu.memory_space<vmem_shared>>
        %dma_wait3A_148 = arith.constant 0 : i32
        %dma_wait3A_149 = tpu.memref_slice %arg9[%multiple_of3A_141, %dma_wait3A_148] : memref<10000x128xf32, #tpu.memory_space<vmem_shared>> -> memref<80x128xf32, #tpu.memory_space<vmem_shared>>
        tpu.wait_dma2 semaphore(%run_scoped3A : memref<!tpu.dma_semaphore, #tpu.memory_space<semaphore_mem>>) src(%arg7 : memref<80x128xf32, #tpu.memory_space<vmem>>) dst(%dma_wait3A_149 : memref<80x128xf32, #tpu.memory_space<vmem_shared>>)
        tpu.yield
      }) : () -> ()
    } else {
    }
    %add3A_52 = arith.constant 112 : i32
    %add3A_53 = arith.addi %arg1, %add3A_52 : i32
    %lt3A_54 = arith.constant 125 : i32
    %lt3A_55 = arith.cmpi slt, %add3A_53, %lt3A_54 : i32
    %convert_element_type3A_56 = arith.extui %lt3A_55 : i1 to i32
    %cond3A_57 = arith.constant 0 : i32
    %cond3A_58 = arith.cmpi ne, %convert_element_type3A_56, %cond3A_57 : i32
    scf.if %cond3A_58 {
      %mul3A_139 = arith.constant 80 : i32
      %mul3A_140 = arith.muli %add3A_53, %mul3A_139 : i32
      %multiple_of3A_141 = tpu.assume_multiple %mul3A_140, 8 : i32
      "tpu.region"() ({
        %run_scoped3A = tpu.sem_alloc : memref<!tpu.dma_semaphore, #tpu.memory_space<semaphore_mem>>
        %dma_start3A_142 = arith.constant 0 : i32
        %dma_start3A_143 = tpu.memref_slice %arg9[%multiple_of3A_141, %dma_start3A_142] : memref<10000x128xf32, #tpu.memory_space<vmem_shared>> -> memref<80x128xf32, #tpu.memory_space<vmem_shared>>
        %dma_start3A_144 = arith.constant 0 : i32
        %dma_start3A_145 = tpu.memref_slice %arg9[%multiple_of3A_141, %dma_start3A_144] : memref<10000x128xf32, #tpu.memory_space<vmem_shared>> -> memref<80x128xf32, #tpu.memory_space<vmem_shared>>
        tpu.enqueue_dma source(%arg7 : memref<80x128xf32, #tpu.memory_space<vmem>>) target(%dma_start3A_145 : memref<80x128xf32, #tpu.memory_space<vmem_shared>>) target_semaphore(%run_scoped3A : memref<!tpu.dma_semaphore, #tpu.memory_space<semaphore_mem>>)
        %dma_wait3A_146 = arith.constant 0 : i32
        %dma_wait3A_147 = tpu.memref_slice %arg9[%multiple_of3A_141, %dma_wait3A_146] : memref<10000x128xf32, #tpu.memory_space<vmem_shared>> -> memref<80x128xf32, #tpu.memory_space<vmem_shared>>
        %dma_wait3A_148 = arith.constant 0 : i32
        %dma_wait3A_149 = tpu.memref_slice %arg9[%multiple_of3A_141, %dma_wait3A_148] : memref<10000x128xf32, #tpu.memory_space<vmem_shared>> -> memref<80x128xf32, #tpu.memory_space<vmem_shared>>
        tpu.wait_dma2 semaphore(%run_scoped3A : memref<!tpu.dma_semaphore, #tpu.memory_space<semaphore_mem>>) src(%arg7 : memref<80x128xf32, #tpu.memory_space<vmem>>) dst(%dma_wait3A_149 : memref<80x128xf32, #tpu.memory_space<vmem_shared>>)
        tpu.yield
      }) : () -> ()
    } else {
    }
    %barrier3A = arith.constant 0 : index
    tpu.barrier barrier_id(%barrier3A)
    %scan3A_59 = arith.constant 0 : i32
    %scan3A_60 = arith.constant 0 : i32
    %scan3A_61 = arith.constant 37 : i32
    %scan3A_62 = arith.addi %scan3A_60, %scan3A_61 : i32
    %scan3A_63 = arith.constant 1 : i32
    scf.for %scan3A_139 = %scan3A_60 to %scan3A_62 step %scan3A_63  : i32 {
      %mul3A_140 = arith.constant 2 : i32
      %mul3A_141 = arith.muli %scan3A_139, %mul3A_140 : i32
      %mul3A_142 = arith.constant 6000 : i32
      %mul3A_143 = arith.muli %add3A, %mul3A_142 : i32
      %add3A_144 = arith.constant 0 : i32
      %add3A_145 = arith.addi %mul3A_141, %add3A_144 : i32
      %mul3A_146 = arith.constant 80 : i32
      %mul3A_147 = arith.muli %add3A_145, %mul3A_146 : i32
      %add3A_148 = arith.addi %mul3A_143, %mul3A_147 : i32
      %multiple_of3A_149 = tpu.assume_multiple %add3A_148, 8 : i32
      %add3A_150 = arith.constant 0 : i32
      %add3A_151 = arith.addi %add3A_150, %multiple_of3A_149 : i32
      %multiple_of3A_152 = tpu.assume_multiple %add3A_151, 8 : i32
      %dma_start3A_153 = tpu.memref_slice %arg3[%multiple_of3A_149] : memref<192000xi32, #tpu.memory_space<hbm>> -> memref<80xi32, #tpu.memory_space<hbm>>
      %dma_start3A_154 = tpu.memref_slice %arg3[%multiple_of3A_149] : memref<192000xi32, #tpu.memory_space<hbm>> -> memref<80xi32, #tpu.memory_space<hbm>>
      tpu.enqueue_dma source(%dma_start3A_154 : memref<80xi32, #tpu.memory_space<hbm>>) target(%arg5 : memref<80xi32, #tpu.memory_space<vmem>>) target_semaphore(%arg10 : memref<!tpu.dma_semaphore, #tpu.memory_space<semaphore_mem>>)
      %dma_start3A_155 = arith.constant 0 : i32
      %dma_start3A_156 = tpu.memref_slice %arg2[%multiple_of3A_152, %dma_start3A_155] : memref<320000x128xf32, #tpu.memory_space<hbm>> -> memref<80x128xf32, #tpu.memory_space<hbm>>
      %dma_start3A_157 = arith.constant 0 : i32
      %dma_start3A_158 = tpu.memref_slice %arg2[%multiple_of3A_152, %dma_start3A_157] : memref<320000x128xf32, #tpu.memory_space<hbm>> -> memref<80x128xf32, #tpu.memory_space<hbm>>
      tpu.enqueue_dma source(%dma_start3A_158 : memref<80x128xf32, #tpu.memory_space<hbm>>) target(%arg7 : memref<80x128xf32, #tpu.memory_space<vmem>>) target_semaphore(%arg12 : memref<!tpu.dma_semaphore, #tpu.memory_space<semaphore_mem>>)
      %mul3A_159 = arith.constant 6000 : i32
      %mul3A_160 = arith.muli %add3A, %mul3A_159 : i32
      %add3A_161 = arith.constant 1 : i32
      %add3A_162 = arith.addi %mul3A_141, %add3A_161 : i32
      %mul3A_163 = arith.constant 80 : i32
      %mul3A_164 = arith.muli %add3A_162, %mul3A_163 : i32
      %add3A_165 = arith.addi %mul3A_160, %mul3A_164 : i32
      %multiple_of3A_166 = tpu.assume_multiple %add3A_165, 8 : i32
      %add3A_167 = arith.constant 0 : i32
      %add3A_168 = arith.addi %add3A_167, %multiple_of3A_166 : i32
      %multiple_of3A_169 = tpu.assume_multiple %add3A_168, 8 : i32
      %dma_start3A_170 = tpu.memref_slice %arg3[%multiple_of3A_166] : memref<192000xi32, #tpu.memory_space<hbm>> -> memref<80xi32, #tpu.memory_space<hbm>>
      %dma_start3A_171 = tpu.memref_slice %arg3[%multiple_of3A_166] : memref<192000xi32, #tpu.memory_space<hbm>> -> memref<80xi32, #tpu.memory_space<hbm>>
      tpu.enqueue_dma source(%dma_start3A_171 : memref<80xi32, #tpu.memory_space<hbm>>) target(%arg6 : memref<80xi32, #tpu.memory_space<vmem>>) target_semaphore(%arg11 : memref<!tpu.dma_semaphore, #tpu.memory_space<semaphore_mem>>)
      %dma_start3A_172 = arith.constant 0 : i32
      %dma_start3A_173 = tpu.memref_slice %arg2[%multiple_of3A_169, %dma_start3A_172] : memref<320000x128xf32, #tpu.memory_space<hbm>> -> memref<80x128xf32, #tpu.memory_space<hbm>>
      %dma_start3A_174 = arith.constant 0 : i32
      %dma_start3A_175 = tpu.memref_slice %arg2[%multiple_of3A_169, %dma_start3A_174] : memref<320000x128xf32, #tpu.memory_space<hbm>> -> memref<80x128xf32, #tpu.memory_space<hbm>>
      tpu.enqueue_dma source(%dma_start3A_175 : memref<80x128xf32, #tpu.memory_space<hbm>>) target(%arg8 : memref<80x128xf32, #tpu.memory_space<vmem>>) target_semaphore(%arg13 : memref<!tpu.dma_semaphore, #tpu.memory_space<semaphore_mem>>)
      %dma_wait3A_176 = tpu.memref_slice %arg3[%multiple_of3A_149] : memref<192000xi32, #tpu.memory_space<hbm>> -> memref<80xi32, #tpu.memory_space<hbm>>
      %dma_wait3A_177 = tpu.memref_slice %arg3[%multiple_of3A_149] : memref<192000xi32, #tpu.memory_space<hbm>> -> memref<80xi32, #tpu.memory_space<hbm>>
      tpu.wait_dma2 semaphore(%arg10 : memref<!tpu.dma_semaphore, #tpu.memory_space<semaphore_mem>>) src(%dma_wait3A_177 : memref<80xi32, #tpu.memory_space<hbm>>) dst(%arg5 : memref<80xi32, #tpu.memory_space<vmem>>)
      %dma_wait3A_178 = arith.constant 0 : i32
      %dma_wait3A_179 = tpu.memref_slice %arg2[%multiple_of3A_152, %dma_wait3A_178] : memref<320000x128xf32, #tpu.memory_space<hbm>> -> memref<80x128xf32, #tpu.memory_space<hbm>>
      %dma_wait3A_180 = arith.constant 0 : i32
      %dma_wait3A_181 = tpu.memref_slice %arg2[%multiple_of3A_152, %dma_wait3A_180] : memref<320000x128xf32, #tpu.memory_space<hbm>> -> memref<80x128xf32, #tpu.memory_space<hbm>>
      tpu.wait_dma2 semaphore(%arg12 : memref<!tpu.dma_semaphore, #tpu.memory_space<semaphore_mem>>) src(%dma_wait3A_181 : memref<80x128xf32, #tpu.memory_space<hbm>>) dst(%arg7 : memref<80x128xf32, #tpu.memory_space<vmem>>)
      "tpu.region"() ({
        %run_scoped3A = tpu.sem_alloc : memref<!tpu.dma_semaphore, #tpu.memory_space<semaphore_mem>>
        %dma_start3A_188 = arith.constant 0 : i32
        %dma_start3A_189 = arith.constant 0 : i32
        %dma_start3A_190 = tpu.memref_slice %arg9[%dma_start3A_188, %dma_start3A_189] : memref<10000x128xf32, #tpu.memory_space<vmem_shared>> -> memref<10000x128xf32, #tpu.memory_space<vmem_shared>>
        tpu.enqueue_indirect_dma source(%arg7 : memref<80x128xf32, #tpu.memory_space<vmem>>) target(%dma_start3A_190 : memref<10000x128xf32, #tpu.memory_space<vmem_shared>>) offsets(%arg5 : memref<80xi32, #tpu.memory_space<vmem>>) semaphore(%run_scoped3A : memref<!tpu.dma_semaphore, #tpu.memory_space<semaphore_mem>>) {add = true}
        %dma_wait3A_191 = arith.constant 0 : i32
        %dma_wait3A_192 = arith.constant 0 : i32
        %dma_wait3A_193 = tpu.memref_slice %arg9[%dma_wait3A_191, %dma_wait3A_192] : memref<10000x128xf32, #tpu.memory_space<vmem_shared>> -> memref<10000x128xf32, #tpu.memory_space<vmem_shared>>
        tpu.wait_indirect_dma semaphore(%run_scoped3A : memref<!tpu.dma_semaphore, #tpu.memory_space<semaphore_mem>>) src(%arg7 : memref<80x128xf32, #tpu.memory_space<vmem>>) dst(%dma_wait3A_193 : memref<10000x128xf32, #tpu.memory_space<vmem_shared>>)
        tpu.yield
      }) : () -> ()
      %dma_wait3A_182 = tpu.memref_slice %arg3[%multiple_of3A_166] : memref<192000xi32, #tpu.memory_space<hbm>> -> memref<80xi32, #tpu.memory_space<hbm>>
      %dma_wait3A_183 = tpu.memref_slice %arg3[%multiple_of3A_166] : memref<192000xi32, #tpu.memory_space<hbm>> -> memref<80xi32, #tpu.memory_space<hbm>>
      tpu.wait_dma2 semaphore(%arg11 : memref<!tpu.dma_semaphore, #tpu.memory_space<semaphore_mem>>) src(%dma_wait3A_183 : memref<80xi32, #tpu.memory_space<hbm>>) dst(%arg6 : memref<80xi32, #tpu.memory_space<vmem>>)
      %dma_wait3A_184 = arith.constant 0 : i32
      %dma_wait3A_185 = tpu.memref_slice %arg2[%multiple_of3A_169, %dma_wait3A_184] : memref<320000x128xf32, #tpu.memory_space<hbm>> -> memref<80x128xf32, #tpu.memory_space<hbm>>
      %dma_wait3A_186 = arith.constant 0 : i32
      %dma_wait3A_187 = tpu.memref_slice %arg2[%multiple_of3A_169, %dma_wait3A_186] : memref<320000x128xf32, #tpu.memory_space<hbm>> -> memref<80x128xf32, #tpu.memory_space<hbm>>
      tpu.wait_dma2 semaphore(%arg13 : memref<!tpu.dma_semaphore, #tpu.memory_space<semaphore_mem>>) src(%dma_wait3A_187 : memref<80x128xf32, #tpu.memory_space<hbm>>) dst(%arg8 : memref<80x128xf32, #tpu.memory_space<vmem>>)
      "tpu.region"() ({
        %run_scoped3A = tpu.sem_alloc : memref<!tpu.dma_semaphore, #tpu.memory_space<semaphore_mem>>
        %dma_start3A_188 = arith.constant 0 : i32
        %dma_start3A_189 = arith.constant 0 : i32
        %dma_start3A_190 = tpu.memref_slice %arg9[%dma_start3A_188, %dma_start3A_189] : memref<10000x128xf32, #tpu.memory_space<vmem_shared>> -> memref<10000x128xf32, #tpu.memory_space<vmem_shared>>
        tpu.enqueue_indirect_dma source(%arg8 : memref<80x128xf32, #tpu.memory_space<vmem>>) target(%dma_start3A_190 : memref<10000x128xf32, #tpu.memory_space<vmem_shared>>) offsets(%arg6 : memref<80xi32, #tpu.memory_space<vmem>>) semaphore(%run_scoped3A : memref<!tpu.dma_semaphore, #tpu.memory_space<semaphore_mem>>) {add = true}
        %dma_wait3A_191 = arith.constant 0 : i32
        %dma_wait3A_192 = arith.constant 0 : i32
        %dma_wait3A_193 = tpu.memref_slice %arg9[%dma_wait3A_191, %dma_wait3A_192] : memref<10000x128xf32, #tpu.memory_space<vmem_shared>> -> memref<10000x128xf32, #tpu.memory_space<vmem_shared>>
        tpu.wait_indirect_dma semaphore(%run_scoped3A : memref<!tpu.dma_semaphore, #tpu.memory_space<semaphore_mem>>) src(%arg8 : memref<80x128xf32, #tpu.memory_space<vmem>>) dst(%dma_wait3A_193 : memref<10000x128xf32, #tpu.memory_space<vmem_shared>>)
        tpu.yield
      }) : () -> ()
    }
    %scan3A_64 = arith.constant 37 : i32
    %mul3A_65 = arith.constant 6000 : i32
    %mul3A_66 = arith.muli %add3A, %mul3A_65 : i32
    %add3A_67 = arith.constant 5920 : i32
    %add3A_68 = arith.addi %mul3A_66, %add3A_67 : i32
    %multiple_of3A = tpu.assume_multiple %add3A_68, 8 : i32
    %add3A_69 = arith.constant 0 : i32
    %add3A_70 = arith.addi %add3A_69, %multiple_of3A : i32
    %multiple_of3A_71 = tpu.assume_multiple %add3A_70, 8 : i32
    %dma_start3A = tpu.memref_slice %arg3[%multiple_of3A] : memref<192000xi32, #tpu.memory_space<hbm>> -> memref<80xi32, #tpu.memory_space<hbm>>
    %dma_start3A_72 = tpu.memref_slice %arg3[%multiple_of3A] : memref<192000xi32, #tpu.memory_space<hbm>> -> memref<80xi32, #tpu.memory_space<hbm>>
    tpu.enqueue_dma source(%dma_start3A_72 : memref<80xi32, #tpu.memory_space<hbm>>) target(%arg5 : memref<80xi32, #tpu.memory_space<vmem>>) target_semaphore(%arg10 : memref<!tpu.dma_semaphore, #tpu.memory_space<semaphore_mem>>)
    %dma_start3A_73 = arith.constant 0 : i32
    %dma_start3A_74 = tpu.memref_slice %arg2[%multiple_of3A_71, %dma_start3A_73] : memref<320000x128xf32, #tpu.memory_space<hbm>> -> memref<80x128xf32, #tpu.memory_space<hbm>>
    %dma_start3A_75 = arith.constant 0 : i32
    %dma_start3A_76 = tpu.memref_slice %arg2[%multiple_of3A_71, %dma_start3A_75] : memref<320000x128xf32, #tpu.memory_space<hbm>> -> memref<80x128xf32, #tpu.memory_space<hbm>>
    tpu.enqueue_dma source(%dma_start3A_76 : memref<80x128xf32, #tpu.memory_space<hbm>>) target(%arg7 : memref<80x128xf32, #tpu.memory_space<vmem>>) target_semaphore(%arg12 : memref<!tpu.dma_semaphore, #tpu.memory_space<semaphore_mem>>)
    %dma_wait3A = tpu.memref_slice %arg3[%multiple_of3A] : memref<192000xi32, #tpu.memory_space<hbm>> -> memref<80xi32, #tpu.memory_space<hbm>>
    %dma_wait3A_77 = tpu.memref_slice %arg3[%multiple_of3A] : memref<192000xi32, #tpu.memory_space<hbm>> -> memref<80xi32, #tpu.memory_space<hbm>>
    tpu.wait_dma2 semaphore(%arg10 : memref<!tpu.dma_semaphore, #tpu.memory_space<semaphore_mem>>) src(%dma_wait3A_77 : memref<80xi32, #tpu.memory_space<hbm>>) dst(%arg5 : memref<80xi32, #tpu.memory_space<vmem>>)
    %dma_wait3A_78 = arith.constant 0 : i32
    %dma_wait3A_79 = tpu.memref_slice %arg2[%multiple_of3A_71, %dma_wait3A_78] : memref<320000x128xf32, #tpu.memory_space<hbm>> -> memref<80x128xf32, #tpu.memory_space<hbm>>
    %dma_wait3A_80 = arith.constant 0 : i32
    %dma_wait3A_81 = tpu.memref_slice %arg2[%multiple_of3A_71, %dma_wait3A_80] : memref<320000x128xf32, #tpu.memory_space<hbm>> -> memref<80x128xf32, #tpu.memory_space<hbm>>
    tpu.wait_dma2 semaphore(%arg12 : memref<!tpu.dma_semaphore, #tpu.memory_space<semaphore_mem>>) src(%dma_wait3A_81 : memref<80x128xf32, #tpu.memory_space<hbm>>) dst(%arg7 : memref<80x128xf32, #tpu.memory_space<vmem>>)
    "tpu.region"() ({
      %run_scoped3A = tpu.sem_alloc : memref<!tpu.dma_semaphore, #tpu.memory_space<semaphore_mem>>
      %dma_start3A_139 = arith.constant 0 : i32
      %dma_start3A_140 = arith.constant 0 : i32
      %dma_start3A_141 = tpu.memref_slice %arg9[%dma_start3A_139, %dma_start3A_140] : memref<10000x128xf32, #tpu.memory_space<vmem_shared>> -> memref<10000x128xf32, #tpu.memory_space<vmem_shared>>
      tpu.enqueue_indirect_dma source(%arg7 : memref<80x128xf32, #tpu.memory_space<vmem>>) target(%dma_start3A_141 : memref<10000x128xf32, #tpu.memory_space<vmem_shared>>) offsets(%arg5 : memref<80xi32, #tpu.memory_space<vmem>>) semaphore(%run_scoped3A : memref<!tpu.dma_semaphore, #tpu.memory_space<semaphore_mem>>) {add = true}
      %dma_wait3A_142 = arith.constant 0 : i32
      %dma_wait3A_143 = arith.constant 0 : i32
      %dma_wait3A_144 = tpu.memref_slice %arg9[%dma_wait3A_142, %dma_wait3A_143] : memref<10000x128xf32, #tpu.memory_space<vmem_shared>> -> memref<10000x128xf32, #tpu.memory_space<vmem_shared>>
      tpu.wait_indirect_dma semaphore(%run_scoped3A : memref<!tpu.dma_semaphore, #tpu.memory_space<semaphore_mem>>) src(%arg7 : memref<80x128xf32, #tpu.memory_space<vmem>>) dst(%dma_wait3A_144 : memref<10000x128xf32, #tpu.memory_space<vmem_shared>>)
      tpu.yield
    }) : () -> ()
    %barrier3A_82 = arith.constant 0 : index
    tpu.barrier barrier_id(%barrier3A_82)
    %add3A_83 = arith.constant 0 : i32
    %add3A_84 = arith.addi %arg1, %add3A_83 : i32
    %lt3A_85 = arith.constant 125 : i32
    %lt3A_86 = arith.cmpi slt, %add3A_84, %lt3A_85 : i32
    %convert_element_type3A_87 = arith.extui %lt3A_86 : i1 to i32
    %cond3A_88 = arith.constant 0 : i32
    %cond3A_89 = arith.cmpi ne, %convert_element_type3A_87, %cond3A_88 : i32
    scf.if %cond3A_89 {
      %mul3A_139 = arith.constant 80 : i32
      %mul3A_140 = arith.muli %add3A_84, %mul3A_139 : i32
      %multiple_of3A_141 = tpu.assume_multiple %mul3A_140, 8 : i32
      "tpu.region"() ({
        %run_scoped3A = tpu.sem_alloc : memref<!tpu.dma_semaphore, #tpu.memory_space<semaphore_mem>>
        %dma_start3A_142 = arith.constant 0 : i32
        %dma_start3A_143 = tpu.memref_slice %arg9[%multiple_of3A_141, %dma_start3A_142] : memref<10000x128xf32, #tpu.memory_space<vmem_shared>> -> memref<80x128xf32, #tpu.memory_space<vmem_shared>>
        %dma_start3A_144 = arith.constant 0 : i32
        %dma_start3A_145 = tpu.memref_slice %arg9[%multiple_of3A_141, %dma_start3A_144] : memref<10000x128xf32, #tpu.memory_space<vmem_shared>> -> memref<80x128xf32, #tpu.memory_space<vmem_shared>>
        tpu.enqueue_dma source(%dma_start3A_145 : memref<80x128xf32, #tpu.memory_space<vmem_shared>>) target(%arg7 : memref<80x128xf32, #tpu.memory_space<vmem>>) target_semaphore(%run_scoped3A : memref<!tpu.dma_semaphore, #tpu.memory_space<semaphore_mem>>)
        %dma_wait3A_146 = arith.constant 0 : i32
        %dma_wait3A_147 = tpu.memref_slice %arg9[%multiple_of3A_141, %dma_wait3A_146] : memref<10000x128xf32, #tpu.memory_space<vmem_shared>> -> memref<80x128xf32, #tpu.memory_space<vmem_shared>>
        %dma_wait3A_148 = arith.constant 0 : i32
        %dma_wait3A_149 = tpu.memref_slice %arg9[%multiple_of3A_141, %dma_wait3A_148] : memref<10000x128xf32, #tpu.memory_space<vmem_shared>> -> memref<80x128xf32, #tpu.memory_space<vmem_shared>>
        tpu.wait_dma2 semaphore(%run_scoped3A : memref<!tpu.dma_semaphore, #tpu.memory_space<semaphore_mem>>) src(%dma_wait3A_149 : memref<80x128xf32, #tpu.memory_space<vmem_shared>>) dst(%arg7 : memref<80x128xf32, #tpu.memory_space<vmem>>)
        tpu.yield
      }) : () -> ()
      "tpu.region"() ({
        %run_scoped3A = tpu.sem_alloc : memref<!tpu.dma_semaphore, #tpu.memory_space<semaphore_mem>>
        %dma_start3A_142 = arith.constant 0 : i32
        %dma_start3A_143 = tpu.memref_slice %arg4[%arg0, %multiple_of3A_141, %dma_start3A_142] : memref<2x10000x128xf32, #tpu.memory_space<hbm>> -> memref<1x80x128xf32, #tpu.memory_space<hbm>>
        %dma_start3A_144 = tpu.memref_squeeze %dma_start3A_143 : memref<1x80x128xf32, #tpu.memory_space<hbm>> -> memref<80x128xf32, #tpu.memory_space<hbm>>
        %dma_start3A_145 = arith.constant 0 : i32
        %dma_start3A_146 = tpu.memref_slice %arg4[%arg0, %multiple_of3A_141, %dma_start3A_145] : memref<2x10000x128xf32, #tpu.memory_space<hbm>> -> memref<1x80x128xf32, #tpu.memory_space<hbm>>
        %dma_start3A_147 = tpu.memref_squeeze %dma_start3A_146 : memref<1x80x128xf32, #tpu.memory_space<hbm>> -> memref<80x128xf32, #tpu.memory_space<hbm>>
        tpu.enqueue_dma source(%arg7 : memref<80x128xf32, #tpu.memory_space<vmem>>) target(%dma_start3A_147 : memref<80x128xf32, #tpu.memory_space<hbm>>) target_semaphore(%run_scoped3A : memref<!tpu.dma_semaphore, #tpu.memory_space<semaphore_mem>>)
        %dma_wait3A_148 = arith.constant 0 : i32
        %dma_wait3A_149 = tpu.memref_slice %arg4[%arg0, %multiple_of3A_141, %dma_wait3A_148] : memref<2x10000x128xf32, #tpu.memory_space<hbm>> -> memref<1x80x128xf32, #tpu.memory_space<hbm>>
        %dma_wait3A_150 = tpu.memref_squeeze %dma_wait3A_149 : memref<1x80x128xf32, #tpu.memory_space<hbm>> -> memref<80x128xf32, #tpu.memory_space<hbm>>
        %dma_wait3A_151 = arith.constant 0 : i32
        %dma_wait3A_152 = tpu.memref_slice %arg4[%arg0, %multiple_of3A_141, %dma_wait3A_151] : memref<2x10000x128xf32, #tpu.memory_space<hbm>> -> memref<1x80x128xf32, #tpu.memory_space<hbm>>
        %dma_wait3A_153 = tpu.memref_squeeze %dma_wait3A_152 : memref<1x80x128xf32, #tpu.memory_space<hbm>> -> memref<80x128xf32, #tpu.memory_space<hbm>>
        tpu.wait_dma2 semaphore(%run_scoped3A : memref<!tpu.dma_semaphore, #tpu.memory_space<semaphore_mem>>) src(%arg7 : memref<80x128xf32, #tpu.memory_space<vmem>>) dst(%dma_wait3A_153 : memref<80x128xf32, #tpu.memory_space<hbm>>)
        tpu.yield
      }) : () -> ()
    } else {
    }
    %add3A_90 = arith.constant 16 : i32
    %add3A_91 = arith.addi %arg1, %add3A_90 : i32
    %lt3A_92 = arith.constant 125 : i32
    %lt3A_93 = arith.cmpi slt, %add3A_91, %lt3A_92 : i32
    %convert_element_type3A_94 = arith.extui %lt3A_93 : i1 to i32
    %cond3A_95 = arith.constant 0 : i32
    %cond3A_96 = arith.cmpi ne, %convert_element_type3A_94, %cond3A_95 : i32
    scf.if %cond3A_96 {
      %mul3A_139 = arith.constant 80 : i32
      %mul3A_140 = arith.muli %add3A_91, %mul3A_139 : i32
      %multiple_of3A_141 = tpu.assume_multiple %mul3A_140, 8 : i32
      "tpu.region"() ({
        %run_scoped3A = tpu.sem_alloc : memref<!tpu.dma_semaphore, #tpu.memory_space<semaphore_mem>>
        %dma_start3A_142 = arith.constant 0 : i32
        %dma_start3A_143 = tpu.memref_slice %arg9[%multiple_of3A_141, %dma_start3A_142] : memref<10000x128xf32, #tpu.memory_space<vmem_shared>> -> memref<80x128xf32, #tpu.memory_space<vmem_shared>>
        %dma_start3A_144 = arith.constant 0 : i32
        %dma_start3A_145 = tpu.memref_slice %arg9[%multiple_of3A_141, %dma_start3A_144] : memref<10000x128xf32, #tpu.memory_space<vmem_shared>> -> memref<80x128xf32, #tpu.memory_space<vmem_shared>>
        tpu.enqueue_dma source(%dma_start3A_145 : memref<80x128xf32, #tpu.memory_space<vmem_shared>>) target(%arg7 : memref<80x128xf32, #tpu.memory_space<vmem>>) target_semaphore(%run_scoped3A : memref<!tpu.dma_semaphore, #tpu.memory_space<semaphore_mem>>)
        %dma_wait3A_146 = arith.constant 0 : i32
        %dma_wait3A_147 = tpu.memref_slice %arg9[%multiple_of3A_141, %dma_wait3A_146] : memref<10000x128xf32, #tpu.memory_space<vmem_shared>> -> memref<80x128xf32, #tpu.memory_space<vmem_shared>>
        %dma_wait3A_148 = arith.constant 0 : i32
        %dma_wait3A_149 = tpu.memref_slice %arg9[%multiple_of3A_141, %dma_wait3A_148] : memref<10000x128xf32, #tpu.memory_space<vmem_shared>> -> memref<80x128xf32, #tpu.memory_space<vmem_shared>>
        tpu.wait_dma2 semaphore(%run_scoped3A : memref<!tpu.dma_semaphore, #tpu.memory_space<semaphore_mem>>) src(%dma_wait3A_149 : memref<80x128xf32, #tpu.memory_space<vmem_shared>>) dst(%arg7 : memref<80x128xf32, #tpu.memory_space<vmem>>)
        tpu.yield
      }) : () -> ()
      "tpu.region"() ({
        %run_scoped3A = tpu.sem_alloc : memref<!tpu.dma_semaphore, #tpu.memory_space<semaphore_mem>>
        %dma_start3A_142 = arith.constant 0 : i32
        %dma_start3A_143 = tpu.memref_slice %arg4[%arg0, %multiple_of3A_141, %dma_start3A_142] : memref<2x10000x128xf32, #tpu.memory_space<hbm>> -> memref<1x80x128xf32, #tpu.memory_space<hbm>>
        %dma_start3A_144 = tpu.memref_squeeze %dma_start3A_143 : memref<1x80x128xf32, #tpu.memory_space<hbm>> -> memref<80x128xf32, #tpu.memory_space<hbm>>
        %dma_start3A_145 = arith.constant 0 : i32
        %dma_start3A_146 = tpu.memref_slice %arg4[%arg0, %multiple_of3A_141, %dma_start3A_145] : memref<2x10000x128xf32, #tpu.memory_space<hbm>> -> memref<1x80x128xf32, #tpu.memory_space<hbm>>
        %dma_start3A_147 = tpu.memref_squeeze %dma_start3A_146 : memref<1x80x128xf32, #tpu.memory_space<hbm>> -> memref<80x128xf32, #tpu.memory_space<hbm>>
        tpu.enqueue_dma source(%arg7 : memref<80x128xf32, #tpu.memory_space<vmem>>) target(%dma_start3A_147 : memref<80x128xf32, #tpu.memory_space<hbm>>) target_semaphore(%run_scoped3A : memref<!tpu.dma_semaphore, #tpu.memory_space<semaphore_mem>>)
        %dma_wait3A_148 = arith.constant 0 : i32
        %dma_wait3A_149 = tpu.memref_slice %arg4[%arg0, %multiple_of3A_141, %dma_wait3A_148] : memref<2x10000x128xf32, #tpu.memory_space<hbm>> -> memref<1x80x128xf32, #tpu.memory_space<hbm>>
        %dma_wait3A_150 = tpu.memref_squeeze %dma_wait3A_149 : memref<1x80x128xf32, #tpu.memory_space<hbm>> -> memref<80x128xf32, #tpu.memory_space<hbm>>
        %dma_wait3A_151 = arith.constant 0 : i32
        %dma_wait3A_152 = tpu.memref_slice %arg4[%arg0, %multiple_of3A_141, %dma_wait3A_151] : memref<2x10000x128xf32, #tpu.memory_space<hbm>> -> memref<1x80x128xf32, #tpu.memory_space<hbm>>
        %dma_wait3A_153 = tpu.memref_squeeze %dma_wait3A_152 : memref<1x80x128xf32, #tpu.memory_space<hbm>> -> memref<80x128xf32, #tpu.memory_space<hbm>>
        tpu.wait_dma2 semaphore(%run_scoped3A : memref<!tpu.dma_semaphore, #tpu.memory_space<semaphore_mem>>) src(%arg7 : memref<80x128xf32, #tpu.memory_space<vmem>>) dst(%dma_wait3A_153 : memref<80x128xf32, #tpu.memory_space<hbm>>)
        tpu.yield
      }) : () -> ()
    } else {
    }
    %add3A_97 = arith.constant 32 : i32
    %add3A_98 = arith.addi %arg1, %add3A_97 : i32
    %lt3A_99 = arith.constant 125 : i32
    %lt3A_100 = arith.cmpi slt, %add3A_98, %lt3A_99 : i32
    %convert_element_type3A_101 = arith.extui %lt3A_100 : i1 to i32
    %cond3A_102 = arith.constant 0 : i32
    %cond3A_103 = arith.cmpi ne, %convert_element_type3A_101, %cond3A_102 : i32
    scf.if %cond3A_103 {
      %mul3A_139 = arith.constant 80 : i32
      %mul3A_140 = arith.muli %add3A_98, %mul3A_139 : i32
      %multiple_of3A_141 = tpu.assume_multiple %mul3A_140, 8 : i32
      "tpu.region"() ({
        %run_scoped3A = tpu.sem_alloc : memref<!tpu.dma_semaphore, #tpu.memory_space<semaphore_mem>>
        %dma_start3A_142 = arith.constant 0 : i32
        %dma_start3A_143 = tpu.memref_slice %arg9[%multiple_of3A_141, %dma_start3A_142] : memref<10000x128xf32, #tpu.memory_space<vmem_shared>> -> memref<80x128xf32, #tpu.memory_space<vmem_shared>>
        %dma_start3A_144 = arith.constant 0 : i32
        %dma_start3A_145 = tpu.memref_slice %arg9[%multiple_of3A_141, %dma_start3A_144] : memref<10000x128xf32, #tpu.memory_space<vmem_shared>> -> memref<80x128xf32, #tpu.memory_space<vmem_shared>>
        tpu.enqueue_dma source(%dma_start3A_145 : memref<80x128xf32, #tpu.memory_space<vmem_shared>>) target(%arg7 : memref<80x128xf32, #tpu.memory_space<vmem>>) target_semaphore(%run_scoped3A : memref<!tpu.dma_semaphore, #tpu.memory_space<semaphore_mem>>)
        %dma_wait3A_146 = arith.constant 0 : i32
        %dma_wait3A_147 = tpu.memref_slice %arg9[%multiple_of3A_141, %dma_wait3A_146] : memref<10000x128xf32, #tpu.memory_space<vmem_shared>> -> memref<80x128xf32, #tpu.memory_space<vmem_shared>>
        %dma_wait3A_148 = arith.constant 0 : i32
        %dma_wait3A_149 = tpu.memref_slice %arg9[%multiple_of3A_141, %dma_wait3A_148] : memref<10000x128xf32, #tpu.memory_space<vmem_shared>> -> memref<80x128xf32, #tpu.memory_space<vmem_shared>>
        tpu.wait_dma2 semaphore(%run_scoped3A : memref<!tpu.dma_semaphore, #tpu.memory_space<semaphore_mem>>) src(%dma_wait3A_149 : memref<80x128xf32, #tpu.memory_space<vmem_shared>>) dst(%arg7 : memref<80x128xf32, #tpu.memory_space<vmem>>)
        tpu.yield
      }) : () -> ()
      "tpu.region"() ({
        %run_scoped3A = tpu.sem_alloc : memref<!tpu.dma_semaphore, #tpu.memory_space<semaphore_mem>>
        %dma_start3A_142 = arith.constant 0 : i32
        %dma_start3A_143 = tpu.memref_slice %arg4[%arg0, %multiple_of3A_141, %dma_start3A_142] : memref<2x10000x128xf32, #tpu.memory_space<hbm>> -> memref<1x80x128xf32, #tpu.memory_space<hbm>>
        %dma_start3A_144 = tpu.memref_squeeze %dma_start3A_143 : memref<1x80x128xf32, #tpu.memory_space<hbm>> -> memref<80x128xf32, #tpu.memory_space<hbm>>
        %dma_start3A_145 = arith.constant 0 : i32
        %dma_start3A_146 = tpu.memref_slice %arg4[%arg0, %multiple_of3A_141, %dma_start3A_145] : memref<2x10000x128xf32, #tpu.memory_space<hbm>> -> memref<1x80x128xf32, #tpu.memory_space<hbm>>
        %dma_start3A_147 = tpu.memref_squeeze %dma_start3A_146 : memref<1x80x128xf32, #tpu.memory_space<hbm>> -> memref<80x128xf32, #tpu.memory_space<hbm>>
        tpu.enqueue_dma source(%arg7 : memref<80x128xf32, #tpu.memory_space<vmem>>) target(%dma_start3A_147 : memref<80x128xf32, #tpu.memory_space<hbm>>) target_semaphore(%run_scoped3A : memref<!tpu.dma_semaphore, #tpu.memory_space<semaphore_mem>>)
        %dma_wait3A_148 = arith.constant 0 : i32
        %dma_wait3A_149 = tpu.memref_slice %arg4[%arg0, %multiple_of3A_141, %dma_wait3A_148] : memref<2x10000x128xf32, #tpu.memory_space<hbm>> -> memref<1x80x128xf32, #tpu.memory_space<hbm>>
        %dma_wait3A_150 = tpu.memref_squeeze %dma_wait3A_149 : memref<1x80x128xf32, #tpu.memory_space<hbm>> -> memref<80x128xf32, #tpu.memory_space<hbm>>
        %dma_wait3A_151 = arith.constant 0 : i32
        %dma_wait3A_152 = tpu.memref_slice %arg4[%arg0, %multiple_of3A_141, %dma_wait3A_151] : memref<2x10000x128xf32, #tpu.memory_space<hbm>> -> memref<1x80x128xf32, #tpu.memory_space<hbm>>
        %dma_wait3A_153 = tpu.memref_squeeze %dma_wait3A_152 : memref<1x80x128xf32, #tpu.memory_space<hbm>> -> memref<80x128xf32, #tpu.memory_space<hbm>>
        tpu.wait_dma2 semaphore(%run_scoped3A : memref<!tpu.dma_semaphore, #tpu.memory_space<semaphore_mem>>) src(%arg7 : memref<80x128xf32, #tpu.memory_space<vmem>>) dst(%dma_wait3A_153 : memref<80x128xf32, #tpu.memory_space<hbm>>)
        tpu.yield
      }) : () -> ()
    } else {
    }
    %add3A_104 = arith.constant 48 : i32
    %add3A_105 = arith.addi %arg1, %add3A_104 : i32
    %lt3A_106 = arith.constant 125 : i32
    %lt3A_107 = arith.cmpi slt, %add3A_105, %lt3A_106 : i32
    %convert_element_type3A_108 = arith.extui %lt3A_107 : i1 to i32
    %cond3A_109 = arith.constant 0 : i32
    %cond3A_110 = arith.cmpi ne, %convert_element_type3A_108, %cond3A_109 : i32
    scf.if %cond3A_110 {
      %mul3A_139 = arith.constant 80 : i32
      %mul3A_140 = arith.muli %add3A_105, %mul3A_139 : i32
      %multiple_of3A_141 = tpu.assume_multiple %mul3A_140, 8 : i32
      "tpu.region"() ({
        %run_scoped3A = tpu.sem_alloc : memref<!tpu.dma_semaphore, #tpu.memory_space<semaphore_mem>>
        %dma_start3A_142 = arith.constant 0 : i32
        %dma_start3A_143 = tpu.memref_slice %arg9[%multiple_of3A_141, %dma_start3A_142] : memref<10000x128xf32, #tpu.memory_space<vmem_shared>> -> memref<80x128xf32, #tpu.memory_space<vmem_shared>>
        %dma_start3A_144 = arith.constant 0 : i32
        %dma_start3A_145 = tpu.memref_slice %arg9[%multiple_of3A_141, %dma_start3A_144] : memref<10000x128xf32, #tpu.memory_space<vmem_shared>> -> memref<80x128xf32, #tpu.memory_space<vmem_shared>>
        tpu.enqueue_dma source(%dma_start3A_145 : memref<80x128xf32, #tpu.memory_space<vmem_shared>>) target(%arg7 : memref<80x128xf32, #tpu.memory_space<vmem>>) target_semaphore(%run_scoped3A : memref<!tpu.dma_semaphore, #tpu.memory_space<semaphore_mem>>)
        %dma_wait3A_146 = arith.constant 0 : i32
        %dma_wait3A_147 = tpu.memref_slice %arg9[%multiple_of3A_141, %dma_wait3A_146] : memref<10000x128xf32, #tpu.memory_space<vmem_shared>> -> memref<80x128xf32, #tpu.memory_space<vmem_shared>>
        %dma_wait3A_148 = arith.constant 0 : i32
        %dma_wait3A_149 = tpu.memref_slice %arg9[%multiple_of3A_141, %dma_wait3A_148] : memref<10000x128xf32, #tpu.memory_space<vmem_shared>> -> memref<80x128xf32, #tpu.memory_space<vmem_shared>>
        tpu.wait_dma2 semaphore(%run_scoped3A : memref<!tpu.dma_semaphore, #tpu.memory_space<semaphore_mem>>) src(%dma_wait3A_149 : memref<80x128xf32, #tpu.memory_space<vmem_shared>>) dst(%arg7 : memref<80x128xf32, #tpu.memory_space<vmem>>)
        tpu.yield
      }) : () -> ()
      "tpu.region"() ({
        %run_scoped3A = tpu.sem_alloc : memref<!tpu.dma_semaphore, #tpu.memory_space<semaphore_mem>>
        %dma_start3A_142 = arith.constant 0 : i32
        %dma_start3A_143 = tpu.memref_slice %arg4[%arg0, %multiple_of3A_141, %dma_start3A_142] : memref<2x10000x128xf32, #tpu.memory_space<hbm>> -> memref<1x80x128xf32, #tpu.memory_space<hbm>>
        %dma_start3A_144 = tpu.memref_squeeze %dma_start3A_143 : memref<1x80x128xf32, #tpu.memory_space<hbm>> -> memref<80x128xf32, #tpu.memory_space<hbm>>
        %dma_start3A_145 = arith.constant 0 : i32
        %dma_start3A_146 = tpu.memref_slice %arg4[%arg0, %multiple_of3A_141, %dma_start3A_145] : memref<2x10000x128xf32, #tpu.memory_space<hbm>> -> memref<1x80x128xf32, #tpu.memory_space<hbm>>
        %dma_start3A_147 = tpu.memref_squeeze %dma_start3A_146 : memref<1x80x128xf32, #tpu.memory_space<hbm>> -> memref<80x128xf32, #tpu.memory_space<hbm>>
        tpu.enqueue_dma source(%arg7 : memref<80x128xf32, #tpu.memory_space<vmem>>) target(%dma_start3A_147 : memref<80x128xf32, #tpu.memory_space<hbm>>) target_semaphore(%run_scoped3A : memref<!tpu.dma_semaphore, #tpu.memory_space<semaphore_mem>>)
        %dma_wait3A_148 = arith.constant 0 : i32
        %dma_wait3A_149 = tpu.memref_slice %arg4[%arg0, %multiple_of3A_141, %dma_wait3A_148] : memref<2x10000x128xf32, #tpu.memory_space<hbm>> -> memref<1x80x128xf32, #tpu.memory_space<hbm>>
        %dma_wait3A_150 = tpu.memref_squeeze %dma_wait3A_149 : memref<1x80x128xf32, #tpu.memory_space<hbm>> -> memref<80x128xf32, #tpu.memory_space<hbm>>
        %dma_wait3A_151 = arith.constant 0 : i32
        %dma_wait3A_152 = tpu.memref_slice %arg4[%arg0, %multiple_of3A_141, %dma_wait3A_151] : memref<2x10000x128xf32, #tpu.memory_space<hbm>> -> memref<1x80x128xf32, #tpu.memory_space<hbm>>
        %dma_wait3A_153 = tpu.memref_squeeze %dma_wait3A_152 : memref<1x80x128xf32, #tpu.memory_space<hbm>> -> memref<80x128xf32, #tpu.memory_space<hbm>>
        tpu.wait_dma2 semaphore(%run_scoped3A : memref<!tpu.dma_semaphore, #tpu.memory_space<semaphore_mem>>) src(%arg7 : memref<80x128xf32, #tpu.memory_space<vmem>>) dst(%dma_wait3A_153 : memref<80x128xf32, #tpu.memory_space<hbm>>)
        tpu.yield
      }) : () -> ()
    } else {
    }
    %add3A_111 = arith.constant 64 : i32
    %add3A_112 = arith.addi %arg1, %add3A_111 : i32
    %lt3A_113 = arith.constant 125 : i32
    %lt3A_114 = arith.cmpi slt, %add3A_112, %lt3A_113 : i32
    %convert_element_type3A_115 = arith.extui %lt3A_114 : i1 to i32
    %cond3A_116 = arith.constant 0 : i32
    %cond3A_117 = arith.cmpi ne, %convert_element_type3A_115, %cond3A_116 : i32
    scf.if %cond3A_117 {
      %mul3A_139 = arith.constant 80 : i32
      %mul3A_140 = arith.muli %add3A_112, %mul3A_139 : i32
      %multiple_of3A_141 = tpu.assume_multiple %mul3A_140, 8 : i32
      "tpu.region"() ({
        %run_scoped3A = tpu.sem_alloc : memref<!tpu.dma_semaphore, #tpu.memory_space<semaphore_mem>>
        %dma_start3A_142 = arith.constant 0 : i32
        %dma_start3A_143 = tpu.memref_slice %arg9[%multiple_of3A_141, %dma_start3A_142] : memref<10000x128xf32, #tpu.memory_space<vmem_shared>> -> memref<80x128xf32, #tpu.memory_space<vmem_shared>>
        %dma_start3A_144 = arith.constant 0 : i32
        %dma_start3A_145 = tpu.memref_slice %arg9[%multiple_of3A_141, %dma_start3A_144] : memref<10000x128xf32, #tpu.memory_space<vmem_shared>> -> memref<80x128xf32, #tpu.memory_space<vmem_shared>>
        tpu.enqueue_dma source(%dma_start3A_145 : memref<80x128xf32, #tpu.memory_space<vmem_shared>>) target(%arg7 : memref<80x128xf32, #tpu.memory_space<vmem>>) target_semaphore(%run_scoped3A : memref<!tpu.dma_semaphore, #tpu.memory_space<semaphore_mem>>)
        %dma_wait3A_146 = arith.constant 0 : i32
        %dma_wait3A_147 = tpu.memref_slice %arg9[%multiple_of3A_141, %dma_wait3A_146] : memref<10000x128xf32, #tpu.memory_space<vmem_shared>> -> memref<80x128xf32, #tpu.memory_space<vmem_shared>>
        %dma_wait3A_148 = arith.constant 0 : i32
        %dma_wait3A_149 = tpu.memref_slice %arg9[%multiple_of3A_141, %dma_wait3A_148] : memref<10000x128xf32, #tpu.memory_space<vmem_shared>> -> memref<80x128xf32, #tpu.memory_space<vmem_shared>>
        tpu.wait_dma2 semaphore(%run_scoped3A : memref<!tpu.dma_semaphore, #tpu.memory_space<semaphore_mem>>) src(%dma_wait3A_149 : memref<80x128xf32, #tpu.memory_space<vmem_shared>>) dst(%arg7 : memref<80x128xf32, #tpu.memory_space<vmem>>)
        tpu.yield
      }) : () -> ()
      "tpu.region"() ({
        %run_scoped3A = tpu.sem_alloc : memref<!tpu.dma_semaphore, #tpu.memory_space<semaphore_mem>>
        %dma_start3A_142 = arith.constant 0 : i32
        %dma_start3A_143 = tpu.memref_slice %arg4[%arg0, %multiple_of3A_141, %dma_start3A_142] : memref<2x10000x128xf32, #tpu.memory_space<hbm>> -> memref<1x80x128xf32, #tpu.memory_space<hbm>>
        %dma_start3A_144 = tpu.memref_squeeze %dma_start3A_143 : memref<1x80x128xf32, #tpu.memory_space<hbm>> -> memref<80x128xf32, #tpu.memory_space<hbm>>
        %dma_start3A_145 = arith.constant 0 : i32
        %dma_start3A_146 = tpu.memref_slice %arg4[%arg0, %multiple_of3A_141, %dma_start3A_145] : memref<2x10000x128xf32, #tpu.memory_space<hbm>> -> memref<1x80x128xf32, #tpu.memory_space<hbm>>
        %dma_start3A_147 = tpu.memref_squeeze %dma_start3A_146 : memref<1x80x128xf32, #tpu.memory_space<hbm>> -> memref<80x128xf32, #tpu.memory_space<hbm>>
        tpu.enqueue_dma source(%arg7 : memref<80x128xf32, #tpu.memory_space<vmem>>) target(%dma_start3A_147 : memref<80x128xf32, #tpu.memory_space<hbm>>) target_semaphore(%run_scoped3A : memref<!tpu.dma_semaphore, #tpu.memory_space<semaphore_mem>>)
        %dma_wait3A_148 = arith.constant 0 : i32
        %dma_wait3A_149 = tpu.memref_slice %arg4[%arg0, %multiple_of3A_141, %dma_wait3A_148] : memref<2x10000x128xf32, #tpu.memory_space<hbm>> -> memref<1x80x128xf32, #tpu.memory_space<hbm>>
        %dma_wait3A_150 = tpu.memref_squeeze %dma_wait3A_149 : memref<1x80x128xf32, #tpu.memory_space<hbm>> -> memref<80x128xf32, #tpu.memory_space<hbm>>
        %dma_wait3A_151 = arith.constant 0 : i32
        %dma_wait3A_152 = tpu.memref_slice %arg4[%arg0, %multiple_of3A_141, %dma_wait3A_151] : memref<2x10000x128xf32, #tpu.memory_space<hbm>> -> memref<1x80x128xf32, #tpu.memory_space<hbm>>
        %dma_wait3A_153 = tpu.memref_squeeze %dma_wait3A_152 : memref<1x80x128xf32, #tpu.memory_space<hbm>> -> memref<80x128xf32, #tpu.memory_space<hbm>>
        tpu.wait_dma2 semaphore(%run_scoped3A : memref<!tpu.dma_semaphore, #tpu.memory_space<semaphore_mem>>) src(%arg7 : memref<80x128xf32, #tpu.memory_space<vmem>>) dst(%dma_wait3A_153 : memref<80x128xf32, #tpu.memory_space<hbm>>)
        tpu.yield
      }) : () -> ()
    } else {
    }
    %add3A_118 = arith.constant 80 : i32
    %add3A_119 = arith.addi %arg1, %add3A_118 : i32
    %lt3A_120 = arith.constant 125 : i32
    %lt3A_121 = arith.cmpi slt, %add3A_119, %lt3A_120 : i32
    %convert_element_type3A_122 = arith.extui %lt3A_121 : i1 to i32
    %cond3A_123 = arith.constant 0 : i32
    %cond3A_124 = arith.cmpi ne, %convert_element_type3A_122, %cond3A_123 : i32
    scf.if %cond3A_124 {
      %mul3A_139 = arith.constant 80 : i32
      %mul3A_140 = arith.muli %add3A_119, %mul3A_139 : i32
      %multiple_of3A_141 = tpu.assume_multiple %mul3A_140, 8 : i32
      "tpu.region"() ({
        %run_scoped3A = tpu.sem_alloc : memref<!tpu.dma_semaphore, #tpu.memory_space<semaphore_mem>>
        %dma_start3A_142 = arith.constant 0 : i32
        %dma_start3A_143 = tpu.memref_slice %arg9[%multiple_of3A_141, %dma_start3A_142] : memref<10000x128xf32, #tpu.memory_space<vmem_shared>> -> memref<80x128xf32, #tpu.memory_space<vmem_shared>>
        %dma_start3A_144 = arith.constant 0 : i32
        %dma_start3A_145 = tpu.memref_slice %arg9[%multiple_of3A_141, %dma_start3A_144] : memref<10000x128xf32, #tpu.memory_space<vmem_shared>> -> memref<80x128xf32, #tpu.memory_space<vmem_shared>>
        tpu.enqueue_dma source(%dma_start3A_145 : memref<80x128xf32, #tpu.memory_space<vmem_shared>>) target(%arg7 : memref<80x128xf32, #tpu.memory_space<vmem>>) target_semaphore(%run_scoped3A : memref<!tpu.dma_semaphore, #tpu.memory_space<semaphore_mem>>)
        %dma_wait3A_146 = arith.constant 0 : i32
        %dma_wait3A_147 = tpu.memref_slice %arg9[%multiple_of3A_141, %dma_wait3A_146] : memref<10000x128xf32, #tpu.memory_space<vmem_shared>> -> memref<80x128xf32, #tpu.memory_space<vmem_shared>>
        %dma_wait3A_148 = arith.constant 0 : i32
        %dma_wait3A_149 = tpu.memref_slice %arg9[%multiple_of3A_141, %dma_wait3A_148] : memref<10000x128xf32, #tpu.memory_space<vmem_shared>> -> memref<80x128xf32, #tpu.memory_space<vmem_shared>>
        tpu.wait_dma2 semaphore(%run_scoped3A : memref<!tpu.dma_semaphore, #tpu.memory_space<semaphore_mem>>) src(%dma_wait3A_149 : memref<80x128xf32, #tpu.memory_space<vmem_shared>>) dst(%arg7 : memref<80x128xf32, #tpu.memory_space<vmem>>)
        tpu.yield
      }) : () -> ()
      "tpu.region"() ({
        %run_scoped3A = tpu.sem_alloc : memref<!tpu.dma_semaphore, #tpu.memory_space<semaphore_mem>>
        %dma_start3A_142 = arith.constant 0 : i32
        %dma_start3A_143 = tpu.memref_slice %arg4[%arg0, %multiple_of3A_141, %dma_start3A_142] : memref<2x10000x128xf32, #tpu.memory_space<hbm>> -> memref<1x80x128xf32, #tpu.memory_space<hbm>>
        %dma_start3A_144 = tpu.memref_squeeze %dma_start3A_143 : memref<1x80x128xf32, #tpu.memory_space<hbm>> -> memref<80x128xf32, #tpu.memory_space<hbm>>
        %dma_start3A_145 = arith.constant 0 : i32
        %dma_start3A_146 = tpu.memref_slice %arg4[%arg0, %multiple_of3A_141, %dma_start3A_145] : memref<2x10000x128xf32, #tpu.memory_space<hbm>> -> memref<1x80x128xf32, #tpu.memory_space<hbm>>
        %dma_start3A_147 = tpu.memref_squeeze %dma_start3A_146 : memref<1x80x128xf32, #tpu.memory_space<hbm>> -> memref<80x128xf32, #tpu.memory_space<hbm>>
        tpu.enqueue_dma source(%arg7 : memref<80x128xf32, #tpu.memory_space<vmem>>) target(%dma_start3A_147 : memref<80x128xf32, #tpu.memory_space<hbm>>) target_semaphore(%run_scoped3A : memref<!tpu.dma_semaphore, #tpu.memory_space<semaphore_mem>>)
        %dma_wait3A_148 = arith.constant 0 : i32
        %dma_wait3A_149 = tpu.memref_slice %arg4[%arg0, %multiple_of3A_141, %dma_wait3A_148] : memref<2x10000x128xf32, #tpu.memory_space<hbm>> -> memref<1x80x128xf32, #tpu.memory_space<hbm>>
        %dma_wait3A_150 = tpu.memref_squeeze %dma_wait3A_149 : memref<1x80x128xf32, #tpu.memory_space<hbm>> -> memref<80x128xf32, #tpu.memory_space<hbm>>
        %dma_wait3A_151 = arith.constant 0 : i32
        %dma_wait3A_152 = tpu.memref_slice %arg4[%arg0, %multiple_of3A_141, %dma_wait3A_151] : memref<2x10000x128xf32, #tpu.memory_space<hbm>> -> memref<1x80x128xf32, #tpu.memory_space<hbm>>
        %dma_wait3A_153 = tpu.memref_squeeze %dma_wait3A_152 : memref<1x80x128xf32, #tpu.memory_space<hbm>> -> memref<80x128xf32, #tpu.memory_space<hbm>>
        tpu.wait_dma2 semaphore(%run_scoped3A : memref<!tpu.dma_semaphore, #tpu.memory_space<semaphore_mem>>) src(%arg7 : memref<80x128xf32, #tpu.memory_space<vmem>>) dst(%dma_wait3A_153 : memref<80x128xf32, #tpu.memory_space<hbm>>)
        tpu.yield
      }) : () -> ()
    } else {
    }
    %add3A_125 = arith.constant 96 : i32
    %add3A_126 = arith.addi %arg1, %add3A_125 : i32
    %lt3A_127 = arith.constant 125 : i32
    %lt3A_128 = arith.cmpi slt, %add3A_126, %lt3A_127 : i32
    %convert_element_type3A_129 = arith.extui %lt3A_128 : i1 to i32
    %cond3A_130 = arith.constant 0 : i32
    %cond3A_131 = arith.cmpi ne, %convert_element_type3A_129, %cond3A_130 : i32
    scf.if %cond3A_131 {
      %mul3A_139 = arith.constant 80 : i32
      %mul3A_140 = arith.muli %add3A_126, %mul3A_139 : i32
      %multiple_of3A_141 = tpu.assume_multiple %mul3A_140, 8 : i32
      "tpu.region"() ({
        %run_scoped3A = tpu.sem_alloc : memref<!tpu.dma_semaphore, #tpu.memory_space<semaphore_mem>>
        %dma_start3A_142 = arith.constant 0 : i32
        %dma_start3A_143 = tpu.memref_slice %arg9[%multiple_of3A_141, %dma_start3A_142] : memref<10000x128xf32, #tpu.memory_space<vmem_shared>> -> memref<80x128xf32, #tpu.memory_space<vmem_shared>>
        %dma_start3A_144 = arith.constant 0 : i32
        %dma_start3A_145 = tpu.memref_slice %arg9[%multiple_of3A_141, %dma_start3A_144] : memref<10000x128xf32, #tpu.memory_space<vmem_shared>> -> memref<80x128xf32, #tpu.memory_space<vmem_shared>>
        tpu.enqueue_dma source(%dma_start3A_145 : memref<80x128xf32, #tpu.memory_space<vmem_shared>>) target(%arg7 : memref<80x128xf32, #tpu.memory_space<vmem>>) target_semaphore(%run_scoped3A : memref<!tpu.dma_semaphore, #tpu.memory_space<semaphore_mem>>)
        %dma_wait3A_146 = arith.constant 0 : i32
        %dma_wait3A_147 = tpu.memref_slice %arg9[%multiple_of3A_141, %dma_wait3A_146] : memref<10000x128xf32, #tpu.memory_space<vmem_shared>> -> memref<80x128xf32, #tpu.memory_space<vmem_shared>>
        %dma_wait3A_148 = arith.constant 0 : i32
        %dma_wait3A_149 = tpu.memref_slice %arg9[%multiple_of3A_141, %dma_wait3A_148] : memref<10000x128xf32, #tpu.memory_space<vmem_shared>> -> memref<80x128xf32, #tpu.memory_space<vmem_shared>>
        tpu.wait_dma2 semaphore(%run_scoped3A : memref<!tpu.dma_semaphore, #tpu.memory_space<semaphore_mem>>) src(%dma_wait3A_149 : memref<80x128xf32, #tpu.memory_space<vmem_shared>>) dst(%arg7 : memref<80x128xf32, #tpu.memory_space<vmem>>)
        tpu.yield
      }) : () -> ()
      "tpu.region"() ({
        %run_scoped3A = tpu.sem_alloc : memref<!tpu.dma_semaphore, #tpu.memory_space<semaphore_mem>>
        %dma_start3A_142 = arith.constant 0 : i32
        %dma_start3A_143 = tpu.memref_slice %arg4[%arg0, %multiple_of3A_141, %dma_start3A_142] : memref<2x10000x128xf32, #tpu.memory_space<hbm>> -> memref<1x80x128xf32, #tpu.memory_space<hbm>>
        %dma_start3A_144 = tpu.memref_squeeze %dma_start3A_143 : memref<1x80x128xf32, #tpu.memory_space<hbm>> -> memref<80x128xf32, #tpu.memory_space<hbm>>
        %dma_start3A_145 = arith.constant 0 : i32
        %dma_start3A_146 = tpu.memref_slice %arg4[%arg0, %multiple_of3A_141, %dma_start3A_145] : memref<2x10000x128xf32, #tpu.memory_space<hbm>> -> memref<1x80x128xf32, #tpu.memory_space<hbm>>
        %dma_start3A_147 = tpu.memref_squeeze %dma_start3A_146 : memref<1x80x128xf32, #tpu.memory_space<hbm>> -> memref<80x128xf32, #tpu.memory_space<hbm>>
        tpu.enqueue_dma source(%arg7 : memref<80x128xf32, #tpu.memory_space<vmem>>) target(%dma_start3A_147 : memref<80x128xf32, #tpu.memory_space<hbm>>) target_semaphore(%run_scoped3A : memref<!tpu.dma_semaphore, #tpu.memory_space<semaphore_mem>>)
        %dma_wait3A_148 = arith.constant 0 : i32
        %dma_wait3A_149 = tpu.memref_slice %arg4[%arg0, %multiple_of3A_141, %dma_wait3A_148] : memref<2x10000x128xf32, #tpu.memory_space<hbm>> -> memref<1x80x128xf32, #tpu.memory_space<hbm>>
        %dma_wait3A_150 = tpu.memref_squeeze %dma_wait3A_149 : memref<1x80x128xf32, #tpu.memory_space<hbm>> -> memref<80x128xf32, #tpu.memory_space<hbm>>
        %dma_wait3A_151 = arith.constant 0 : i32
        %dma_wait3A_152 = tpu.memref_slice %arg4[%arg0, %multiple_of3A_141, %dma_wait3A_151] : memref<2x10000x128xf32, #tpu.memory_space<hbm>> -> memref<1x80x128xf32, #tpu.memory_space<hbm>>
        %dma_wait3A_153 = tpu.memref_squeeze %dma_wait3A_152 : memref<1x80x128xf32, #tpu.memory_space<hbm>> -> memref<80x128xf32, #tpu.memory_space<hbm>>
        tpu.wait_dma2 semaphore(%run_scoped3A : memref<!tpu.dma_semaphore, #tpu.memory_space<semaphore_mem>>) src(%arg7 : memref<80x128xf32, #tpu.memory_space<vmem>>) dst(%dma_wait3A_153 : memref<80x128xf32, #tpu.memory_space<hbm>>)
        tpu.yield
      }) : () -> ()
    } else {
    }
    %add3A_132 = arith.constant 112 : i32
    %add3A_133 = arith.addi %arg1, %add3A_132 : i32
    %lt3A_134 = arith.constant 125 : i32
    %lt3A_135 = arith.cmpi slt, %add3A_133, %lt3A_134 : i32
    %convert_element_type3A_136 = arith.extui %lt3A_135 : i1 to i32
    %cond3A_137 = arith.constant 0 : i32
    %cond3A_138 = arith.cmpi ne, %convert_element_type3A_136, %cond3A_137 : i32
    scf.if %cond3A_138 {
      %mul3A_139 = arith.constant 80 : i32
      %mul3A_140 = arith.muli %add3A_133, %mul3A_139 : i32
      %multiple_of3A_141 = tpu.assume_multiple %mul3A_140, 8 : i32
      "tpu.region"() ({
        %run_scoped3A = tpu.sem_alloc : memref<!tpu.dma_semaphore, #tpu.memory_space<semaphore_mem>>
        %dma_start3A_142 = arith.constant 0 : i32
        %dma_start3A_143 = tpu.memref_slice %arg9[%multiple_of3A_141, %dma_start3A_142] : memref<10000x128xf32, #tpu.memory_space<vmem_shared>> -> memref<80x128xf32, #tpu.memory_space<vmem_shared>>
        %dma_start3A_144 = arith.constant 0 : i32
        %dma_start3A_145 = tpu.memref_slice %arg9[%multiple_of3A_141, %dma_start3A_144] : memref<10000x128xf32, #tpu.memory_space<vmem_shared>> -> memref<80x128xf32, #tpu.memory_space<vmem_shared>>
        tpu.enqueue_dma source(%dma_start3A_145 : memref<80x128xf32, #tpu.memory_space<vmem_shared>>) target(%arg7 : memref<80x128xf32, #tpu.memory_space<vmem>>) target_semaphore(%run_scoped3A : memref<!tpu.dma_semaphore, #tpu.memory_space<semaphore_mem>>)
        %dma_wait3A_146 = arith.constant 0 : i32
        %dma_wait3A_147 = tpu.memref_slice %arg9[%multiple_of3A_141, %dma_wait3A_146] : memref<10000x128xf32, #tpu.memory_space<vmem_shared>> -> memref<80x128xf32, #tpu.memory_space<vmem_shared>>
        %dma_wait3A_148 = arith.constant 0 : i32
        %dma_wait3A_149 = tpu.memref_slice %arg9[%multiple_of3A_141, %dma_wait3A_148] : memref<10000x128xf32, #tpu.memory_space<vmem_shared>> -> memref<80x128xf32, #tpu.memory_space<vmem_shared>>
        tpu.wait_dma2 semaphore(%run_scoped3A : memref<!tpu.dma_semaphore, #tpu.memory_space<semaphore_mem>>) src(%dma_wait3A_149 : memref<80x128xf32, #tpu.memory_space<vmem_shared>>) dst(%arg7 : memref<80x128xf32, #tpu.memory_space<vmem>>)
        tpu.yield
      }) : () -> ()
      "tpu.region"() ({
        %run_scoped3A = tpu.sem_alloc : memref<!tpu.dma_semaphore, #tpu.memory_space<semaphore_mem>>
        %dma_start3A_142 = arith.constant 0 : i32
        %dma_start3A_143 = tpu.memref_slice %arg4[%arg0, %multiple_of3A_141, %dma_start3A_142] : memref<2x10000x128xf32, #tpu.memory_space<hbm>> -> memref<1x80x128xf32, #tpu.memory_space<hbm>>
        %dma_start3A_144 = tpu.memref_squeeze %dma_start3A_143 : memref<1x80x128xf32, #tpu.memory_space<hbm>> -> memref<80x128xf32, #tpu.memory_space<hbm>>
        %dma_start3A_145 = arith.constant 0 : i32
        %dma_start3A_146 = tpu.memref_slice %arg4[%arg0, %multiple_of3A_141, %dma_start3A_145] : memref<2x10000x128xf32, #tpu.memory_space<hbm>> -> memref<1x80x128xf32, #tpu.memory_space<hbm>>
        %dma_start3A_147 = tpu.memref_squeeze %dma_start3A_146 : memref<1x80x128xf32, #tpu.memory_space<hbm>> -> memref<80x128xf32, #tpu.memory_space<hbm>>
        tpu.enqueue_dma source(%arg7 : memref<80x128xf32, #tpu.memory_space<vmem>>) target(%dma_start3A_147 : memref<80x128xf32, #tpu.memory_space<hbm>>) target_semaphore(%run_scoped3A : memref<!tpu.dma_semaphore, #tpu.memory_space<semaphore_mem>>)
        %dma_wait3A_148 = arith.constant 0 : i32
        %dma_wait3A_149 = tpu.memref_slice %arg4[%arg0, %multiple_of3A_141, %dma_wait3A_148] : memref<2x10000x128xf32, #tpu.memory_space<hbm>> -> memref<1x80x128xf32, #tpu.memory_space<hbm>>
        %dma_wait3A_150 = tpu.memref_squeeze %dma_wait3A_149 : memref<1x80x128xf32, #tpu.memory_space<hbm>> -> memref<80x128xf32, #tpu.memory_space<hbm>>
        %dma_wait3A_151 = arith.constant 0 : i32
        %dma_wait3A_152 = tpu.memref_slice %arg4[%arg0, %multiple_of3A_141, %dma_wait3A_151] : memref<2x10000x128xf32, #tpu.memory_space<hbm>> -> memref<1x80x128xf32, #tpu.memory_space<hbm>>
        %dma_wait3A_153 = tpu.memref_squeeze %dma_wait3A_152 : memref<1x80x128xf32, #tpu.memory_space<hbm>> -> memref<80x128xf32, #tpu.memory_space<hbm>>
        tpu.wait_dma2 semaphore(%run_scoped3A : memref<!tpu.dma_semaphore, #tpu.memory_space<semaphore_mem>>) src(%arg7 : memref<80x128xf32, #tpu.memory_space<vmem>>) dst(%dma_wait3A_153 : memref<80x128xf32, #tpu.memory_space<hbm>>)
        tpu.yield
      }) : () -> ()
    } else {
    }
    return
  }
}

#map = affine_map<(d0, d1) -> (0, 0)>
#map1 = affine_map<(d0, d1) -> (0)>
module attributes {stable_mosaic.version = 14 : i64} {
  func.func @body(%arg0: i32, %arg1: i32, %arg2: memref<10000x128xf32, #tpu.memory_space<hbm>>, %arg3: memref<10000x128xf32, #tpu.memory_space<hbm>>, %arg4: memref<128000xi32, #tpu.memory_space<hbm>>, %arg5: memref<128000xi32, #tpu.memory_space<hbm>>, %arg6: memref<128000x128xf32, #tpu.memory_space<hbm>>, %arg7: memref<80xi32, #tpu.memory_space<vmem>>, %arg8: memref<80xi32, #tpu.memory_space<vmem>>, %arg9: memref<80xi32, #tpu.memory_space<vmem>>, %arg10: memref<80xi32, #tpu.memory_space<vmem>>, %arg11: memref<80xi32, #tpu.memory_space<vmem>>, %arg12: memref<80xi32, #tpu.memory_space<vmem>>, %arg13: memref<80x128xf32, #tpu.memory_space<vmem>>, %arg14: memref<80x128xf32, #tpu.memory_space<vmem>>, %arg15: memref<80x128xf32, #tpu.memory_space<vmem>>, %arg16: memref<80x128xf32, #tpu.memory_space<vmem>>, %arg17: memref<80x128xf32, #tpu.memory_space<vmem>>, %arg18: memref<80x128xf32, #tpu.memory_space<vmem>>, %arg19: memref<!tpu.dma_semaphore, #tpu.memory_space<semaphore_mem>>, %arg20: memref<!tpu.dma_semaphore, #tpu.memory_space<semaphore_mem>>, %arg21: memref<!tpu.dma_semaphore, #tpu.memory_space<semaphore_mem>>, %arg22: memref<!tpu.dma_semaphore, #tpu.memory_space<semaphore_mem>>, %arg23: memref<!tpu.dma_semaphore, #tpu.memory_space<semaphore_mem>>, %arg24: memref<!tpu.dma_semaphore, #tpu.memory_space<semaphore_mem>>, %arg25: memref<!tpu.dma_semaphore, #tpu.memory_space<semaphore_mem>>) attributes {dimension_semantics = [#tpu.dimension_semantics<core_parallel>, #tpu.dimension_semantics<subcore_parallel>], iteration_bounds = array<i64: 2, 16>, scalar_prefetch = 0 : i64, scratch_operands = 19 : i64, tpu.core_type = #tpu.core_type<sc_vector_subcore>, window_params = [{transform_indices = #map}, {transform_indices = #map}, {transform_indices = #map1}, {transform_indices = #map1}, {transform_indices = #map}]} {
    %mul3A = arith.constant 2 : i32
    %mul3A_0 = arith.muli %arg1, %mul3A : i32
    %add3A = arith.addi %mul3A_0, %arg0 : i32
    %scan3A = arith.constant 0 : i32
    %scan3A_1 = arith.constant 0 : i32
    %scan3A_2 = arith.constant 16 : i32
    %scan3A_3 = arith.addi %scan3A_1, %scan3A_2 : i32
    %scan3A_4 = arith.constant 1 : i32
    scf.for %scan3A_81 = %scan3A_1 to %scan3A_3 step %scan3A_4  : i32 {
      %mul3A_82 = arith.constant 3 : i32
      %mul3A_83 = arith.muli %scan3A_81, %mul3A_82 : i32
      %mul3A_84 = arith.constant 4000 : i32
      %mul3A_85 = arith.muli %add3A, %mul3A_84 : i32
      %add3A_86 = arith.constant 0 : i32
      %add3A_87 = arith.addi %mul3A_83, %add3A_86 : i32
      %mul3A_88 = arith.constant 80 : i32
      %mul3A_89 = arith.muli %add3A_87, %mul3A_88 : i32
      %add3A_90 = arith.addi %mul3A_85, %mul3A_89 : i32
      %multiple_of3A_91 = tpu.assume_multiple %add3A_90, 8 : i32
      %dma_start3A_92 = tpu.memref_slice %arg4[%multiple_of3A_91] : memref<128000xi32, #tpu.memory_space<hbm>> -> memref<80xi32, #tpu.memory_space<hbm>>
      %dma_start3A_93 = tpu.memref_slice %arg4[%multiple_of3A_91] : memref<128000xi32, #tpu.memory_space<hbm>> -> memref<80xi32, #tpu.memory_space<hbm>>
      tpu.enqueue_dma source(%dma_start3A_93 : memref<80xi32, #tpu.memory_space<hbm>>) target(%arg7 : memref<80xi32, #tpu.memory_space<vmem>>) target_semaphore(%arg19 : memref<!tpu.dma_semaphore, #tpu.memory_space<semaphore_mem>>)
      %dma_start3A_94 = tpu.memref_slice %arg5[%multiple_of3A_91] : memref<128000xi32, #tpu.memory_space<hbm>> -> memref<80xi32, #tpu.memory_space<hbm>>
      %dma_start3A_95 = tpu.memref_slice %arg5[%multiple_of3A_91] : memref<128000xi32, #tpu.memory_space<hbm>> -> memref<80xi32, #tpu.memory_space<hbm>>
      tpu.enqueue_dma source(%dma_start3A_95 : memref<80xi32, #tpu.memory_space<hbm>>) target(%arg10 : memref<80xi32, #tpu.memory_space<vmem>>) target_semaphore(%arg19 : memref<!tpu.dma_semaphore, #tpu.memory_space<semaphore_mem>>)
      %mul3A_96 = arith.constant 4000 : i32
      %mul3A_97 = arith.muli %add3A, %mul3A_96 : i32
      %add3A_98 = arith.constant 1 : i32
      %add3A_99 = arith.addi %mul3A_83, %add3A_98 : i32
      %mul3A_100 = arith.constant 80 : i32
      %mul3A_101 = arith.muli %add3A_99, %mul3A_100 : i32
      %add3A_102 = arith.addi %mul3A_97, %mul3A_101 : i32
      %multiple_of3A_103 = tpu.assume_multiple %add3A_102, 8 : i32
      %dma_start3A_104 = tpu.memref_slice %arg4[%multiple_of3A_103] : memref<128000xi32, #tpu.memory_space<hbm>> -> memref<80xi32, #tpu.memory_space<hbm>>
      %dma_start3A_105 = tpu.memref_slice %arg4[%multiple_of3A_103] : memref<128000xi32, #tpu.memory_space<hbm>> -> memref<80xi32, #tpu.memory_space<hbm>>
      tpu.enqueue_dma source(%dma_start3A_105 : memref<80xi32, #tpu.memory_space<hbm>>) target(%arg8 : memref<80xi32, #tpu.memory_space<vmem>>) target_semaphore(%arg20 : memref<!tpu.dma_semaphore, #tpu.memory_space<semaphore_mem>>)
      %dma_start3A_106 = tpu.memref_slice %arg5[%multiple_of3A_103] : memref<128000xi32, #tpu.memory_space<hbm>> -> memref<80xi32, #tpu.memory_space<hbm>>
      %dma_start3A_107 = tpu.memref_slice %arg5[%multiple_of3A_103] : memref<128000xi32, #tpu.memory_space<hbm>> -> memref<80xi32, #tpu.memory_space<hbm>>
      tpu.enqueue_dma source(%dma_start3A_107 : memref<80xi32, #tpu.memory_space<hbm>>) target(%arg11 : memref<80xi32, #tpu.memory_space<vmem>>) target_semaphore(%arg20 : memref<!tpu.dma_semaphore, #tpu.memory_space<semaphore_mem>>)
      %mul3A_108 = arith.constant 4000 : i32
      %mul3A_109 = arith.muli %add3A, %mul3A_108 : i32
      %add3A_110 = arith.constant 2 : i32
      %add3A_111 = arith.addi %mul3A_83, %add3A_110 : i32
      %mul3A_112 = arith.constant 80 : i32
      %mul3A_113 = arith.muli %add3A_111, %mul3A_112 : i32
      %add3A_114 = arith.addi %mul3A_109, %mul3A_113 : i32
      %multiple_of3A_115 = tpu.assume_multiple %add3A_114, 8 : i32
      %dma_start3A_116 = tpu.memref_slice %arg4[%multiple_of3A_115] : memref<128000xi32, #tpu.memory_space<hbm>> -> memref<80xi32, #tpu.memory_space<hbm>>
      %dma_start3A_117 = tpu.memref_slice %arg4[%multiple_of3A_115] : memref<128000xi32, #tpu.memory_space<hbm>> -> memref<80xi32, #tpu.memory_space<hbm>>
      tpu.enqueue_dma source(%dma_start3A_117 : memref<80xi32, #tpu.memory_space<hbm>>) target(%arg9 : memref<80xi32, #tpu.memory_space<vmem>>) target_semaphore(%arg21 : memref<!tpu.dma_semaphore, #tpu.memory_space<semaphore_mem>>)
      %dma_start3A_118 = tpu.memref_slice %arg5[%multiple_of3A_115] : memref<128000xi32, #tpu.memory_space<hbm>> -> memref<80xi32, #tpu.memory_space<hbm>>
      %dma_start3A_119 = tpu.memref_slice %arg5[%multiple_of3A_115] : memref<128000xi32, #tpu.memory_space<hbm>> -> memref<80xi32, #tpu.memory_space<hbm>>
      tpu.enqueue_dma source(%dma_start3A_119 : memref<80xi32, #tpu.memory_space<hbm>>) target(%arg12 : memref<80xi32, #tpu.memory_space<vmem>>) target_semaphore(%arg21 : memref<!tpu.dma_semaphore, #tpu.memory_space<semaphore_mem>>)
      %dma_wait3A_120 = tpu.memref_slice %arg4[%multiple_of3A_91] : memref<128000xi32, #tpu.memory_space<hbm>> -> memref<80xi32, #tpu.memory_space<hbm>>
      %dma_wait3A_121 = tpu.memref_slice %arg4[%multiple_of3A_91] : memref<128000xi32, #tpu.memory_space<hbm>> -> memref<80xi32, #tpu.memory_space<hbm>>
      tpu.wait_dma2 semaphore(%arg19 : memref<!tpu.dma_semaphore, #tpu.memory_space<semaphore_mem>>) src(%dma_wait3A_121 : memref<80xi32, #tpu.memory_space<hbm>>) dst(%arg7 : memref<80xi32, #tpu.memory_space<vmem>>)
      %dma_wait3A_122 = tpu.memref_slice %arg5[%multiple_of3A_91] : memref<128000xi32, #tpu.memory_space<hbm>> -> memref<80xi32, #tpu.memory_space<hbm>>
      %dma_wait3A_123 = tpu.memref_slice %arg5[%multiple_of3A_91] : memref<128000xi32, #tpu.memory_space<hbm>> -> memref<80xi32, #tpu.memory_space<hbm>>
      tpu.wait_dma2 semaphore(%arg19 : memref<!tpu.dma_semaphore, #tpu.memory_space<semaphore_mem>>) src(%dma_wait3A_123 : memref<80xi32, #tpu.memory_space<hbm>>) dst(%arg10 : memref<80xi32, #tpu.memory_space<vmem>>)
      %dma_start3A_124 = arith.constant 0 : i32
      %dma_start3A_125 = arith.constant 0 : i32
      %dma_start3A_126 = tpu.memref_slice %arg2[%dma_start3A_124, %dma_start3A_125] : memref<10000x128xf32, #tpu.memory_space<hbm>> -> memref<10000x128xf32, #tpu.memory_space<hbm>>
      tpu.enqueue_indirect_dma source(%dma_start3A_126 : memref<10000x128xf32, #tpu.memory_space<hbm>>) target(%arg13 : memref<80x128xf32, #tpu.memory_space<vmem>>) offsets(%arg7 : memref<80xi32, #tpu.memory_space<vmem>>) semaphore(%arg22 : memref<!tpu.dma_semaphore, #tpu.memory_space<semaphore_mem>>)
      %dma_start3A_127 = arith.constant 0 : i32
      %dma_start3A_128 = arith.constant 0 : i32
      %dma_start3A_129 = tpu.memref_slice %arg3[%dma_start3A_127, %dma_start3A_128] : memref<10000x128xf32, #tpu.memory_space<hbm>> -> memref<10000x128xf32, #tpu.memory_space<hbm>>
      tpu.enqueue_indirect_dma source(%dma_start3A_129 : memref<10000x128xf32, #tpu.memory_space<hbm>>) target(%arg16 : memref<80x128xf32, #tpu.memory_space<vmem>>) offsets(%arg10 : memref<80xi32, #tpu.memory_space<vmem>>) semaphore(%arg22 : memref<!tpu.dma_semaphore, #tpu.memory_space<semaphore_mem>>)
      %dma_wait3A_130 = tpu.memref_slice %arg4[%multiple_of3A_103] : memref<128000xi32, #tpu.memory_space<hbm>> -> memref<80xi32, #tpu.memory_space<hbm>>
      %dma_wait3A_131 = tpu.memref_slice %arg4[%multiple_of3A_103] : memref<128000xi32, #tpu.memory_space<hbm>> -> memref<80xi32, #tpu.memory_space<hbm>>
      tpu.wait_dma2 semaphore(%arg20 : memref<!tpu.dma_semaphore, #tpu.memory_space<semaphore_mem>>) src(%dma_wait3A_131 : memref<80xi32, #tpu.memory_space<hbm>>) dst(%arg8 : memref<80xi32, #tpu.memory_space<vmem>>)
      %dma_wait3A_132 = tpu.memref_slice %arg5[%multiple_of3A_103] : memref<128000xi32, #tpu.memory_space<hbm>> -> memref<80xi32, #tpu.memory_space<hbm>>
      %dma_wait3A_133 = tpu.memref_slice %arg5[%multiple_of3A_103] : memref<128000xi32, #tpu.memory_space<hbm>> -> memref<80xi32, #tpu.memory_space<hbm>>
      tpu.wait_dma2 semaphore(%arg20 : memref<!tpu.dma_semaphore, #tpu.memory_space<semaphore_mem>>) src(%dma_wait3A_133 : memref<80xi32, #tpu.memory_space<hbm>>) dst(%arg11 : memref<80xi32, #tpu.memory_space<vmem>>)
      %dma_start3A_134 = arith.constant 0 : i32
      %dma_start3A_135 = arith.constant 0 : i32
      %dma_start3A_136 = tpu.memref_slice %arg2[%dma_start3A_134, %dma_start3A_135] : memref<10000x128xf32, #tpu.memory_space<hbm>> -> memref<10000x128xf32, #tpu.memory_space<hbm>>
      tpu.enqueue_indirect_dma source(%dma_start3A_136 : memref<10000x128xf32, #tpu.memory_space<hbm>>) target(%arg14 : memref<80x128xf32, #tpu.memory_space<vmem>>) offsets(%arg8 : memref<80xi32, #tpu.memory_space<vmem>>) semaphore(%arg23 : memref<!tpu.dma_semaphore, #tpu.memory_space<semaphore_mem>>)
      %dma_start3A_137 = arith.constant 0 : i32
      %dma_start3A_138 = arith.constant 0 : i32
      %dma_start3A_139 = tpu.memref_slice %arg3[%dma_start3A_137, %dma_start3A_138] : memref<10000x128xf32, #tpu.memory_space<hbm>> -> memref<10000x128xf32, #tpu.memory_space<hbm>>
      tpu.enqueue_indirect_dma source(%dma_start3A_139 : memref<10000x128xf32, #tpu.memory_space<hbm>>) target(%arg17 : memref<80x128xf32, #tpu.memory_space<vmem>>) offsets(%arg11 : memref<80xi32, #tpu.memory_space<vmem>>) semaphore(%arg23 : memref<!tpu.dma_semaphore, #tpu.memory_space<semaphore_mem>>)
      %dma_wait3A_140 = tpu.memref_slice %arg4[%multiple_of3A_115] : memref<128000xi32, #tpu.memory_space<hbm>> -> memref<80xi32, #tpu.memory_space<hbm>>
      %dma_wait3A_141 = tpu.memref_slice %arg4[%multiple_of3A_115] : memref<128000xi32, #tpu.memory_space<hbm>> -> memref<80xi32, #tpu.memory_space<hbm>>
      tpu.wait_dma2 semaphore(%arg21 : memref<!tpu.dma_semaphore, #tpu.memory_space<semaphore_mem>>) src(%dma_wait3A_141 : memref<80xi32, #tpu.memory_space<hbm>>) dst(%arg9 : memref<80xi32, #tpu.memory_space<vmem>>)
      %dma_wait3A_142 = tpu.memref_slice %arg5[%multiple_of3A_115] : memref<128000xi32, #tpu.memory_space<hbm>> -> memref<80xi32, #tpu.memory_space<hbm>>
      %dma_wait3A_143 = tpu.memref_slice %arg5[%multiple_of3A_115] : memref<128000xi32, #tpu.memory_space<hbm>> -> memref<80xi32, #tpu.memory_space<hbm>>
      tpu.wait_dma2 semaphore(%arg21 : memref<!tpu.dma_semaphore, #tpu.memory_space<semaphore_mem>>) src(%dma_wait3A_143 : memref<80xi32, #tpu.memory_space<hbm>>) dst(%arg12 : memref<80xi32, #tpu.memory_space<vmem>>)
      %dma_start3A_144 = arith.constant 0 : i32
      %dma_start3A_145 = arith.constant 0 : i32
      %dma_start3A_146 = tpu.memref_slice %arg2[%dma_start3A_144, %dma_start3A_145] : memref<10000x128xf32, #tpu.memory_space<hbm>> -> memref<10000x128xf32, #tpu.memory_space<hbm>>
      tpu.enqueue_indirect_dma source(%dma_start3A_146 : memref<10000x128xf32, #tpu.memory_space<hbm>>) target(%arg15 : memref<80x128xf32, #tpu.memory_space<vmem>>) offsets(%arg9 : memref<80xi32, #tpu.memory_space<vmem>>) semaphore(%arg24 : memref<!tpu.dma_semaphore, #tpu.memory_space<semaphore_mem>>)
      %dma_start3A_147 = arith.constant 0 : i32
      %dma_start3A_148 = arith.constant 0 : i32
      %dma_start3A_149 = tpu.memref_slice %arg3[%dma_start3A_147, %dma_start3A_148] : memref<10000x128xf32, #tpu.memory_space<hbm>> -> memref<10000x128xf32, #tpu.memory_space<hbm>>
      tpu.enqueue_indirect_dma source(%dma_start3A_149 : memref<10000x128xf32, #tpu.memory_space<hbm>>) target(%arg18 : memref<80x128xf32, #tpu.memory_space<vmem>>) offsets(%arg12 : memref<80xi32, #tpu.memory_space<vmem>>) semaphore(%arg24 : memref<!tpu.dma_semaphore, #tpu.memory_space<semaphore_mem>>)
      %dma_wait3A_150 = arith.constant 0 : i32
      %dma_wait3A_151 = arith.constant 0 : i32
      %dma_wait3A_152 = tpu.memref_slice %arg2[%dma_wait3A_150, %dma_wait3A_151] : memref<10000x128xf32, #tpu.memory_space<hbm>> -> memref<10000x128xf32, #tpu.memory_space<hbm>>
      tpu.wait_indirect_dma semaphore(%arg22 : memref<!tpu.dma_semaphore, #tpu.memory_space<semaphore_mem>>) src(%dma_wait3A_152 : memref<10000x128xf32, #tpu.memory_space<hbm>>) dst(%arg13 : memref<80x128xf32, #tpu.memory_space<vmem>>)
      %dma_wait3A_153 = arith.constant 0 : i32
      %dma_wait3A_154 = arith.constant 0 : i32
      %dma_wait3A_155 = tpu.memref_slice %arg3[%dma_wait3A_153, %dma_wait3A_154] : memref<10000x128xf32, #tpu.memory_space<hbm>> -> memref<10000x128xf32, #tpu.memory_space<hbm>>
      tpu.wait_indirect_dma semaphore(%arg22 : memref<!tpu.dma_semaphore, #tpu.memory_space<semaphore_mem>>) src(%dma_wait3A_155 : memref<10000x128xf32, #tpu.memory_space<hbm>>) dst(%arg16 : memref<80x128xf32, #tpu.memory_space<vmem>>)
      %scan3A_156 = arith.constant 0 : i32
      %scan3A_157 = arith.constant 0 : i32
      %scan3A_158 = arith.constant 80 : i32
      %scan3A_159 = arith.addi %scan3A_157, %scan3A_158 : i32
      %scan3A_160 = arith.constant 1 : i32
      scf.for %scan3A_210 = %scan3A_157 to %scan3A_159 step %scan3A_160  : i32 {
        %get3A = arith.index_cast %scan3A_210 : i32 to index
        %get3A_211 = arith.constant 0 : index
        %get3A_212 = tpu.vector_load %arg13[%get3A, %get3A_211] {strides = array<i32>} : memref<80x128xf32, #tpu.memory_space<vmem>>, vector<1x16xf32>,
        %get3A_213 = vector.shape_cast %get3A_212 : vector<1x16xf32> to vector<16xf32>
        %get3A_214 = arith.index_cast %scan3A_210 : i32 to index
        %get3A_215 = arith.constant 0 : index
        %get3A_216 = tpu.vector_load %arg16[%get3A_214, %get3A_215] {strides = array<i32>} : memref<80x128xf32, #tpu.memory_space<vmem>>, vector<1x16xf32>,
        %get3A_217 = vector.shape_cast %get3A_216 : vector<1x16xf32> to vector<16xf32>
        %add3A_218 = arith.addf %get3A_213, %get3A_217 : vector<16xf32>
        %swap3A = arith.index_cast %scan3A_210 : i32 to index
        %swap3A_219 = arith.constant 0 : index
        %swap3A_220 = tpu.vector_load %arg13[%swap3A, %swap3A_219] {strides = array<i32>} : memref<80x128xf32, #tpu.memory_space<vmem>>, vector<1x16xf32>,
        %swap3A_221 = vector.shape_cast %swap3A_220 : vector<1x16xf32> to vector<16xf32>
        %swap3A_222 = vector.shape_cast %add3A_218 : vector<16xf32> to vector<1x16xf32>
        tpu.vector_store %arg13[%swap3A, %swap3A_219], %swap3A_222 {strides = array<i32>} : memref<80x128xf32, #tpu.memory_space<vmem>>, vector<1x16xf32>,
        %get3A_223 = arith.index_cast %scan3A_210 : i32 to index
        %get3A_224 = arith.constant 16 : index
        %get3A_225 = tpu.vector_load %arg13[%get3A_223, %get3A_224] {strides = array<i32>} : memref<80x128xf32, #tpu.memory_space<vmem>>, vector<1x16xf32>,
        %get3A_226 = vector.shape_cast %get3A_225 : vector<1x16xf32> to vector<16xf32>
        %get3A_227 = arith.index_cast %scan3A_210 : i32 to index
        %get3A_228 = arith.constant 16 : index
        %get3A_229 = tpu.vector_load %arg16[%get3A_227, %get3A_228] {strides = array<i32>} : memref<80x128xf32, #tpu.memory_space<vmem>>, vector<1x16xf32>,
        %get3A_230 = vector.shape_cast %get3A_229 : vector<1x16xf32> to vector<16xf32>
        %add3A_231 = arith.addf %get3A_226, %get3A_230 : vector<16xf32>
        %swap3A_232 = arith.index_cast %scan3A_210 : i32 to index
        %swap3A_233 = arith.constant 16 : index
        %swap3A_234 = tpu.vector_load %arg13[%swap3A_232, %swap3A_233] {strides = array<i32>} : memref<80x128xf32, #tpu.memory_space<vmem>>, vector<1x16xf32>,
        %swap3A_235 = vector.shape_cast %swap3A_234 : vector<1x16xf32> to vector<16xf32>
        %swap3A_236 = vector.shape_cast %add3A_231 : vector<16xf32> to vector<1x16xf32>
        tpu.vector_store %arg13[%swap3A_232, %swap3A_233], %swap3A_236 {strides = array<i32>} : memref<80x128xf32, #tpu.memory_space<vmem>>, vector<1x16xf32>,
        %get3A_237 = arith.index_cast %scan3A_210 : i32 to index
        %get3A_238 = arith.constant 32 : index
        %get3A_239 = tpu.vector_load %arg13[%get3A_237, %get3A_238] {strides = array<i32>} : memref<80x128xf32, #tpu.memory_space<vmem>>, vector<1x16xf32>,
        %get3A_240 = vector.shape_cast %get3A_239 : vector<1x16xf32> to vector<16xf32>
        %get3A_241 = arith.index_cast %scan3A_210 : i32 to index
        %get3A_242 = arith.constant 32 : index
        %get3A_243 = tpu.vector_load %arg16[%get3A_241, %get3A_242] {strides = array<i32>} : memref<80x128xf32, #tpu.memory_space<vmem>>, vector<1x16xf32>,
        %get3A_244 = vector.shape_cast %get3A_243 : vector<1x16xf32> to vector<16xf32>
        %add3A_245 = arith.addf %get3A_240, %get3A_244 : vector<16xf32>
        %swap3A_246 = arith.index_cast %scan3A_210 : i32 to index
        %swap3A_247 = arith.constant 32 : index
        %swap3A_248 = tpu.vector_load %arg13[%swap3A_246, %swap3A_247] {strides = array<i32>} : memref<80x128xf32, #tpu.memory_space<vmem>>, vector<1x16xf32>,
        %swap3A_249 = vector.shape_cast %swap3A_248 : vector<1x16xf32> to vector<16xf32>
        %swap3A_250 = vector.shape_cast %add3A_245 : vector<16xf32> to vector<1x16xf32>
        tpu.vector_store %arg13[%swap3A_246, %swap3A_247], %swap3A_250 {strides = array<i32>} : memref<80x128xf32, #tpu.memory_space<vmem>>, vector<1x16xf32>,
        %get3A_251 = arith.index_cast %scan3A_210 : i32 to index
        %get3A_252 = arith.constant 48 : index
        %get3A_253 = tpu.vector_load %arg13[%get3A_251, %get3A_252] {strides = array<i32>} : memref<80x128xf32, #tpu.memory_space<vmem>>, vector<1x16xf32>,
        %get3A_254 = vector.shape_cast %get3A_253 : vector<1x16xf32> to vector<16xf32>
        %get3A_255 = arith.index_cast %scan3A_210 : i32 to index
        %get3A_256 = arith.constant 48 : index
        %get3A_257 = tpu.vector_load %arg16[%get3A_255, %get3A_256] {strides = array<i32>} : memref<80x128xf32, #tpu.memory_space<vmem>>, vector<1x16xf32>,
        %get3A_258 = vector.shape_cast %get3A_257 : vector<1x16xf32> to vector<16xf32>
        %add3A_259 = arith.addf %get3A_254, %get3A_258 : vector<16xf32>
        %swap3A_260 = arith.index_cast %scan3A_210 : i32 to index
        %swap3A_261 = arith.constant 48 : index
        %swap3A_262 = tpu.vector_load %arg13[%swap3A_260, %swap3A_261] {strides = array<i32>} : memref<80x128xf32, #tpu.memory_space<vmem>>, vector<1x16xf32>,
        %swap3A_263 = vector.shape_cast %swap3A_262 : vector<1x16xf32> to vector<16xf32>
        %swap3A_264 = vector.shape_cast %add3A_259 : vector<16xf32> to vector<1x16xf32>
        tpu.vector_store %arg13[%swap3A_260, %swap3A_261], %swap3A_264 {strides = array<i32>} : memref<80x128xf32, #tpu.memory_space<vmem>>, vector<1x16xf32>,
        %get3A_265 = arith.index_cast %scan3A_210 : i32 to index
        %get3A_266 = arith.constant 64 : index
        %get3A_267 = tpu.vector_load %arg13[%get3A_265, %get3A_266] {strides = array<i32>} : memref<80x128xf32, #tpu.memory_space<vmem>>, vector<1x16xf32>,
        %get3A_268 = vector.shape_cast %get3A_267 : vector<1x16xf32> to vector<16xf32>
        %get3A_269 = arith.index_cast %scan3A_210 : i32 to index
        %get3A_270 = arith.constant 64 : index
        %get3A_271 = tpu.vector_load %arg16[%get3A_269, %get3A_270] {strides = array<i32>} : memref<80x128xf32, #tpu.memory_space<vmem>>, vector<1x16xf32>,
        %get3A_272 = vector.shape_cast %get3A_271 : vector<1x16xf32> to vector<16xf32>
        %add3A_273 = arith.addf %get3A_268, %get3A_272 : vector<16xf32>
        %swap3A_274 = arith.index_cast %scan3A_210 : i32 to index
        %swap3A_275 = arith.constant 64 : index
        %swap3A_276 = tpu.vector_load %arg13[%swap3A_274, %swap3A_275] {strides = array<i32>} : memref<80x128xf32, #tpu.memory_space<vmem>>, vector<1x16xf32>,
        %swap3A_277 = vector.shape_cast %swap3A_276 : vector<1x16xf32> to vector<16xf32>
        %swap3A_278 = vector.shape_cast %add3A_273 : vector<16xf32> to vector<1x16xf32>
        tpu.vector_store %arg13[%swap3A_274, %swap3A_275], %swap3A_278 {strides = array<i32>} : memref<80x128xf32, #tpu.memory_space<vmem>>, vector<1x16xf32>,
        %get3A_279 = arith.index_cast %scan3A_210 : i32 to index
        %get3A_280 = arith.constant 80 : index
        %get3A_281 = tpu.vector_load %arg13[%get3A_279, %get3A_280] {strides = array<i32>} : memref<80x128xf32, #tpu.memory_space<vmem>>, vector<1x16xf32>,
        %get3A_282 = vector.shape_cast %get3A_281 : vector<1x16xf32> to vector<16xf32>
        %get3A_283 = arith.index_cast %scan3A_210 : i32 to index
        %get3A_284 = arith.constant 80 : index
        %get3A_285 = tpu.vector_load %arg16[%get3A_283, %get3A_284] {strides = array<i32>} : memref<80x128xf32, #tpu.memory_space<vmem>>, vector<1x16xf32>,
        %get3A_286 = vector.shape_cast %get3A_285 : vector<1x16xf32> to vector<16xf32>
        %add3A_287 = arith.addf %get3A_282, %get3A_286 : vector<16xf32>
        %swap3A_288 = arith.index_cast %scan3A_210 : i32 to index
        %swap3A_289 = arith.constant 80 : index
        %swap3A_290 = tpu.vector_load %arg13[%swap3A_288, %swap3A_289] {strides = array<i32>} : memref<80x128xf32, #tpu.memory_space<vmem>>, vector<1x16xf32>,
        %swap3A_291 = vector.shape_cast %swap3A_290 : vector<1x16xf32> to vector<16xf32>
        %swap3A_292 = vector.shape_cast %add3A_287 : vector<16xf32> to vector<1x16xf32>
        tpu.vector_store %arg13[%swap3A_288, %swap3A_289], %swap3A_292 {strides = array<i32>} : memref<80x128xf32, #tpu.memory_space<vmem>>, vector<1x16xf32>,
        %get3A_293 = arith.index_cast %scan3A_210 : i32 to index
        %get3A_294 = arith.constant 96 : index
        %get3A_295 = tpu.vector_load %arg13[%get3A_293, %get3A_294] {strides = array<i32>} : memref<80x128xf32, #tpu.memory_space<vmem>>, vector<1x16xf32>,
        %get3A_296 = vector.shape_cast %get3A_295 : vector<1x16xf32> to vector<16xf32>
        %get3A_297 = arith.index_cast %scan3A_210 : i32 to index
        %get3A_298 = arith.constant 96 : index
        %get3A_299 = tpu.vector_load %arg16[%get3A_297, %get3A_298] {strides = array<i32>} : memref<80x128xf32, #tpu.memory_space<vmem>>, vector<1x16xf32>,
        %get3A_300 = vector.shape_cast %get3A_299 : vector<1x16xf32> to vector<16xf32>
        %add3A_301 = arith.addf %get3A_296, %get3A_300 : vector<16xf32>
        %swap3A_302 = arith.index_cast %scan3A_210 : i32 to index
        %swap3A_303 = arith.constant 96 : index
        %swap3A_304 = tpu.vector_load %arg13[%swap3A_302, %swap3A_303] {strides = array<i32>} : memref<80x128xf32, #tpu.memory_space<vmem>>, vector<1x16xf32>,
        %swap3A_305 = vector.shape_cast %swap3A_304 : vector<1x16xf32> to vector<16xf32>
        %swap3A_306 = vector.shape_cast %add3A_301 : vector<16xf32> to vector<1x16xf32>
        tpu.vector_store %arg13[%swap3A_302, %swap3A_303], %swap3A_306 {strides = array<i32>} : memref<80x128xf32, #tpu.memory_space<vmem>>, vector<1x16xf32>,
        %get3A_307 = arith.index_cast %scan3A_210 : i32 to index
        %get3A_308 = arith.constant 112 : index
        %get3A_309 = tpu.vector_load %arg13[%get3A_307, %get3A_308] {strides = array<i32>} : memref<80x128xf32, #tpu.memory_space<vmem>>, vector<1x16xf32>,
        %get3A_310 = vector.shape_cast %get3A_309 : vector<1x16xf32> to vector<16xf32>
        %get3A_311 = arith.index_cast %scan3A_210 : i32 to index
        %get3A_312 = arith.constant 112 : index
        %get3A_313 = tpu.vector_load %arg16[%get3A_311, %get3A_312] {strides = array<i32>} : memref<80x128xf32, #tpu.memory_space<vmem>>, vector<1x16xf32>,
        %get3A_314 = vector.shape_cast %get3A_313 : vector<1x16xf32> to vector<16xf32>
        %add3A_315 = arith.addf %get3A_310, %get3A_314 : vector<16xf32>
        %swap3A_316 = arith.index_cast %scan3A_210 : i32 to index
        %swap3A_317 = arith.constant 112 : index
        %swap3A_318 = tpu.vector_load %arg13[%swap3A_316, %swap3A_317] {strides = array<i32>} : memref<80x128xf32, #tpu.memory_space<vmem>>, vector<1x16xf32>,
        %swap3A_319 = vector.shape_cast %swap3A_318 : vector<1x16xf32> to vector<16xf32>
        %swap3A_320 = vector.shape_cast %add3A_315 : vector<16xf32> to vector<1x16xf32>
        tpu.vector_store %arg13[%swap3A_316, %swap3A_317], %swap3A_320 {strides = array<i32>} : memref<80x128xf32, #tpu.memory_space<vmem>>, vector<1x16xf32>,
      }
      %scan3A_161 = arith.constant 80 : i32
      %dma_start3A_162 = arith.constant 0 : i32
      %dma_start3A_163 = tpu.memref_slice %arg6[%multiple_of3A_91, %dma_start3A_162] : memref<128000x128xf32, #tpu.memory_space<hbm>> -> memref<80x128xf32, #tpu.memory_space<hbm>>
      %dma_start3A_164 = arith.constant 0 : i32
      %dma_start3A_165 = tpu.memref_slice %arg6[%multiple_of3A_91, %dma_start3A_164] : memref<128000x128xf32, #tpu.memory_space<hbm>> -> memref<80x128xf32, #tpu.memory_space<hbm>>
      tpu.enqueue_dma source(%arg13 : memref<80x128xf32, #tpu.memory_space<vmem>>) target(%dma_start3A_165 : memref<80x128xf32, #tpu.memory_space<hbm>>) target_semaphore(%arg25 : memref<!tpu.dma_semaphore, #tpu.memory_space<semaphore_mem>>)
      %dma_wait3A_166 = arith.constant 0 : i32
      %dma_wait3A_167 = arith.constant 0 : i32
      %dma_wait3A_168 = tpu.memref_slice %arg2[%dma_wait3A_166, %dma_wait3A_167] : memref<10000x128xf32, #tpu.memory_space<hbm>> -> memref<10000x128xf32, #tpu.memory_space<hbm>>
      tpu.wait_indirect_dma semaphore(%arg23 : memref<!tpu.dma_semaphore, #tpu.memory_space<semaphore_mem>>) src(%dma_wait3A_168 : memref<10000x128xf32, #tpu.memory_space<hbm>>) dst(%arg14 : memref<80x128xf32, #tpu.memory_space<vmem>>)
      %dma_wait3A_169 = arith.constant 0 : i32
      %dma_wait3A_170 = arith.constant 0 : i32
      %dma_wait3A_171 = tpu.memref_slice %arg3[%dma_wait3A_169, %dma_wait3A_170] : memref<10000x128xf32, #tpu.memory_space<hbm>> -> memref<10000x128xf32, #tpu.memory_space<hbm>>
      tpu.wait_indirect_dma semaphore(%arg23 : memref<!tpu.dma_semaphore, #tpu.memory_space<semaphore_mem>>) src(%dma_wait3A_171 : memref<10000x128xf32, #tpu.memory_space<hbm>>) dst(%arg17 : memref<80x128xf32, #tpu.memory_space<vmem>>)
      %scan3A_172 = arith.constant 0 : i32
      %scan3A_173 = arith.constant 0 : i32
      %scan3A_174 = arith.constant 80 : i32
      %scan3A_175 = arith.addi %scan3A_173, %scan3A_174 : i32
      %scan3A_176 = arith.constant 1 : i32
      scf.for %scan3A_210 = %scan3A_173 to %scan3A_175 step %scan3A_176  : i32 {
        %get3A = arith.index_cast %scan3A_210 : i32 to index
        %get3A_211 = arith.constant 0 : index
        %get3A_212 = tpu.vector_load %arg14[%get3A, %get3A_211] {strides = array<i32>} : memref<80x128xf32, #tpu.memory_space<vmem>>, vector<1x16xf32>,
        %get3A_213 = vector.shape_cast %get3A_212 : vector<1x16xf32> to vector<16xf32>
        %get3A_214 = arith.index_cast %scan3A_210 : i32 to index
        %get3A_215 = arith.constant 0 : index
        %get3A_216 = tpu.vector_load %arg17[%get3A_214, %get3A_215] {strides = array<i32>} : memref<80x128xf32, #tpu.memory_space<vmem>>, vector<1x16xf32>,
        %get3A_217 = vector.shape_cast %get3A_216 : vector<1x16xf32> to vector<16xf32>
        %add3A_218 = arith.addf %get3A_213, %get3A_217 : vector<16xf32>
        %swap3A = arith.index_cast %scan3A_210 : i32 to index
        %swap3A_219 = arith.constant 0 : index
        %swap3A_220 = tpu.vector_load %arg14[%swap3A, %swap3A_219] {strides = array<i32>} : memref<80x128xf32, #tpu.memory_space<vmem>>, vector<1x16xf32>,
        %swap3A_221 = vector.shape_cast %swap3A_220 : vector<1x16xf32> to vector<16xf32>
        %swap3A_222 = vector.shape_cast %add3A_218 : vector<16xf32> to vector<1x16xf32>
        tpu.vector_store %arg14[%swap3A, %swap3A_219], %swap3A_222 {strides = array<i32>} : memref<80x128xf32, #tpu.memory_space<vmem>>, vector<1x16xf32>,
        %get3A_223 = arith.index_cast %scan3A_210 : i32 to index
        %get3A_224 = arith.constant 16 : index
        %get3A_225 = tpu.vector_load %arg14[%get3A_223, %get3A_224] {strides = array<i32>} : memref<80x128xf32, #tpu.memory_space<vmem>>, vector<1x16xf32>,
        %get3A_226 = vector.shape_cast %get3A_225 : vector<1x16xf32> to vector<16xf32>
        %get3A_227 = arith.index_cast %scan3A_210 : i32 to index
        %get3A_228 = arith.constant 16 : index
        %get3A_229 = tpu.vector_load %arg17[%get3A_227, %get3A_228] {strides = array<i32>} : memref<80x128xf32, #tpu.memory_space<vmem>>, vector<1x16xf32>,
        %get3A_230 = vector.shape_cast %get3A_229 : vector<1x16xf32> to vector<16xf32>
        %add3A_231 = arith.addf %get3A_226, %get3A_230 : vector<16xf32>
        %swap3A_232 = arith.index_cast %scan3A_210 : i32 to index
        %swap3A_233 = arith.constant 16 : index
        %swap3A_234 = tpu.vector_load %arg14[%swap3A_232, %swap3A_233] {strides = array<i32>} : memref<80x128xf32, #tpu.memory_space<vmem>>, vector<1x16xf32>,
        %swap3A_235 = vector.shape_cast %swap3A_234 : vector<1x16xf32> to vector<16xf32>
        %swap3A_236 = vector.shape_cast %add3A_231 : vector<16xf32> to vector<1x16xf32>
        tpu.vector_store %arg14[%swap3A_232, %swap3A_233], %swap3A_236 {strides = array<i32>} : memref<80x128xf32, #tpu.memory_space<vmem>>, vector<1x16xf32>,
        %get3A_237 = arith.index_cast %scan3A_210 : i32 to index
        %get3A_238 = arith.constant 32 : index
        %get3A_239 = tpu.vector_load %arg14[%get3A_237, %get3A_238] {strides = array<i32>} : memref<80x128xf32, #tpu.memory_space<vmem>>, vector<1x16xf32>,
        %get3A_240 = vector.shape_cast %get3A_239 : vector<1x16xf32> to vector<16xf32>
        %get3A_241 = arith.index_cast %scan3A_210 : i32 to index
        %get3A_242 = arith.constant 32 : index
        %get3A_243 = tpu.vector_load %arg17[%get3A_241, %get3A_242] {strides = array<i32>} : memref<80x128xf32, #tpu.memory_space<vmem>>, vector<1x16xf32>,
        %get3A_244 = vector.shape_cast %get3A_243 : vector<1x16xf32> to vector<16xf32>
        %add3A_245 = arith.addf %get3A_240, %get3A_244 : vector<16xf32>
        %swap3A_246 = arith.index_cast %scan3A_210 : i32 to index
        %swap3A_247 = arith.constant 32 : index
        %swap3A_248 = tpu.vector_load %arg14[%swap3A_246, %swap3A_247] {strides = array<i32>} : memref<80x128xf32, #tpu.memory_space<vmem>>, vector<1x16xf32>,
        %swap3A_249 = vector.shape_cast %swap3A_248 : vector<1x16xf32> to vector<16xf32>
        %swap3A_250 = vector.shape_cast %add3A_245 : vector<16xf32> to vector<1x16xf32>
        tpu.vector_store %arg14[%swap3A_246, %swap3A_247], %swap3A_250 {strides = array<i32>} : memref<80x128xf32, #tpu.memory_space<vmem>>, vector<1x16xf32>,
        %get3A_251 = arith.index_cast %scan3A_210 : i32 to index
        %get3A_252 = arith.constant 48 : index
        %get3A_253 = tpu.vector_load %arg14[%get3A_251, %get3A_252] {strides = array<i32>} : memref<80x128xf32, #tpu.memory_space<vmem>>, vector<1x16xf32>,
        %get3A_254 = vector.shape_cast %get3A_253 : vector<1x16xf32> to vector<16xf32>
        %get3A_255 = arith.index_cast %scan3A_210 : i32 to index
        %get3A_256 = arith.constant 48 : index
        %get3A_257 = tpu.vector_load %arg17[%get3A_255, %get3A_256] {strides = array<i32>} : memref<80x128xf32, #tpu.memory_space<vmem>>, vector<1x16xf32>,
        %get3A_258 = vector.shape_cast %get3A_257 : vector<1x16xf32> to vector<16xf32>
        %add3A_259 = arith.addf %get3A_254, %get3A_258 : vector<16xf32>
        %swap3A_260 = arith.index_cast %scan3A_210 : i32 to index
        %swap3A_261 = arith.constant 48 : index
        %swap3A_262 = tpu.vector_load %arg14[%swap3A_260, %swap3A_261] {strides = array<i32>} : memref<80x128xf32, #tpu.memory_space<vmem>>, vector<1x16xf32>,
        %swap3A_263 = vector.shape_cast %swap3A_262 : vector<1x16xf32> to vector<16xf32>
        %swap3A_264 = vector.shape_cast %add3A_259 : vector<16xf32> to vector<1x16xf32>
        tpu.vector_store %arg14[%swap3A_260, %swap3A_261], %swap3A_264 {strides = array<i32>} : memref<80x128xf32, #tpu.memory_space<vmem>>, vector<1x16xf32>,
        %get3A_265 = arith.index_cast %scan3A_210 : i32 to index
        %get3A_266 = arith.constant 64 : index
        %get3A_267 = tpu.vector_load %arg14[%get3A_265, %get3A_266] {strides = array<i32>} : memref<80x128xf32, #tpu.memory_space<vmem>>, vector<1x16xf32>,
        %get3A_268 = vector.shape_cast %get3A_267 : vector<1x16xf32> to vector<16xf32>
        %get3A_269 = arith.index_cast %scan3A_210 : i32 to index
        %get3A_270 = arith.constant 64 : index
        %get3A_271 = tpu.vector_load %arg17[%get3A_269, %get3A_270] {strides = array<i32>} : memref<80x128xf32, #tpu.memory_space<vmem>>, vector<1x16xf32>,
        %get3A_272 = vector.shape_cast %get3A_271 : vector<1x16xf32> to vector<16xf32>
        %add3A_273 = arith.addf %get3A_268, %get3A_272 : vector<16xf32>
        %swap3A_274 = arith.index_cast %scan3A_210 : i32 to index
        %swap3A_275 = arith.constant 64 : index
        %swap3A_276 = tpu.vector_load %arg14[%swap3A_274, %swap3A_275] {strides = array<i32>} : memref<80x128xf32, #tpu.memory_space<vmem>>, vector<1x16xf32>,
        %swap3A_277 = vector.shape_cast %swap3A_276 : vector<1x16xf32> to vector<16xf32>
        %swap3A_278 = vector.shape_cast %add3A_273 : vector<16xf32> to vector<1x16xf32>
        tpu.vector_store %arg14[%swap3A_274, %swap3A_275], %swap3A_278 {strides = array<i32>} : memref<80x128xf32, #tpu.memory_space<vmem>>, vector<1x16xf32>,
        %get3A_279 = arith.index_cast %scan3A_210 : i32 to index
        %get3A_280 = arith.constant 80 : index
        %get3A_281 = tpu.vector_load %arg14[%get3A_279, %get3A_280] {strides = array<i32>} : memref<80x128xf32, #tpu.memory_space<vmem>>, vector<1x16xf32>,
        %get3A_282 = vector.shape_cast %get3A_281 : vector<1x16xf32> to vector<16xf32>
        %get3A_283 = arith.index_cast %scan3A_210 : i32 to index
        %get3A_284 = arith.constant 80 : index
        %get3A_285 = tpu.vector_load %arg17[%get3A_283, %get3A_284] {strides = array<i32>} : memref<80x128xf32, #tpu.memory_space<vmem>>, vector<1x16xf32>,
        %get3A_286 = vector.shape_cast %get3A_285 : vector<1x16xf32> to vector<16xf32>
        %add3A_287 = arith.addf %get3A_282, %get3A_286 : vector<16xf32>
        %swap3A_288 = arith.index_cast %scan3A_210 : i32 to index
        %swap3A_289 = arith.constant 80 : index
        %swap3A_290 = tpu.vector_load %arg14[%swap3A_288, %swap3A_289] {strides = array<i32>} : memref<80x128xf32, #tpu.memory_space<vmem>>, vector<1x16xf32>,
        %swap3A_291 = vector.shape_cast %swap3A_290 : vector<1x16xf32> to vector<16xf32>
        %swap3A_292 = vector.shape_cast %add3A_287 : vector<16xf32> to vector<1x16xf32>
        tpu.vector_store %arg14[%swap3A_288, %swap3A_289], %swap3A_292 {strides = array<i32>} : memref<80x128xf32, #tpu.memory_space<vmem>>, vector<1x16xf32>,
        %get3A_293 = arith.index_cast %scan3A_210 : i32 to index
        %get3A_294 = arith.constant 96 : index
        %get3A_295 = tpu.vector_load %arg14[%get3A_293, %get3A_294] {strides = array<i32>} : memref<80x128xf32, #tpu.memory_space<vmem>>, vector<1x16xf32>,
        %get3A_296 = vector.shape_cast %get3A_295 : vector<1x16xf32> to vector<16xf32>
        %get3A_297 = arith.index_cast %scan3A_210 : i32 to index
        %get3A_298 = arith.constant 96 : index
        %get3A_299 = tpu.vector_load %arg17[%get3A_297, %get3A_298] {strides = array<i32>} : memref<80x128xf32, #tpu.memory_space<vmem>>, vector<1x16xf32>,
        %get3A_300 = vector.shape_cast %get3A_299 : vector<1x16xf32> to vector<16xf32>
        %add3A_301 = arith.addf %get3A_296, %get3A_300 : vector<16xf32>
        %swap3A_302 = arith.index_cast %scan3A_210 : i32 to index
        %swap3A_303 = arith.constant 96 : index
        %swap3A_304 = tpu.vector_load %arg14[%swap3A_302, %swap3A_303] {strides = array<i32>} : memref<80x128xf32, #tpu.memory_space<vmem>>, vector<1x16xf32>,
        %swap3A_305 = vector.shape_cast %swap3A_304 : vector<1x16xf32> to vector<16xf32>
        %swap3A_306 = vector.shape_cast %add3A_301 : vector<16xf32> to vector<1x16xf32>
        tpu.vector_store %arg14[%swap3A_302, %swap3A_303], %swap3A_306 {strides = array<i32>} : memref<80x128xf32, #tpu.memory_space<vmem>>, vector<1x16xf32>,
        %get3A_307 = arith.index_cast %scan3A_210 : i32 to index
        %get3A_308 = arith.constant 112 : index
        %get3A_309 = tpu.vector_load %arg14[%get3A_307, %get3A_308] {strides = array<i32>} : memref<80x128xf32, #tpu.memory_space<vmem>>, vector<1x16xf32>,
        %get3A_310 = vector.shape_cast %get3A_309 : vector<1x16xf32> to vector<16xf32>
        %get3A_311 = arith.index_cast %scan3A_210 : i32 to index
        %get3A_312 = arith.constant 112 : index
        %get3A_313 = tpu.vector_load %arg17[%get3A_311, %get3A_312] {strides = array<i32>} : memref<80x128xf32, #tpu.memory_space<vmem>>, vector<1x16xf32>,
        %get3A_314 = vector.shape_cast %get3A_313 : vector<1x16xf32> to vector<16xf32>
        %add3A_315 = arith.addf %get3A_310, %get3A_314 : vector<16xf32>
        %swap3A_316 = arith.index_cast %scan3A_210 : i32 to index
        %swap3A_317 = arith.constant 112 : index
        %swap3A_318 = tpu.vector_load %arg14[%swap3A_316, %swap3A_317] {strides = array<i32>} : memref<80x128xf32, #tpu.memory_space<vmem>>, vector<1x16xf32>,
        %swap3A_319 = vector.shape_cast %swap3A_318 : vector<1x16xf32> to vector<16xf32>
        %swap3A_320 = vector.shape_cast %add3A_315 : vector<16xf32> to vector<1x16xf32>
        tpu.vector_store %arg14[%swap3A_316, %swap3A_317], %swap3A_320 {strides = array<i32>} : memref<80x128xf32, #tpu.memory_space<vmem>>, vector<1x16xf32>,
      }
      %scan3A_177 = arith.constant 80 : i32
      %dma_start3A_178 = arith.constant 0 : i32
      %dma_start3A_179 = tpu.memref_slice %arg6[%multiple_of3A_103, %dma_start3A_178] : memref<128000x128xf32, #tpu.memory_space<hbm>> -> memref<80x128xf32, #tpu.memory_space<hbm>>
      %dma_start3A_180 = arith.constant 0 : i32
      %dma_start3A_181 = tpu.memref_slice %arg6[%multiple_of3A_103, %dma_start3A_180] : memref<128000x128xf32, #tpu.memory_space<hbm>> -> memref<80x128xf32, #tpu.memory_space<hbm>>
      tpu.enqueue_dma source(%arg14 : memref<80x128xf32, #tpu.memory_space<vmem>>) target(%dma_start3A_181 : memref<80x128xf32, #tpu.memory_space<hbm>>) target_semaphore(%arg25 : memref<!tpu.dma_semaphore, #tpu.memory_space<semaphore_mem>>)
      %dma_wait3A_182 = arith.constant 0 : i32
      %dma_wait3A_183 = arith.constant 0 : i32
      %dma_wait3A_184 = tpu.memref_slice %arg2[%dma_wait3A_182, %dma_wait3A_183] : memref<10000x128xf32, #tpu.memory_space<hbm>> -> memref<10000x128xf32, #tpu.memory_space<hbm>>
      tpu.wait_indirect_dma semaphore(%arg24 : memref<!tpu.dma_semaphore, #tpu.memory_space<semaphore_mem>>) src(%dma_wait3A_184 : memref<10000x128xf32, #tpu.memory_space<hbm>>) dst(%arg15 : memref<80x128xf32, #tpu.memory_space<vmem>>)
      %dma_wait3A_185 = arith.constant 0 : i32
      %dma_wait3A_186 = arith.constant 0 : i32
      %dma_wait3A_187 = tpu.memref_slice %arg3[%dma_wait3A_185, %dma_wait3A_186] : memref<10000x128xf32, #tpu.memory_space<hbm>> -> memref<10000x128xf32, #tpu.memory_space<hbm>>
      tpu.wait_indirect_dma semaphore(%arg24 : memref<!tpu.dma_semaphore, #tpu.memory_space<semaphore_mem>>) src(%dma_wait3A_187 : memref<10000x128xf32, #tpu.memory_space<hbm>>) dst(%arg18 : memref<80x128xf32, #tpu.memory_space<vmem>>)
      %scan3A_188 = arith.constant 0 : i32
      %scan3A_189 = arith.constant 0 : i32
      %scan3A_190 = arith.constant 80 : i32
      %scan3A_191 = arith.addi %scan3A_189, %scan3A_190 : i32
      %scan3A_192 = arith.constant 1 : i32
      scf.for %scan3A_210 = %scan3A_189 to %scan3A_191 step %scan3A_192  : i32 {
        %get3A = arith.index_cast %scan3A_210 : i32 to index
        %get3A_211 = arith.constant 0 : index
        %get3A_212 = tpu.vector_load %arg15[%get3A, %get3A_211] {strides = array<i32>} : memref<80x128xf32, #tpu.memory_space<vmem>>, vector<1x16xf32>,
        %get3A_213 = vector.shape_cast %get3A_212 : vector<1x16xf32> to vector<16xf32>
        %get3A_214 = arith.index_cast %scan3A_210 : i32 to index
        %get3A_215 = arith.constant 0 : index
        %get3A_216 = tpu.vector_load %arg18[%get3A_214, %get3A_215] {strides = array<i32>} : memref<80x128xf32, #tpu.memory_space<vmem>>, vector<1x16xf32>,
        %get3A_217 = vector.shape_cast %get3A_216 : vector<1x16xf32> to vector<16xf32>
        %add3A_218 = arith.addf %get3A_213, %get3A_217 : vector<16xf32>
        %swap3A = arith.index_cast %scan3A_210 : i32 to index
        %swap3A_219 = arith.constant 0 : index
        %swap3A_220 = tpu.vector_load %arg15[%swap3A, %swap3A_219] {strides = array<i32>} : memref<80x128xf32, #tpu.memory_space<vmem>>, vector<1x16xf32>,
        %swap3A_221 = vector.shape_cast %swap3A_220 : vector<1x16xf32> to vector<16xf32>
        %swap3A_222 = vector.shape_cast %add3A_218 : vector<16xf32> to vector<1x16xf32>
        tpu.vector_store %arg15[%swap3A, %swap3A_219], %swap3A_222 {strides = array<i32>} : memref<80x128xf32, #tpu.memory_space<vmem>>, vector<1x16xf32>,
        %get3A_223 = arith.index_cast %scan3A_210 : i32 to index
        %get3A_224 = arith.constant 16 : index
        %get3A_225 = tpu.vector_load %arg15[%get3A_223, %get3A_224] {strides = array<i32>} : memref<80x128xf32, #tpu.memory_space<vmem>>, vector<1x16xf32>,
        %get3A_226 = vector.shape_cast %get3A_225 : vector<1x16xf32> to vector<16xf32>
        %get3A_227 = arith.index_cast %scan3A_210 : i32 to index
        %get3A_228 = arith.constant 16 : index
        %get3A_229 = tpu.vector_load %arg18[%get3A_227, %get3A_228] {strides = array<i32>} : memref<80x128xf32, #tpu.memory_space<vmem>>, vector<1x16xf32>,
        %get3A_230 = vector.shape_cast %get3A_229 : vector<1x16xf32> to vector<16xf32>
        %add3A_231 = arith.addf %get3A_226, %get3A_230 : vector<16xf32>
        %swap3A_232 = arith.index_cast %scan3A_210 : i32 to index
        %swap3A_233 = arith.constant 16 : index
        %swap3A_234 = tpu.vector_load %arg15[%swap3A_232, %swap3A_233] {strides = array<i32>} : memref<80x128xf32, #tpu.memory_space<vmem>>, vector<1x16xf32>,
        %swap3A_235 = vector.shape_cast %swap3A_234 : vector<1x16xf32> to vector<16xf32>
        %swap3A_236 = vector.shape_cast %add3A_231 : vector<16xf32> to vector<1x16xf32>
        tpu.vector_store %arg15[%swap3A_232, %swap3A_233], %swap3A_236 {strides = array<i32>} : memref<80x128xf32, #tpu.memory_space<vmem>>, vector<1x16xf32>,
        %get3A_237 = arith.index_cast %scan3A_210 : i32 to index
        %get3A_238 = arith.constant 32 : index
        %get3A_239 = tpu.vector_load %arg15[%get3A_237, %get3A_238] {strides = array<i32>} : memref<80x128xf32, #tpu.memory_space<vmem>>, vector<1x16xf32>,
        %get3A_240 = vector.shape_cast %get3A_239 : vector<1x16xf32> to vector<16xf32>
        %get3A_241 = arith.index_cast %scan3A_210 : i32 to index
        %get3A_242 = arith.constant 32 : index
        %get3A_243 = tpu.vector_load %arg18[%get3A_241, %get3A_242] {strides = array<i32>} : memref<80x128xf32, #tpu.memory_space<vmem>>, vector<1x16xf32>,
        %get3A_244 = vector.shape_cast %get3A_243 : vector<1x16xf32> to vector<16xf32>
        %add3A_245 = arith.addf %get3A_240, %get3A_244 : vector<16xf32>
        %swap3A_246 = arith.index_cast %scan3A_210 : i32 to index
        %swap3A_247 = arith.constant 32 : index
        %swap3A_248 = tpu.vector_load %arg15[%swap3A_246, %swap3A_247] {strides = array<i32>} : memref<80x128xf32, #tpu.memory_space<vmem>>, vector<1x16xf32>,
        %swap3A_249 = vector.shape_cast %swap3A_248 : vector<1x16xf32> to vector<16xf32>
        %swap3A_250 = vector.shape_cast %add3A_245 : vector<16xf32> to vector<1x16xf32>
        tpu.vector_store %arg15[%swap3A_246, %swap3A_247], %swap3A_250 {strides = array<i32>} : memref<80x128xf32, #tpu.memory_space<vmem>>, vector<1x16xf32>,
        %get3A_251 = arith.index_cast %scan3A_210 : i32 to index
        %get3A_252 = arith.constant 48 : index
        %get3A_253 = tpu.vector_load %arg15[%get3A_251, %get3A_252] {strides = array<i32>} : memref<80x128xf32, #tpu.memory_space<vmem>>, vector<1x16xf32>,
        %get3A_254 = vector.shape_cast %get3A_253 : vector<1x16xf32> to vector<16xf32>
        %get3A_255 = arith.index_cast %scan3A_210 : i32 to index
        %get3A_256 = arith.constant 48 : index
        %get3A_257 = tpu.vector_load %arg18[%get3A_255, %get3A_256] {strides = array<i32>} : memref<80x128xf32, #tpu.memory_space<vmem>>, vector<1x16xf32>,
        %get3A_258 = vector.shape_cast %get3A_257 : vector<1x16xf32> to vector<16xf32>
        %add3A_259 = arith.addf %get3A_254, %get3A_258 : vector<16xf32>
        %swap3A_260 = arith.index_cast %scan3A_210 : i32 to index
        %swap3A_261 = arith.constant 48 : index
        %swap3A_262 = tpu.vector_load %arg15[%swap3A_260, %swap3A_261] {strides = array<i32>} : memref<80x128xf32, #tpu.memory_space<vmem>>, vector<1x16xf32>,
        %swap3A_263 = vector.shape_cast %swap3A_262 : vector<1x16xf32> to vector<16xf32>
        %swap3A_264 = vector.shape_cast %add3A_259 : vector<16xf32> to vector<1x16xf32>
        tpu.vector_store %arg15[%swap3A_260, %swap3A_261], %swap3A_264 {strides = array<i32>} : memref<80x128xf32, #tpu.memory_space<vmem>>, vector<1x16xf32>,
        %get3A_265 = arith.index_cast %scan3A_210 : i32 to index
        %get3A_266 = arith.constant 64 : index
        %get3A_267 = tpu.vector_load %arg15[%get3A_265, %get3A_266] {strides = array<i32>} : memref<80x128xf32, #tpu.memory_space<vmem>>, vector<1x16xf32>,
        %get3A_268 = vector.shape_cast %get3A_267 : vector<1x16xf32> to vector<16xf32>
        %get3A_269 = arith.index_cast %scan3A_210 : i32 to index
        %get3A_270 = arith.constant 64 : index
        %get3A_271 = tpu.vector_load %arg18[%get3A_269, %get3A_270] {strides = array<i32>} : memref<80x128xf32, #tpu.memory_space<vmem>>, vector<1x16xf32>,
        %get3A_272 = vector.shape_cast %get3A_271 : vector<1x16xf32> to vector<16xf32>
        %add3A_273 = arith.addf %get3A_268, %get3A_272 : vector<16xf32>
        %swap3A_274 = arith.index_cast %scan3A_210 : i32 to index
        %swap3A_275 = arith.constant 64 : index
        %swap3A_276 = tpu.vector_load %arg15[%swap3A_274, %swap3A_275] {strides = array<i32>} : memref<80x128xf32, #tpu.memory_space<vmem>>, vector<1x16xf32>,
        %swap3A_277 = vector.shape_cast %swap3A_276 : vector<1x16xf32> to vector<16xf32>
        %swap3A_278 = vector.shape_cast %add3A_273 : vector<16xf32> to vector<1x16xf32>
        tpu.vector_store %arg15[%swap3A_274, %swap3A_275], %swap3A_278 {strides = array<i32>} : memref<80x128xf32, #tpu.memory_space<vmem>>, vector<1x16xf32>,
        %get3A_279 = arith.index_cast %scan3A_210 : i32 to index
        %get3A_280 = arith.constant 80 : index
        %get3A_281 = tpu.vector_load %arg15[%get3A_279, %get3A_280] {strides = array<i32>} : memref<80x128xf32, #tpu.memory_space<vmem>>, vector<1x16xf32>,
        %get3A_282 = vector.shape_cast %get3A_281 : vector<1x16xf32> to vector<16xf32>
        %get3A_283 = arith.index_cast %scan3A_210 : i32 to index
        %get3A_284 = arith.constant 80 : index
        %get3A_285 = tpu.vector_load %arg18[%get3A_283, %get3A_284] {strides = array<i32>} : memref<80x128xf32, #tpu.memory_space<vmem>>, vector<1x16xf32>,
        %get3A_286 = vector.shape_cast %get3A_285 : vector<1x16xf32> to vector<16xf32>
        %add3A_287 = arith.addf %get3A_282, %get3A_286 : vector<16xf32>
        %swap3A_288 = arith.index_cast %scan3A_210 : i32 to index
        %swap3A_289 = arith.constant 80 : index
        %swap3A_290 = tpu.vector_load %arg15[%swap3A_288, %swap3A_289] {strides = array<i32>} : memref<80x128xf32, #tpu.memory_space<vmem>>, vector<1x16xf32>,
        %swap3A_291 = vector.shape_cast %swap3A_290 : vector<1x16xf32> to vector<16xf32>
        %swap3A_292 = vector.shape_cast %add3A_287 : vector<16xf32> to vector<1x16xf32>
        tpu.vector_store %arg15[%swap3A_288, %swap3A_289], %swap3A_292 {strides = array<i32>} : memref<80x128xf32, #tpu.memory_space<vmem>>, vector<1x16xf32>,
        %get3A_293 = arith.index_cast %scan3A_210 : i32 to index
        %get3A_294 = arith.constant 96 : index
        %get3A_295 = tpu.vector_load %arg15[%get3A_293, %get3A_294] {strides = array<i32>} : memref<80x128xf32, #tpu.memory_space<vmem>>, vector<1x16xf32>,
        %get3A_296 = vector.shape_cast %get3A_295 : vector<1x16xf32> to vector<16xf32>
        %get3A_297 = arith.index_cast %scan3A_210 : i32 to index
        %get3A_298 = arith.constant 96 : index
        %get3A_299 = tpu.vector_load %arg18[%get3A_297, %get3A_298] {strides = array<i32>} : memref<80x128xf32, #tpu.memory_space<vmem>>, vector<1x16xf32>,
        %get3A_300 = vector.shape_cast %get3A_299 : vector<1x16xf32> to vector<16xf32>
        %add3A_301 = arith.addf %get3A_296, %get3A_300 : vector<16xf32>
        %swap3A_302 = arith.index_cast %scan3A_210 : i32 to index
        %swap3A_303 = arith.constant 96 : index
        %swap3A_304 = tpu.vector_load %arg15[%swap3A_302, %swap3A_303] {strides = array<i32>} : memref<80x128xf32, #tpu.memory_space<vmem>>, vector<1x16xf32>,
        %swap3A_305 = vector.shape_cast %swap3A_304 : vector<1x16xf32> to vector<16xf32>
        %swap3A_306 = vector.shape_cast %add3A_301 : vector<16xf32> to vector<1x16xf32>
        tpu.vector_store %arg15[%swap3A_302, %swap3A_303], %swap3A_306 {strides = array<i32>} : memref<80x128xf32, #tpu.memory_space<vmem>>, vector<1x16xf32>,
        %get3A_307 = arith.index_cast %scan3A_210 : i32 to index
        %get3A_308 = arith.constant 112 : index
        %get3A_309 = tpu.vector_load %arg15[%get3A_307, %get3A_308] {strides = array<i32>} : memref<80x128xf32, #tpu.memory_space<vmem>>, vector<1x16xf32>,
        %get3A_310 = vector.shape_cast %get3A_309 : vector<1x16xf32> to vector<16xf32>
        %get3A_311 = arith.index_cast %scan3A_210 : i32 to index
        %get3A_312 = arith.constant 112 : index
        %get3A_313 = tpu.vector_load %arg18[%get3A_311, %get3A_312] {strides = array<i32>} : memref<80x128xf32, #tpu.memory_space<vmem>>, vector<1x16xf32>,
        %get3A_314 = vector.shape_cast %get3A_313 : vector<1x16xf32> to vector<16xf32>
        %add3A_315 = arith.addf %get3A_310, %get3A_314 : vector<16xf32>
        %swap3A_316 = arith.index_cast %scan3A_210 : i32 to index
        %swap3A_317 = arith.constant 112 : index
        %swap3A_318 = tpu.vector_load %arg15[%swap3A_316, %swap3A_317] {strides = array<i32>} : memref<80x128xf32, #tpu.memory_space<vmem>>, vector<1x16xf32>,
        %swap3A_319 = vector.shape_cast %swap3A_318 : vector<1x16xf32> to vector<16xf32>
        %swap3A_320 = vector.shape_cast %add3A_315 : vector<16xf32> to vector<1x16xf32>
        tpu.vector_store %arg15[%swap3A_316, %swap3A_317], %swap3A_320 {strides = array<i32>} : memref<80x128xf32, #tpu.memory_space<vmem>>, vector<1x16xf32>,
      }
      %scan3A_193 = arith.constant 80 : i32
      %dma_start3A_194 = arith.constant 0 : i32
      %dma_start3A_195 = tpu.memref_slice %arg6[%multiple_of3A_115, %dma_start3A_194] : memref<128000x128xf32, #tpu.memory_space<hbm>> -> memref<80x128xf32, #tpu.memory_space<hbm>>
      %dma_start3A_196 = arith.constant 0 : i32
      %dma_start3A_197 = tpu.memref_slice %arg6[%multiple_of3A_115, %dma_start3A_196] : memref<128000x128xf32, #tpu.memory_space<hbm>> -> memref<80x128xf32, #tpu.memory_space<hbm>>
      tpu.enqueue_dma source(%arg15 : memref<80x128xf32, #tpu.memory_space<vmem>>) target(%dma_start3A_197 : memref<80x128xf32, #tpu.memory_space<hbm>>) target_semaphore(%arg25 : memref<!tpu.dma_semaphore, #tpu.memory_space<semaphore_mem>>)
      %dma_wait3A_198 = arith.constant 0 : i32
      %dma_wait3A_199 = tpu.memref_slice %arg6[%multiple_of3A_91, %dma_wait3A_198] : memref<128000x128xf32, #tpu.memory_space<hbm>> -> memref<80x128xf32, #tpu.memory_space<hbm>>
      %dma_wait3A_200 = arith.constant 0 : i32
      %dma_wait3A_201 = tpu.memref_slice %arg6[%multiple_of3A_91, %dma_wait3A_200] : memref<128000x128xf32, #tpu.memory_space<hbm>> -> memref<80x128xf32, #tpu.memory_space<hbm>>
      tpu.wait_dma2 semaphore(%arg25 : memref<!tpu.dma_semaphore, #tpu.memory_space<semaphore_mem>>) src(%arg13 : memref<80x128xf32, #tpu.memory_space<vmem>>) dst(%dma_wait3A_201 : memref<80x128xf32, #tpu.memory_space<hbm>>)
      %dma_wait3A_202 = arith.constant 0 : i32
      %dma_wait3A_203 = tpu.memref_slice %arg6[%multiple_of3A_103, %dma_wait3A_202] : memref<128000x128xf32, #tpu.memory_space<hbm>> -> memref<80x128xf32, #tpu.memory_space<hbm>>
      %dma_wait3A_204 = arith.constant 0 : i32
      %dma_wait3A_205 = tpu.memref_slice %arg6[%multiple_of3A_103, %dma_wait3A_204] : memref<128000x128xf32, #tpu.memory_space<hbm>> -> memref<80x128xf32, #tpu.memory_space<hbm>>
      tpu.wait_dma2 semaphore(%arg25 : memref<!tpu.dma_semaphore, #tpu.memory_space<semaphore_mem>>) src(%arg14 : memref<80x128xf32, #tpu.memory_space<vmem>>) dst(%dma_wait3A_205 : memref<80x128xf32, #tpu.memory_space<hbm>>)
      %dma_wait3A_206 = arith.constant 0 : i32
      %dma_wait3A_207 = tpu.memref_slice %arg6[%multiple_of3A_115, %dma_wait3A_206] : memref<128000x128xf32, #tpu.memory_space<hbm>> -> memref<80x128xf32, #tpu.memory_space<hbm>>
      %dma_wait3A_208 = arith.constant 0 : i32
      %dma_wait3A_209 = tpu.memref_slice %arg6[%multiple_of3A_115, %dma_wait3A_208] : memref<128000x128xf32, #tpu.memory_space<hbm>> -> memref<80x128xf32, #tpu.memory_space<hbm>>
      tpu.wait_dma2 semaphore(%arg25 : memref<!tpu.dma_semaphore, #tpu.memory_space<semaphore_mem>>) src(%arg15 : memref<80x128xf32, #tpu.memory_space<vmem>>) dst(%dma_wait3A_209 : memref<80x128xf32, #tpu.memory_space<hbm>>)
    }
    %scan3A_5 = arith.constant 16 : i32
    %mul3A_6 = arith.constant 4000 : i32
    %mul3A_7 = arith.muli %add3A, %mul3A_6 : i32
    %add3A_8 = arith.constant 3840 : i32
    %add3A_9 = arith.addi %mul3A_7, %add3A_8 : i32
    %multiple_of3A = tpu.assume_multiple %add3A_9, 8 : i32
    %dma_start3A = tpu.memref_slice %arg4[%multiple_of3A] : memref<128000xi32, #tpu.memory_space<hbm>> -> memref<80xi32, #tpu.memory_space<hbm>>
    %dma_start3A_10 = tpu.memref_slice %arg4[%multiple_of3A] : memref<128000xi32, #tpu.memory_space<hbm>> -> memref<80xi32, #tpu.memory_space<hbm>>
    tpu.enqueue_dma source(%dma_start3A_10 : memref<80xi32, #tpu.memory_space<hbm>>) target(%arg7 : memref<80xi32, #tpu.memory_space<vmem>>) target_semaphore(%arg19 : memref<!tpu.dma_semaphore, #tpu.memory_space<semaphore_mem>>)
    %dma_start3A_11 = tpu.memref_slice %arg5[%multiple_of3A] : memref<128000xi32, #tpu.memory_space<hbm>> -> memref<80xi32, #tpu.memory_space<hbm>>
    %dma_start3A_12 = tpu.memref_slice %arg5[%multiple_of3A] : memref<128000xi32, #tpu.memory_space<hbm>> -> memref<80xi32, #tpu.memory_space<hbm>>
    tpu.enqueue_dma source(%dma_start3A_12 : memref<80xi32, #tpu.memory_space<hbm>>) target(%arg10 : memref<80xi32, #tpu.memory_space<vmem>>) target_semaphore(%arg19 : memref<!tpu.dma_semaphore, #tpu.memory_space<semaphore_mem>>)
    %mul3A_13 = arith.constant 4000 : i32
    %mul3A_14 = arith.muli %add3A, %mul3A_13 : i32
    %add3A_15 = arith.constant 3920 : i32
    %add3A_16 = arith.addi %mul3A_14, %add3A_15 : i32
    %multiple_of3A_17 = tpu.assume_multiple %add3A_16, 8 : i32
    %dma_start3A_18 = tpu.memref_slice %arg4[%multiple_of3A_17] : memref<128000xi32, #tpu.memory_space<hbm>> -> memref<80xi32, #tpu.memory_space<hbm>>
    %dma_start3A_19 = tpu.memref_slice %arg4[%multiple_of3A_17] : memref<128000xi32, #tpu.memory_space<hbm>> -> memref<80xi32, #tpu.memory_space<hbm>>
    tpu.enqueue_dma source(%dma_start3A_19 : memref<80xi32, #tpu.memory_space<hbm>>) target(%arg8 : memref<80xi32, #tpu.memory_space<vmem>>) target_semaphore(%arg20 : memref<!tpu.dma_semaphore, #tpu.memory_space<semaphore_mem>>)
    %dma_start3A_20 = tpu.memref_slice %arg5[%multiple_of3A_17] : memref<128000xi32, #tpu.memory_space<hbm>> -> memref<80xi32, #tpu.memory_space<hbm>>
    %dma_start3A_21 = tpu.memref_slice %arg5[%multiple_of3A_17] : memref<128000xi32, #tpu.memory_space<hbm>> -> memref<80xi32, #tpu.memory_space<hbm>>
    tpu.enqueue_dma source(%dma_start3A_21 : memref<80xi32, #tpu.memory_space<hbm>>) target(%arg11 : memref<80xi32, #tpu.memory_space<vmem>>) target_semaphore(%arg20 : memref<!tpu.dma_semaphore, #tpu.memory_space<semaphore_mem>>)
    %dma_wait3A = tpu.memref_slice %arg4[%multiple_of3A] : memref<128000xi32, #tpu.memory_space<hbm>> -> memref<80xi32, #tpu.memory_space<hbm>>
    %dma_wait3A_22 = tpu.memref_slice %arg4[%multiple_of3A] : memref<128000xi32, #tpu.memory_space<hbm>> -> memref<80xi32, #tpu.memory_space<hbm>>
    tpu.wait_dma2 semaphore(%arg19 : memref<!tpu.dma_semaphore, #tpu.memory_space<semaphore_mem>>) src(%dma_wait3A_22 : memref<80xi32, #tpu.memory_space<hbm>>) dst(%arg7 : memref<80xi32, #tpu.memory_space<vmem>>)
    %dma_wait3A_23 = tpu.memref_slice %arg5[%multiple_of3A] : memref<128000xi32, #tpu.memory_space<hbm>> -> memref<80xi32, #tpu.memory_space<hbm>>
    %dma_wait3A_24 = tpu.memref_slice %arg5[%multiple_of3A] : memref<128000xi32, #tpu.memory_space<hbm>> -> memref<80xi32, #tpu.memory_space<hbm>>
    tpu.wait_dma2 semaphore(%arg19 : memref<!tpu.dma_semaphore, #tpu.memory_space<semaphore_mem>>) src(%dma_wait3A_24 : memref<80xi32, #tpu.memory_space<hbm>>) dst(%arg10 : memref<80xi32, #tpu.memory_space<vmem>>)
    %dma_start3A_25 = arith.constant 0 : i32
    %dma_start3A_26 = arith.constant 0 : i32
    %dma_start3A_27 = tpu.memref_slice %arg2[%dma_start3A_25, %dma_start3A_26] : memref<10000x128xf32, #tpu.memory_space<hbm>> -> memref<10000x128xf32, #tpu.memory_space<hbm>>
    tpu.enqueue_indirect_dma source(%dma_start3A_27 : memref<10000x128xf32, #tpu.memory_space<hbm>>) target(%arg13 : memref<80x128xf32, #tpu.memory_space<vmem>>) offsets(%arg7 : memref<80xi32, #tpu.memory_space<vmem>>) semaphore(%arg22 : memref<!tpu.dma_semaphore, #tpu.memory_space<semaphore_mem>>)
    %dma_start3A_28 = arith.constant 0 : i32
    %dma_start3A_29 = arith.constant 0 : i32
    %dma_start3A_30 = tpu.memref_slice %arg3[%dma_start3A_28, %dma_start3A_29] : memref<10000x128xf32, #tpu.memory_space<hbm>> -> memref<10000x128xf32, #tpu.memory_space<hbm>>
    tpu.enqueue_indirect_dma source(%dma_start3A_30 : memref<10000x128xf32, #tpu.memory_space<hbm>>) target(%arg16 : memref<80x128xf32, #tpu.memory_space<vmem>>) offsets(%arg10 : memref<80xi32, #tpu.memory_space<vmem>>) semaphore(%arg22 : memref<!tpu.dma_semaphore, #tpu.memory_space<semaphore_mem>>)
    %dma_wait3A_31 = tpu.memref_slice %arg4[%multiple_of3A_17] : memref<128000xi32, #tpu.memory_space<hbm>> -> memref<80xi32, #tpu.memory_space<hbm>>
    %dma_wait3A_32 = tpu.memref_slice %arg4[%multiple_of3A_17] : memref<128000xi32, #tpu.memory_space<hbm>> -> memref<80xi32, #tpu.memory_space<hbm>>
    tpu.wait_dma2 semaphore(%arg20 : memref<!tpu.dma_semaphore, #tpu.memory_space<semaphore_mem>>) src(%dma_wait3A_32 : memref<80xi32, #tpu.memory_space<hbm>>) dst(%arg8 : memref<80xi32, #tpu.memory_space<vmem>>)
    %dma_wait3A_33 = tpu.memref_slice %arg5[%multiple_of3A_17] : memref<128000xi32, #tpu.memory_space<hbm>> -> memref<80xi32, #tpu.memory_space<hbm>>
    %dma_wait3A_34 = tpu.memref_slice %arg5[%multiple_of3A_17] : memref<128000xi32, #tpu.memory_space<hbm>> -> memref<80xi32, #tpu.memory_space<hbm>>
    tpu.wait_dma2 semaphore(%arg20 : memref<!tpu.dma_semaphore, #tpu.memory_space<semaphore_mem>>) src(%dma_wait3A_34 : memref<80xi32, #tpu.memory_space<hbm>>) dst(%arg11 : memref<80xi32, #tpu.memory_space<vmem>>)
    %dma_start3A_35 = arith.constant 0 : i32
    %dma_start3A_36 = arith.constant 0 : i32
    %dma_start3A_37 = tpu.memref_slice %arg2[%dma_start3A_35, %dma_start3A_36] : memref<10000x128xf32, #tpu.memory_space<hbm>> -> memref<10000x128xf32, #tpu.memory_space<hbm>>
    tpu.enqueue_indirect_dma source(%dma_start3A_37 : memref<10000x128xf32, #tpu.memory_space<hbm>>) target(%arg14 : memref<80x128xf32, #tpu.memory_space<vmem>>) offsets(%arg8 : memref<80xi32, #tpu.memory_space<vmem>>) semaphore(%arg23 : memref<!tpu.dma_semaphore, #tpu.memory_space<semaphore_mem>>)
    %dma_start3A_38 = arith.constant 0 : i32
    %dma_start3A_39 = arith.constant 0 : i32
    %dma_start3A_40 = tpu.memref_slice %arg3[%dma_start3A_38, %dma_start3A_39] : memref<10000x128xf32, #tpu.memory_space<hbm>> -> memref<10000x128xf32, #tpu.memory_space<hbm>>
    tpu.enqueue_indirect_dma source(%dma_start3A_40 : memref<10000x128xf32, #tpu.memory_space<hbm>>) target(%arg17 : memref<80x128xf32, #tpu.memory_space<vmem>>) offsets(%arg11 : memref<80xi32, #tpu.memory_space<vmem>>) semaphore(%arg23 : memref<!tpu.dma_semaphore, #tpu.memory_space<semaphore_mem>>)
    %dma_wait3A_41 = arith.constant 0 : i32
    %dma_wait3A_42 = arith.constant 0 : i32
    %dma_wait3A_43 = tpu.memref_slice %arg2[%dma_wait3A_41, %dma_wait3A_42] : memref<10000x128xf32, #tpu.memory_space<hbm>> -> memref<10000x128xf32, #tpu.memory_space<hbm>>
    tpu.wait_indirect_dma semaphore(%arg22 : memref<!tpu.dma_semaphore, #tpu.memory_space<semaphore_mem>>) src(%dma_wait3A_43 : memref<10000x128xf32, #tpu.memory_space<hbm>>) dst(%arg13 : memref<80x128xf32, #tpu.memory_space<vmem>>)
    %dma_wait3A_44 = arith.constant 0 : i32
    %dma_wait3A_45 = arith.constant 0 : i32
    %dma_wait3A_46 = tpu.memref_slice %arg3[%dma_wait3A_44, %dma_wait3A_45] : memref<10000x128xf32, #tpu.memory_space<hbm>> -> memref<10000x128xf32, #tpu.memory_space<hbm>>
    tpu.wait_indirect_dma semaphore(%arg22 : memref<!tpu.dma_semaphore, #tpu.memory_space<semaphore_mem>>) src(%dma_wait3A_46 : memref<10000x128xf32, #tpu.memory_space<hbm>>) dst(%arg16 : memref<80x128xf32, #tpu.memory_space<vmem>>)
    %scan3A_47 = arith.constant 0 : i32
    %scan3A_48 = arith.constant 0 : i32
    %scan3A_49 = arith.constant 80 : i32
    %scan3A_50 = arith.addi %scan3A_48, %scan3A_49 : i32
    %scan3A_51 = arith.constant 1 : i32
    scf.for %scan3A_81 = %scan3A_48 to %scan3A_50 step %scan3A_51  : i32 {
      %get3A = arith.index_cast %scan3A_81 : i32 to index
      %get3A_82 = arith.constant 0 : index
      %get3A_83 = tpu.vector_load %arg13[%get3A, %get3A_82] {strides = array<i32>} : memref<80x128xf32, #tpu.memory_space<vmem>>, vector<1x16xf32>,
      %get3A_84 = vector.shape_cast %get3A_83 : vector<1x16xf32> to vector<16xf32>
      %get3A_85 = arith.index_cast %scan3A_81 : i32 to index
      %get3A_86 = arith.constant 0 : index
      %get3A_87 = tpu.vector_load %arg16[%get3A_85, %get3A_86] {strides = array<i32>} : memref<80x128xf32, #tpu.memory_space<vmem>>, vector<1x16xf32>,
      %get3A_88 = vector.shape_cast %get3A_87 : vector<1x16xf32> to vector<16xf32>
      %add3A_89 = arith.addf %get3A_84, %get3A_88 : vector<16xf32>
      %swap3A = arith.index_cast %scan3A_81 : i32 to index
      %swap3A_90 = arith.constant 0 : index
      %swap3A_91 = tpu.vector_load %arg13[%swap3A, %swap3A_90] {strides = array<i32>} : memref<80x128xf32, #tpu.memory_space<vmem>>, vector<1x16xf32>,
      %swap3A_92 = vector.shape_cast %swap3A_91 : vector<1x16xf32> to vector<16xf32>
      %swap3A_93 = vector.shape_cast %add3A_89 : vector<16xf32> to vector<1x16xf32>
      tpu.vector_store %arg13[%swap3A, %swap3A_90], %swap3A_93 {strides = array<i32>} : memref<80x128xf32, #tpu.memory_space<vmem>>, vector<1x16xf32>,
      %get3A_94 = arith.index_cast %scan3A_81 : i32 to index
      %get3A_95 = arith.constant 16 : index
      %get3A_96 = tpu.vector_load %arg13[%get3A_94, %get3A_95] {strides = array<i32>} : memref<80x128xf32, #tpu.memory_space<vmem>>, vector<1x16xf32>,
      %get3A_97 = vector.shape_cast %get3A_96 : vector<1x16xf32> to vector<16xf32>
      %get3A_98 = arith.index_cast %scan3A_81 : i32 to index
      %get3A_99 = arith.constant 16 : index
      %get3A_100 = tpu.vector_load %arg16[%get3A_98, %get3A_99] {strides = array<i32>} : memref<80x128xf32, #tpu.memory_space<vmem>>, vector<1x16xf32>,
      %get3A_101 = vector.shape_cast %get3A_100 : vector<1x16xf32> to vector<16xf32>
      %add3A_102 = arith.addf %get3A_97, %get3A_101 : vector<16xf32>
      %swap3A_103 = arith.index_cast %scan3A_81 : i32 to index
      %swap3A_104 = arith.constant 16 : index
      %swap3A_105 = tpu.vector_load %arg13[%swap3A_103, %swap3A_104] {strides = array<i32>} : memref<80x128xf32, #tpu.memory_space<vmem>>, vector<1x16xf32>,
      %swap3A_106 = vector.shape_cast %swap3A_105 : vector<1x16xf32> to vector<16xf32>
      %swap3A_107 = vector.shape_cast %add3A_102 : vector<16xf32> to vector<1x16xf32>
      tpu.vector_store %arg13[%swap3A_103, %swap3A_104], %swap3A_107 {strides = array<i32>} : memref<80x128xf32, #tpu.memory_space<vmem>>, vector<1x16xf32>,
      %get3A_108 = arith.index_cast %scan3A_81 : i32 to index
      %get3A_109 = arith.constant 32 : index
      %get3A_110 = tpu.vector_load %arg13[%get3A_108, %get3A_109] {strides = array<i32>} : memref<80x128xf32, #tpu.memory_space<vmem>>, vector<1x16xf32>,
      %get3A_111 = vector.shape_cast %get3A_110 : vector<1x16xf32> to vector<16xf32>
      %get3A_112 = arith.index_cast %scan3A_81 : i32 to index
      %get3A_113 = arith.constant 32 : index
      %get3A_114 = tpu.vector_load %arg16[%get3A_112, %get3A_113] {strides = array<i32>} : memref<80x128xf32, #tpu.memory_space<vmem>>, vector<1x16xf32>,
      %get3A_115 = vector.shape_cast %get3A_114 : vector<1x16xf32> to vector<16xf32>
      %add3A_116 = arith.addf %get3A_111, %get3A_115 : vector<16xf32>
      %swap3A_117 = arith.index_cast %scan3A_81 : i32 to index
      %swap3A_118 = arith.constant 32 : index
      %swap3A_119 = tpu.vector_load %arg13[%swap3A_117, %swap3A_118] {strides = array<i32>} : memref<80x128xf32, #tpu.memory_space<vmem>>, vector<1x16xf32>,
      %swap3A_120 = vector.shape_cast %swap3A_119 : vector<1x16xf32> to vector<16xf32>
      %swap3A_121 = vector.shape_cast %add3A_116 : vector<16xf32> to vector<1x16xf32>
      tpu.vector_store %arg13[%swap3A_117, %swap3A_118], %swap3A_121 {strides = array<i32>} : memref<80x128xf32, #tpu.memory_space<vmem>>, vector<1x16xf32>,
      %get3A_122 = arith.index_cast %scan3A_81 : i32 to index
      %get3A_123 = arith.constant 48 : index
      %get3A_124 = tpu.vector_load %arg13[%get3A_122, %get3A_123] {strides = array<i32>} : memref<80x128xf32, #tpu.memory_space<vmem>>, vector<1x16xf32>,
      %get3A_125 = vector.shape_cast %get3A_124 : vector<1x16xf32> to vector<16xf32>
      %get3A_126 = arith.index_cast %scan3A_81 : i32 to index
      %get3A_127 = arith.constant 48 : index
      %get3A_128 = tpu.vector_load %arg16[%get3A_126, %get3A_127] {strides = array<i32>} : memref<80x128xf32, #tpu.memory_space<vmem>>, vector<1x16xf32>,
      %get3A_129 = vector.shape_cast %get3A_128 : vector<1x16xf32> to vector<16xf32>
      %add3A_130 = arith.addf %get3A_125, %get3A_129 : vector<16xf32>
      %swap3A_131 = arith.index_cast %scan3A_81 : i32 to index
      %swap3A_132 = arith.constant 48 : index
      %swap3A_133 = tpu.vector_load %arg13[%swap3A_131, %swap3A_132] {strides = array<i32>} : memref<80x128xf32, #tpu.memory_space<vmem>>, vector<1x16xf32>,
      %swap3A_134 = vector.shape_cast %swap3A_133 : vector<1x16xf32> to vector<16xf32>
      %swap3A_135 = vector.shape_cast %add3A_130 : vector<16xf32> to vector<1x16xf32>
      tpu.vector_store %arg13[%swap3A_131, %swap3A_132], %swap3A_135 {strides = array<i32>} : memref<80x128xf32, #tpu.memory_space<vmem>>, vector<1x16xf32>,
      %get3A_136 = arith.index_cast %scan3A_81 : i32 to index
      %get3A_137 = arith.constant 64 : index
      %get3A_138 = tpu.vector_load %arg13[%get3A_136, %get3A_137] {strides = array<i32>} : memref<80x128xf32, #tpu.memory_space<vmem>>, vector<1x16xf32>,
      %get3A_139 = vector.shape_cast %get3A_138 : vector<1x16xf32> to vector<16xf32>
      %get3A_140 = arith.index_cast %scan3A_81 : i32 to index
      %get3A_141 = arith.constant 64 : index
      %get3A_142 = tpu.vector_load %arg16[%get3A_140, %get3A_141] {strides = array<i32>} : memref<80x128xf32, #tpu.memory_space<vmem>>, vector<1x16xf32>,
      %get3A_143 = vector.shape_cast %get3A_142 : vector<1x16xf32> to vector<16xf32>
      %add3A_144 = arith.addf %get3A_139, %get3A_143 : vector<16xf32>
      %swap3A_145 = arith.index_cast %scan3A_81 : i32 to index
      %swap3A_146 = arith.constant 64 : index
      %swap3A_147 = tpu.vector_load %arg13[%swap3A_145, %swap3A_146] {strides = array<i32>} : memref<80x128xf32, #tpu.memory_space<vmem>>, vector<1x16xf32>,
      %swap3A_148 = vector.shape_cast %swap3A_147 : vector<1x16xf32> to vector<16xf32>
      %swap3A_149 = vector.shape_cast %add3A_144 : vector<16xf32> to vector<1x16xf32>
      tpu.vector_store %arg13[%swap3A_145, %swap3A_146], %swap3A_149 {strides = array<i32>} : memref<80x128xf32, #tpu.memory_space<vmem>>, vector<1x16xf32>,
      %get3A_150 = arith.index_cast %scan3A_81 : i32 to index
      %get3A_151 = arith.constant 80 : index
      %get3A_152 = tpu.vector_load %arg13[%get3A_150, %get3A_151] {strides = array<i32>} : memref<80x128xf32, #tpu.memory_space<vmem>>, vector<1x16xf32>,
      %get3A_153 = vector.shape_cast %get3A_152 : vector<1x16xf32> to vector<16xf32>
      %get3A_154 = arith.index_cast %scan3A_81 : i32 to index
      %get3A_155 = arith.constant 80 : index
      %get3A_156 = tpu.vector_load %arg16[%get3A_154, %get3A_155] {strides = array<i32>} : memref<80x128xf32, #tpu.memory_space<vmem>>, vector<1x16xf32>,
      %get3A_157 = vector.shape_cast %get3A_156 : vector<1x16xf32> to vector<16xf32>
      %add3A_158 = arith.addf %get3A_153, %get3A_157 : vector<16xf32>
      %swap3A_159 = arith.index_cast %scan3A_81 : i32 to index
      %swap3A_160 = arith.constant 80 : index
      %swap3A_161 = tpu.vector_load %arg13[%swap3A_159, %swap3A_160] {strides = array<i32>} : memref<80x128xf32, #tpu.memory_space<vmem>>, vector<1x16xf32>,
      %swap3A_162 = vector.shape_cast %swap3A_161 : vector<1x16xf32> to vector<16xf32>
      %swap3A_163 = vector.shape_cast %add3A_158 : vector<16xf32> to vector<1x16xf32>
      tpu.vector_store %arg13[%swap3A_159, %swap3A_160], %swap3A_163 {strides = array<i32>} : memref<80x128xf32, #tpu.memory_space<vmem>>, vector<1x16xf32>,
      %get3A_164 = arith.index_cast %scan3A_81 : i32 to index
      %get3A_165 = arith.constant 96 : index
      %get3A_166 = tpu.vector_load %arg13[%get3A_164, %get3A_165] {strides = array<i32>} : memref<80x128xf32, #tpu.memory_space<vmem>>, vector<1x16xf32>,
      %get3A_167 = vector.shape_cast %get3A_166 : vector<1x16xf32> to vector<16xf32>
      %get3A_168 = arith.index_cast %scan3A_81 : i32 to index
      %get3A_169 = arith.constant 96 : index
      %get3A_170 = tpu.vector_load %arg16[%get3A_168, %get3A_169] {strides = array<i32>} : memref<80x128xf32, #tpu.memory_space<vmem>>, vector<1x16xf32>,
      %get3A_171 = vector.shape_cast %get3A_170 : vector<1x16xf32> to vector<16xf32>
      %add3A_172 = arith.addf %get3A_167, %get3A_171 : vector<16xf32>
      %swap3A_173 = arith.index_cast %scan3A_81 : i32 to index
      %swap3A_174 = arith.constant 96 : index
      %swap3A_175 = tpu.vector_load %arg13[%swap3A_173, %swap3A_174] {strides = array<i32>} : memref<80x128xf32, #tpu.memory_space<vmem>>, vector<1x16xf32>,
      %swap3A_176 = vector.shape_cast %swap3A_175 : vector<1x16xf32> to vector<16xf32>
      %swap3A_177 = vector.shape_cast %add3A_172 : vector<16xf32> to vector<1x16xf32>
      tpu.vector_store %arg13[%swap3A_173, %swap3A_174], %swap3A_177 {strides = array<i32>} : memref<80x128xf32, #tpu.memory_space<vmem>>, vector<1x16xf32>,
      %get3A_178 = arith.index_cast %scan3A_81 : i32 to index
      %get3A_179 = arith.constant 112 : index
      %get3A_180 = tpu.vector_load %arg13[%get3A_178, %get3A_179] {strides = array<i32>} : memref<80x128xf32, #tpu.memory_space<vmem>>, vector<1x16xf32>,
      %get3A_181 = vector.shape_cast %get3A_180 : vector<1x16xf32> to vector<16xf32>
      %get3A_182 = arith.index_cast %scan3A_81 : i32 to index
      %get3A_183 = arith.constant 112 : index
      %get3A_184 = tpu.vector_load %arg16[%get3A_182, %get3A_183] {strides = array<i32>} : memref<80x128xf32, #tpu.memory_space<vmem>>, vector<1x16xf32>,
      %get3A_185 = vector.shape_cast %get3A_184 : vector<1x16xf32> to vector<16xf32>
      %add3A_186 = arith.addf %get3A_181, %get3A_185 : vector<16xf32>
      %swap3A_187 = arith.index_cast %scan3A_81 : i32 to index
      %swap3A_188 = arith.constant 112 : index
      %swap3A_189 = tpu.vector_load %arg13[%swap3A_187, %swap3A_188] {strides = array<i32>} : memref<80x128xf32, #tpu.memory_space<vmem>>, vector<1x16xf32>,
      %swap3A_190 = vector.shape_cast %swap3A_189 : vector<1x16xf32> to vector<16xf32>
      %swap3A_191 = vector.shape_cast %add3A_186 : vector<16xf32> to vector<1x16xf32>
      tpu.vector_store %arg13[%swap3A_187, %swap3A_188], %swap3A_191 {strides = array<i32>} : memref<80x128xf32, #tpu.memory_space<vmem>>, vector<1x16xf32>,
    }
    %scan3A_52 = arith.constant 80 : i32
    %dma_start3A_53 = arith.constant 0 : i32
    %dma_start3A_54 = tpu.memref_slice %arg6[%multiple_of3A, %dma_start3A_53] : memref<128000x128xf32, #tpu.memory_space<hbm>> -> memref<80x128xf32, #tpu.memory_space<hbm>>
    %dma_start3A_55 = arith.constant 0 : i32
    %dma_start3A_56 = tpu.memref_slice %arg6[%multiple_of3A, %dma_start3A_55] : memref<128000x128xf32, #tpu.memory_space<hbm>> -> memref<80x128xf32, #tpu.memory_space<hbm>>
    tpu.enqueue_dma source(%arg13 : memref<80x128xf32, #tpu.memory_space<vmem>>) target(%dma_start3A_56 : memref<80x128xf32, #tpu.memory_space<hbm>>) target_semaphore(%arg25 : memref<!tpu.dma_semaphore, #tpu.memory_space<semaphore_mem>>)
    %dma_wait3A_57 = arith.constant 0 : i32
    %dma_wait3A_58 = arith.constant 0 : i32
    %dma_wait3A_59 = tpu.memref_slice %arg2[%dma_wait3A_57, %dma_wait3A_58] : memref<10000x128xf32, #tpu.memory_space<hbm>> -> memref<10000x128xf32, #tpu.memory_space<hbm>>
    tpu.wait_indirect_dma semaphore(%arg23 : memref<!tpu.dma_semaphore, #tpu.memory_space<semaphore_mem>>) src(%dma_wait3A_59 : memref<10000x128xf32, #tpu.memory_space<hbm>>) dst(%arg14 : memref<80x128xf32, #tpu.memory_space<vmem>>)
    %dma_wait3A_60 = arith.constant 0 : i32
    %dma_wait3A_61 = arith.constant 0 : i32
    %dma_wait3A_62 = tpu.memref_slice %arg3[%dma_wait3A_60, %dma_wait3A_61] : memref<10000x128xf32, #tpu.memory_space<hbm>> -> memref<10000x128xf32, #tpu.memory_space<hbm>>
    tpu.wait_indirect_dma semaphore(%arg23 : memref<!tpu.dma_semaphore, #tpu.memory_space<semaphore_mem>>) src(%dma_wait3A_62 : memref<10000x128xf32, #tpu.memory_space<hbm>>) dst(%arg17 : memref<80x128xf32, #tpu.memory_space<vmem>>)
    %scan3A_63 = arith.constant 0 : i32
    %scan3A_64 = arith.constant 0 : i32
    %scan3A_65 = arith.constant 80 : i32
    %scan3A_66 = arith.addi %scan3A_64, %scan3A_65 : i32
    %scan3A_67 = arith.constant 1 : i32
    scf.for %scan3A_81 = %scan3A_64 to %scan3A_66 step %scan3A_67  : i32 {
      %get3A = arith.index_cast %scan3A_81 : i32 to index
      %get3A_82 = arith.constant 0 : index
      %get3A_83 = tpu.vector_load %arg14[%get3A, %get3A_82] {strides = array<i32>} : memref<80x128xf32, #tpu.memory_space<vmem>>, vector<1x16xf32>,
      %get3A_84 = vector.shape_cast %get3A_83 : vector<1x16xf32> to vector<16xf32>
      %get3A_85 = arith.index_cast %scan3A_81 : i32 to index
      %get3A_86 = arith.constant 0 : index
      %get3A_87 = tpu.vector_load %arg17[%get3A_85, %get3A_86] {strides = array<i32>} : memref<80x128xf32, #tpu.memory_space<vmem>>, vector<1x16xf32>,
      %get3A_88 = vector.shape_cast %get3A_87 : vector<1x16xf32> to vector<16xf32>
      %add3A_89 = arith.addf %get3A_84, %get3A_88 : vector<16xf32>
      %swap3A = arith.index_cast %scan3A_81 : i32 to index
      %swap3A_90 = arith.constant 0 : index
      %swap3A_91 = tpu.vector_load %arg14[%swap3A, %swap3A_90] {strides = array<i32>} : memref<80x128xf32, #tpu.memory_space<vmem>>, vector<1x16xf32>,
      %swap3A_92 = vector.shape_cast %swap3A_91 : vector<1x16xf32> to vector<16xf32>
      %swap3A_93 = vector.shape_cast %add3A_89 : vector<16xf32> to vector<1x16xf32>
      tpu.vector_store %arg14[%swap3A, %swap3A_90], %swap3A_93 {strides = array<i32>} : memref<80x128xf32, #tpu.memory_space<vmem>>, vector<1x16xf32>,
      %get3A_94 = arith.index_cast %scan3A_81 : i32 to index
      %get3A_95 = arith.constant 16 : index
      %get3A_96 = tpu.vector_load %arg14[%get3A_94, %get3A_95] {strides = array<i32>} : memref<80x128xf32, #tpu.memory_space<vmem>>, vector<1x16xf32>,
      %get3A_97 = vector.shape_cast %get3A_96 : vector<1x16xf32> to vector<16xf32>
      %get3A_98 = arith.index_cast %scan3A_81 : i32 to index
      %get3A_99 = arith.constant 16 : index
      %get3A_100 = tpu.vector_load %arg17[%get3A_98, %get3A_99] {strides = array<i32>} : memref<80x128xf32, #tpu.memory_space<vmem>>, vector<1x16xf32>,
      %get3A_101 = vector.shape_cast %get3A_100 : vector<1x16xf32> to vector<16xf32>
      %add3A_102 = arith.addf %get3A_97, %get3A_101 : vector<16xf32>
      %swap3A_103 = arith.index_cast %scan3A_81 : i32 to index
      %swap3A_104 = arith.constant 16 : index
      %swap3A_105 = tpu.vector_load %arg14[%swap3A_103, %swap3A_104] {strides = array<i32>} : memref<80x128xf32, #tpu.memory_space<vmem>>, vector<1x16xf32>,
      %swap3A_106 = vector.shape_cast %swap3A_105 : vector<1x16xf32> to vector<16xf32>
      %swap3A_107 = vector.shape_cast %add3A_102 : vector<16xf32> to vector<1x16xf32>
      tpu.vector_store %arg14[%swap3A_103, %swap3A_104], %swap3A_107 {strides = array<i32>} : memref<80x128xf32, #tpu.memory_space<vmem>>, vector<1x16xf32>,
      %get3A_108 = arith.index_cast %scan3A_81 : i32 to index
      %get3A_109 = arith.constant 32 : index
      %get3A_110 = tpu.vector_load %arg14[%get3A_108, %get3A_109] {strides = array<i32>} : memref<80x128xf32, #tpu.memory_space<vmem>>, vector<1x16xf32>,
      %get3A_111 = vector.shape_cast %get3A_110 : vector<1x16xf32> to vector<16xf32>
      %get3A_112 = arith.index_cast %scan3A_81 : i32 to index
      %get3A_113 = arith.constant 32 : index
      %get3A_114 = tpu.vector_load %arg17[%get3A_112, %get3A_113] {strides = array<i32>} : memref<80x128xf32, #tpu.memory_space<vmem>>, vector<1x16xf32>,
      %get3A_115 = vector.shape_cast %get3A_114 : vector<1x16xf32> to vector<16xf32>
      %add3A_116 = arith.addf %get3A_111, %get3A_115 : vector<16xf32>
      %swap3A_117 = arith.index_cast %scan3A_81 : i32 to index
      %swap3A_118 = arith.constant 32 : index
      %swap3A_119 = tpu.vector_load %arg14[%swap3A_117, %swap3A_118] {strides = array<i32>} : memref<80x128xf32, #tpu.memory_space<vmem>>, vector<1x16xf32>,
      %swap3A_120 = vector.shape_cast %swap3A_119 : vector<1x16xf32> to vector<16xf32>
      %swap3A_121 = vector.shape_cast %add3A_116 : vector<16xf32> to vector<1x16xf32>
      tpu.vector_store %arg14[%swap3A_117, %swap3A_118], %swap3A_121 {strides = array<i32>} : memref<80x128xf32, #tpu.memory_space<vmem>>, vector<1x16xf32>,
      %get3A_122 = arith.index_cast %scan3A_81 : i32 to index
      %get3A_123 = arith.constant 48 : index
      %get3A_124 = tpu.vector_load %arg14[%get3A_122, %get3A_123] {strides = array<i32>} : memref<80x128xf32, #tpu.memory_space<vmem>>, vector<1x16xf32>,
      %get3A_125 = vector.shape_cast %get3A_124 : vector<1x16xf32> to vector<16xf32>
      %get3A_126 = arith.index_cast %scan3A_81 : i32 to index
      %get3A_127 = arith.constant 48 : index
      %get3A_128 = tpu.vector_load %arg17[%get3A_126, %get3A_127] {strides = array<i32>} : memref<80x128xf32, #tpu.memory_space<vmem>>, vector<1x16xf32>,
      %get3A_129 = vector.shape_cast %get3A_128 : vector<1x16xf32> to vector<16xf32>
      %add3A_130 = arith.addf %get3A_125, %get3A_129 : vector<16xf32>
      %swap3A_131 = arith.index_cast %scan3A_81 : i32 to index
      %swap3A_132 = arith.constant 48 : index
      %swap3A_133 = tpu.vector_load %arg14[%swap3A_131, %swap3A_132] {strides = array<i32>} : memref<80x128xf32, #tpu.memory_space<vmem>>, vector<1x16xf32>,
      %swap3A_134 = vector.shape_cast %swap3A_133 : vector<1x16xf32> to vector<16xf32>
      %swap3A_135 = vector.shape_cast %add3A_130 : vector<16xf32> to vector<1x16xf32>
      tpu.vector_store %arg14[%swap3A_131, %swap3A_132], %swap3A_135 {strides = array<i32>} : memref<80x128xf32, #tpu.memory_space<vmem>>, vector<1x16xf32>,
      %get3A_136 = arith.index_cast %scan3A_81 : i32 to index
      %get3A_137 = arith.constant 64 : index
      %get3A_138 = tpu.vector_load %arg14[%get3A_136, %get3A_137] {strides = array<i32>} : memref<80x128xf32, #tpu.memory_space<vmem>>, vector<1x16xf32>,
      %get3A_139 = vector.shape_cast %get3A_138 : vector<1x16xf32> to vector<16xf32>
      %get3A_140 = arith.index_cast %scan3A_81 : i32 to index
      %get3A_141 = arith.constant 64 : index
      %get3A_142 = tpu.vector_load %arg17[%get3A_140, %get3A_141] {strides = array<i32>} : memref<80x128xf32, #tpu.memory_space<vmem>>, vector<1x16xf32>,
      %get3A_143 = vector.shape_cast %get3A_142 : vector<1x16xf32> to vector<16xf32>
      %add3A_144 = arith.addf %get3A_139, %get3A_143 : vector<16xf32>
      %swap3A_145 = arith.index_cast %scan3A_81 : i32 to index
      %swap3A_146 = arith.constant 64 : index
      %swap3A_147 = tpu.vector_load %arg14[%swap3A_145, %swap3A_146] {strides = array<i32>} : memref<80x128xf32, #tpu.memory_space<vmem>>, vector<1x16xf32>,
      %swap3A_148 = vector.shape_cast %swap3A_147 : vector<1x16xf32> to vector<16xf32>
      %swap3A_149 = vector.shape_cast %add3A_144 : vector<16xf32> to vector<1x16xf32>
      tpu.vector_store %arg14[%swap3A_145, %swap3A_146], %swap3A_149 {strides = array<i32>} : memref<80x128xf32, #tpu.memory_space<vmem>>, vector<1x16xf32>,
      %get3A_150 = arith.index_cast %scan3A_81 : i32 to index
      %get3A_151 = arith.constant 80 : index
      %get3A_152 = tpu.vector_load %arg14[%get3A_150, %get3A_151] {strides = array<i32>} : memref<80x128xf32, #tpu.memory_space<vmem>>, vector<1x16xf32>,
      %get3A_153 = vector.shape_cast %get3A_152 : vector<1x16xf32> to vector<16xf32>
      %get3A_154 = arith.index_cast %scan3A_81 : i32 to index
      %get3A_155 = arith.constant 80 : index
      %get3A_156 = tpu.vector_load %arg17[%get3A_154, %get3A_155] {strides = array<i32>} : memref<80x128xf32, #tpu.memory_space<vmem>>, vector<1x16xf32>,
      %get3A_157 = vector.shape_cast %get3A_156 : vector<1x16xf32> to vector<16xf32>
      %add3A_158 = arith.addf %get3A_153, %get3A_157 : vector<16xf32>
      %swap3A_159 = arith.index_cast %scan3A_81 : i32 to index
      %swap3A_160 = arith.constant 80 : index
      %swap3A_161 = tpu.vector_load %arg14[%swap3A_159, %swap3A_160] {strides = array<i32>} : memref<80x128xf32, #tpu.memory_space<vmem>>, vector<1x16xf32>,
      %swap3A_162 = vector.shape_cast %swap3A_161 : vector<1x16xf32> to vector<16xf32>
      %swap3A_163 = vector.shape_cast %add3A_158 : vector<16xf32> to vector<1x16xf32>
      tpu.vector_store %arg14[%swap3A_159, %swap3A_160], %swap3A_163 {strides = array<i32>} : memref<80x128xf32, #tpu.memory_space<vmem>>, vector<1x16xf32>,
      %get3A_164 = arith.index_cast %scan3A_81 : i32 to index
      %get3A_165 = arith.constant 96 : index
      %get3A_166 = tpu.vector_load %arg14[%get3A_164, %get3A_165] {strides = array<i32>} : memref<80x128xf32, #tpu.memory_space<vmem>>, vector<1x16xf32>,
      %get3A_167 = vector.shape_cast %get3A_166 : vector<1x16xf32> to vector<16xf32>
      %get3A_168 = arith.index_cast %scan3A_81 : i32 to index
      %get3A_169 = arith.constant 96 : index
      %get3A_170 = tpu.vector_load %arg17[%get3A_168, %get3A_169] {strides = array<i32>} : memref<80x128xf32, #tpu.memory_space<vmem>>, vector<1x16xf32>,
      %get3A_171 = vector.shape_cast %get3A_170 : vector<1x16xf32> to vector<16xf32>
      %add3A_172 = arith.addf %get3A_167, %get3A_171 : vector<16xf32>
      %swap3A_173 = arith.index_cast %scan3A_81 : i32 to index
      %swap3A_174 = arith.constant 96 : index
      %swap3A_175 = tpu.vector_load %arg14[%swap3A_173, %swap3A_174] {strides = array<i32>} : memref<80x128xf32, #tpu.memory_space<vmem>>, vector<1x16xf32>,
      %swap3A_176 = vector.shape_cast %swap3A_175 : vector<1x16xf32> to vector<16xf32>
      %swap3A_177 = vector.shape_cast %add3A_172 : vector<16xf32> to vector<1x16xf32>
      tpu.vector_store %arg14[%swap3A_173, %swap3A_174], %swap3A_177 {strides = array<i32>} : memref<80x128xf32, #tpu.memory_space<vmem>>, vector<1x16xf32>,
      %get3A_178 = arith.index_cast %scan3A_81 : i32 to index
      %get3A_179 = arith.constant 112 : index
      %get3A_180 = tpu.vector_load %arg14[%get3A_178, %get3A_179] {strides = array<i32>} : memref<80x128xf32, #tpu.memory_space<vmem>>, vector<1x16xf32>,
      %get3A_181 = vector.shape_cast %get3A_180 : vector<1x16xf32> to vector<16xf32>
      %get3A_182 = arith.index_cast %scan3A_81 : i32 to index
      %get3A_183 = arith.constant 112 : index
      %get3A_184 = tpu.vector_load %arg17[%get3A_182, %get3A_183] {strides = array<i32>} : memref<80x128xf32, #tpu.memory_space<vmem>>, vector<1x16xf32>,
      %get3A_185 = vector.shape_cast %get3A_184 : vector<1x16xf32> to vector<16xf32>
      %add3A_186 = arith.addf %get3A_181, %get3A_185 : vector<16xf32>
      %swap3A_187 = arith.index_cast %scan3A_81 : i32 to index
      %swap3A_188 = arith.constant 112 : index
      %swap3A_189 = tpu.vector_load %arg14[%swap3A_187, %swap3A_188] {strides = array<i32>} : memref<80x128xf32, #tpu.memory_space<vmem>>, vector<1x16xf32>,
      %swap3A_190 = vector.shape_cast %swap3A_189 : vector<1x16xf32> to vector<16xf32>
      %swap3A_191 = vector.shape_cast %add3A_186 : vector<16xf32> to vector<1x16xf32>
      tpu.vector_store %arg14[%swap3A_187, %swap3A_188], %swap3A_191 {strides = array<i32>} : memref<80x128xf32, #tpu.memory_space<vmem>>, vector<1x16xf32>,
    }
    %scan3A_68 = arith.constant 80 : i32
    %dma_start3A_69 = arith.constant 0 : i32
    %dma_start3A_70 = tpu.memref_slice %arg6[%multiple_of3A_17, %dma_start3A_69] : memref<128000x128xf32, #tpu.memory_space<hbm>> -> memref<80x128xf32, #tpu.memory_space<hbm>>
    %dma_start3A_71 = arith.constant 0 : i32
    %dma_start3A_72 = tpu.memref_slice %arg6[%multiple_of3A_17, %dma_start3A_71] : memref<128000x128xf32, #tpu.memory_space<hbm>> -> memref<80x128xf32, #tpu.memory_space<hbm>>
    tpu.enqueue_dma source(%arg14 : memref<80x128xf32, #tpu.memory_space<vmem>>) target(%dma_start3A_72 : memref<80x128xf32, #tpu.memory_space<hbm>>) target_semaphore(%arg25 : memref<!tpu.dma_semaphore, #tpu.memory_space<semaphore_mem>>)
    %dma_wait3A_73 = arith.constant 0 : i32
    %dma_wait3A_74 = tpu.memref_slice %arg6[%multiple_of3A, %dma_wait3A_73] : memref<128000x128xf32, #tpu.memory_space<hbm>> -> memref<80x128xf32, #tpu.memory_space<hbm>>
    %dma_wait3A_75 = arith.constant 0 : i32
    %dma_wait3A_76 = tpu.memref_slice %arg6[%multiple_of3A, %dma_wait3A_75] : memref<128000x128xf32, #tpu.memory_space<hbm>> -> memref<80x128xf32, #tpu.memory_space<hbm>>
    tpu.wait_dma2 semaphore(%arg25 : memref<!tpu.dma_semaphore, #tpu.memory_space<semaphore_mem>>) src(%arg13 : memref<80x128xf32, #tpu.memory_space<vmem>>) dst(%dma_wait3A_76 : memref<80x128xf32, #tpu.memory_space<hbm>>)
    %dma_wait3A_77 = arith.constant 0 : i32
    %dma_wait3A_78 = tpu.memref_slice %arg6[%multiple_of3A_17, %dma_wait3A_77] : memref<128000x128xf32, #tpu.memory_space<hbm>> -> memref<80x128xf32, #tpu.memory_space<hbm>>
    %dma_wait3A_79 = arith.constant 0 : i32
    %dma_wait3A_80 = tpu.memref_slice %arg6[%multiple_of3A_17, %dma_wait3A_79] : memref<128000x128xf32, #tpu.memory_space<hbm>> -> memref<80x128xf32, #tpu.memory_space<hbm>>
    tpu.wait_dma2 semaphore(%arg25 : memref<!tpu.dma_semaphore, #tpu.memory_space<semaphore_mem>>) src(%arg14 : memref<80x128xf32, #tpu.memory_space<vmem>>) dst(%dma_wait3A_80 : memref<80x128xf32, #tpu.memory_space<hbm>>)
    return
  }
}

#map = affine_map<(d0, d1) -> (0, 0)>
#map1 = affine_map<(d0, d1) -> (0)>
#map2 = affine_map<(d0, d1) -> (0, 0, 0)>
module attributes {stable_mosaic.version = 14 : i64} {
  func.func @body(%arg0: i32, %arg1: i32, %arg2: memref<320000x128xf32, #tpu.memory_space<hbm>>, %arg3: memref<128000xi32, #tpu.memory_space<hbm>>, %arg4: memref<2x10000x128xf32, #tpu.memory_space<hbm>>, %arg5: memref<80xi32, #tpu.memory_space<vmem>>, %arg6: memref<80xi32, #tpu.memory_space<vmem>>, %arg7: memref<80x128xf32, #tpu.memory_space<vmem>>, %arg8: memref<80x128xf32, #tpu.memory_space<vmem>>, %arg9: memref<10000x128xf32, #tpu.memory_space<vmem_shared>>, %arg10: memref<!tpu.dma_semaphore, #tpu.memory_space<semaphore_mem>>, %arg11: memref<!tpu.dma_semaphore, #tpu.memory_space<semaphore_mem>>, %arg12: memref<!tpu.dma_semaphore, #tpu.memory_space<semaphore_mem>>, %arg13: memref<!tpu.dma_semaphore, #tpu.memory_space<semaphore_mem>>) attributes {dimension_semantics = [#tpu.dimension_semantics<core_parallel>, #tpu.dimension_semantics<subcore_parallel>], iteration_bounds = array<i64: 2, 16>, scalar_prefetch = 0 : i64, scratch_operands = 9 : i64, tpu.core_type = #tpu.core_type<sc_vector_subcore>, window_params = [{transform_indices = #map}, {transform_indices = #map1}, {transform_indices = #map2}]} {
    %mul3A = arith.constant 2 : i32
    %mul3A_0 = arith.muli %arg1, %mul3A : i32
    %add3A = arith.addi %mul3A_0, %arg0 : i32
    %scan3A = arith.constant 0 : i32
    %scan3A_1 = arith.constant 0 : i32
    %scan3A_2 = arith.constant 80 : i32
    %scan3A_3 = arith.addi %scan3A_1, %scan3A_2 : i32
    %scan3A_4 = arith.constant 1 : i32
    scf.for %scan3A_122 = %scan3A_1 to %scan3A_3 step %scan3A_4  : i32 {
      %broadcast_in_dim3A = arith.constant 0.000000e+00 : f32
      %broadcast_in_dim3A_123 = vector.broadcast %broadcast_in_dim3A : f32 to vector<16xf32>
      %swap3A = arith.index_cast %scan3A_122 : i32 to index
      %swap3A_124 = arith.constant 0 : index
      %swap3A_125 = tpu.vector_load %arg7[%swap3A, %swap3A_124] {strides = array<i32>} : memref<80x128xf32, #tpu.memory_space<vmem>>, vector<1x16xf32>,
      %swap3A_126 = vector.shape_cast %swap3A_125 : vector<1x16xf32> to vector<16xf32>
      %swap3A_127 = vector.shape_cast %broadcast_in_dim3A_123 : vector<16xf32> to vector<1x16xf32>
      tpu.vector_store %arg7[%swap3A, %swap3A_124], %swap3A_127 {strides = array<i32>} : memref<80x128xf32, #tpu.memory_space<vmem>>, vector<1x16xf32>,
      %broadcast_in_dim3A_128 = arith.constant 0.000000e+00 : f32
      %broadcast_in_dim3A_129 = vector.broadcast %broadcast_in_dim3A_128 : f32 to vector<16xf32>
      %swap3A_130 = arith.index_cast %scan3A_122 : i32 to index
      %swap3A_131 = arith.constant 16 : index
      %swap3A_132 = tpu.vector_load %arg7[%swap3A_130, %swap3A_131] {strides = array<i32>} : memref<80x128xf32, #tpu.memory_space<vmem>>, vector<1x16xf32>,
      %swap3A_133 = vector.shape_cast %swap3A_132 : vector<1x16xf32> to vector<16xf32>
      %swap3A_134 = vector.shape_cast %broadcast_in_dim3A_129 : vector<16xf32> to vector<1x16xf32>
      tpu.vector_store %arg7[%swap3A_130, %swap3A_131], %swap3A_134 {strides = array<i32>} : memref<80x128xf32, #tpu.memory_space<vmem>>, vector<1x16xf32>,
      %broadcast_in_dim3A_135 = arith.constant 0.000000e+00 : f32
      %broadcast_in_dim3A_136 = vector.broadcast %broadcast_in_dim3A_135 : f32 to vector<16xf32>
      %swap3A_137 = arith.index_cast %scan3A_122 : i32 to index
      %swap3A_138 = arith.constant 32 : index
      %swap3A_139 = tpu.vector_load %arg7[%swap3A_137, %swap3A_138] {strides = array<i32>} : memref<80x128xf32, #tpu.memory_space<vmem>>, vector<1x16xf32>,
      %swap3A_140 = vector.shape_cast %swap3A_139 : vector<1x16xf32> to vector<16xf32>
      %swap3A_141 = vector.shape_cast %broadcast_in_dim3A_136 : vector<16xf32> to vector<1x16xf32>
      tpu.vector_store %arg7[%swap3A_137, %swap3A_138], %swap3A_141 {strides = array<i32>} : memref<80x128xf32, #tpu.memory_space<vmem>>, vector<1x16xf32>,
      %broadcast_in_dim3A_142 = arith.constant 0.000000e+00 : f32
      %broadcast_in_dim3A_143 = vector.broadcast %broadcast_in_dim3A_142 : f32 to vector<16xf32>
      %swap3A_144 = arith.index_cast %scan3A_122 : i32 to index
      %swap3A_145 = arith.constant 48 : index
      %swap3A_146 = tpu.vector_load %arg7[%swap3A_144, %swap3A_145] {strides = array<i32>} : memref<80x128xf32, #tpu.memory_space<vmem>>, vector<1x16xf32>,
      %swap3A_147 = vector.shape_cast %swap3A_146 : vector<1x16xf32> to vector<16xf32>
      %swap3A_148 = vector.shape_cast %broadcast_in_dim3A_143 : vector<16xf32> to vector<1x16xf32>
      tpu.vector_store %arg7[%swap3A_144, %swap3A_145], %swap3A_148 {strides = array<i32>} : memref<80x128xf32, #tpu.memory_space<vmem>>, vector<1x16xf32>,
      %broadcast_in_dim3A_149 = arith.constant 0.000000e+00 : f32
      %broadcast_in_dim3A_150 = vector.broadcast %broadcast_in_dim3A_149 : f32 to vector<16xf32>
      %swap3A_151 = arith.index_cast %scan3A_122 : i32 to index
      %swap3A_152 = arith.constant 64 : index
      %swap3A_153 = tpu.vector_load %arg7[%swap3A_151, %swap3A_152] {strides = array<i32>} : memref<80x128xf32, #tpu.memory_space<vmem>>, vector<1x16xf32>,
      %swap3A_154 = vector.shape_cast %swap3A_153 : vector<1x16xf32> to vector<16xf32>
      %swap3A_155 = vector.shape_cast %broadcast_in_dim3A_150 : vector<16xf32> to vector<1x16xf32>
      tpu.vector_store %arg7[%swap3A_151, %swap3A_152], %swap3A_155 {strides = array<i32>} : memref<80x128xf32, #tpu.memory_space<vmem>>, vector<1x16xf32>,
      %broadcast_in_dim3A_156 = arith.constant 0.000000e+00 : f32
      %broadcast_in_dim3A_157 = vector.broadcast %broadcast_in_dim3A_156 : f32 to vector<16xf32>
      %swap3A_158 = arith.index_cast %scan3A_122 : i32 to index
      %swap3A_159 = arith.constant 80 : index
      %swap3A_160 = tpu.vector_load %arg7[%swap3A_158, %swap3A_159] {strides = array<i32>} : memref<80x128xf32, #tpu.memory_space<vmem>>, vector<1x16xf32>,
      %swap3A_161 = vector.shape_cast %swap3A_160 : vector<1x16xf32> to vector<16xf32>
      %swap3A_162 = vector.shape_cast %broadcast_in_dim3A_157 : vector<16xf32> to vector<1x16xf32>
      tpu.vector_store %arg7[%swap3A_158, %swap3A_159], %swap3A_162 {strides = array<i32>} : memref<80x128xf32, #tpu.memory_space<vmem>>, vector<1x16xf32>,
      %broadcast_in_dim3A_163 = arith.constant 0.000000e+00 : f32
      %broadcast_in_dim3A_164 = vector.broadcast %broadcast_in_dim3A_163 : f32 to vector<16xf32>
      %swap3A_165 = arith.index_cast %scan3A_122 : i32 to index
      %swap3A_166 = arith.constant 96 : index
      %swap3A_167 = tpu.vector_load %arg7[%swap3A_165, %swap3A_166] {strides = array<i32>} : memref<80x128xf32, #tpu.memory_space<vmem>>, vector<1x16xf32>,
      %swap3A_168 = vector.shape_cast %swap3A_167 : vector<1x16xf32> to vector<16xf32>
      %swap3A_169 = vector.shape_cast %broadcast_in_dim3A_164 : vector<16xf32> to vector<1x16xf32>
      tpu.vector_store %arg7[%swap3A_165, %swap3A_166], %swap3A_169 {strides = array<i32>} : memref<80x128xf32, #tpu.memory_space<vmem>>, vector<1x16xf32>,
      %broadcast_in_dim3A_170 = arith.constant 0.000000e+00 : f32
      %broadcast_in_dim3A_171 = vector.broadcast %broadcast_in_dim3A_170 : f32 to vector<16xf32>
      %swap3A_172 = arith.index_cast %scan3A_122 : i32 to index
      %swap3A_173 = arith.constant 112 : index
      %swap3A_174 = tpu.vector_load %arg7[%swap3A_172, %swap3A_173] {strides = array<i32>} : memref<80x128xf32, #tpu.memory_space<vmem>>, vector<1x16xf32>,
      %swap3A_175 = vector.shape_cast %swap3A_174 : vector<1x16xf32> to vector<16xf32>
      %swap3A_176 = vector.shape_cast %broadcast_in_dim3A_171 : vector<16xf32> to vector<1x16xf32>
      tpu.vector_store %arg7[%swap3A_172, %swap3A_173], %swap3A_176 {strides = array<i32>} : memref<80x128xf32, #tpu.memory_space<vmem>>, vector<1x16xf32>,
    }
    %scan3A_5 = arith.constant 80 : i32
    %add3A_6 = arith.constant 0 : i32
    %add3A_7 = arith.addi %arg1, %add3A_6 : i32
    %lt3A = arith.constant 125 : i32
    %lt3A_8 = arith.cmpi slt, %add3A_7, %lt3A : i32
    %convert_element_type3A = arith.extui %lt3A_8 : i1 to i32
    %cond3A = arith.constant 0 : i32
    %cond3A_9 = arith.cmpi ne, %convert_element_type3A, %cond3A : i32
    scf.if %cond3A_9 {
      %mul3A_122 = arith.constant 80 : i32
      %mul3A_123 = arith.muli %add3A_7, %mul3A_122 : i32
      %multiple_of3A = tpu.assume_multiple %mul3A_123, 8 : i32
      "tpu.region"() ({
        %run_scoped3A = tpu.sem_alloc : memref<!tpu.dma_semaphore, #tpu.memory_space<semaphore_mem>>
        %dma_start3A = arith.constant 0 : i32
        %dma_start3A_124 = tpu.memref_slice %arg9[%multiple_of3A, %dma_start3A] : memref<10000x128xf32, #tpu.memory_space<vmem_shared>> -> memref<80x128xf32, #tpu.memory_space<vmem_shared>>
        %dma_start3A_125 = arith.constant 0 : i32
        %dma_start3A_126 = tpu.memref_slice %arg9[%multiple_of3A, %dma_start3A_125] : memref<10000x128xf32, #tpu.memory_space<vmem_shared>> -> memref<80x128xf32, #tpu.memory_space<vmem_shared>>
        tpu.enqueue_dma source(%arg7 : memref<80x128xf32, #tpu.memory_space<vmem>>) target(%dma_start3A_126 : memref<80x128xf32, #tpu.memory_space<vmem_shared>>) target_semaphore(%run_scoped3A : memref<!tpu.dma_semaphore, #tpu.memory_space<semaphore_mem>>)
        %dma_wait3A = arith.constant 0 : i32
        %dma_wait3A_127 = tpu.memref_slice %arg9[%multiple_of3A, %dma_wait3A] : memref<10000x128xf32, #tpu.memory_space<vmem_shared>> -> memref<80x128xf32, #tpu.memory_space<vmem_shared>>
        %dma_wait3A_128 = arith.constant 0 : i32
        %dma_wait3A_129 = tpu.memref_slice %arg9[%multiple_of3A, %dma_wait3A_128] : memref<10000x128xf32, #tpu.memory_space<vmem_shared>> -> memref<80x128xf32, #tpu.memory_space<vmem_shared>>
        tpu.wait_dma2 semaphore(%run_scoped3A : memref<!tpu.dma_semaphore, #tpu.memory_space<semaphore_mem>>) src(%arg7 : memref<80x128xf32, #tpu.memory_space<vmem>>) dst(%dma_wait3A_129 : memref<80x128xf32, #tpu.memory_space<vmem_shared>>)
        tpu.yield
      }) : () -> ()
    } else {
    }
    %add3A_10 = arith.constant 16 : i32
    %add3A_11 = arith.addi %arg1, %add3A_10 : i32
    %lt3A_12 = arith.constant 125 : i32
    %lt3A_13 = arith.cmpi slt, %add3A_11, %lt3A_12 : i32
    %convert_element_type3A_14 = arith.extui %lt3A_13 : i1 to i32
    %cond3A_15 = arith.constant 0 : i32
    %cond3A_16 = arith.cmpi ne, %convert_element_type3A_14, %cond3A_15 : i32
    scf.if %cond3A_16 {
      %mul3A_122 = arith.constant 80 : i32
      %mul3A_123 = arith.muli %add3A_11, %mul3A_122 : i32
      %multiple_of3A = tpu.assume_multiple %mul3A_123, 8 : i32
      "tpu.region"() ({
        %run_scoped3A = tpu.sem_alloc : memref<!tpu.dma_semaphore, #tpu.memory_space<semaphore_mem>>
        %dma_start3A = arith.constant 0 : i32
        %dma_start3A_124 = tpu.memref_slice %arg9[%multiple_of3A, %dma_start3A] : memref<10000x128xf32, #tpu.memory_space<vmem_shared>> -> memref<80x128xf32, #tpu.memory_space<vmem_shared>>
        %dma_start3A_125 = arith.constant 0 : i32
        %dma_start3A_126 = tpu.memref_slice %arg9[%multiple_of3A, %dma_start3A_125] : memref<10000x128xf32, #tpu.memory_space<vmem_shared>> -> memref<80x128xf32, #tpu.memory_space<vmem_shared>>
        tpu.enqueue_dma source(%arg7 : memref<80x128xf32, #tpu.memory_space<vmem>>) target(%dma_start3A_126 : memref<80x128xf32, #tpu.memory_space<vmem_shared>>) target_semaphore(%run_scoped3A : memref<!tpu.dma_semaphore, #tpu.memory_space<semaphore_mem>>)
        %dma_wait3A = arith.constant 0 : i32
        %dma_wait3A_127 = tpu.memref_slice %arg9[%multiple_of3A, %dma_wait3A] : memref<10000x128xf32, #tpu.memory_space<vmem_shared>> -> memref<80x128xf32, #tpu.memory_space<vmem_shared>>
        %dma_wait3A_128 = arith.constant 0 : i32
        %dma_wait3A_129 = tpu.memref_slice %arg9[%multiple_of3A, %dma_wait3A_128] : memref<10000x128xf32, #tpu.memory_space<vmem_shared>> -> memref<80x128xf32, #tpu.memory_space<vmem_shared>>
        tpu.wait_dma2 semaphore(%run_scoped3A : memref<!tpu.dma_semaphore, #tpu.memory_space<semaphore_mem>>) src(%arg7 : memref<80x128xf32, #tpu.memory_space<vmem>>) dst(%dma_wait3A_129 : memref<80x128xf32, #tpu.memory_space<vmem_shared>>)
        tpu.yield
      }) : () -> ()
    } else {
    }
    %add3A_17 = arith.constant 32 : i32
    %add3A_18 = arith.addi %arg1, %add3A_17 : i32
    %lt3A_19 = arith.constant 125 : i32
    %lt3A_20 = arith.cmpi slt, %add3A_18, %lt3A_19 : i32
    %convert_element_type3A_21 = arith.extui %lt3A_20 : i1 to i32
    %cond3A_22 = arith.constant 0 : i32
    %cond3A_23 = arith.cmpi ne, %convert_element_type3A_21, %cond3A_22 : i32
    scf.if %cond3A_23 {
      %mul3A_122 = arith.constant 80 : i32
      %mul3A_123 = arith.muli %add3A_18, %mul3A_122 : i32
      %multiple_of3A = tpu.assume_multiple %mul3A_123, 8 : i32
      "tpu.region"() ({
        %run_scoped3A = tpu.sem_alloc : memref<!tpu.dma_semaphore, #tpu.memory_space<semaphore_mem>>
        %dma_start3A = arith.constant 0 : i32
        %dma_start3A_124 = tpu.memref_slice %arg9[%multiple_of3A, %dma_start3A] : memref<10000x128xf32, #tpu.memory_space<vmem_shared>> -> memref<80x128xf32, #tpu.memory_space<vmem_shared>>
        %dma_start3A_125 = arith.constant 0 : i32
        %dma_start3A_126 = tpu.memref_slice %arg9[%multiple_of3A, %dma_start3A_125] : memref<10000x128xf32, #tpu.memory_space<vmem_shared>> -> memref<80x128xf32, #tpu.memory_space<vmem_shared>>
        tpu.enqueue_dma source(%arg7 : memref<80x128xf32, #tpu.memory_space<vmem>>) target(%dma_start3A_126 : memref<80x128xf32, #tpu.memory_space<vmem_shared>>) target_semaphore(%run_scoped3A : memref<!tpu.dma_semaphore, #tpu.memory_space<semaphore_mem>>)
        %dma_wait3A = arith.constant 0 : i32
        %dma_wait3A_127 = tpu.memref_slice %arg9[%multiple_of3A, %dma_wait3A] : memref<10000x128xf32, #tpu.memory_space<vmem_shared>> -> memref<80x128xf32, #tpu.memory_space<vmem_shared>>
        %dma_wait3A_128 = arith.constant 0 : i32
        %dma_wait3A_129 = tpu.memref_slice %arg9[%multiple_of3A, %dma_wait3A_128] : memref<10000x128xf32, #tpu.memory_space<vmem_shared>> -> memref<80x128xf32, #tpu.memory_space<vmem_shared>>
        tpu.wait_dma2 semaphore(%run_scoped3A : memref<!tpu.dma_semaphore, #tpu.memory_space<semaphore_mem>>) src(%arg7 : memref<80x128xf32, #tpu.memory_space<vmem>>) dst(%dma_wait3A_129 : memref<80x128xf32, #tpu.memory_space<vmem_shared>>)
        tpu.yield
      }) : () -> ()
    } else {
    }
    %add3A_24 = arith.constant 48 : i32
    %add3A_25 = arith.addi %arg1, %add3A_24 : i32
    %lt3A_26 = arith.constant 125 : i32
    %lt3A_27 = arith.cmpi slt, %add3A_25, %lt3A_26 : i32
    %convert_element_type3A_28 = arith.extui %lt3A_27 : i1 to i32
    %cond3A_29 = arith.constant 0 : i32
    %cond3A_30 = arith.cmpi ne, %convert_element_type3A_28, %cond3A_29 : i32
    scf.if %cond3A_30 {
      %mul3A_122 = arith.constant 80 : i32
      %mul3A_123 = arith.muli %add3A_25, %mul3A_122 : i32
      %multiple_of3A = tpu.assume_multiple %mul3A_123, 8 : i32
      "tpu.region"() ({
        %run_scoped3A = tpu.sem_alloc : memref<!tpu.dma_semaphore, #tpu.memory_space<semaphore_mem>>
        %dma_start3A = arith.constant 0 : i32
        %dma_start3A_124 = tpu.memref_slice %arg9[%multiple_of3A, %dma_start3A] : memref<10000x128xf32, #tpu.memory_space<vmem_shared>> -> memref<80x128xf32, #tpu.memory_space<vmem_shared>>
        %dma_start3A_125 = arith.constant 0 : i32
        %dma_start3A_126 = tpu.memref_slice %arg9[%multiple_of3A, %dma_start3A_125] : memref<10000x128xf32, #tpu.memory_space<vmem_shared>> -> memref<80x128xf32, #tpu.memory_space<vmem_shared>>
        tpu.enqueue_dma source(%arg7 : memref<80x128xf32, #tpu.memory_space<vmem>>) target(%dma_start3A_126 : memref<80x128xf32, #tpu.memory_space<vmem_shared>>) target_semaphore(%run_scoped3A : memref<!tpu.dma_semaphore, #tpu.memory_space<semaphore_mem>>)
        %dma_wait3A = arith.constant 0 : i32
        %dma_wait3A_127 = tpu.memref_slice %arg9[%multiple_of3A, %dma_wait3A] : memref<10000x128xf32, #tpu.memory_space<vmem_shared>> -> memref<80x128xf32, #tpu.memory_space<vmem_shared>>
        %dma_wait3A_128 = arith.constant 0 : i32
        %dma_wait3A_129 = tpu.memref_slice %arg9[%multiple_of3A, %dma_wait3A_128] : memref<10000x128xf32, #tpu.memory_space<vmem_shared>> -> memref<80x128xf32, #tpu.memory_space<vmem_shared>>
        tpu.wait_dma2 semaphore(%run_scoped3A : memref<!tpu.dma_semaphore, #tpu.memory_space<semaphore_mem>>) src(%arg7 : memref<80x128xf32, #tpu.memory_space<vmem>>) dst(%dma_wait3A_129 : memref<80x128xf32, #tpu.memory_space<vmem_shared>>)
        tpu.yield
      }) : () -> ()
    } else {
    }
    %add3A_31 = arith.constant 64 : i32
    %add3A_32 = arith.addi %arg1, %add3A_31 : i32
    %lt3A_33 = arith.constant 125 : i32
    %lt3A_34 = arith.cmpi slt, %add3A_32, %lt3A_33 : i32
    %convert_element_type3A_35 = arith.extui %lt3A_34 : i1 to i32
    %cond3A_36 = arith.constant 0 : i32
    %cond3A_37 = arith.cmpi ne, %convert_element_type3A_35, %cond3A_36 : i32
    scf.if %cond3A_37 {
      %mul3A_122 = arith.constant 80 : i32
      %mul3A_123 = arith.muli %add3A_32, %mul3A_122 : i32
      %multiple_of3A = tpu.assume_multiple %mul3A_123, 8 : i32
      "tpu.region"() ({
        %run_scoped3A = tpu.sem_alloc : memref<!tpu.dma_semaphore, #tpu.memory_space<semaphore_mem>>
        %dma_start3A = arith.constant 0 : i32
        %dma_start3A_124 = tpu.memref_slice %arg9[%multiple_of3A, %dma_start3A] : memref<10000x128xf32, #tpu.memory_space<vmem_shared>> -> memref<80x128xf32, #tpu.memory_space<vmem_shared>>
        %dma_start3A_125 = arith.constant 0 : i32
        %dma_start3A_126 = tpu.memref_slice %arg9[%multiple_of3A, %dma_start3A_125] : memref<10000x128xf32, #tpu.memory_space<vmem_shared>> -> memref<80x128xf32, #tpu.memory_space<vmem_shared>>
        tpu.enqueue_dma source(%arg7 : memref<80x128xf32, #tpu.memory_space<vmem>>) target(%dma_start3A_126 : memref<80x128xf32, #tpu.memory_space<vmem_shared>>) target_semaphore(%run_scoped3A : memref<!tpu.dma_semaphore, #tpu.memory_space<semaphore_mem>>)
        %dma_wait3A = arith.constant 0 : i32
        %dma_wait3A_127 = tpu.memref_slice %arg9[%multiple_of3A, %dma_wait3A] : memref<10000x128xf32, #tpu.memory_space<vmem_shared>> -> memref<80x128xf32, #tpu.memory_space<vmem_shared>>
        %dma_wait3A_128 = arith.constant 0 : i32
        %dma_wait3A_129 = tpu.memref_slice %arg9[%multiple_of3A, %dma_wait3A_128] : memref<10000x128xf32, #tpu.memory_space<vmem_shared>> -> memref<80x128xf32, #tpu.memory_space<vmem_shared>>
        tpu.wait_dma2 semaphore(%run_scoped3A : memref<!tpu.dma_semaphore, #tpu.memory_space<semaphore_mem>>) src(%arg7 : memref<80x128xf32, #tpu.memory_space<vmem>>) dst(%dma_wait3A_129 : memref<80x128xf32, #tpu.memory_space<vmem_shared>>)
        tpu.yield
      }) : () -> ()
    } else {
    }
    %add3A_38 = arith.constant 80 : i32
    %add3A_39 = arith.addi %arg1, %add3A_38 : i32
    %lt3A_40 = arith.constant 125 : i32
    %lt3A_41 = arith.cmpi slt, %add3A_39, %lt3A_40 : i32
    %convert_element_type3A_42 = arith.extui %lt3A_41 : i1 to i32
    %cond3A_43 = arith.constant 0 : i32
    %cond3A_44 = arith.cmpi ne, %convert_element_type3A_42, %cond3A_43 : i32
    scf.if %cond3A_44 {
      %mul3A_122 = arith.constant 80 : i32
      %mul3A_123 = arith.muli %add3A_39, %mul3A_122 : i32
      %multiple_of3A = tpu.assume_multiple %mul3A_123, 8 : i32
      "tpu.region"() ({
        %run_scoped3A = tpu.sem_alloc : memref<!tpu.dma_semaphore, #tpu.memory_space<semaphore_mem>>
        %dma_start3A = arith.constant 0 : i32
        %dma_start3A_124 = tpu.memref_slice %arg9[%multiple_of3A, %dma_start3A] : memref<10000x128xf32, #tpu.memory_space<vmem_shared>> -> memref<80x128xf32, #tpu.memory_space<vmem_shared>>
        %dma_start3A_125 = arith.constant 0 : i32
        %dma_start3A_126 = tpu.memref_slice %arg9[%multiple_of3A, %dma_start3A_125] : memref<10000x128xf32, #tpu.memory_space<vmem_shared>> -> memref<80x128xf32, #tpu.memory_space<vmem_shared>>
        tpu.enqueue_dma source(%arg7 : memref<80x128xf32, #tpu.memory_space<vmem>>) target(%dma_start3A_126 : memref<80x128xf32, #tpu.memory_space<vmem_shared>>) target_semaphore(%run_scoped3A : memref<!tpu.dma_semaphore, #tpu.memory_space<semaphore_mem>>)
        %dma_wait3A = arith.constant 0 : i32
        %dma_wait3A_127 = tpu.memref_slice %arg9[%multiple_of3A, %dma_wait3A] : memref<10000x128xf32, #tpu.memory_space<vmem_shared>> -> memref<80x128xf32, #tpu.memory_space<vmem_shared>>
        %dma_wait3A_128 = arith.constant 0 : i32
        %dma_wait3A_129 = tpu.memref_slice %arg9[%multiple_of3A, %dma_wait3A_128] : memref<10000x128xf32, #tpu.memory_space<vmem_shared>> -> memref<80x128xf32, #tpu.memory_space<vmem_shared>>
        tpu.wait_dma2 semaphore(%run_scoped3A : memref<!tpu.dma_semaphore, #tpu.memory_space<semaphore_mem>>) src(%arg7 : memref<80x128xf32, #tpu.memory_space<vmem>>) dst(%dma_wait3A_129 : memref<80x128xf32, #tpu.memory_space<vmem_shared>>)
        tpu.yield
      }) : () -> ()
    } else {
    }
    %add3A_45 = arith.constant 96 : i32
    %add3A_46 = arith.addi %arg1, %add3A_45 : i32
    %lt3A_47 = arith.constant 125 : i32
    %lt3A_48 = arith.cmpi slt, %add3A_46, %lt3A_47 : i32
    %convert_element_type3A_49 = arith.extui %lt3A_48 : i1 to i32
    %cond3A_50 = arith.constant 0 : i32
    %cond3A_51 = arith.cmpi ne, %convert_element_type3A_49, %cond3A_50 : i32
    scf.if %cond3A_51 {
      %mul3A_122 = arith.constant 80 : i32
      %mul3A_123 = arith.muli %add3A_46, %mul3A_122 : i32
      %multiple_of3A = tpu.assume_multiple %mul3A_123, 8 : i32
      "tpu.region"() ({
        %run_scoped3A = tpu.sem_alloc : memref<!tpu.dma_semaphore, #tpu.memory_space<semaphore_mem>>
        %dma_start3A = arith.constant 0 : i32
        %dma_start3A_124 = tpu.memref_slice %arg9[%multiple_of3A, %dma_start3A] : memref<10000x128xf32, #tpu.memory_space<vmem_shared>> -> memref<80x128xf32, #tpu.memory_space<vmem_shared>>
        %dma_start3A_125 = arith.constant 0 : i32
        %dma_start3A_126 = tpu.memref_slice %arg9[%multiple_of3A, %dma_start3A_125] : memref<10000x128xf32, #tpu.memory_space<vmem_shared>> -> memref<80x128xf32, #tpu.memory_space<vmem_shared>>
        tpu.enqueue_dma source(%arg7 : memref<80x128xf32, #tpu.memory_space<vmem>>) target(%dma_start3A_126 : memref<80x128xf32, #tpu.memory_space<vmem_shared>>) target_semaphore(%run_scoped3A : memref<!tpu.dma_semaphore, #tpu.memory_space<semaphore_mem>>)
        %dma_wait3A = arith.constant 0 : i32
        %dma_wait3A_127 = tpu.memref_slice %arg9[%multiple_of3A, %dma_wait3A] : memref<10000x128xf32, #tpu.memory_space<vmem_shared>> -> memref<80x128xf32, #tpu.memory_space<vmem_shared>>
        %dma_wait3A_128 = arith.constant 0 : i32
        %dma_wait3A_129 = tpu.memref_slice %arg9[%multiple_of3A, %dma_wait3A_128] : memref<10000x128xf32, #tpu.memory_space<vmem_shared>> -> memref<80x128xf32, #tpu.memory_space<vmem_shared>>
        tpu.wait_dma2 semaphore(%run_scoped3A : memref<!tpu.dma_semaphore, #tpu.memory_space<semaphore_mem>>) src(%arg7 : memref<80x128xf32, #tpu.memory_space<vmem>>) dst(%dma_wait3A_129 : memref<80x128xf32, #tpu.memory_space<vmem_shared>>)
        tpu.yield
      }) : () -> ()
    } else {
    }
    %add3A_52 = arith.constant 112 : i32
    %add3A_53 = arith.addi %arg1, %add3A_52 : i32
    %lt3A_54 = arith.constant 125 : i32
    %lt3A_55 = arith.cmpi slt, %add3A_53, %lt3A_54 : i32
    %convert_element_type3A_56 = arith.extui %lt3A_55 : i1 to i32
    %cond3A_57 = arith.constant 0 : i32
    %cond3A_58 = arith.cmpi ne, %convert_element_type3A_56, %cond3A_57 : i32
    scf.if %cond3A_58 {
      %mul3A_122 = arith.constant 80 : i32
      %mul3A_123 = arith.muli %add3A_53, %mul3A_122 : i32
      %multiple_of3A = tpu.assume_multiple %mul3A_123, 8 : i32
      "tpu.region"() ({
        %run_scoped3A = tpu.sem_alloc : memref<!tpu.dma_semaphore, #tpu.memory_space<semaphore_mem>>
        %dma_start3A = arith.constant 0 : i32
        %dma_start3A_124 = tpu.memref_slice %arg9[%multiple_of3A, %dma_start3A] : memref<10000x128xf32, #tpu.memory_space<vmem_shared>> -> memref<80x128xf32, #tpu.memory_space<vmem_shared>>
        %dma_start3A_125 = arith.constant 0 : i32
        %dma_start3A_126 = tpu.memref_slice %arg9[%multiple_of3A, %dma_start3A_125] : memref<10000x128xf32, #tpu.memory_space<vmem_shared>> -> memref<80x128xf32, #tpu.memory_space<vmem_shared>>
        tpu.enqueue_dma source(%arg7 : memref<80x128xf32, #tpu.memory_space<vmem>>) target(%dma_start3A_126 : memref<80x128xf32, #tpu.memory_space<vmem_shared>>) target_semaphore(%run_scoped3A : memref<!tpu.dma_semaphore, #tpu.memory_space<semaphore_mem>>)
        %dma_wait3A = arith.constant 0 : i32
        %dma_wait3A_127 = tpu.memref_slice %arg9[%multiple_of3A, %dma_wait3A] : memref<10000x128xf32, #tpu.memory_space<vmem_shared>> -> memref<80x128xf32, #tpu.memory_space<vmem_shared>>
        %dma_wait3A_128 = arith.constant 0 : i32
        %dma_wait3A_129 = tpu.memref_slice %arg9[%multiple_of3A, %dma_wait3A_128] : memref<10000x128xf32, #tpu.memory_space<vmem_shared>> -> memref<80x128xf32, #tpu.memory_space<vmem_shared>>
        tpu.wait_dma2 semaphore(%run_scoped3A : memref<!tpu.dma_semaphore, #tpu.memory_space<semaphore_mem>>) src(%arg7 : memref<80x128xf32, #tpu.memory_space<vmem>>) dst(%dma_wait3A_129 : memref<80x128xf32, #tpu.memory_space<vmem_shared>>)
        tpu.yield
      }) : () -> ()
    } else {
    }
    %barrier3A = arith.constant 0 : index
    tpu.barrier barrier_id(%barrier3A)
    %scan3A_59 = arith.constant 0 : i32
    %scan3A_60 = arith.constant 0 : i32
    %scan3A_61 = arith.constant 25 : i32
    %scan3A_62 = arith.addi %scan3A_60, %scan3A_61 : i32
    %scan3A_63 = arith.constant 1 : i32
    scf.for %scan3A_122 = %scan3A_60 to %scan3A_62 step %scan3A_63  : i32 {
      %mul3A_123 = arith.constant 2 : i32
      %mul3A_124 = arith.muli %scan3A_122, %mul3A_123 : i32
      %mul3A_125 = arith.constant 4000 : i32
      %mul3A_126 = arith.muli %add3A, %mul3A_125 : i32
      %add3A_127 = arith.constant 0 : i32
      %add3A_128 = arith.addi %mul3A_124, %add3A_127 : i32
      %mul3A_129 = arith.constant 80 : i32
      %mul3A_130 = arith.muli %add3A_128, %mul3A_129 : i32
      %add3A_131 = arith.addi %mul3A_126, %mul3A_130 : i32
      %multiple_of3A = tpu.assume_multiple %add3A_131, 8 : i32
      %add3A_132 = arith.constant 192000 : i32
      %add3A_133 = arith.addi %add3A_132, %multiple_of3A : i32
      %multiple_of3A_134 = tpu.assume_multiple %add3A_133, 8 : i32
      %dma_start3A = tpu.memref_slice %arg3[%multiple_of3A] : memref<128000xi32, #tpu.memory_space<hbm>> -> memref<80xi32, #tpu.memory_space<hbm>>
      %dma_start3A_135 = tpu.memref_slice %arg3[%multiple_of3A] : memref<128000xi32, #tpu.memory_space<hbm>> -> memref<80xi32, #tpu.memory_space<hbm>>
      tpu.enqueue_dma source(%dma_start3A_135 : memref<80xi32, #tpu.memory_space<hbm>>) target(%arg5 : memref<80xi32, #tpu.memory_space<vmem>>) target_semaphore(%arg10 : memref<!tpu.dma_semaphore, #tpu.memory_space<semaphore_mem>>)
      %dma_start3A_136 = arith.constant 0 : i32
      %dma_start3A_137 = tpu.memref_slice %arg2[%multiple_of3A_134, %dma_start3A_136] : memref<320000x128xf32, #tpu.memory_space<hbm>> -> memref<80x128xf32, #tpu.memory_space<hbm>>
      %dma_start3A_138 = arith.constant 0 : i32
      %dma_start3A_139 = tpu.memref_slice %arg2[%multiple_of3A_134, %dma_start3A_138] : memref<320000x128xf32, #tpu.memory_space<hbm>> -> memref<80x128xf32, #tpu.memory_space<hbm>>
      tpu.enqueue_dma source(%dma_start3A_139 : memref<80x128xf32, #tpu.memory_space<hbm>>) target(%arg7 : memref<80x128xf32, #tpu.memory_space<vmem>>) target_semaphore(%arg12 : memref<!tpu.dma_semaphore, #tpu.memory_space<semaphore_mem>>)
      %mul3A_140 = arith.constant 4000 : i32
      %mul3A_141 = arith.muli %add3A, %mul3A_140 : i32
      %add3A_142 = arith.constant 1 : i32
      %add3A_143 = arith.addi %mul3A_124, %add3A_142 : i32
      %mul3A_144 = arith.constant 80 : i32
      %mul3A_145 = arith.muli %add3A_143, %mul3A_144 : i32
      %add3A_146 = arith.addi %mul3A_141, %mul3A_145 : i32
      %multiple_of3A_147 = tpu.assume_multiple %add3A_146, 8 : i32
      %add3A_148 = arith.constant 192000 : i32
      %add3A_149 = arith.addi %add3A_148, %multiple_of3A_147 : i32
      %multiple_of3A_150 = tpu.assume_multiple %add3A_149, 8 : i32
      %dma_start3A_151 = tpu.memref_slice %arg3[%multiple_of3A_147] : memref<128000xi32, #tpu.memory_space<hbm>> -> memref<80xi32, #tpu.memory_space<hbm>>
      %dma_start3A_152 = tpu.memref_slice %arg3[%multiple_of3A_147] : memref<128000xi32, #tpu.memory_space<hbm>> -> memref<80xi32, #tpu.memory_space<hbm>>
      tpu.enqueue_dma source(%dma_start3A_152 : memref<80xi32, #tpu.memory_space<hbm>>) target(%arg6 : memref<80xi32, #tpu.memory_space<vmem>>) target_semaphore(%arg11 : memref<!tpu.dma_semaphore, #tpu.memory_space<semaphore_mem>>)
      %dma_start3A_153 = arith.constant 0 : i32
      %dma_start3A_154 = tpu.memref_slice %arg2[%multiple_of3A_150, %dma_start3A_153] : memref<320000x128xf32, #tpu.memory_space<hbm>> -> memref<80x128xf32, #tpu.memory_space<hbm>>
      %dma_start3A_155 = arith.constant 0 : i32
      %dma_start3A_156 = tpu.memref_slice %arg2[%multiple_of3A_150, %dma_start3A_155] : memref<320000x128xf32, #tpu.memory_space<hbm>> -> memref<80x128xf32, #tpu.memory_space<hbm>>
      tpu.enqueue_dma source(%dma_start3A_156 : memref<80x128xf32, #tpu.memory_space<hbm>>) target(%arg8 : memref<80x128xf32, #tpu.memory_space<vmem>>) target_semaphore(%arg13 : memref<!tpu.dma_semaphore, #tpu.memory_space<semaphore_mem>>)
      %dma_wait3A = tpu.memref_slice %arg3[%multiple_of3A] : memref<128000xi32, #tpu.memory_space<hbm>> -> memref<80xi32, #tpu.memory_space<hbm>>
      %dma_wait3A_157 = tpu.memref_slice %arg3[%multiple_of3A] : memref<128000xi32, #tpu.memory_space<hbm>> -> memref<80xi32, #tpu.memory_space<hbm>>
      tpu.wait_dma2 semaphore(%arg10 : memref<!tpu.dma_semaphore, #tpu.memory_space<semaphore_mem>>) src(%dma_wait3A_157 : memref<80xi32, #tpu.memory_space<hbm>>) dst(%arg5 : memref<80xi32, #tpu.memory_space<vmem>>)
      %dma_wait3A_158 = arith.constant 0 : i32
      %dma_wait3A_159 = tpu.memref_slice %arg2[%multiple_of3A_134, %dma_wait3A_158] : memref<320000x128xf32, #tpu.memory_space<hbm>> -> memref<80x128xf32, #tpu.memory_space<hbm>>
      %dma_wait3A_160 = arith.constant 0 : i32
      %dma_wait3A_161 = tpu.memref_slice %arg2[%multiple_of3A_134, %dma_wait3A_160] : memref<320000x128xf32, #tpu.memory_space<hbm>> -> memref<80x128xf32, #tpu.memory_space<hbm>>
      tpu.wait_dma2 semaphore(%arg12 : memref<!tpu.dma_semaphore, #tpu.memory_space<semaphore_mem>>) src(%dma_wait3A_161 : memref<80x128xf32, #tpu.memory_space<hbm>>) dst(%arg7 : memref<80x128xf32, #tpu.memory_space<vmem>>)
      "tpu.region"() ({
        %run_scoped3A = tpu.sem_alloc : memref<!tpu.dma_semaphore, #tpu.memory_space<semaphore_mem>>
        %dma_start3A_168 = arith.constant 0 : i32
        %dma_start3A_169 = arith.constant 0 : i32
        %dma_start3A_170 = tpu.memref_slice %arg9[%dma_start3A_168, %dma_start3A_169] : memref<10000x128xf32, #tpu.memory_space<vmem_shared>> -> memref<10000x128xf32, #tpu.memory_space<vmem_shared>>
        tpu.enqueue_indirect_dma source(%arg7 : memref<80x128xf32, #tpu.memory_space<vmem>>) target(%dma_start3A_170 : memref<10000x128xf32, #tpu.memory_space<vmem_shared>>) offsets(%arg5 : memref<80xi32, #tpu.memory_space<vmem>>) semaphore(%run_scoped3A : memref<!tpu.dma_semaphore, #tpu.memory_space<semaphore_mem>>) {add = true}
        %dma_wait3A_171 = arith.constant 0 : i32
        %dma_wait3A_172 = arith.constant 0 : i32
        %dma_wait3A_173 = tpu.memref_slice %arg9[%dma_wait3A_171, %dma_wait3A_172] : memref<10000x128xf32, #tpu.memory_space<vmem_shared>> -> memref<10000x128xf32, #tpu.memory_space<vmem_shared>>
        tpu.wait_indirect_dma semaphore(%run_scoped3A : memref<!tpu.dma_semaphore, #tpu.memory_space<semaphore_mem>>) src(%arg7 : memref<80x128xf32, #tpu.memory_space<vmem>>) dst(%dma_wait3A_173 : memref<10000x128xf32, #tpu.memory_space<vmem_shared>>)
        tpu.yield
      }) : () -> ()
      %dma_wait3A_162 = tpu.memref_slice %arg3[%multiple_of3A_147] : memref<128000xi32, #tpu.memory_space<hbm>> -> memref<80xi32, #tpu.memory_space<hbm>>
      %dma_wait3A_163 = tpu.memref_slice %arg3[%multiple_of3A_147] : memref<128000xi32, #tpu.memory_space<hbm>> -> memref<80xi32, #tpu.memory_space<hbm>>
      tpu.wait_dma2 semaphore(%arg11 : memref<!tpu.dma_semaphore, #tpu.memory_space<semaphore_mem>>) src(%dma_wait3A_163 : memref<80xi32, #tpu.memory_space<hbm>>) dst(%arg6 : memref<80xi32, #tpu.memory_space<vmem>>)
      %dma_wait3A_164 = arith.constant 0 : i32
      %dma_wait3A_165 = tpu.memref_slice %arg2[%multiple_of3A_150, %dma_wait3A_164] : memref<320000x128xf32, #tpu.memory_space<hbm>> -> memref<80x128xf32, #tpu.memory_space<hbm>>
      %dma_wait3A_166 = arith.constant 0 : i32
      %dma_wait3A_167 = tpu.memref_slice %arg2[%multiple_of3A_150, %dma_wait3A_166] : memref<320000x128xf32, #tpu.memory_space<hbm>> -> memref<80x128xf32, #tpu.memory_space<hbm>>
      tpu.wait_dma2 semaphore(%arg13 : memref<!tpu.dma_semaphore, #tpu.memory_space<semaphore_mem>>) src(%dma_wait3A_167 : memref<80x128xf32, #tpu.memory_space<hbm>>) dst(%arg8 : memref<80x128xf32, #tpu.memory_space<vmem>>)
      "tpu.region"() ({
        %run_scoped3A = tpu.sem_alloc : memref<!tpu.dma_semaphore, #tpu.memory_space<semaphore_mem>>
        %dma_start3A_168 = arith.constant 0 : i32
        %dma_start3A_169 = arith.constant 0 : i32
        %dma_start3A_170 = tpu.memref_slice %arg9[%dma_start3A_168, %dma_start3A_169] : memref<10000x128xf32, #tpu.memory_space<vmem_shared>> -> memref<10000x128xf32, #tpu.memory_space<vmem_shared>>
        tpu.enqueue_indirect_dma source(%arg8 : memref<80x128xf32, #tpu.memory_space<vmem>>) target(%dma_start3A_170 : memref<10000x128xf32, #tpu.memory_space<vmem_shared>>) offsets(%arg6 : memref<80xi32, #tpu.memory_space<vmem>>) semaphore(%run_scoped3A : memref<!tpu.dma_semaphore, #tpu.memory_space<semaphore_mem>>) {add = true}
        %dma_wait3A_171 = arith.constant 0 : i32
        %dma_wait3A_172 = arith.constant 0 : i32
        %dma_wait3A_173 = tpu.memref_slice %arg9[%dma_wait3A_171, %dma_wait3A_172] : memref<10000x128xf32, #tpu.memory_space<vmem_shared>> -> memref<10000x128xf32, #tpu.memory_space<vmem_shared>>
        tpu.wait_indirect_dma semaphore(%run_scoped3A : memref<!tpu.dma_semaphore, #tpu.memory_space<semaphore_mem>>) src(%arg8 : memref<80x128xf32, #tpu.memory_space<vmem>>) dst(%dma_wait3A_173 : memref<10000x128xf32, #tpu.memory_space<vmem_shared>>)
        tpu.yield
      }) : () -> ()
    }
    %scan3A_64 = arith.constant 25 : i32
    %barrier3A_65 = arith.constant 0 : index
    tpu.barrier barrier_id(%barrier3A_65)
    %add3A_66 = arith.constant 0 : i32
    %add3A_67 = arith.addi %arg1, %add3A_66 : i32
    %lt3A_68 = arith.constant 125 : i32
    %lt3A_69 = arith.cmpi slt, %add3A_67, %lt3A_68 : i32
    %convert_element_type3A_70 = arith.extui %lt3A_69 : i1 to i32
    %cond3A_71 = arith.constant 0 : i32
    %cond3A_72 = arith.cmpi ne, %convert_element_type3A_70, %cond3A_71 : i32
    scf.if %cond3A_72 {
      %mul3A_122 = arith.constant 80 : i32
      %mul3A_123 = arith.muli %add3A_67, %mul3A_122 : i32
      %multiple_of3A = tpu.assume_multiple %mul3A_123, 8 : i32
      "tpu.region"() ({
        %run_scoped3A = tpu.sem_alloc : memref<!tpu.dma_semaphore, #tpu.memory_space<semaphore_mem>>
        %dma_start3A = arith.constant 0 : i32
        %dma_start3A_124 = tpu.memref_slice %arg9[%multiple_of3A, %dma_start3A] : memref<10000x128xf32, #tpu.memory_space<vmem_shared>> -> memref<80x128xf32, #tpu.memory_space<vmem_shared>>
        %dma_start3A_125 = arith.constant 0 : i32
        %dma_start3A_126 = tpu.memref_slice %arg9[%multiple_of3A, %dma_start3A_125] : memref<10000x128xf32, #tpu.memory_space<vmem_shared>> -> memref<80x128xf32, #tpu.memory_space<vmem_shared>>
        tpu.enqueue_dma source(%dma_start3A_126 : memref<80x128xf32, #tpu.memory_space<vmem_shared>>) target(%arg7 : memref<80x128xf32, #tpu.memory_space<vmem>>) target_semaphore(%run_scoped3A : memref<!tpu.dma_semaphore, #tpu.memory_space<semaphore_mem>>)
        %dma_wait3A = arith.constant 0 : i32
        %dma_wait3A_127 = tpu.memref_slice %arg9[%multiple_of3A, %dma_wait3A] : memref<10000x128xf32, #tpu.memory_space<vmem_shared>> -> memref<80x128xf32, #tpu.memory_space<vmem_shared>>
        %dma_wait3A_128 = arith.constant 0 : i32
        %dma_wait3A_129 = tpu.memref_slice %arg9[%multiple_of3A, %dma_wait3A_128] : memref<10000x128xf32, #tpu.memory_space<vmem_shared>> -> memref<80x128xf32, #tpu.memory_space<vmem_shared>>
        tpu.wait_dma2 semaphore(%run_scoped3A : memref<!tpu.dma_semaphore, #tpu.memory_space<semaphore_mem>>) src(%dma_wait3A_129 : memref<80x128xf32, #tpu.memory_space<vmem_shared>>) dst(%arg7 : memref<80x128xf32, #tpu.memory_space<vmem>>)
        tpu.yield
      }) : () -> ()
      "tpu.region"() ({
        %run_scoped3A = tpu.sem_alloc : memref<!tpu.dma_semaphore, #tpu.memory_space<semaphore_mem>>
        %dma_start3A = arith.constant 0 : i32
        %dma_start3A_124 = tpu.memref_slice %arg4[%arg0, %multiple_of3A, %dma_start3A] : memref<2x10000x128xf32, #tpu.memory_space<hbm>> -> memref<1x80x128xf32, #tpu.memory_space<hbm>>
        %dma_start3A_125 = tpu.memref_squeeze %dma_start3A_124 : memref<1x80x128xf32, #tpu.memory_space<hbm>> -> memref<80x128xf32, #tpu.memory_space<hbm>>
        %dma_start3A_126 = arith.constant 0 : i32
        %dma_start3A_127 = tpu.memref_slice %arg4[%arg0, %multiple_of3A, %dma_start3A_126] : memref<2x10000x128xf32, #tpu.memory_space<hbm>> -> memref<1x80x128xf32, #tpu.memory_space<hbm>>
        %dma_start3A_128 = tpu.memref_squeeze %dma_start3A_127 : memref<1x80x128xf32, #tpu.memory_space<hbm>> -> memref<80x128xf32, #tpu.memory_space<hbm>>
        tpu.enqueue_dma source(%arg7 : memref<80x128xf32, #tpu.memory_space<vmem>>) target(%dma_start3A_128 : memref<80x128xf32, #tpu.memory_space<hbm>>) target_semaphore(%run_scoped3A : memref<!tpu.dma_semaphore, #tpu.memory_space<semaphore_mem>>)
        %dma_wait3A = arith.constant 0 : i32
        %dma_wait3A_129 = tpu.memref_slice %arg4[%arg0, %multiple_of3A, %dma_wait3A] : memref<2x10000x128xf32, #tpu.memory_space<hbm>> -> memref<1x80x128xf32, #tpu.memory_space<hbm>>
        %dma_wait3A_130 = tpu.memref_squeeze %dma_wait3A_129 : memref<1x80x128xf32, #tpu.memory_space<hbm>> -> memref<80x128xf32, #tpu.memory_space<hbm>>
        %dma_wait3A_131 = arith.constant 0 : i32
        %dma_wait3A_132 = tpu.memref_slice %arg4[%arg0, %multiple_of3A, %dma_wait3A_131] : memref<2x10000x128xf32, #tpu.memory_space<hbm>> -> memref<1x80x128xf32, #tpu.memory_space<hbm>>
        %dma_wait3A_133 = tpu.memref_squeeze %dma_wait3A_132 : memref<1x80x128xf32, #tpu.memory_space<hbm>> -> memref<80x128xf32, #tpu.memory_space<hbm>>
        tpu.wait_dma2 semaphore(%run_scoped3A : memref<!tpu.dma_semaphore, #tpu.memory_space<semaphore_mem>>) src(%arg7 : memref<80x128xf32, #tpu.memory_space<vmem>>) dst(%dma_wait3A_133 : memref<80x128xf32, #tpu.memory_space<hbm>>)
        tpu.yield
      }) : () -> ()
    } else {
    }
    %add3A_73 = arith.constant 16 : i32
    %add3A_74 = arith.addi %arg1, %add3A_73 : i32
    %lt3A_75 = arith.constant 125 : i32
    %lt3A_76 = arith.cmpi slt, %add3A_74, %lt3A_75 : i32
    %convert_element_type3A_77 = arith.extui %lt3A_76 : i1 to i32
    %cond3A_78 = arith.constant 0 : i32
    %cond3A_79 = arith.cmpi ne, %convert_element_type3A_77, %cond3A_78 : i32
    scf.if %cond3A_79 {
      %mul3A_122 = arith.constant 80 : i32
      %mul3A_123 = arith.muli %add3A_74, %mul3A_122 : i32
      %multiple_of3A = tpu.assume_multiple %mul3A_123, 8 : i32
      "tpu.region"() ({
        %run_scoped3A = tpu.sem_alloc : memref<!tpu.dma_semaphore, #tpu.memory_space<semaphore_mem>>
        %dma_start3A = arith.constant 0 : i32
        %dma_start3A_124 = tpu.memref_slice %arg9[%multiple_of3A, %dma_start3A] : memref<10000x128xf32, #tpu.memory_space<vmem_shared>> -> memref<80x128xf32, #tpu.memory_space<vmem_shared>>
        %dma_start3A_125 = arith.constant 0 : i32
        %dma_start3A_126 = tpu.memref_slice %arg9[%multiple_of3A, %dma_start3A_125] : memref<10000x128xf32, #tpu.memory_space<vmem_shared>> -> memref<80x128xf32, #tpu.memory_space<vmem_shared>>
        tpu.enqueue_dma source(%dma_start3A_126 : memref<80x128xf32, #tpu.memory_space<vmem_shared>>) target(%arg7 : memref<80x128xf32, #tpu.memory_space<vmem>>) target_semaphore(%run_scoped3A : memref<!tpu.dma_semaphore, #tpu.memory_space<semaphore_mem>>)
        %dma_wait3A = arith.constant 0 : i32
        %dma_wait3A_127 = tpu.memref_slice %arg9[%multiple_of3A, %dma_wait3A] : memref<10000x128xf32, #tpu.memory_space<vmem_shared>> -> memref<80x128xf32, #tpu.memory_space<vmem_shared>>
        %dma_wait3A_128 = arith.constant 0 : i32
        %dma_wait3A_129 = tpu.memref_slice %arg9[%multiple_of3A, %dma_wait3A_128] : memref<10000x128xf32, #tpu.memory_space<vmem_shared>> -> memref<80x128xf32, #tpu.memory_space<vmem_shared>>
        tpu.wait_dma2 semaphore(%run_scoped3A : memref<!tpu.dma_semaphore, #tpu.memory_space<semaphore_mem>>) src(%dma_wait3A_129 : memref<80x128xf32, #tpu.memory_space<vmem_shared>>) dst(%arg7 : memref<80x128xf32, #tpu.memory_space<vmem>>)
        tpu.yield
      }) : () -> ()
      "tpu.region"() ({
        %run_scoped3A = tpu.sem_alloc : memref<!tpu.dma_semaphore, #tpu.memory_space<semaphore_mem>>
        %dma_start3A = arith.constant 0 : i32
        %dma_start3A_124 = tpu.memref_slice %arg4[%arg0, %multiple_of3A, %dma_start3A] : memref<2x10000x128xf32, #tpu.memory_space<hbm>> -> memref<1x80x128xf32, #tpu.memory_space<hbm>>
        %dma_start3A_125 = tpu.memref_squeeze %dma_start3A_124 : memref<1x80x128xf32, #tpu.memory_space<hbm>> -> memref<80x128xf32, #tpu.memory_space<hbm>>
        %dma_start3A_126 = arith.constant 0 : i32
        %dma_start3A_127 = tpu.memref_slice %arg4[%arg0, %multiple_of3A, %dma_start3A_126] : memref<2x10000x128xf32, #tpu.memory_space<hbm>> -> memref<1x80x128xf32, #tpu.memory_space<hbm>>
        %dma_start3A_128 = tpu.memref_squeeze %dma_start3A_127 : memref<1x80x128xf32, #tpu.memory_space<hbm>> -> memref<80x128xf32, #tpu.memory_space<hbm>>
        tpu.enqueue_dma source(%arg7 : memref<80x128xf32, #tpu.memory_space<vmem>>) target(%dma_start3A_128 : memref<80x128xf32, #tpu.memory_space<hbm>>) target_semaphore(%run_scoped3A : memref<!tpu.dma_semaphore, #tpu.memory_space<semaphore_mem>>)
        %dma_wait3A = arith.constant 0 : i32
        %dma_wait3A_129 = tpu.memref_slice %arg4[%arg0, %multiple_of3A, %dma_wait3A] : memref<2x10000x128xf32, #tpu.memory_space<hbm>> -> memref<1x80x128xf32, #tpu.memory_space<hbm>>
        %dma_wait3A_130 = tpu.memref_squeeze %dma_wait3A_129 : memref<1x80x128xf32, #tpu.memory_space<hbm>> -> memref<80x128xf32, #tpu.memory_space<hbm>>
        %dma_wait3A_131 = arith.constant 0 : i32
        %dma_wait3A_132 = tpu.memref_slice %arg4[%arg0, %multiple_of3A, %dma_wait3A_131] : memref<2x10000x128xf32, #tpu.memory_space<hbm>> -> memref<1x80x128xf32, #tpu.memory_space<hbm>>
        %dma_wait3A_133 = tpu.memref_squeeze %dma_wait3A_132 : memref<1x80x128xf32, #tpu.memory_space<hbm>> -> memref<80x128xf32, #tpu.memory_space<hbm>>
        tpu.wait_dma2 semaphore(%run_scoped3A : memref<!tpu.dma_semaphore, #tpu.memory_space<semaphore_mem>>) src(%arg7 : memref<80x128xf32, #tpu.memory_space<vmem>>) dst(%dma_wait3A_133 : memref<80x128xf32, #tpu.memory_space<hbm>>)
        tpu.yield
      }) : () -> ()
    } else {
    }
    %add3A_80 = arith.constant 32 : i32
    %add3A_81 = arith.addi %arg1, %add3A_80 : i32
    %lt3A_82 = arith.constant 125 : i32
    %lt3A_83 = arith.cmpi slt, %add3A_81, %lt3A_82 : i32
    %convert_element_type3A_84 = arith.extui %lt3A_83 : i1 to i32
    %cond3A_85 = arith.constant 0 : i32
    %cond3A_86 = arith.cmpi ne, %convert_element_type3A_84, %cond3A_85 : i32
    scf.if %cond3A_86 {
      %mul3A_122 = arith.constant 80 : i32
      %mul3A_123 = arith.muli %add3A_81, %mul3A_122 : i32
      %multiple_of3A = tpu.assume_multiple %mul3A_123, 8 : i32
      "tpu.region"() ({
        %run_scoped3A = tpu.sem_alloc : memref<!tpu.dma_semaphore, #tpu.memory_space<semaphore_mem>>
        %dma_start3A = arith.constant 0 : i32
        %dma_start3A_124 = tpu.memref_slice %arg9[%multiple_of3A, %dma_start3A] : memref<10000x128xf32, #tpu.memory_space<vmem_shared>> -> memref<80x128xf32, #tpu.memory_space<vmem_shared>>
        %dma_start3A_125 = arith.constant 0 : i32
        %dma_start3A_126 = tpu.memref_slice %arg9[%multiple_of3A, %dma_start3A_125] : memref<10000x128xf32, #tpu.memory_space<vmem_shared>> -> memref<80x128xf32, #tpu.memory_space<vmem_shared>>
        tpu.enqueue_dma source(%dma_start3A_126 : memref<80x128xf32, #tpu.memory_space<vmem_shared>>) target(%arg7 : memref<80x128xf32, #tpu.memory_space<vmem>>) target_semaphore(%run_scoped3A : memref<!tpu.dma_semaphore, #tpu.memory_space<semaphore_mem>>)
        %dma_wait3A = arith.constant 0 : i32
        %dma_wait3A_127 = tpu.memref_slice %arg9[%multiple_of3A, %dma_wait3A] : memref<10000x128xf32, #tpu.memory_space<vmem_shared>> -> memref<80x128xf32, #tpu.memory_space<vmem_shared>>
        %dma_wait3A_128 = arith.constant 0 : i32
        %dma_wait3A_129 = tpu.memref_slice %arg9[%multiple_of3A, %dma_wait3A_128] : memref<10000x128xf32, #tpu.memory_space<vmem_shared>> -> memref<80x128xf32, #tpu.memory_space<vmem_shared>>
        tpu.wait_dma2 semaphore(%run_scoped3A : memref<!tpu.dma_semaphore, #tpu.memory_space<semaphore_mem>>) src(%dma_wait3A_129 : memref<80x128xf32, #tpu.memory_space<vmem_shared>>) dst(%arg7 : memref<80x128xf32, #tpu.memory_space<vmem>>)
        tpu.yield
      }) : () -> ()
      "tpu.region"() ({
        %run_scoped3A = tpu.sem_alloc : memref<!tpu.dma_semaphore, #tpu.memory_space<semaphore_mem>>
        %dma_start3A = arith.constant 0 : i32
        %dma_start3A_124 = tpu.memref_slice %arg4[%arg0, %multiple_of3A, %dma_start3A] : memref<2x10000x128xf32, #tpu.memory_space<hbm>> -> memref<1x80x128xf32, #tpu.memory_space<hbm>>
        %dma_start3A_125 = tpu.memref_squeeze %dma_start3A_124 : memref<1x80x128xf32, #tpu.memory_space<hbm>> -> memref<80x128xf32, #tpu.memory_space<hbm>>
        %dma_start3A_126 = arith.constant 0 : i32
        %dma_start3A_127 = tpu.memref_slice %arg4[%arg0, %multiple_of3A, %dma_start3A_126] : memref<2x10000x128xf32, #tpu.memory_space<hbm>> -> memref<1x80x128xf32, #tpu.memory_space<hbm>>
        %dma_start3A_128 = tpu.memref_squeeze %dma_start3A_127 : memref<1x80x128xf32, #tpu.memory_space<hbm>> -> memref<80x128xf32, #tpu.memory_space<hbm>>
        tpu.enqueue_dma source(%arg7 : memref<80x128xf32, #tpu.memory_space<vmem>>) target(%dma_start3A_128 : memref<80x128xf32, #tpu.memory_space<hbm>>) target_semaphore(%run_scoped3A : memref<!tpu.dma_semaphore, #tpu.memory_space<semaphore_mem>>)
        %dma_wait3A = arith.constant 0 : i32
        %dma_wait3A_129 = tpu.memref_slice %arg4[%arg0, %multiple_of3A, %dma_wait3A] : memref<2x10000x128xf32, #tpu.memory_space<hbm>> -> memref<1x80x128xf32, #tpu.memory_space<hbm>>
        %dma_wait3A_130 = tpu.memref_squeeze %dma_wait3A_129 : memref<1x80x128xf32, #tpu.memory_space<hbm>> -> memref<80x128xf32, #tpu.memory_space<hbm>>
        %dma_wait3A_131 = arith.constant 0 : i32
        %dma_wait3A_132 = tpu.memref_slice %arg4[%arg0, %multiple_of3A, %dma_wait3A_131] : memref<2x10000x128xf32, #tpu.memory_space<hbm>> -> memref<1x80x128xf32, #tpu.memory_space<hbm>>
        %dma_wait3A_133 = tpu.memref_squeeze %dma_wait3A_132 : memref<1x80x128xf32, #tpu.memory_space<hbm>> -> memref<80x128xf32, #tpu.memory_space<hbm>>
        tpu.wait_dma2 semaphore(%run_scoped3A : memref<!tpu.dma_semaphore, #tpu.memory_space<semaphore_mem>>) src(%arg7 : memref<80x128xf32, #tpu.memory_space<vmem>>) dst(%dma_wait3A_133 : memref<80x128xf32, #tpu.memory_space<hbm>>)
        tpu.yield
      }) : () -> ()
    } else {
    }
    %add3A_87 = arith.constant 48 : i32
    %add3A_88 = arith.addi %arg1, %add3A_87 : i32
    %lt3A_89 = arith.constant 125 : i32
    %lt3A_90 = arith.cmpi slt, %add3A_88, %lt3A_89 : i32
    %convert_element_type3A_91 = arith.extui %lt3A_90 : i1 to i32
    %cond3A_92 = arith.constant 0 : i32
    %cond3A_93 = arith.cmpi ne, %convert_element_type3A_91, %cond3A_92 : i32
    scf.if %cond3A_93 {
      %mul3A_122 = arith.constant 80 : i32
      %mul3A_123 = arith.muli %add3A_88, %mul3A_122 : i32
      %multiple_of3A = tpu.assume_multiple %mul3A_123, 8 : i32
      "tpu.region"() ({
        %run_scoped3A = tpu.sem_alloc : memref<!tpu.dma_semaphore, #tpu.memory_space<semaphore_mem>>
        %dma_start3A = arith.constant 0 : i32
        %dma_start3A_124 = tpu.memref_slice %arg9[%multiple_of3A, %dma_start3A] : memref<10000x128xf32, #tpu.memory_space<vmem_shared>> -> memref<80x128xf32, #tpu.memory_space<vmem_shared>>
        %dma_start3A_125 = arith.constant 0 : i32
        %dma_start3A_126 = tpu.memref_slice %arg9[%multiple_of3A, %dma_start3A_125] : memref<10000x128xf32, #tpu.memory_space<vmem_shared>> -> memref<80x128xf32, #tpu.memory_space<vmem_shared>>
        tpu.enqueue_dma source(%dma_start3A_126 : memref<80x128xf32, #tpu.memory_space<vmem_shared>>) target(%arg7 : memref<80x128xf32, #tpu.memory_space<vmem>>) target_semaphore(%run_scoped3A : memref<!tpu.dma_semaphore, #tpu.memory_space<semaphore_mem>>)
        %dma_wait3A = arith.constant 0 : i32
        %dma_wait3A_127 = tpu.memref_slice %arg9[%multiple_of3A, %dma_wait3A] : memref<10000x128xf32, #tpu.memory_space<vmem_shared>> -> memref<80x128xf32, #tpu.memory_space<vmem_shared>>
        %dma_wait3A_128 = arith.constant 0 : i32
        %dma_wait3A_129 = tpu.memref_slice %arg9[%multiple_of3A, %dma_wait3A_128] : memref<10000x128xf32, #tpu.memory_space<vmem_shared>> -> memref<80x128xf32, #tpu.memory_space<vmem_shared>>
        tpu.wait_dma2 semaphore(%run_scoped3A : memref<!tpu.dma_semaphore, #tpu.memory_space<semaphore_mem>>) src(%dma_wait3A_129 : memref<80x128xf32, #tpu.memory_space<vmem_shared>>) dst(%arg7 : memref<80x128xf32, #tpu.memory_space<vmem>>)
        tpu.yield
      }) : () -> ()
      "tpu.region"() ({
        %run_scoped3A = tpu.sem_alloc : memref<!tpu.dma_semaphore, #tpu.memory_space<semaphore_mem>>
        %dma_start3A = arith.constant 0 : i32
        %dma_start3A_124 = tpu.memref_slice %arg4[%arg0, %multiple_of3A, %dma_start3A] : memref<2x10000x128xf32, #tpu.memory_space<hbm>> -> memref<1x80x128xf32, #tpu.memory_space<hbm>>
        %dma_start3A_125 = tpu.memref_squeeze %dma_start3A_124 : memref<1x80x128xf32, #tpu.memory_space<hbm>> -> memref<80x128xf32, #tpu.memory_space<hbm>>
        %dma_start3A_126 = arith.constant 0 : i32
        %dma_start3A_127 = tpu.memref_slice %arg4[%arg0, %multiple_of3A, %dma_start3A_126] : memref<2x10000x128xf32, #tpu.memory_space<hbm>> -> memref<1x80x128xf32, #tpu.memory_space<hbm>>
        %dma_start3A_128 = tpu.memref_squeeze %dma_start3A_127 : memref<1x80x128xf32, #tpu.memory_space<hbm>> -> memref<80x128xf32, #tpu.memory_space<hbm>>
        tpu.enqueue_dma source(%arg7 : memref<80x128xf32, #tpu.memory_space<vmem>>) target(%dma_start3A_128 : memref<80x128xf32, #tpu.memory_space<hbm>>) target_semaphore(%run_scoped3A : memref<!tpu.dma_semaphore, #tpu.memory_space<semaphore_mem>>)
        %dma_wait3A = arith.constant 0 : i32
        %dma_wait3A_129 = tpu.memref_slice %arg4[%arg0, %multiple_of3A, %dma_wait3A] : memref<2x10000x128xf32, #tpu.memory_space<hbm>> -> memref<1x80x128xf32, #tpu.memory_space<hbm>>
        %dma_wait3A_130 = tpu.memref_squeeze %dma_wait3A_129 : memref<1x80x128xf32, #tpu.memory_space<hbm>> -> memref<80x128xf32, #tpu.memory_space<hbm>>
        %dma_wait3A_131 = arith.constant 0 : i32
        %dma_wait3A_132 = tpu.memref_slice %arg4[%arg0, %multiple_of3A, %dma_wait3A_131] : memref<2x10000x128xf32, #tpu.memory_space<hbm>> -> memref<1x80x128xf32, #tpu.memory_space<hbm>>
        %dma_wait3A_133 = tpu.memref_squeeze %dma_wait3A_132 : memref<1x80x128xf32, #tpu.memory_space<hbm>> -> memref<80x128xf32, #tpu.memory_space<hbm>>
        tpu.wait_dma2 semaphore(%run_scoped3A : memref<!tpu.dma_semaphore, #tpu.memory_space<semaphore_mem>>) src(%arg7 : memref<80x128xf32, #tpu.memory_space<vmem>>) dst(%dma_wait3A_133 : memref<80x128xf32, #tpu.memory_space<hbm>>)
        tpu.yield
      }) : () -> ()
    } else {
    }
    %add3A_94 = arith.constant 64 : i32
    %add3A_95 = arith.addi %arg1, %add3A_94 : i32
    %lt3A_96 = arith.constant 125 : i32
    %lt3A_97 = arith.cmpi slt, %add3A_95, %lt3A_96 : i32
    %convert_element_type3A_98 = arith.extui %lt3A_97 : i1 to i32
    %cond3A_99 = arith.constant 0 : i32
    %cond3A_100 = arith.cmpi ne, %convert_element_type3A_98, %cond3A_99 : i32
    scf.if %cond3A_100 {
      %mul3A_122 = arith.constant 80 : i32
      %mul3A_123 = arith.muli %add3A_95, %mul3A_122 : i32
      %multiple_of3A = tpu.assume_multiple %mul3A_123, 8 : i32
      "tpu.region"() ({
        %run_scoped3A = tpu.sem_alloc : memref<!tpu.dma_semaphore, #tpu.memory_space<semaphore_mem>>
        %dma_start3A = arith.constant 0 : i32
        %dma_start3A_124 = tpu.memref_slice %arg9[%multiple_of3A, %dma_start3A] : memref<10000x128xf32, #tpu.memory_space<vmem_shared>> -> memref<80x128xf32, #tpu.memory_space<vmem_shared>>
        %dma_start3A_125 = arith.constant 0 : i32
        %dma_start3A_126 = tpu.memref_slice %arg9[%multiple_of3A, %dma_start3A_125] : memref<10000x128xf32, #tpu.memory_space<vmem_shared>> -> memref<80x128xf32, #tpu.memory_space<vmem_shared>>
        tpu.enqueue_dma source(%dma_start3A_126 : memref<80x128xf32, #tpu.memory_space<vmem_shared>>) target(%arg7 : memref<80x128xf32, #tpu.memory_space<vmem>>) target_semaphore(%run_scoped3A : memref<!tpu.dma_semaphore, #tpu.memory_space<semaphore_mem>>)
        %dma_wait3A = arith.constant 0 : i32
        %dma_wait3A_127 = tpu.memref_slice %arg9[%multiple_of3A, %dma_wait3A] : memref<10000x128xf32, #tpu.memory_space<vmem_shared>> -> memref<80x128xf32, #tpu.memory_space<vmem_shared>>
        %dma_wait3A_128 = arith.constant 0 : i32
        %dma_wait3A_129 = tpu.memref_slice %arg9[%multiple_of3A, %dma_wait3A_128] : memref<10000x128xf32, #tpu.memory_space<vmem_shared>> -> memref<80x128xf32, #tpu.memory_space<vmem_shared>>
        tpu.wait_dma2 semaphore(%run_scoped3A : memref<!tpu.dma_semaphore, #tpu.memory_space<semaphore_mem>>) src(%dma_wait3A_129 : memref<80x128xf32, #tpu.memory_space<vmem_shared>>) dst(%arg7 : memref<80x128xf32, #tpu.memory_space<vmem>>)
        tpu.yield
      }) : () -> ()
      "tpu.region"() ({
        %run_scoped3A = tpu.sem_alloc : memref<!tpu.dma_semaphore, #tpu.memory_space<semaphore_mem>>
        %dma_start3A = arith.constant 0 : i32
        %dma_start3A_124 = tpu.memref_slice %arg4[%arg0, %multiple_of3A, %dma_start3A] : memref<2x10000x128xf32, #tpu.memory_space<hbm>> -> memref<1x80x128xf32, #tpu.memory_space<hbm>>
        %dma_start3A_125 = tpu.memref_squeeze %dma_start3A_124 : memref<1x80x128xf32, #tpu.memory_space<hbm>> -> memref<80x128xf32, #tpu.memory_space<hbm>>
        %dma_start3A_126 = arith.constant 0 : i32
        %dma_start3A_127 = tpu.memref_slice %arg4[%arg0, %multiple_of3A, %dma_start3A_126] : memref<2x10000x128xf32, #tpu.memory_space<hbm>> -> memref<1x80x128xf32, #tpu.memory_space<hbm>>
        %dma_start3A_128 = tpu.memref_squeeze %dma_start3A_127 : memref<1x80x128xf32, #tpu.memory_space<hbm>> -> memref<80x128xf32, #tpu.memory_space<hbm>>
        tpu.enqueue_dma source(%arg7 : memref<80x128xf32, #tpu.memory_space<vmem>>) target(%dma_start3A_128 : memref<80x128xf32, #tpu.memory_space<hbm>>) target_semaphore(%run_scoped3A : memref<!tpu.dma_semaphore, #tpu.memory_space<semaphore_mem>>)
        %dma_wait3A = arith.constant 0 : i32
        %dma_wait3A_129 = tpu.memref_slice %arg4[%arg0, %multiple_of3A, %dma_wait3A] : memref<2x10000x128xf32, #tpu.memory_space<hbm>> -> memref<1x80x128xf32, #tpu.memory_space<hbm>>
        %dma_wait3A_130 = tpu.memref_squeeze %dma_wait3A_129 : memref<1x80x128xf32, #tpu.memory_space<hbm>> -> memref<80x128xf32, #tpu.memory_space<hbm>>
        %dma_wait3A_131 = arith.constant 0 : i32
        %dma_wait3A_132 = tpu.memref_slice %arg4[%arg0, %multiple_of3A, %dma_wait3A_131] : memref<2x10000x128xf32, #tpu.memory_space<hbm>> -> memref<1x80x128xf32, #tpu.memory_space<hbm>>
        %dma_wait3A_133 = tpu.memref_squeeze %dma_wait3A_132 : memref<1x80x128xf32, #tpu.memory_space<hbm>> -> memref<80x128xf32, #tpu.memory_space<hbm>>
        tpu.wait_dma2 semaphore(%run_scoped3A : memref<!tpu.dma_semaphore, #tpu.memory_space<semaphore_mem>>) src(%arg7 : memref<80x128xf32, #tpu.memory_space<vmem>>) dst(%dma_wait3A_133 : memref<80x128xf32, #tpu.memory_space<hbm>>)
        tpu.yield
      }) : () -> ()
    } else {
    }
    %add3A_101 = arith.constant 80 : i32
    %add3A_102 = arith.addi %arg1, %add3A_101 : i32
    %lt3A_103 = arith.constant 125 : i32
    %lt3A_104 = arith.cmpi slt, %add3A_102, %lt3A_103 : i32
    %convert_element_type3A_105 = arith.extui %lt3A_104 : i1 to i32
    %cond3A_106 = arith.constant 0 : i32
    %cond3A_107 = arith.cmpi ne, %convert_element_type3A_105, %cond3A_106 : i32
    scf.if %cond3A_107 {
      %mul3A_122 = arith.constant 80 : i32
      %mul3A_123 = arith.muli %add3A_102, %mul3A_122 : i32
      %multiple_of3A = tpu.assume_multiple %mul3A_123, 8 : i32
      "tpu.region"() ({
        %run_scoped3A = tpu.sem_alloc : memref<!tpu.dma_semaphore, #tpu.memory_space<semaphore_mem>>
        %dma_start3A = arith.constant 0 : i32
        %dma_start3A_124 = tpu.memref_slice %arg9[%multiple_of3A, %dma_start3A] : memref<10000x128xf32, #tpu.memory_space<vmem_shared>> -> memref<80x128xf32, #tpu.memory_space<vmem_shared>>
        %dma_start3A_125 = arith.constant 0 : i32
        %dma_start3A_126 = tpu.memref_slice %arg9[%multiple_of3A, %dma_start3A_125] : memref<10000x128xf32, #tpu.memory_space<vmem_shared>> -> memref<80x128xf32, #tpu.memory_space<vmem_shared>>
        tpu.enqueue_dma source(%dma_start3A_126 : memref<80x128xf32, #tpu.memory_space<vmem_shared>>) target(%arg7 : memref<80x128xf32, #tpu.memory_space<vmem>>) target_semaphore(%run_scoped3A : memref<!tpu.dma_semaphore, #tpu.memory_space<semaphore_mem>>)
        %dma_wait3A = arith.constant 0 : i32
        %dma_wait3A_127 = tpu.memref_slice %arg9[%multiple_of3A, %dma_wait3A] : memref<10000x128xf32, #tpu.memory_space<vmem_shared>> -> memref<80x128xf32, #tpu.memory_space<vmem_shared>>
        %dma_wait3A_128 = arith.constant 0 : i32
        %dma_wait3A_129 = tpu.memref_slice %arg9[%multiple_of3A, %dma_wait3A_128] : memref<10000x128xf32, #tpu.memory_space<vmem_shared>> -> memref<80x128xf32, #tpu.memory_space<vmem_shared>>
        tpu.wait_dma2 semaphore(%run_scoped3A : memref<!tpu.dma_semaphore, #tpu.memory_space<semaphore_mem>>) src(%dma_wait3A_129 : memref<80x128xf32, #tpu.memory_space<vmem_shared>>) dst(%arg7 : memref<80x128xf32, #tpu.memory_space<vmem>>)
        tpu.yield
      }) : () -> ()
      "tpu.region"() ({
        %run_scoped3A = tpu.sem_alloc : memref<!tpu.dma_semaphore, #tpu.memory_space<semaphore_mem>>
        %dma_start3A = arith.constant 0 : i32
        %dma_start3A_124 = tpu.memref_slice %arg4[%arg0, %multiple_of3A, %dma_start3A] : memref<2x10000x128xf32, #tpu.memory_space<hbm>> -> memref<1x80x128xf32, #tpu.memory_space<hbm>>
        %dma_start3A_125 = tpu.memref_squeeze %dma_start3A_124 : memref<1x80x128xf32, #tpu.memory_space<hbm>> -> memref<80x128xf32, #tpu.memory_space<hbm>>
        %dma_start3A_126 = arith.constant 0 : i32
        %dma_start3A_127 = tpu.memref_slice %arg4[%arg0, %multiple_of3A, %dma_start3A_126] : memref<2x10000x128xf32, #tpu.memory_space<hbm>> -> memref<1x80x128xf32, #tpu.memory_space<hbm>>
        %dma_start3A_128 = tpu.memref_squeeze %dma_start3A_127 : memref<1x80x128xf32, #tpu.memory_space<hbm>> -> memref<80x128xf32, #tpu.memory_space<hbm>>
        tpu.enqueue_dma source(%arg7 : memref<80x128xf32, #tpu.memory_space<vmem>>) target(%dma_start3A_128 : memref<80x128xf32, #tpu.memory_space<hbm>>) target_semaphore(%run_scoped3A : memref<!tpu.dma_semaphore, #tpu.memory_space<semaphore_mem>>)
        %dma_wait3A = arith.constant 0 : i32
        %dma_wait3A_129 = tpu.memref_slice %arg4[%arg0, %multiple_of3A, %dma_wait3A] : memref<2x10000x128xf32, #tpu.memory_space<hbm>> -> memref<1x80x128xf32, #tpu.memory_space<hbm>>
        %dma_wait3A_130 = tpu.memref_squeeze %dma_wait3A_129 : memref<1x80x128xf32, #tpu.memory_space<hbm>> -> memref<80x128xf32, #tpu.memory_space<hbm>>
        %dma_wait3A_131 = arith.constant 0 : i32
        %dma_wait3A_132 = tpu.memref_slice %arg4[%arg0, %multiple_of3A, %dma_wait3A_131] : memref<2x10000x128xf32, #tpu.memory_space<hbm>> -> memref<1x80x128xf32, #tpu.memory_space<hbm>>
        %dma_wait3A_133 = tpu.memref_squeeze %dma_wait3A_132 : memref<1x80x128xf32, #tpu.memory_space<hbm>> -> memref<80x128xf32, #tpu.memory_space<hbm>>
        tpu.wait_dma2 semaphore(%run_scoped3A : memref<!tpu.dma_semaphore, #tpu.memory_space<semaphore_mem>>) src(%arg7 : memref<80x128xf32, #tpu.memory_space<vmem>>) dst(%dma_wait3A_133 : memref<80x128xf32, #tpu.memory_space<hbm>>)
        tpu.yield
      }) : () -> ()
    } else {
    }
    %add3A_108 = arith.constant 96 : i32
    %add3A_109 = arith.addi %arg1, %add3A_108 : i32
    %lt3A_110 = arith.constant 125 : i32
    %lt3A_111 = arith.cmpi slt, %add3A_109, %lt3A_110 : i32
    %convert_element_type3A_112 = arith.extui %lt3A_111 : i1 to i32
    %cond3A_113 = arith.constant 0 : i32
    %cond3A_114 = arith.cmpi ne, %convert_element_type3A_112, %cond3A_113 : i32
    scf.if %cond3A_114 {
      %mul3A_122 = arith.constant 80 : i32
      %mul3A_123 = arith.muli %add3A_109, %mul3A_122 : i32
      %multiple_of3A = tpu.assume_multiple %mul3A_123, 8 : i32
      "tpu.region"() ({
        %run_scoped3A = tpu.sem_alloc : memref<!tpu.dma_semaphore, #tpu.memory_space<semaphore_mem>>
        %dma_start3A = arith.constant 0 : i32
        %dma_start3A_124 = tpu.memref_slice %arg9[%multiple_of3A, %dma_start3A] : memref<10000x128xf32, #tpu.memory_space<vmem_shared>> -> memref<80x128xf32, #tpu.memory_space<vmem_shared>>
        %dma_start3A_125 = arith.constant 0 : i32
        %dma_start3A_126 = tpu.memref_slice %arg9[%multiple_of3A, %dma_start3A_125] : memref<10000x128xf32, #tpu.memory_space<vmem_shared>> -> memref<80x128xf32, #tpu.memory_space<vmem_shared>>
        tpu.enqueue_dma source(%dma_start3A_126 : memref<80x128xf32, #tpu.memory_space<vmem_shared>>) target(%arg7 : memref<80x128xf32, #tpu.memory_space<vmem>>) target_semaphore(%run_scoped3A : memref<!tpu.dma_semaphore, #tpu.memory_space<semaphore_mem>>)
        %dma_wait3A = arith.constant 0 : i32
        %dma_wait3A_127 = tpu.memref_slice %arg9[%multiple_of3A, %dma_wait3A] : memref<10000x128xf32, #tpu.memory_space<vmem_shared>> -> memref<80x128xf32, #tpu.memory_space<vmem_shared>>
        %dma_wait3A_128 = arith.constant 0 : i32
        %dma_wait3A_129 = tpu.memref_slice %arg9[%multiple_of3A, %dma_wait3A_128] : memref<10000x128xf32, #tpu.memory_space<vmem_shared>> -> memref<80x128xf32, #tpu.memory_space<vmem_shared>>
        tpu.wait_dma2 semaphore(%run_scoped3A : memref<!tpu.dma_semaphore, #tpu.memory_space<semaphore_mem>>) src(%dma_wait3A_129 : memref<80x128xf32, #tpu.memory_space<vmem_shared>>) dst(%arg7 : memref<80x128xf32, #tpu.memory_space<vmem>>)
        tpu.yield
      }) : () -> ()
      "tpu.region"() ({
        %run_scoped3A = tpu.sem_alloc : memref<!tpu.dma_semaphore, #tpu.memory_space<semaphore_mem>>
        %dma_start3A = arith.constant 0 : i32
        %dma_start3A_124 = tpu.memref_slice %arg4[%arg0, %multiple_of3A, %dma_start3A] : memref<2x10000x128xf32, #tpu.memory_space<hbm>> -> memref<1x80x128xf32, #tpu.memory_space<hbm>>
        %dma_start3A_125 = tpu.memref_squeeze %dma_start3A_124 : memref<1x80x128xf32, #tpu.memory_space<hbm>> -> memref<80x128xf32, #tpu.memory_space<hbm>>
        %dma_start3A_126 = arith.constant 0 : i32
        %dma_start3A_127 = tpu.memref_slice %arg4[%arg0, %multiple_of3A, %dma_start3A_126] : memref<2x10000x128xf32, #tpu.memory_space<hbm>> -> memref<1x80x128xf32, #tpu.memory_space<hbm>>
        %dma_start3A_128 = tpu.memref_squeeze %dma_start3A_127 : memref<1x80x128xf32, #tpu.memory_space<hbm>> -> memref<80x128xf32, #tpu.memory_space<hbm>>
        tpu.enqueue_dma source(%arg7 : memref<80x128xf32, #tpu.memory_space<vmem>>) target(%dma_start3A_128 : memref<80x128xf32, #tpu.memory_space<hbm>>) target_semaphore(%run_scoped3A : memref<!tpu.dma_semaphore, #tpu.memory_space<semaphore_mem>>)
        %dma_wait3A = arith.constant 0 : i32
        %dma_wait3A_129 = tpu.memref_slice %arg4[%arg0, %multiple_of3A, %dma_wait3A] : memref<2x10000x128xf32, #tpu.memory_space<hbm>> -> memref<1x80x128xf32, #tpu.memory_space<hbm>>
        %dma_wait3A_130 = tpu.memref_squeeze %dma_wait3A_129 : memref<1x80x128xf32, #tpu.memory_space<hbm>> -> memref<80x128xf32, #tpu.memory_space<hbm>>
        %dma_wait3A_131 = arith.constant 0 : i32
        %dma_wait3A_132 = tpu.memref_slice %arg4[%arg0, %multiple_of3A, %dma_wait3A_131] : memref<2x10000x128xf32, #tpu.memory_space<hbm>> -> memref<1x80x128xf32, #tpu.memory_space<hbm>>
        %dma_wait3A_133 = tpu.memref_squeeze %dma_wait3A_132 : memref<1x80x128xf32, #tpu.memory_space<hbm>> -> memref<80x128xf32, #tpu.memory_space<hbm>>
        tpu.wait_dma2 semaphore(%run_scoped3A : memref<!tpu.dma_semaphore, #tpu.memory_space<semaphore_mem>>) src(%arg7 : memref<80x128xf32, #tpu.memory_space<vmem>>) dst(%dma_wait3A_133 : memref<80x128xf32, #tpu.memory_space<hbm>>)
        tpu.yield
      }) : () -> ()
    } else {
    }
    %add3A_115 = arith.constant 112 : i32
    %add3A_116 = arith.addi %arg1, %add3A_115 : i32
    %lt3A_117 = arith.constant 125 : i32
    %lt3A_118 = arith.cmpi slt, %add3A_116, %lt3A_117 : i32
    %convert_element_type3A_119 = arith.extui %lt3A_118 : i1 to i32
    %cond3A_120 = arith.constant 0 : i32
    %cond3A_121 = arith.cmpi ne, %convert_element_type3A_119, %cond3A_120 : i32
    scf.if %cond3A_121 {
      %mul3A_122 = arith.constant 80 : i32
      %mul3A_123 = arith.muli %add3A_116, %mul3A_122 : i32
      %multiple_of3A = tpu.assume_multiple %mul3A_123, 8 : i32
      "tpu.region"() ({
        %run_scoped3A = tpu.sem_alloc : memref<!tpu.dma_semaphore, #tpu.memory_space<semaphore_mem>>
        %dma_start3A = arith.constant 0 : i32
        %dma_start3A_124 = tpu.memref_slice %arg9[%multiple_of3A, %dma_start3A] : memref<10000x128xf32, #tpu.memory_space<vmem_shared>> -> memref<80x128xf32, #tpu.memory_space<vmem_shared>>
        %dma_start3A_125 = arith.constant 0 : i32
        %dma_start3A_126 = tpu.memref_slice %arg9[%multiple_of3A, %dma_start3A_125] : memref<10000x128xf32, #tpu.memory_space<vmem_shared>> -> memref<80x128xf32, #tpu.memory_space<vmem_shared>>
        tpu.enqueue_dma source(%dma_start3A_126 : memref<80x128xf32, #tpu.memory_space<vmem_shared>>) target(%arg7 : memref<80x128xf32, #tpu.memory_space<vmem>>) target_semaphore(%run_scoped3A : memref<!tpu.dma_semaphore, #tpu.memory_space<semaphore_mem>>)
        %dma_wait3A = arith.constant 0 : i32
        %dma_wait3A_127 = tpu.memref_slice %arg9[%multiple_of3A, %dma_wait3A] : memref<10000x128xf32, #tpu.memory_space<vmem_shared>> -> memref<80x128xf32, #tpu.memory_space<vmem_shared>>
        %dma_wait3A_128 = arith.constant 0 : i32
        %dma_wait3A_129 = tpu.memref_slice %arg9[%multiple_of3A, %dma_wait3A_128] : memref<10000x128xf32, #tpu.memory_space<vmem_shared>> -> memref<80x128xf32, #tpu.memory_space<vmem_shared>>
        tpu.wait_dma2 semaphore(%run_scoped3A : memref<!tpu.dma_semaphore, #tpu.memory_space<semaphore_mem>>) src(%dma_wait3A_129 : memref<80x128xf32, #tpu.memory_space<vmem_shared>>) dst(%arg7 : memref<80x128xf32, #tpu.memory_space<vmem>>)
        tpu.yield
      }) : () -> ()
      "tpu.region"() ({
        %run_scoped3A = tpu.sem_alloc : memref<!tpu.dma_semaphore, #tpu.memory_space<semaphore_mem>>
        %dma_start3A = arith.constant 0 : i32
        %dma_start3A_124 = tpu.memref_slice %arg4[%arg0, %multiple_of3A, %dma_start3A] : memref<2x10000x128xf32, #tpu.memory_space<hbm>> -> memref<1x80x128xf32, #tpu.memory_space<hbm>>
        %dma_start3A_125 = tpu.memref_squeeze %dma_start3A_124 : memref<1x80x128xf32, #tpu.memory_space<hbm>> -> memref<80x128xf32, #tpu.memory_space<hbm>>
        %dma_start3A_126 = arith.constant 0 : i32
        %dma_start3A_127 = tpu.memref_slice %arg4[%arg0, %multiple_of3A, %dma_start3A_126] : memref<2x10000x128xf32, #tpu.memory_space<hbm>> -> memref<1x80x128xf32, #tpu.memory_space<hbm>>
        %dma_start3A_128 = tpu.memref_squeeze %dma_start3A_127 : memref<1x80x128xf32, #tpu.memory_space<hbm>> -> memref<80x128xf32, #tpu.memory_space<hbm>>
        tpu.enqueue_dma source(%arg7 : memref<80x128xf32, #tpu.memory_space<vmem>>) target(%dma_start3A_128 : memref<80x128xf32, #tpu.memory_space<hbm>>) target_semaphore(%run_scoped3A : memref<!tpu.dma_semaphore, #tpu.memory_space<semaphore_mem>>)
        %dma_wait3A = arith.constant 0 : i32
        %dma_wait3A_129 = tpu.memref_slice %arg4[%arg0, %multiple_of3A, %dma_wait3A] : memref<2x10000x128xf32, #tpu.memory_space<hbm>> -> memref<1x80x128xf32, #tpu.memory_space<hbm>>
        %dma_wait3A_130 = tpu.memref_squeeze %dma_wait3A_129 : memref<1x80x128xf32, #tpu.memory_space<hbm>> -> memref<80x128xf32, #tpu.memory_space<hbm>>
        %dma_wait3A_131 = arith.constant 0 : i32
        %dma_wait3A_132 = tpu.memref_slice %arg4[%arg0, %multiple_of3A, %dma_wait3A_131] : memref<2x10000x128xf32, #tpu.memory_space<hbm>> -> memref<1x80x128xf32, #tpu.memory_space<hbm>>
        %dma_wait3A_133 = tpu.memref_squeeze %dma_wait3A_132 : memref<1x80x128xf32, #tpu.memory_space<hbm>> -> memref<80x128xf32, #tpu.memory_space<hbm>>
        tpu.wait_dma2 semaphore(%run_scoped3A : memref<!tpu.dma_semaphore, #tpu.memory_space<semaphore_mem>>) src(%arg7 : memref<80x128xf32, #tpu.memory_space<vmem>>) dst(%dma_wait3A_133 : memref<80x128xf32, #tpu.memory_space<hbm>>)
        tpu.yield
      }) : () -> ()
    } else {
    }
    return
  }
}

module attributes {stable_mosaic.version = 14 : i64} {
  func.func @_prep_body(%arg0: i32, %arg1: memref<2000x128xf32, #tpu.memory_space<vmem>>, %arg2: memref<1x32xf32, #tpu.memory_space<vmem>>, %arg3: memref<128x128xf32, #tpu.memory_space<vmem>>, %arg4: memref<128x128xf32, #tpu.memory_space<vmem>>, %arg5: memref<32x128xf32, #tpu.memory_space<vmem>>, %arg6: memref<1x128xf32, #tpu.memory_space<vmem>>, %arg7: memref<2000x128xf32, #tpu.memory_space<vmem>>, %arg8: memref<2000x128xf32, #tpu.memory_space<vmem>>) attributes {dimension_semantics = [#tpu.dimension_semantics<arbitrary>], iteration_bounds = array<i64: 5>, scalar_prefetch = 0 : i64, scratch_operands = 0 : i64, tpu.core_type = #tpu.core_type<tc>, window_params = [{transform_indices = @transform_0, window_bounds = array<i64: 2000, 128>}, {pipeline_mode = #tpu.pipeline_mode<synchronous>, transform_indices = @transform_1, window_bounds = array<i64: 1, 32>}, {pipeline_mode = #tpu.pipeline_mode<synchronous>, transform_indices = @transform_2, window_bounds = array<i64: 128, 128>}, {pipeline_mode = #tpu.pipeline_mode<synchronous>, transform_indices = @transform_3, window_bounds = array<i64: 128, 128>}, {pipeline_mode = #tpu.pipeline_mode<synchronous>, transform_indices = @transform_4, window_bounds = array<i64: 32, 128>}, {pipeline_mode = #tpu.pipeline_mode<synchronous>, transform_indices = @transform_5, window_bounds = array<i64: 1, 128>}, {transform_indices = @transform_6, window_bounds = array<i64: 2000, 128>}, {transform_indices = @transform_7, window_bounds = array<i64: 2000, 128>}]} {
    %get3A = arith.constant 0 : index
    %get3A_0 = arith.constant 0 : index
    %get3A_1 = vector.load %arg2[%get3A, %get3A_0] : memref<1x32xf32, #tpu.memory_space<vmem>>, vector<1x32xf32>
    %get3A_2 = arith.constant 0 : index
    %get3A_3 = arith.constant 0 : index
    %get3A_4 = vector.load %arg5[%get3A_2, %get3A_3] : memref<32x128xf32, #tpu.memory_space<vmem>>, vector<32x128xf32>
    %dot_general3A = arith.constant dense<0.000000e+00> : vector<1x128xf32>
    %dot_general3A_5 = tpu.matmul %get3A_1, %get3A_4, %dot_general3A {dimension_numbers = #tpu.dot_dimension_numbers<[1], [0], [0], [1], [0, 0, 1, 1], [], []>, transpose_lhs_hint = false} : vector<1x32xf32>, vector<32x128xf32>, vector<1x128xf32> -> vector<1x128xf32>
    %get3A_6 = arith.constant 0 : index
    %get3A_7 = arith.constant 0 : index
    %get3A_8 = vector.load %arg6[%get3A_6, %get3A_7] : memref<1x128xf32, #tpu.memory_space<vmem>>, vector<1x128xf32>
    %add3A = arith.addf %dot_general3A_5, %get3A_8 : vector<1x128xf32>
    %get3A_9 = arith.constant 0 : index
    %get3A_10 = arith.constant 0 : index
    %get3A_11 = vector.load %arg1[%get3A_9, %get3A_10] : memref<2000x128xf32, #tpu.memory_space<vmem>>, vector<2000x128xf32>
    %get3A_12 = arith.constant 0 : index
    %get3A_13 = arith.constant 0 : index
    %get3A_14 = vector.load %arg3[%get3A_12, %get3A_13] : memref<128x128xf32, #tpu.memory_space<vmem>>, vector<128x128xf32>
    %dot_general3A_15 = arith.constant dense<0.000000e+00> : vector<2000x128xf32>
    %dot_general3A_16 = tpu.matmul %get3A_11, %get3A_14, %dot_general3A_15 {dimension_numbers = #tpu.dot_dimension_numbers<[1], [0], [0], [1], [0, 0, 1, 1], [], []>, transpose_lhs_hint = false} : vector<2000x128xf32>, vector<128x128xf32>, vector<2000x128xf32> -> vector<2000x128xf32>
    %add3A_17 = vector.broadcast %add3A : vector<1x128xf32> to vector<2000x128xf32>
    %add3A_18 = arith.addf %dot_general3A_16, %add3A_17 : vector<2000x128xf32>
    %swap3A = arith.constant 0 : index
    %swap3A_19 = arith.constant 0 : index
    %swap3A_20 = vector.load %arg7[%swap3A, %swap3A_19] : memref<2000x128xf32, #tpu.memory_space<vmem>>, vector<2000x128xf32>
    tpu.vector_store %arg7[%swap3A, %swap3A_19], %add3A_18 {strides = array<i32>} : memref<2000x128xf32, #tpu.memory_space<vmem>>, vector<2000x128xf32>,
    %get3A_21 = arith.constant 0 : index
    %get3A_22 = arith.constant 0 : index
    %get3A_23 = vector.load %arg1[%get3A_21, %get3A_22] : memref<2000x128xf32, #tpu.memory_space<vmem>>, vector<2000x128xf32>
    %get3A_24 = arith.constant 0 : index
    %get3A_25 = arith.constant 0 : index
    %get3A_26 = vector.load %arg4[%get3A_24, %get3A_25] : memref<128x128xf32, #tpu.memory_space<vmem>>, vector<128x128xf32>
    %dot_general3A_27 = arith.constant dense<0.000000e+00> : vector<2000x128xf32>
    %dot_general3A_28 = tpu.matmul %get3A_23, %get3A_26, %dot_general3A_27 {dimension_numbers = #tpu.dot_dimension_numbers<[1], [0], [0], [1], [0, 0, 1, 1], [], []>, transpose_lhs_hint = false} : vector<2000x128xf32>, vector<128x128xf32>, vector<2000x128xf32> -> vector<2000x128xf32>
    %swap3A_29 = arith.constant 0 : index
    %swap3A_30 = arith.constant 0 : index
    %swap3A_31 = vector.load %arg8[%swap3A_29, %swap3A_30] : memref<2000x128xf32, #tpu.memory_space<vmem>>, vector<2000x128xf32>
    tpu.vector_store %arg8[%swap3A_29, %swap3A_30], %dot_general3A_28 {strides = array<i32>} : memref<2000x128xf32, #tpu.memory_space<vmem>>, vector<2000x128xf32>,
    return
  }
  func.func @transform_0(%arg0: i32) -> (i32, i32) {
    %c0_i32 = arith.constant 0 : i32
    %c0_i32_0 = arith.constant 0 : i32
    return %arg0, %c0_i32 : i32, i32
  }
  func.func @transform_1(%arg0: i32) -> (i32, i32) {
    %c0_i32 = arith.constant 0 : i32
    %c0_i32_0 = arith.constant 0 : i32
    %c0_i32_1 = arith.constant 0 : i32
    return %c0_i32, %c0_i32_0 : i32, i32
  }
  func.func @transform_2(%arg0: i32) -> (i32, i32) {
    %c0_i32 = arith.constant 0 : i32
    %c0_i32_0 = arith.constant 0 : i32
    %c0_i32_1 = arith.constant 0 : i32
    return %c0_i32, %c0_i32_0 : i32, i32
  }
  func.func @transform_3(%arg0: i32) -> (i32, i32) {
    %c0_i32 = arith.constant 0 : i32
    %c0_i32_0 = arith.constant 0 : i32
    %c0_i32_1 = arith.constant 0 : i32
    return %c0_i32, %c0_i32_0 : i32, i32
  }
  func.func @transform_4(%arg0: i32) -> (i32, i32) {
    %c0_i32 = arith.constant 0 : i32
    %c0_i32_0 = arith.constant 0 : i32
    %c0_i32_1 = arith.constant 0 : i32
    return %c0_i32, %c0_i32_0 : i32, i32
  }
  func.func @transform_5(%arg0: i32) -> (i32, i32) {
    %c0_i32 = arith.constant 0 : i32
    %c0_i32_0 = arith.constant 0 : i32
    %c0_i32_1 = arith.constant 0 : i32
    return %c0_i32, %c0_i32_0 : i32, i32
  }
  func.func @transform_6(%arg0: i32) -> (i32, i32) {
    %c0_i32 = arith.constant 0 : i32
    %c0_i32_0 = arith.constant 0 : i32
    return %arg0, %c0_i32 : i32, i32
  }
  func.func @transform_7(%arg0: i32) -> (i32, i32) {
    %c0_i32 = arith.constant 0 : i32
    %c0_i32_0 = arith.constant 0 : i32
    return %arg0, %c0_i32 : i32, i32
  }
}

module attributes {stable_mosaic.version = 14 : i64} {
  func.func @_edge_body(%arg0: i32, %arg1: memref<2000x128xf32, #tpu.memory_space<vmem>>, %arg2: memref<2000x16xf32, #tpu.memory_space<vmem>>, %arg3: memref<16x128xf32, #tpu.memory_space<vmem>>, %arg4: memref<128x128xf32, #tpu.memory_space<vmem>>, %arg5: memref<1x128xf32, #tpu.memory_space<vmem>>, %arg6: memref<2000x128xf32, #tpu.memory_space<vmem>>, %arg7: memref<1x128xf32, #tpu.memory_space<vmem>>, %arg8: memref<1x128xf32, #tpu.memory_space<vmem>>) attributes {dimension_semantics = [#tpu.dimension_semantics<arbitrary>], iteration_bounds = array<i64: 96>, scalar_prefetch = 0 : i64, scratch_operands = 1 : i64, tpu.core_type = #tpu.core_type<tc>, window_params = [{transform_indices = @transform_0, window_bounds = array<i64: 2000, 128>}, {transform_indices = @transform_1, window_bounds = array<i64: 2000, 16>}, {pipeline_mode = #tpu.pipeline_mode<synchronous>, transform_indices = @transform_2, window_bounds = array<i64: 16, 128>}, {pipeline_mode = #tpu.pipeline_mode<synchronous>, transform_indices = @transform_3, window_bounds = array<i64: 128, 128>}, {pipeline_mode = #tpu.pipeline_mode<synchronous>, transform_indices = @transform_4, window_bounds = array<i64: 1, 128>}, {transform_indices = @transform_5, window_bounds = array<i64: 2000, 128>}, {pipeline_mode = #tpu.pipeline_mode<synchronous>, transform_indices = @transform_6, window_bounds = array<i64: 1, 128>}]} {
    %get3A = arith.constant 0 : index
    %get3A_0 = arith.constant 0 : index
    %get3A_1 = vector.load %arg1[%get3A, %get3A_0] : memref<2000x128xf32, #tpu.memory_space<vmem>>, vector<2000x128xf32>
    %get3A_2 = arith.constant 0 : index
    %get3A_3 = arith.constant 0 : index
    %get3A_4 = vector.load %arg2[%get3A_2, %get3A_3] : memref<2000x16xf32, #tpu.memory_space<vmem>>, vector<2000x16xf32>
    %get3A_5 = arith.constant 0 : index
    %get3A_6 = arith.constant 0 : index
    %get3A_7 = vector.load %arg3[%get3A_5, %get3A_6] : memref<16x128xf32, #tpu.memory_space<vmem>>, vector<16x128xf32>
    %dot_general3A = arith.constant dense<0.000000e+00> : vector<2000x128xf32>
    %dot_general3A_8 = tpu.matmul %get3A_4, %get3A_7, %dot_general3A {dimension_numbers = #tpu.dot_dimension_numbers<[1], [0], [0], [1], [0, 0, 1, 1], [], []>, transpose_lhs_hint = false} : vector<2000x16xf32>, vector<16x128xf32>, vector<2000x128xf32> -> vector<2000x128xf32>
    %add3A = arith.addf %get3A_1, %dot_general3A_8 : vector<2000x128xf32>
    %max3A = arith.constant 0.000000e+00 : f32
    %max3A_9 = vector.broadcast %max3A : f32 to vector<2000x128xf32>
    %max3A_10 = arith.maximumf %add3A, %max3A_9 : vector<2000x128xf32>
    %get3A_11 = arith.constant 0 : index
    %get3A_12 = arith.constant 0 : index
    %get3A_13 = vector.load %arg4[%get3A_11, %get3A_12] : memref<128x128xf32, #tpu.memory_space<vmem>>, vector<128x128xf32>
    %dot_general3A_14 = arith.constant dense<0.000000e+00> : vector<2000x128xf32>
    %dot_general3A_15 = tpu.matmul %max3A_10, %get3A_13, %dot_general3A_14 {dimension_numbers = #tpu.dot_dimension_numbers<[1], [0], [0], [1], [0, 0, 1, 1], [], []>, transpose_lhs_hint = false} : vector<2000x128xf32>, vector<128x128xf32>, vector<2000x128xf32> -> vector<2000x128xf32>
    %get3A_16 = arith.constant 0 : index
    %get3A_17 = arith.constant 0 : index
    %get3A_18 = vector.load %arg5[%get3A_16, %get3A_17] : memref<1x128xf32, #tpu.memory_space<vmem>>, vector<1x128xf32>
    %add3A_19 = vector.broadcast %get3A_18 : vector<1x128xf32> to vector<2000x128xf32>
    %add3A_20 = arith.addf %dot_general3A_15, %add3A_19 : vector<2000x128xf32>
    %swap3A = arith.constant 0 : index
    %swap3A_21 = arith.constant 0 : index
    %swap3A_22 = vector.load %arg6[%swap3A, %swap3A_21] : memref<2000x128xf32, #tpu.memory_space<vmem>>, vector<2000x128xf32>
    tpu.vector_store %arg6[%swap3A, %swap3A_21], %add3A_20 {strides = array<i32>} : memref<2000x128xf32, #tpu.memory_space<vmem>>, vector<2000x128xf32>,
    %eq3A = arith.constant 0 : i32
    %eq3A_23 = arith.cmpi eq, %arg0, %eq3A : i32
    %convert_element_type3A = arith.extui %eq3A_23 : i1 to i32
    %cond3A = arith.constant 0 : i32
    %cond3A_24 = arith.cmpi ne, %convert_element_type3A, %cond3A : i32
    scf.if %cond3A_24 {
      %broadcast_in_dim3A_38 = arith.constant 0.000000e+00 : f32
      %broadcast_in_dim3A_39 = vector.broadcast %broadcast_in_dim3A_38 : f32 to vector<1x128xf32>
      %swap3A_40 = arith.constant 0 : index
      %swap3A_41 = arith.constant 0 : index
      %swap3A_42 = vector.load %arg8[%swap3A_40, %swap3A_41] : memref<1x128xf32, #tpu.memory_space<vmem>>, vector<1x128xf32>
      tpu.vector_store %arg8[%swap3A_40, %swap3A_41], %broadcast_in_dim3A_39 {strides = array<i32>} : memref<1x128xf32, #tpu.memory_space<vmem>>, vector<1x128xf32>,
    } else {
    }
    %get3A_25 = arith.constant 0 : index
    %get3A_26 = arith.constant 0 : index
    %get3A_27 = vector.load %arg8[%get3A_25, %get3A_26] : memref<1x128xf32, #tpu.memory_space<vmem>>, vector<1x128xf32>
    %reduce_sum3A = arith.constant dense<0.000000e+00> : vector<128xf32>
    %reduce_sum3A_28 = vector.multi_reduction <add>, %add3A_20, %reduce_sum3A [0] : vector<2000x128xf32> to vector<128xf32>
    %broadcast_in_dim3A = vector.shape_cast %reduce_sum3A_28 : vector<128xf32> to vector<1x128xf32>
    %add3A_29 = arith.addf %get3A_27, %broadcast_in_dim3A : vector<1x128xf32>
    %swap3A_30 = arith.constant 0 : index
    %swap3A_31 = arith.constant 0 : index
    %swap3A_32 = vector.load %arg8[%swap3A_30, %swap3A_31] : memref<1x128xf32, #tpu.memory_space<vmem>>, vector<1x128xf32>
    tpu.vector_store %arg8[%swap3A_30, %swap3A_31], %add3A_29 {strides = array<i32>} : memref<1x128xf32, #tpu.memory_space<vmem>>, vector<1x128xf32>,
    %eq3A_33 = arith.constant 95 : i32
    %eq3A_34 = arith.cmpi eq, %arg0, %eq3A_33 : i32
    %convert_element_type3A_35 = arith.extui %eq3A_34 : i1 to i32
    %cond3A_36 = arith.constant 0 : i32
    %cond3A_37 = arith.cmpi ne, %convert_element_type3A_35, %cond3A_36 : i32
    scf.if %cond3A_37 {
      %get3A_38 = arith.constant 0 : index
      %get3A_39 = arith.constant 0 : index
      %get3A_40 = vector.load %arg8[%get3A_38, %get3A_39] : memref<1x128xf32, #tpu.memory_space<vmem>>, vector<1x128xf32>
      %swap3A_41 = arith.constant 0 : index
      %swap3A_42 = arith.constant 0 : index
      %swap3A_43 = vector.load %arg7[%swap3A_41, %swap3A_42] : memref<1x128xf32, #tpu.memory_space<vmem>>, vector<1x128xf32>
      tpu.vector_store %arg7[%swap3A_41, %swap3A_42], %get3A_40 {strides = array<i32>} : memref<1x128xf32, #tpu.memory_space<vmem>>, vector<1x128xf32>,
    } else {
    }
    return
  }
  func.func @transform_0(%arg0: i32) -> (i32, i32) {
    %c0_i32 = arith.constant 0 : i32
    %c0_i32_0 = arith.constant 0 : i32
    return %arg0, %c0_i32 : i32, i32
  }
  func.func @transform_1(%arg0: i32) -> (i32, i32) {
    %c0_i32 = arith.constant 0 : i32
    %c0_i32_0 = arith.constant 0 : i32
    return %arg0, %c0_i32 : i32, i32
  }
  func.func @transform_2(%arg0: i32) -> (i32, i32) {
    %c0_i32 = arith.constant 0 : i32
    %c0_i32_0 = arith.constant 0 : i32
    %c0_i32_1 = arith.constant 0 : i32
    return %c0_i32, %c0_i32_0 : i32, i32
  }
  func.func @transform_3(%arg0: i32) -> (i32, i32) {
    %c0_i32 = arith.constant 0 : i32
    %c0_i32_0 = arith.constant 0 : i32
    %c0_i32_1 = arith.constant 0 : i32
    return %c0_i32, %c0_i32_0 : i32, i32
  }
  func.func @transform_4(%arg0: i32) -> (i32, i32) {
    %c0_i32 = arith.constant 0 : i32
    %c0_i32_0 = arith.constant 0 : i32
    %c0_i32_1 = arith.constant 0 : i32
    return %c0_i32, %c0_i32_0 : i32, i32
  }
  func.func @transform_5(%arg0: i32) -> (i32, i32) {
    %c0_i32 = arith.constant 0 : i32
    %c0_i32_0 = arith.constant 0 : i32
    return %arg0, %c0_i32 : i32, i32
  }
  func.func @transform_6(%arg0: i32) -> (i32, i32) {
    %c0_i32 = arith.constant 0 : i32
    %c0_i32_0 = arith.constant 0 : i32
    %c0_i32_1 = arith.constant 0 : i32
    return %c0_i32, %c0_i32_0 : i32, i32
  }
}

module attributes {stable_mosaic.version = 14 : i64} {
  func.func @_edge_body_b(%arg0: i32, %arg1: memref<320000x128xf32, #tpu.memory_space<hbm>>, %arg2: memref<2000x128xf32, #tpu.memory_space<vmem>>, %arg3: memref<2000x16xf32, #tpu.memory_space<vmem>>, %arg4: memref<16x128xf32, #tpu.memory_space<vmem>>, %arg5: memref<128x128xf32, #tpu.memory_space<vmem>>, %arg6: memref<1x128xf32, #tpu.memory_space<vmem>>, %arg7: memref<2000x128xf32, #tpu.memory_space<vmem>>, %arg8: memref<1x128xf32, #tpu.memory_space<vmem>>, %arg9: memref<1x128xf32, #tpu.memory_space<vmem>>) attributes {dimension_semantics = [#tpu.dimension_semantics<arbitrary>], iteration_bounds = array<i64: 64>, scalar_prefetch = 0 : i64, scratch_operands = 1 : i64, tpu.core_type = #tpu.core_type<tc>, window_params = [{}, {transform_indices = @transform_1, window_bounds = array<i64: 2000, 128>}, {transform_indices = @transform_2, window_bounds = array<i64: 2000, 16>}, {pipeline_mode = #tpu.pipeline_mode<synchronous>, transform_indices = @transform_3, window_bounds = array<i64: 16, 128>}, {pipeline_mode = #tpu.pipeline_mode<synchronous>, transform_indices = @transform_4, window_bounds = array<i64: 128, 128>}, {pipeline_mode = #tpu.pipeline_mode<synchronous>, transform_indices = @transform_5, window_bounds = array<i64: 1, 128>}, {transform_indices = @transform_6, window_bounds = array<i64: 2000, 128>}, {pipeline_mode = #tpu.pipeline_mode<synchronous>, transform_indices = @transform_7, window_bounds = array<i64: 1, 128>}]} {
    %get3A = arith.constant 0 : index
    %get3A_0 = arith.constant 0 : index
    %get3A_1 = vector.load %arg2[%get3A, %get3A_0] : memref<2000x128xf32, #tpu.memory_space<vmem>>, vector<2000x128xf32>
    %get3A_2 = arith.constant 0 : index
    %get3A_3 = arith.constant 0 : index
    %get3A_4 = vector.load %arg3[%get3A_2, %get3A_3] : memref<2000x16xf32, #tpu.memory_space<vmem>>, vector<2000x16xf32>
    %get3A_5 = arith.constant 0 : index
    %get3A_6 = arith.constant 0 : index
    %get3A_7 = vector.load %arg4[%get3A_5, %get3A_6] : memref<16x128xf32, #tpu.memory_space<vmem>>, vector<16x128xf32>
    %dot_general3A = arith.constant dense<0.000000e+00> : vector<2000x128xf32>
    %dot_general3A_8 = tpu.matmul %get3A_4, %get3A_7, %dot_general3A {dimension_numbers = #tpu.dot_dimension_numbers<[1], [0], [0], [1], [0, 0, 1, 1], [], []>, transpose_lhs_hint = false} : vector<2000x16xf32>, vector<16x128xf32>, vector<2000x128xf32> -> vector<2000x128xf32>
    %add3A = arith.addf %get3A_1, %dot_general3A_8 : vector<2000x128xf32>
    %max3A = arith.constant 0.000000e+00 : f32
    %max3A_9 = vector.broadcast %max3A : f32 to vector<2000x128xf32>
    %max3A_10 = arith.maximumf %add3A, %max3A_9 : vector<2000x128xf32>
    %get3A_11 = arith.constant 0 : index
    %get3A_12 = arith.constant 0 : index
    %get3A_13 = vector.load %arg5[%get3A_11, %get3A_12] : memref<128x128xf32, #tpu.memory_space<vmem>>, vector<128x128xf32>
    %dot_general3A_14 = arith.constant dense<0.000000e+00> : vector<2000x128xf32>
    %dot_general3A_15 = tpu.matmul %max3A_10, %get3A_13, %dot_general3A_14 {dimension_numbers = #tpu.dot_dimension_numbers<[1], [0], [0], [1], [0, 0, 1, 1], [], []>, transpose_lhs_hint = false} : vector<2000x128xf32>, vector<128x128xf32>, vector<2000x128xf32> -> vector<2000x128xf32>
    %get3A_16 = arith.constant 0 : index
    %get3A_17 = arith.constant 0 : index
    %get3A_18 = vector.load %arg6[%get3A_16, %get3A_17] : memref<1x128xf32, #tpu.memory_space<vmem>>, vector<1x128xf32>
    %add3A_19 = vector.broadcast %get3A_18 : vector<1x128xf32> to vector<2000x128xf32>
    %add3A_20 = arith.addf %dot_general3A_15, %add3A_19 : vector<2000x128xf32>
    %swap3A = arith.constant 0 : index
    %swap3A_21 = arith.constant 0 : index
    %swap3A_22 = vector.load %arg7[%swap3A, %swap3A_21] : memref<2000x128xf32, #tpu.memory_space<vmem>>, vector<2000x128xf32>
    tpu.vector_store %arg7[%swap3A, %swap3A_21], %add3A_20 {strides = array<i32>} : memref<2000x128xf32, #tpu.memory_space<vmem>>, vector<2000x128xf32>,
    %eq3A = arith.constant 0 : i32
    %eq3A_23 = arith.cmpi eq, %arg0, %eq3A : i32
    %convert_element_type3A = arith.extui %eq3A_23 : i1 to i32
    %cond3A = arith.constant 0 : i32
    %cond3A_24 = arith.cmpi ne, %convert_element_type3A, %cond3A : i32
    scf.if %cond3A_24 {
      %broadcast_in_dim3A_38 = arith.constant 0.000000e+00 : f32
      %broadcast_in_dim3A_39 = vector.broadcast %broadcast_in_dim3A_38 : f32 to vector<1x128xf32>
      %swap3A_40 = arith.constant 0 : index
      %swap3A_41 = arith.constant 0 : index
      %swap3A_42 = vector.load %arg9[%swap3A_40, %swap3A_41] : memref<1x128xf32, #tpu.memory_space<vmem>>, vector<1x128xf32>
      tpu.vector_store %arg9[%swap3A_40, %swap3A_41], %broadcast_in_dim3A_39 {strides = array<i32>} : memref<1x128xf32, #tpu.memory_space<vmem>>, vector<1x128xf32>,
    } else {
    }
    %get3A_25 = arith.constant 0 : index
    %get3A_26 = arith.constant 0 : index
    %get3A_27 = vector.load %arg9[%get3A_25, %get3A_26] : memref<1x128xf32, #tpu.memory_space<vmem>>, vector<1x128xf32>
    %reduce_sum3A = arith.constant dense<0.000000e+00> : vector<128xf32>
    %reduce_sum3A_28 = vector.multi_reduction <add>, %add3A_20, %reduce_sum3A [0] : vector<2000x128xf32> to vector<128xf32>
    %broadcast_in_dim3A = vector.shape_cast %reduce_sum3A_28 : vector<128xf32> to vector<1x128xf32>
    %add3A_29 = arith.addf %get3A_27, %broadcast_in_dim3A : vector<1x128xf32>
    %swap3A_30 = arith.constant 0 : index
    %swap3A_31 = arith.constant 0 : index
    %swap3A_32 = vector.load %arg9[%swap3A_30, %swap3A_31] : memref<1x128xf32, #tpu.memory_space<vmem>>, vector<1x128xf32>
    tpu.vector_store %arg9[%swap3A_30, %swap3A_31], %add3A_29 {strides = array<i32>} : memref<1x128xf32, #tpu.memory_space<vmem>>, vector<1x128xf32>,
    %eq3A_33 = arith.constant 63 : i32
    %eq3A_34 = arith.cmpi eq, %arg0, %eq3A_33 : i32
    %convert_element_type3A_35 = arith.extui %eq3A_34 : i1 to i32
    %cond3A_36 = arith.constant 0 : i32
    %cond3A_37 = arith.cmpi ne, %convert_element_type3A_35, %cond3A_36 : i32
    scf.if %cond3A_37 {
      %get3A_38 = arith.constant 0 : index
      %get3A_39 = arith.constant 0 : index
      %get3A_40 = vector.load %arg9[%get3A_38, %get3A_39] : memref<1x128xf32, #tpu.memory_space<vmem>>, vector<1x128xf32>
      %swap3A_41 = arith.constant 0 : index
      %swap3A_42 = arith.constant 0 : index
      %swap3A_43 = vector.load %arg8[%swap3A_41, %swap3A_42] : memref<1x128xf32, #tpu.memory_space<vmem>>, vector<1x128xf32>
      tpu.vector_store %arg8[%swap3A_41, %swap3A_42], %get3A_40 {strides = array<i32>} : memref<1x128xf32, #tpu.memory_space<vmem>>, vector<1x128xf32>,
    } else {
    }
    return
  }
  func.func @transform_1(%arg0: i32) -> (i32, i32) {
    %c0_i32 = arith.constant 0 : i32
    %c0_i32_0 = arith.constant 0 : i32
    return %arg0, %c0_i32 : i32, i32
  }
  func.func @transform_2(%arg0: i32) -> (i32, i32) {
    %c0_i32 = arith.constant 0 : i32
    %c0_i32_0 = arith.constant 0 : i32
    return %arg0, %c0_i32 : i32, i32
  }
  func.func @transform_3(%arg0: i32) -> (i32, i32) {
    %c0_i32 = arith.constant 0 : i32
    %c0_i32_0 = arith.constant 0 : i32
    %c0_i32_1 = arith.constant 0 : i32
    return %c0_i32, %c0_i32_0 : i32, i32
  }
  func.func @transform_4(%arg0: i32) -> (i32, i32) {
    %c0_i32 = arith.constant 0 : i32
    %c0_i32_0 = arith.constant 0 : i32
    %c0_i32_1 = arith.constant 0 : i32
    return %c0_i32, %c0_i32_0 : i32, i32
  }
  func.func @transform_5(%arg0: i32) -> (i32, i32) {
    %c0_i32 = arith.constant 0 : i32
    %c0_i32_0 = arith.constant 0 : i32
    %c0_i32_1 = arith.constant 0 : i32
    return %c0_i32, %c0_i32_0 : i32, i32
  }
  func.func @transform_6(%arg0: i32) -> (i32, i32) {
    %add3A = arith.constant 96 : i32
    %add3A_0 = arith.addi %arg0, %add3A : i32
    %c0_i32 = arith.constant 0 : i32
    %c0_i32_1 = arith.constant 0 : i32
    return %add3A_0, %c0_i32 : i32, i32
  }
  func.func @transform_7(%arg0: i32) -> (i32, i32) {
    %c0_i32 = arith.constant 0 : i32
    %c0_i32_0 = arith.constant 0 : i32
    %c0_i32_1 = arith.constant 0 : i32
    return %c0_i32, %c0_i32_0 : i32, i32
  }
}

module attributes {stable_mosaic.version = 14 : i64} {
  func.func @_logits_body(%arg0: i32, %arg1: memref<2000x128xf32, #tpu.memory_space<vmem>>, %arg2: memref<1x2000x128xf32, #tpu.memory_space<vmem>>, %arg3: memref<1x2000x128xf32, #tpu.memory_space<vmem>>, %arg4: memref<1x2000x128xf32, #tpu.memory_space<vmem>>, %arg5: memref<1x2000x128xf32, #tpu.memory_space<vmem>>, %arg6: memref<1x32xf32, #tpu.memory_space<vmem>>, %arg7: memref<128x128xf32, #tpu.memory_space<vmem>>, %arg8: memref<128x128xf32, #tpu.memory_space<vmem>>, %arg9: memref<32x128xf32, #tpu.memory_space<vmem>>, %arg10: memref<2000x128xf32, #tpu.memory_space<vmem>>) attributes {dimension_semantics = [#tpu.dimension_semantics<arbitrary>], iteration_bounds = array<i64: 5>, scalar_prefetch = 0 : i64, scratch_operands = 0 : i64, tpu.core_type = #tpu.core_type<tc>, window_params = [{transform_indices = @transform_0, window_bounds = array<i64: 2000, 128>}, {transform_indices = @transform_1, window_bounds = array<i64: 1, 2000, 128>}, {transform_indices = @transform_2, window_bounds = array<i64: 1, 2000, 128>}, {transform_indices = @transform_3, window_bounds = array<i64: 1, 2000, 128>}, {transform_indices = @transform_4, window_bounds = array<i64: 1, 2000, 128>}, {pipeline_mode = #tpu.pipeline_mode<synchronous>, transform_indices = @transform_5, window_bounds = array<i64: 1, 32>}, {pipeline_mode = #tpu.pipeline_mode<synchronous>, transform_indices = @transform_6, window_bounds = array<i64: 128, 128>}, {pipeline_mode = #tpu.pipeline_mode<synchronous>, transform_indices = @transform_7, window_bounds = array<i64: 128, 128>}, {pipeline_mode = #tpu.pipeline_mode<synchronous>, transform_indices = @transform_8, window_bounds = array<i64: 32, 128>}, {transform_indices = @transform_9, window_bounds = array<i64: 2000, 128>}]} {
    %get3A = arith.constant 0 : index
    %get3A_0 = arith.constant 0 : index
    %get3A_1 = arith.constant 0 : index
    %get3A_2 = vector.load %arg2[%get3A, %get3A_0, %get3A_1] : memref<1x2000x128xf32, #tpu.memory_space<vmem>>, vector<1x2000x128xf32>
    %get3A_3 = vector.shape_cast %get3A_2 : vector<1x2000x128xf32> to vector<2000x128xf32>
    %get3A_4 = arith.constant 0 : index
    %get3A_5 = arith.constant 0 : index
    %get3A_6 = arith.constant 0 : index
    %get3A_7 = vector.load %arg3[%get3A_4, %get3A_5, %get3A_6] : memref<1x2000x128xf32, #tpu.memory_space<vmem>>, vector<1x2000x128xf32>
    %get3A_8 = vector.shape_cast %get3A_7 : vector<1x2000x128xf32> to vector<2000x128xf32>
    %add3A = arith.addf %get3A_3, %get3A_8 : vector<2000x128xf32>
    %get3A_9 = arith.constant 0 : index
    %get3A_10 = arith.constant 0 : index
    %get3A_11 = arith.constant 0 : index
    %get3A_12 = vector.load %arg4[%get3A_9, %get3A_10, %get3A_11] : memref<1x2000x128xf32, #tpu.memory_space<vmem>>, vector<1x2000x128xf32>
    %get3A_13 = vector.shape_cast %get3A_12 : vector<1x2000x128xf32> to vector<2000x128xf32>
    %get3A_14 = arith.constant 0 : index
    %get3A_15 = arith.constant 0 : index
    %get3A_16 = arith.constant 0 : index
    %get3A_17 = vector.load %arg5[%get3A_14, %get3A_15, %get3A_16] : memref<1x2000x128xf32, #tpu.memory_space<vmem>>, vector<1x2000x128xf32>
    %get3A_18 = vector.shape_cast %get3A_17 : vector<1x2000x128xf32> to vector<2000x128xf32>
    %add3A_19 = arith.addf %get3A_13, %get3A_18 : vector<2000x128xf32>
    %add3A_20 = arith.addf %add3A, %add3A_19 : vector<2000x128xf32>
    %get3A_21 = arith.constant 0 : index
    %get3A_22 = arith.constant 0 : index
    %get3A_23 = vector.load %arg1[%get3A_21, %get3A_22] : memref<2000x128xf32, #tpu.memory_space<vmem>>, vector<2000x128xf32>
    %get3A_24 = arith.constant 0 : index
    %get3A_25 = arith.constant 0 : index
    %get3A_26 = vector.load %arg7[%get3A_24, %get3A_25] : memref<128x128xf32, #tpu.memory_space<vmem>>, vector<128x128xf32>
    %dot_general3A = arith.constant dense<0.000000e+00> : vector<2000x128xf32>
    %dot_general3A_27 = tpu.matmul %get3A_23, %get3A_26, %dot_general3A {dimension_numbers = #tpu.dot_dimension_numbers<[1], [0], [0], [1], [0, 0, 1, 1], [], []>, transpose_lhs_hint = false} : vector<2000x128xf32>, vector<128x128xf32>, vector<2000x128xf32> -> vector<2000x128xf32>
    %get3A_28 = arith.constant 0 : index
    %get3A_29 = arith.constant 0 : index
    %get3A_30 = vector.load %arg8[%get3A_28, %get3A_29] : memref<128x128xf32, #tpu.memory_space<vmem>>, vector<128x128xf32>
    %dot_general3A_31 = arith.constant dense<0.000000e+00> : vector<2000x128xf32>
    %dot_general3A_32 = tpu.matmul %add3A_20, %get3A_30, %dot_general3A_31 {dimension_numbers = #tpu.dot_dimension_numbers<[1], [0], [0], [1], [0, 0, 1, 1], [], []>, transpose_lhs_hint = false} : vector<2000x128xf32>, vector<128x128xf32>, vector<2000x128xf32> -> vector<2000x128xf32>
    %add3A_33 = arith.addf %dot_general3A_27, %dot_general3A_32 : vector<2000x128xf32>
    %get3A_34 = arith.constant 0 : index
    %get3A_35 = arith.constant 0 : index
    %get3A_36 = vector.load %arg6[%get3A_34, %get3A_35] : memref<1x32xf32, #tpu.memory_space<vmem>>, vector<1x32xf32>
    %get3A_37 = arith.constant 0 : index
    %get3A_38 = arith.constant 0 : index
    %get3A_39 = vector.load %arg9[%get3A_37, %get3A_38] : memref<32x128xf32, #tpu.memory_space<vmem>>, vector<32x128xf32>
    %dot_general3A_40 = arith.constant dense<0.000000e+00> : vector<1x128xf32>
    %dot_general3A_41 = tpu.matmul %get3A_36, %get3A_39, %dot_general3A_40 {dimension_numbers = #tpu.dot_dimension_numbers<[1], [0], [0], [1], [0, 0, 1, 1], [], []>, transpose_lhs_hint = false} : vector<1x32xf32>, vector<32x128xf32>, vector<1x128xf32> -> vector<1x128xf32>
    %add3A_42 = vector.broadcast %dot_general3A_41 : vector<1x128xf32> to vector<2000x128xf32>
    %add3A_43 = arith.addf %add3A_33, %add3A_42 : vector<2000x128xf32>
    %swap3A = arith.constant 0 : index
    %swap3A_44 = arith.constant 0 : index
    %swap3A_45 = vector.load %arg10[%swap3A, %swap3A_44] : memref<2000x128xf32, #tpu.memory_space<vmem>>, vector<2000x128xf32>
    tpu.vector_store %arg10[%swap3A, %swap3A_44], %add3A_43 {strides = array<i32>} : memref<2000x128xf32, #tpu.memory_space<vmem>>, vector<2000x128xf32>,
    return
  }
  func.func @transform_0(%arg0: i32) -> (i32, i32) {
    %c0_i32 = arith.constant 0 : i32
    %c0_i32_0 = arith.constant 0 : i32
    return %arg0, %c0_i32 : i32, i32
  }
  func.func @transform_1(%arg0: i32) -> (i32, i32, i32) {
    %c0_i32 = arith.constant 0 : i32
    %c0_i32_0 = arith.constant 0 : i32
    %c0_i32_1 = arith.constant 0 : i32
    return %c0_i32, %arg0, %c0_i32_0 : i32, i32, i32
  }
  func.func @transform_2(%arg0: i32) -> (i32, i32, i32) {
    %c1_i32 = arith.constant 1 : i32
    %c0_i32 = arith.constant 0 : i32
    %c0_i32_0 = arith.constant 0 : i32
    return %c1_i32, %arg0, %c0_i32 : i32, i32, i32
  }
  func.func @transform_3(%arg0: i32) -> (i32, i32, i32) {
    %c0_i32 = arith.constant 0 : i32
    %c0_i32_0 = arith.constant 0 : i32
    %c0_i32_1 = arith.constant 0 : i32
    return %c0_i32, %arg0, %c0_i32_0 : i32, i32, i32
  }
  func.func @transform_4(%arg0: i32) -> (i32, i32, i32) {
    %c1_i32 = arith.constant 1 : i32
    %c0_i32 = arith.constant 0 : i32
    %c0_i32_0 = arith.constant 0 : i32
    return %c1_i32, %arg0, %c0_i32 : i32, i32, i32
  }
  func.func @transform_5(%arg0: i32) -> (i32, i32) {
    %c0_i32 = arith.constant 0 : i32
    %c0_i32_0 = arith.constant 0 : i32
    %c0_i32_1 = arith.constant 0 : i32
    return %c0_i32, %c0_i32_0 : i32, i32
  }
  func.func @transform_6(%arg0: i32) -> (i32, i32) {
    %c0_i32 = arith.constant 0 : i32
    %c0_i32_0 = arith.constant 0 : i32
    %c0_i32_1 = arith.constant 0 : i32
    return %c0_i32, %c0_i32_0 : i32, i32
  }
  func.func @transform_7(%arg0: i32) -> (i32, i32) {
    %c0_i32 = arith.constant 0 : i32
    %c0_i32_0 = arith.constant 0 : i32
    %c0_i32_1 = arith.constant 0 : i32
    return %c0_i32, %c0_i32_0 : i32, i32
  }
  func.func @transform_8(%arg0: i32) -> (i32, i32) {
    %c0_i32 = arith.constant 0 : i32
    %c0_i32_0 = arith.constant 0 : i32
    %c0_i32_1 = arith.constant 0 : i32
    return %c0_i32, %c0_i32_0 : i32, i32
  }
  func.func @transform_9(%arg0: i32) -> (i32, i32) {
    %c0_i32 = arith.constant 0 : i32
    %c0_i32_0 = arith.constant 0 : i32
    return %arg0, %c0_i32 : i32, i32
  }
}

module attributes {stable_mosaic.version = 14 : i64} {
  func.func @_stats_body(%arg0: i32, %arg1: memref<2000x128xf32, #tpu.memory_space<vmem>>, %arg2: memref<1x128xf32, #tpu.memory_space<vmem>>, %arg3: memref<1x128xf32, #tpu.memory_space<vmem>>, %arg4: memref<1x128xf32, #tpu.memory_space<vmem>>, %arg5: memref<1x128xf32, #tpu.memory_space<vmem>>) attributes {dimension_semantics = [#tpu.dimension_semantics<arbitrary>], iteration_bounds = array<i64: 5>, scalar_prefetch = 0 : i64, scratch_operands = 2 : i64, tpu.core_type = #tpu.core_type<tc>, window_params = [{transform_indices = @transform_0, window_bounds = array<i64: 2000, 128>}, {pipeline_mode = #tpu.pipeline_mode<synchronous>, transform_indices = @transform_1, window_bounds = array<i64: 1, 128>}, {pipeline_mode = #tpu.pipeline_mode<synchronous>, transform_indices = @transform_2, window_bounds = array<i64: 1, 128>}]} {
    %eq3A = arith.constant 0 : i32
    %eq3A_0 = arith.cmpi eq, %arg0, %eq3A : i32
    %convert_element_type3A = arith.extui %eq3A_0 : i1 to i32
    %cond3A = arith.constant 0 : i32
    %cond3A_1 = arith.cmpi ne, %convert_element_type3A, %cond3A : i32
    scf.if %cond3A_1 {
      %broadcast_in_dim3A_26 = arith.constant -1.000000e+30 : f32
      %broadcast_in_dim3A_27 = vector.broadcast %broadcast_in_dim3A_26 : f32 to vector<1x128xf32>
      %swap3A_28 = arith.constant 0 : index
      %swap3A_29 = arith.constant 0 : index
      %swap3A_30 = vector.load %arg4[%swap3A_28, %swap3A_29] : memref<1x128xf32, #tpu.memory_space<vmem>>, vector<1x128xf32>
      tpu.vector_store %arg4[%swap3A_28, %swap3A_29], %broadcast_in_dim3A_27 {strides = array<i32>} : memref<1x128xf32, #tpu.memory_space<vmem>>, vector<1x128xf32>,
      %broadcast_in_dim3A_31 = arith.constant 0.000000e+00 : f32
      %broadcast_in_dim3A_32 = vector.broadcast %broadcast_in_dim3A_31 : f32 to vector<1x128xf32>
      %swap3A_33 = arith.constant 0 : index
      %swap3A_34 = arith.constant 0 : index
      %swap3A_35 = vector.load %arg5[%swap3A_33, %swap3A_34] : memref<1x128xf32, #tpu.memory_space<vmem>>, vector<1x128xf32>
      tpu.vector_store %arg5[%swap3A_33, %swap3A_34], %broadcast_in_dim3A_32 {strides = array<i32>} : memref<1x128xf32, #tpu.memory_space<vmem>>, vector<1x128xf32>,
    } else {
    }
    %get3A = arith.constant 0 : index
    %get3A_2 = arith.constant 0 : index
    %get3A_3 = vector.load %arg1[%get3A, %get3A_2] : memref<2000x128xf32, #tpu.memory_space<vmem>>, vector<2000x128xf32>
    %reduce_max3A = arith.constant dense<0xFF800000> : vector<128xf32>
    %reduce_max3A_4 = vector.multi_reduction <maximumf>, %get3A_3, %reduce_max3A [0] : vector<2000x128xf32> to vector<128xf32>
    %broadcast_in_dim3A = vector.shape_cast %reduce_max3A_4 : vector<128xf32> to vector<1x128xf32>
    %get3A_5 = arith.constant 0 : index
    %get3A_6 = arith.constant 0 : index
    %get3A_7 = vector.load %arg4[%get3A_5, %get3A_6] : memref<1x128xf32, #tpu.memory_space<vmem>>, vector<1x128xf32>
    %max3A = arith.maximumf %get3A_7, %broadcast_in_dim3A : vector<1x128xf32>
    %get3A_8 = arith.constant 0 : index
    %get3A_9 = arith.constant 0 : index
    %get3A_10 = vector.load %arg5[%get3A_8, %get3A_9] : memref<1x128xf32, #tpu.memory_space<vmem>>, vector<1x128xf32>
    %sub3A = arith.subf %get3A_7, %max3A : vector<1x128xf32>
    %exp3A = math.exp %sub3A : vector<1x128xf32>
    %mul3A = arith.mulf %get3A_10, %exp3A : vector<1x128xf32>
    %sub3A_11 = vector.broadcast %max3A : vector<1x128xf32> to vector<2000x128xf32>
    %sub3A_12 = arith.subf %get3A_3, %sub3A_11 : vector<2000x128xf32>
    %exp3A_13 = math.exp %sub3A_12 : vector<2000x128xf32>
    %reduce_sum3A = arith.constant dense<0.000000e+00> : vector<128xf32>
    %reduce_sum3A_14 = vector.multi_reduction <add>, %exp3A_13, %reduce_sum3A [0] : vector<2000x128xf32> to vector<128xf32>
    %broadcast_in_dim3A_15 = vector.shape_cast %reduce_sum3A_14 : vector<128xf32> to vector<1x128xf32>
    %add3A = arith.addf %mul3A, %broadcast_in_dim3A_15 : vector<1x128xf32>
    %swap3A = arith.constant 0 : index
    %swap3A_16 = arith.constant 0 : index
    %swap3A_17 = vector.load %arg5[%swap3A, %swap3A_16] : memref<1x128xf32, #tpu.memory_space<vmem>>, vector<1x128xf32>
    tpu.vector_store %arg5[%swap3A, %swap3A_16], %add3A {strides = array<i32>} : memref<1x128xf32, #tpu.memory_space<vmem>>, vector<1x128xf32>,
    %swap3A_18 = arith.constant 0 : index
    %swap3A_19 = arith.constant 0 : index
    %swap3A_20 = vector.load %arg4[%swap3A_18, %swap3A_19] : memref<1x128xf32, #tpu.memory_space<vmem>>, vector<1x128xf32>
    tpu.vector_store %arg4[%swap3A_18, %swap3A_19], %max3A {strides = array<i32>} : memref<1x128xf32, #tpu.memory_space<vmem>>, vector<1x128xf32>,
    %eq3A_21 = arith.constant 4 : i32
    %eq3A_22 = arith.cmpi eq, %arg0, %eq3A_21 : i32
    %convert_element_type3A_23 = arith.extui %eq3A_22 : i1 to i32
    %cond3A_24 = arith.constant 0 : i32
    %cond3A_25 = arith.cmpi ne, %convert_element_type3A_23, %cond3A_24 : i32
    scf.if %cond3A_25 {
      %get3A_26 = arith.constant 0 : index
      %get3A_27 = arith.constant 0 : index
      %get3A_28 = vector.load %arg4[%get3A_26, %get3A_27] : memref<1x128xf32, #tpu.memory_space<vmem>>, vector<1x128xf32>
      %swap3A_29 = arith.constant 0 : index
      %swap3A_30 = arith.constant 0 : index
      %swap3A_31 = vector.load %arg2[%swap3A_29, %swap3A_30] : memref<1x128xf32, #tpu.memory_space<vmem>>, vector<1x128xf32>
      tpu.vector_store %arg2[%swap3A_29, %swap3A_30], %get3A_28 {strides = array<i32>} : memref<1x128xf32, #tpu.memory_space<vmem>>, vector<1x128xf32>,
      %get3A_32 = arith.constant 0 : index
      %get3A_33 = arith.constant 0 : index
      %get3A_34 = vector.load %arg5[%get3A_32, %get3A_33] : memref<1x128xf32, #tpu.memory_space<vmem>>, vector<1x128xf32>
      %swap3A_35 = arith.constant 0 : index
      %swap3A_36 = arith.constant 0 : index
      %swap3A_37 = vector.load %arg3[%swap3A_35, %swap3A_36] : memref<1x128xf32, #tpu.memory_space<vmem>>, vector<1x128xf32>
      tpu.vector_store %arg3[%swap3A_35, %swap3A_36], %get3A_34 {strides = array<i32>} : memref<1x128xf32, #tpu.memory_space<vmem>>, vector<1x128xf32>,
    } else {
    }
    return
  }
  func.func @transform_0(%arg0: i32) -> (i32, i32) {
    %c0_i32 = arith.constant 0 : i32
    %c0_i32_0 = arith.constant 0 : i32
    return %arg0, %c0_i32 : i32, i32
  }
  func.func @transform_1(%arg0: i32) -> (i32, i32) {
    %c0_i32 = arith.constant 0 : i32
    %c0_i32_0 = arith.constant 0 : i32
    %c0_i32_1 = arith.constant 0 : i32
    return %c0_i32, %c0_i32_0 : i32, i32
  }
  func.func @transform_2(%arg0: i32) -> (i32, i32) {
    %c0_i32 = arith.constant 0 : i32
    %c0_i32_0 = arith.constant 0 : i32
    %c0_i32_1 = arith.constant 0 : i32
    return %c0_i32, %c0_i32_0 : i32, i32
  }
}

module attributes {stable_mosaic.version = 14 : i64} {
  func.func @_node_body(%arg0: i32, %arg1: memref<2000x128xf32, #tpu.memory_space<vmem>>, %arg2: memref<1x128xf32, #tpu.memory_space<vmem>>, %arg3: memref<1x128xf32, #tpu.memory_space<vmem>>, %arg4: memref<128x288xf32, #tpu.memory_space<vmem>>, %arg5: memref<288x128xf32, #tpu.memory_space<vmem>>, %arg6: memref<1x128xf32, #tpu.memory_space<vmem>>, %arg7: memref<128x128xf32, #tpu.memory_space<vmem>>, %arg8: memref<1x128xf32, #tpu.memory_space<vmem>>, %arg9: memref<1x32xf32, #tpu.memory_space<vmem>>, %arg10: memref<1x128xf32, #tpu.memory_space<vmem>>, %arg11: memref<1x128xf32, #tpu.memory_space<vmem>>, %arg12: memref<288x128xf32, #tpu.memory_space<vmem>>, %arg13: memref<1x128xf32, #tpu.memory_space<vmem>>, %arg14: memref<128x128xf32, #tpu.memory_space<vmem>>, %arg15: memref<1x128xf32, #tpu.memory_space<vmem>>, %arg16: memref<2000x128xf32, #tpu.memory_space<vmem>>, %arg17: memref<1x128xf32, #tpu.memory_space<vmem>>, %arg18: memref<1x128xf32, #tpu.memory_space<vmem>>) attributes {dimension_semantics = [#tpu.dimension_semantics<arbitrary>], iteration_bounds = array<i64: 5>, scalar_prefetch = 0 : i64, scratch_operands = 1 : i64, tpu.core_type = #tpu.core_type<tc>, window_params = [{transform_indices = @transform_0, window_bounds = array<i64: 2000, 128>}, {pipeline_mode = #tpu.pipeline_mode<synchronous>, transform_indices = @transform_1, window_bounds = array<i64: 1, 128>}, {pipeline_mode = #tpu.pipeline_mode<synchronous>, transform_indices = @transform_2, window_bounds = array<i64: 1, 128>}, {pipeline_mode = #tpu.pipeline_mode<synchronous>, transform_indices = @transform_3, window_bounds = array<i64: 128, 288>}, {pipeline_mode = #tpu.pipeline_mode<synchronous>, transform_indices = @transform_4, window_bounds = array<i64: 288, 128>}, {pipeline_mode = #tpu.pipeline_mode<synchronous>, transform_indices = @transform_5, window_bounds = array<i64: 1, 128>}, {pipeline_mode = #tpu.pipeline_mode<synchronous>, transform_indices = @transform_6, window_bounds = array<i64: 128, 128>}, {pipeline_mode = #tpu.pipeline_mode<synchronous>, transform_indices = @transform_7, window_bounds = array<i64: 1, 128>}, {pipeline_mode = #tpu.pipeline_mode<synchronous>, transform_indices = @transform_8, window_bounds = array<i64: 1, 32>}, {pipeline_mode = #tpu.pipeline_mode<synchronous>, transform_indices = @transform_9, window_bounds = array<i64: 1, 128>}, {pipeline_mode = #tpu.pipeline_mode<synchronous>, transform_indices = @transform_10, window_bounds = array<i64: 1, 128>}, {pipeline_mode = #tpu.pipeline_mode<synchronous>, transform_indices = @transform_11, window_bounds = array<i64: 288, 128>}, {pipeline_mode = #tpu.pipeline_mode<synchronous>, transform_indices = @transform_12, window_bounds = array<i64: 1, 128>}, {pipeline_mode = #tpu.pipeline_mode<synchronous>, transform_indices = @transform_13, window_bounds = array<i64: 128, 128>}, {pipeline_mode = #tpu.pipeline_mode<synchronous>, transform_indices = @transform_14, window_bounds = array<i64: 1, 128>}, {transform_indices = @transform_15, window_bounds = array<i64: 2000, 128>}, {pipeline_mode = #tpu.pipeline_mode<synchronous>, transform_indices = @transform_16, window_bounds = array<i64: 1, 128>}]} {
    %get3A = arith.constant 0 : index
    %get3A_0 = arith.constant 0 : index
    %get3A_1 = vector.load %arg1[%get3A, %get3A_0] : memref<2000x128xf32, #tpu.memory_space<vmem>>, vector<2000x128xf32>
    %get3A_2 = arith.constant 0 : index
    %get3A_3 = arith.constant 0 : index
    %get3A_4 = vector.load %arg2[%get3A_2, %get3A_3] : memref<1x128xf32, #tpu.memory_space<vmem>>, vector<1x128xf32>
    %sub3A = vector.broadcast %get3A_4 : vector<1x128xf32> to vector<2000x128xf32>
    %sub3A_5 = arith.subf %get3A_1, %sub3A : vector<2000x128xf32>
    %exp3A = math.exp %sub3A_5 : vector<2000x128xf32>
    %get3A_6 = arith.constant 0 : index
    %get3A_7 = arith.constant 0 : index
    %get3A_8 = vector.load %arg3[%get3A_6, %get3A_7] : memref<1x128xf32, #tpu.memory_space<vmem>>, vector<1x128xf32>
    %div3A = vector.broadcast %get3A_8 : vector<1x128xf32> to vector<2000x128xf32>
    %div3A_9 = arith.divf %exp3A, %div3A : vector<2000x128xf32>
    %reduce_sum3A = arith.constant dense<0.000000e+00> : vector<2000xf32>
    %reduce_sum3A_10 = vector.multi_reduction <add>, %div3A_9, %reduce_sum3A [1] : vector<2000x128xf32> to vector<2000xf32>
    %broadcast_in_dim3A = vector.shape_cast %reduce_sum3A_10 : vector<2000xf32> to vector<2000x1xf32>
    %div3A_11 = vector.broadcast %broadcast_in_dim3A : vector<2000x1xf32> to vector<2000x128xf32>
    %div3A_12 = arith.divf %div3A_9, %div3A_11 : vector<2000x128xf32>
    %get3A_13 = arith.constant 0 : index
    %get3A_14 = arith.constant 0 : index
    %get3A_15 = vector.load %arg4[%get3A_13, %get3A_14] : memref<128x288xf32, #tpu.memory_space<vmem>>, vector<128x288xf32>
    %dot_general3A = arith.constant dense<0.000000e+00> : vector<2000x288xf32>
    %dot_general3A_16 = tpu.matmul %div3A_12, %get3A_15, %dot_general3A {dimension_numbers = #tpu.dot_dimension_numbers<[1], [0], [0], [1], [0, 0, 1, 1], [], []>, transpose_lhs_hint = false} : vector<2000x128xf32>, vector<128x288xf32>, vector<2000x288xf32> -> vector<2000x288xf32>
    %get3A_17 = arith.constant 0 : index
    %get3A_18 = arith.constant 0 : index
    %get3A_19 = vector.load %arg5[%get3A_17, %get3A_18] : memref<288x128xf32, #tpu.memory_space<vmem>>, vector<288x128xf32>
    %dot_general3A_20 = arith.constant dense<0.000000e+00> : vector<2000x128xf32>
    %dot_general3A_21 = tpu.matmul %dot_general3A_16, %get3A_19, %dot_general3A_20 {dimension_numbers = #tpu.dot_dimension_numbers<[1], [0], [0], [1], [0, 0, 1, 1], [], []>, transpose_lhs_hint = false} : vector<2000x288xf32>, vector<288x128xf32>, vector<2000x128xf32> -> vector<2000x128xf32>
    %get3A_22 = arith.constant 0 : index
    %get3A_23 = arith.constant 0 : index
    %get3A_24 = vector.load %arg6[%get3A_22, %get3A_23] : memref<1x128xf32, #tpu.memory_space<vmem>>, vector<1x128xf32>
    %add3A = vector.broadcast %get3A_24 : vector<1x128xf32> to vector<2000x128xf32>
    %add3A_25 = arith.addf %dot_general3A_21, %add3A : vector<2000x128xf32>
    %max3A = arith.constant 0.000000e+00 : f32
    %max3A_26 = vector.broadcast %max3A : f32 to vector<2000x128xf32>
    %max3A_27 = arith.maximumf %add3A_25, %max3A_26 : vector<2000x128xf32>
    %get3A_28 = arith.constant 0 : index
    %get3A_29 = arith.constant 0 : index
    %get3A_30 = vector.load %arg7[%get3A_28, %get3A_29] : memref<128x128xf32, #tpu.memory_space<vmem>>, vector<128x128xf32>
    %dot_general3A_31 = arith.constant dense<0.000000e+00> : vector<2000x128xf32>
    %dot_general3A_32 = tpu.matmul %max3A_27, %get3A_30, %dot_general3A_31 {dimension_numbers = #tpu.dot_dimension_numbers<[1], [0], [0], [1], [0, 0, 1, 1], [], []>, transpose_lhs_hint = false} : vector<2000x128xf32>, vector<128x128xf32>, vector<2000x128xf32> -> vector<2000x128xf32>
    %get3A_33 = arith.constant 0 : index
    %get3A_34 = arith.constant 0 : index
    %get3A_35 = vector.load %arg8[%get3A_33, %get3A_34] : memref<1x128xf32, #tpu.memory_space<vmem>>, vector<1x128xf32>
    %add3A_36 = vector.broadcast %get3A_35 : vector<1x128xf32> to vector<2000x128xf32>
    %add3A_37 = arith.addf %dot_general3A_32, %add3A_36 : vector<2000x128xf32>
    %swap3A = arith.constant 0 : index
    %swap3A_38 = arith.constant 0 : index
    %swap3A_39 = vector.load %arg16[%swap3A, %swap3A_38] : memref<2000x128xf32, #tpu.memory_space<vmem>>, vector<2000x128xf32>
    tpu.vector_store %arg16[%swap3A, %swap3A_38], %add3A_37 {strides = array<i32>} : memref<2000x128xf32, #tpu.memory_space<vmem>>, vector<2000x128xf32>,
    %eq3A = arith.constant 0 : i32
    %eq3A_40 = arith.cmpi eq, %arg0, %eq3A : i32
    %convert_element_type3A = arith.extui %eq3A_40 : i1 to i32
    %cond3A = arith.constant 0 : i32
    %cond3A_41 = arith.cmpi ne, %convert_element_type3A, %cond3A : i32
    scf.if %cond3A_41 {
      %broadcast_in_dim3A_57 = arith.constant 0.000000e+00 : f32
      %broadcast_in_dim3A_58 = vector.broadcast %broadcast_in_dim3A_57 : f32 to vector<1x128xf32>
      %swap3A_59 = arith.constant 0 : index
      %swap3A_60 = arith.constant 0 : index
      %swap3A_61 = vector.load %arg18[%swap3A_59, %swap3A_60] : memref<1x128xf32, #tpu.memory_space<vmem>>, vector<1x128xf32>
      tpu.vector_store %arg18[%swap3A_59, %swap3A_60], %broadcast_in_dim3A_58 {strides = array<i32>} : memref<1x128xf32, #tpu.memory_space<vmem>>, vector<1x128xf32>,
    } else {
    }
    %get3A_42 = arith.constant 0 : index
    %get3A_43 = arith.constant 0 : index
    %get3A_44 = vector.load %arg18[%get3A_42, %get3A_43] : memref<1x128xf32, #tpu.memory_space<vmem>>, vector<1x128xf32>
    %reduce_sum3A_45 = arith.constant dense<0.000000e+00> : vector<128xf32>
    %reduce_sum3A_46 = vector.multi_reduction <add>, %add3A_37, %reduce_sum3A_45 [0] : vector<2000x128xf32> to vector<128xf32>
    %broadcast_in_dim3A_47 = vector.shape_cast %reduce_sum3A_46 : vector<128xf32> to vector<1x128xf32>
    %add3A_48 = arith.addf %get3A_44, %broadcast_in_dim3A_47 : vector<1x128xf32>
    %swap3A_49 = arith.constant 0 : index
    %swap3A_50 = arith.constant 0 : index
    %swap3A_51 = vector.load %arg18[%swap3A_49, %swap3A_50] : memref<1x128xf32, #tpu.memory_space<vmem>>, vector<1x128xf32>
    tpu.vector_store %arg18[%swap3A_49, %swap3A_50], %add3A_48 {strides = array<i32>} : memref<1x128xf32, #tpu.memory_space<vmem>>, vector<1x128xf32>,
    %eq3A_52 = arith.constant 4 : i32
    %eq3A_53 = arith.cmpi eq, %arg0, %eq3A_52 : i32
    %convert_element_type3A_54 = arith.extui %eq3A_53 : i1 to i32
    %cond3A_55 = arith.constant 0 : i32
    %cond3A_56 = arith.cmpi ne, %convert_element_type3A_54, %cond3A_55 : i32
    scf.if %cond3A_56 {
      %get3A_57 = arith.constant 0 : index
      %get3A_58 = arith.constant 0 : index
      %get3A_59 = vector.load %arg18[%get3A_57, %get3A_58] : memref<1x128xf32, #tpu.memory_space<vmem>>, vector<1x128xf32>
      %mul3A = arith.constant 9.99999974E-5 : f32
      %mul3A_60 = vector.broadcast %mul3A : f32 to vector<1x128xf32>
      %mul3A_61 = arith.mulf %get3A_59, %mul3A_60 : vector<1x128xf32>
      %get3A_62 = arith.constant 0 : index
      %get3A_63 = arith.constant 0 : index
      %get3A_64 = vector.load %arg10[%get3A_62, %get3A_63] : memref<1x128xf32, #tpu.memory_space<vmem>>, vector<1x128xf32>
      %get3A_65 = arith.constant 0 : index
      %get3A_66 = arith.constant 0 : index
      %get3A_67 = vector.load %arg11[%get3A_65, %get3A_66] : memref<1x128xf32, #tpu.memory_space<vmem>>, vector<1x128xf32>
      %add3A_68 = arith.addf %get3A_64, %get3A_67 : vector<1x128xf32>
      %mul3A_69 = arith.constant 3.125000e-06 : f32
      %mul3A_70 = vector.broadcast %mul3A_69 : f32 to vector<1x128xf32>
      %mul3A_71 = arith.mulf %add3A_68, %mul3A_70 : vector<1x128xf32>
      %get3A_72 = arith.constant 0 : index
      %get3A_73 = arith.constant 0 : index
      %get3A_74 = vector.load %arg9[%get3A_72, %get3A_73] : memref<1x32xf32, #tpu.memory_space<vmem>>, vector<1x32xf32>
      %concatenate3A = tpu.concatenate %get3A_74, %mul3A_61, %mul3A_71 in 1 : vector<1x32xf32>, vector<1x128xf32>, vector<1x128xf32> -> vector<1x288xf32>
      %get3A_75 = arith.constant 0 : index
      %get3A_76 = arith.constant 0 : index
      %get3A_77 = vector.load %arg12[%get3A_75, %get3A_76] : memref<288x128xf32, #tpu.memory_space<vmem>>, vector<288x128xf32>
      %dot_general3A_78 = arith.constant dense<0.000000e+00> : vector<1x128xf32>
      %dot_general3A_79 = tpu.matmul %concatenate3A, %get3A_77, %dot_general3A_78 {dimension_numbers = #tpu.dot_dimension_numbers<[1], [0], [0], [1], [0, 0, 1, 1], [], []>, transpose_lhs_hint = false} : vector<1x288xf32>, vector<288x128xf32>, vector<1x128xf32> -> vector<1x128xf32>
      %get3A_80 = arith.constant 0 : index
      %get3A_81 = arith.constant 0 : index
      %get3A_82 = vector.load %arg13[%get3A_80, %get3A_81] : memref<1x128xf32, #tpu.memory_space<vmem>>, vector<1x128xf32>
      %add3A_83 = arith.addf %dot_general3A_79, %get3A_82 : vector<1x128xf32>
      %max3A_84 = arith.constant 0.000000e+00 : f32
      %max3A_85 = vector.broadcast %max3A_84 : f32 to vector<1x128xf32>
      %max3A_86 = arith.maximumf %add3A_83, %max3A_85 : vector<1x128xf32>
      %get3A_87 = arith.constant 0 : index
      %get3A_88 = arith.constant 0 : index
      %get3A_89 = vector.load %arg14[%get3A_87, %get3A_88] : memref<128x128xf32, #tpu.memory_space<vmem>>, vector<128x128xf32>
      %dot_general3A_90 = arith.constant dense<0.000000e+00> : vector<1x128xf32>
      %dot_general3A_91 = tpu.matmul %max3A_86, %get3A_89, %dot_general3A_90 {dimension_numbers = #tpu.dot_dimension_numbers<[1], [0], [0], [1], [0, 0, 1, 1], [], []>, transpose_lhs_hint = false} : vector<1x128xf32>, vector<128x128xf32>, vector<1x128xf32> -> vector<1x128xf32>
      %get3A_92 = arith.constant 0 : index
      %get3A_93 = arith.constant 0 : index
      %get3A_94 = vector.load %arg15[%get3A_92, %get3A_93] : memref<1x128xf32, #tpu.memory_space<vmem>>, vector<1x128xf32>
      %add3A_95 = arith.addf %dot_general3A_91, %get3A_94 : vector<1x128xf32>
      %swap3A_96 = arith.constant 0 : index
      %swap3A_97 = arith.constant 0 : index
      %swap3A_98 = vector.load %arg17[%swap3A_96, %swap3A_97] : memref<1x128xf32, #tpu.memory_space<vmem>>, vector<1x128xf32>
      tpu.vector_store %arg17[%swap3A_96, %swap3A_97], %add3A_95 {strides = array<i32>} : memref<1x128xf32, #tpu.memory_space<vmem>>, vector<1x128xf32>,
    } else {
    }
    return
  }
  func.func @transform_0(%arg0: i32) -> (i32, i32) {
    %c0_i32 = arith.constant 0 : i32
    %c0_i32_0 = arith.constant 0 : i32
    return %arg0, %c0_i32 : i32, i32
  }
  func.func @transform_1(%arg0: i32) -> (i32, i32) {
    %c0_i32 = arith.constant 0 : i32
    %c0_i32_0 = arith.constant 0 : i32
    %c0_i32_1 = arith.constant 0 : i32
    return %c0_i32, %c0_i32_0 : i32, i32
  }
  func.func @transform_2(%arg0: i32) -> (i32, i32) {
    %c0_i32 = arith.constant 0 : i32
    %c0_i32_0 = arith.constant 0 : i32
    %c0_i32_1 = arith.constant 0 : i32
    return %c0_i32, %c0_i32_0 : i32, i32
  }
  func.func @transform_3(%arg0: i32) -> (i32, i32) {
    %c0_i32 = arith.constant 0 : i32
    %c0_i32_0 = arith.constant 0 : i32
    %c0_i32_1 = arith.constant 0 : i32
    return %c0_i32, %c0_i32_0 : i32, i32
  }
  func.func @transform_4(%arg0: i32) -> (i32, i32) {
    %c0_i32 = arith.constant 0 : i32
    %c0_i32_0 = arith.constant 0 : i32
    %c0_i32_1 = arith.constant 0 : i32
    return %c0_i32, %c0_i32_0 : i32, i32
  }
  func.func @transform_5(%arg0: i32) -> (i32, i32) {
    %c0_i32 = arith.constant 0 : i32
    %c0_i32_0 = arith.constant 0 : i32
    %c0_i32_1 = arith.constant 0 : i32
    return %c0_i32, %c0_i32_0 : i32, i32
  }
  func.func @transform_6(%arg0: i32) -> (i32, i32) {
    %c0_i32 = arith.constant 0 : i32
    %c0_i32_0 = arith.constant 0 : i32
    %c0_i32_1 = arith.constant 0 : i32
    return %c0_i32, %c0_i32_0 : i32, i32
  }
  func.func @transform_7(%arg0: i32) -> (i32, i32) {
    %c0_i32 = arith.constant 0 : i32
    %c0_i32_0 = arith.constant 0 : i32
    %c0_i32_1 = arith.constant 0 : i32
    return %c0_i32, %c0_i32_0 : i32, i32
  }
  func.func @transform_8(%arg0: i32) -> (i32, i32) {
    %c0_i32 = arith.constant 0 : i32
    %c0_i32_0 = arith.constant 0 : i32
    %c0_i32_1 = arith.constant 0 : i32
    return %c0_i32, %c0_i32_0 : i32, i32
  }
  func.func @transform_9(%arg0: i32) -> (i32, i32) {
    %c0_i32 = arith.constant 0 : i32
    %c0_i32_0 = arith.constant 0 : i32
    %c0_i32_1 = arith.constant 0 : i32
    return %c0_i32, %c0_i32_0 : i32, i32
  }
  func.func @transform_10(%arg0: i32) -> (i32, i32) {
    %c0_i32 = arith.constant 0 : i32
    %c0_i32_0 = arith.constant 0 : i32
    %c0_i32_1 = arith.constant 0 : i32
    return %c0_i32, %c0_i32_0 : i32, i32
  }
  func.func @transform_11(%arg0: i32) -> (i32, i32) {
    %c0_i32 = arith.constant 0 : i32
    %c0_i32_0 = arith.constant 0 : i32
    %c0_i32_1 = arith.constant 0 : i32
    return %c0_i32, %c0_i32_0 : i32, i32
  }
  func.func @transform_12(%arg0: i32) -> (i32, i32) {
    %c0_i32 = arith.constant 0 : i32
    %c0_i32_0 = arith.constant 0 : i32
    %c0_i32_1 = arith.constant 0 : i32
    return %c0_i32, %c0_i32_0 : i32, i32
  }
  func.func @transform_13(%arg0: i32) -> (i32, i32) {
    %c0_i32 = arith.constant 0 : i32
    %c0_i32_0 = arith.constant 0 : i32
    %c0_i32_1 = arith.constant 0 : i32
    return %c0_i32, %c0_i32_0 : i32, i32
  }
  func.func @transform_14(%arg0: i32) -> (i32, i32) {
    %c0_i32 = arith.constant 0 : i32
    %c0_i32_0 = arith.constant 0 : i32
    %c0_i32_1 = arith.constant 0 : i32
    return %c0_i32, %c0_i32_0 : i32, i32
  }
  func.func @transform_15(%arg0: i32) -> (i32, i32) {
    %c0_i32 = arith.constant 0 : i32
    %c0_i32_0 = arith.constant 0 : i32
    return %arg0, %c0_i32 : i32, i32
  }
  func.func @transform_16(%arg0: i32) -> (i32, i32) {
    %c0_i32 = arith.constant 0 : i32
    %c0_i32_0 = arith.constant 0 : i32
    %c0_i32_1 = arith.constant 0 : i32
    return %c0_i32, %c0_i32_0 : i32, i32
  }
}

</mosaic_0001>

<sc_bundles>
// kernel: kernel.12.cloned.1.call-start
scs
__scs_entry_jumppad:
0x0: {  	(pc) =	sbr.rel $0x88, $3  }
0x1: {  	(tag) =	ssettag $0x0;
	lr =	simm.s32 $0x1  }
0x2: {  	[smem:$0x3F8F] =	sst lr;
	_ =	strace $0xD0000000  }
0x3: {  	_ = 	snop  }
0x4: {  	_ = 	snop  }
0x5: {  	_ = 	snop  }
0x6: {  	_ = 	snop  }
0x7: {  	_ = 	snop  }
__scs_overlays_trampoline_lowered:
0x8: {  	[smem:$0x3F9E] =	sst s0  }
0x9: {  	[smem:$0x3F9F] =	sst s1  }
0xa: {  	[smem:$0x3FA0] =	sst s2  }
0xb: {  	[smem:$0x3FA1] =	sst s3  }
0xc: {  	[smem:$0x3FA2] =	sst s4  }
0xd: {  	[smem:$0x3FA3] =	sst s5  }
0xe: {  	[smem:$0x3FA4] =	sst s6  }
0xf: {  	[smem:$0x3FA5] =	sst s7  }
0x10: {  	[smem:$0x3FA6] =	sst s8  }
0x11: {  	[smem:$0x3FA7] =	sst s9;
	s0 =	simm.s32 @!p0 $0x0  }
0x12: {  	s1 =	sld [smem:$0x3F8D];
	s0 =	simm.s32 @p0 $0x1  }
0x13: {  	[smem:$0x3FA8] =	sst s0;
	s0 =	simm.s32 @!p1 $0x0  }
0x14: {  	s2 =	sld [smem:$0x3F8C];
	s0 =	simm.s32 @p1 $0x1  }
0x15: {  	[smem:$0x3FA9] =	sst s0;
	s0 =	simm.s32 @!p2 $0x0  }
0x16: {  	s3 =	sld [smem:$0x3FDB];
	s0 =	simm.s32 @p2 $0x1  }
0x17: {  	s4 =	simm.s32 $0x1BF5;
	[smem:$0x3FAB] =	sst s0  }
0x18: {  	s0 =	sld [smem:$0x3F8E];
	_ =	swait.ge [sflag:s4], $0x0  }
0x19: {  	s7 =	sld [smem:$0x3F8F]  }
0x1a: {  	s8 =	sadd.s32 $0xFFFFE003, lr  }
0x1b: {  	s9 =	sadd.s32 $0xFFFFFEF7, lr;
	s5 =	simm.s32 $0xFFFFFFFF;
	p2 =	slt.u32 s8, $0xFFFFF086  }
0x1c: {  	p1 =	slt.u32 s9, $0xF7A;
	s5 =	simm.s32 @!p2 $0x0  }
0x1d: {  	s5 =	simm.s32 @p1 $0x1;
	p0 =	seq.s32 s7, s2  }
0x1e: {  	s7 =	smul.u32 @!p0 $0xF7A, s2;
	p2 =	seq.s32 @!p0 s5, $0x0  }
0x1f: {  	s9 =	smul.u32 $0xF7A, s1;
	s8 =	simm.s32 @!p0 $0x1BF5;
	p2 =	por !p2, p0  }
0x20: {  	[sflag:s8] =	ssyncset.s32 @!p0 $0xFFFFF086;
	s6 =	sadd.s32 @!p0 s3, s7;
	s7 =	simm.s32 @!p0 $0x108  }
0x21: {  	s3 =	sadd.s32 s3, s9;
	s6 =	sadd.s32 @!p0 $0x88, s6;
	s7 =	simm.s32 @p2 $0x1082  }
0x22: {  	[simem:s7], [sflag:s8] =	dma.local @!p0 [hbm:s6], $0xF7A  }
0x23: {  	s9 =	sor.u32 $0xD0000000, s2;
	s6 =	simm.s32 $0x108;
	_ =	swait.ge @!p0 [sflag:s8], $0x0  }
0x24: {  	s3 =	sadd.s32 $0x88, s3;
	s6 =	simm.s32 @!p1 $0x1082;
	[sflag:s4] =	ssyncset.s32 $0xFFFFF086  }
0x25: {  	[simem:s6], [sflag:s4] =	dma.local [hbm:s3], $0xF7A  }
0x26: {  	[smem:$0x3F8F] =	sst s1;
	(tag) =	ssettag s2;
	_ =	strace s9  }
0x27: {  	s1 =	sld [smem:$0x3F9F]  }
0x28: {  	s2 =	sld [smem:$0x3FA0]  }
0x29: {  	s4 =	sld [smem:$0x3FA2]  }
0x2a: {  	p0 =	seq.s32 s5, $0x0;
	s5 =	sld [smem:$0x3FA3]  }
0x2b: {  	s6 =	sld [smem:$0x3FA4]  }
0x2c: {  	s7 =	sld [smem:$0x3FA5]  }
0x2d: {  	s3 =	simm.s32 $0x108;
	s8 =	sld [smem:$0x3FA6]  }
0x2e: {  	s3 =	simm.s32 @!p0 $0x1082;
	s9 =	sld [smem:$0x3FA7]  }
0x2f: {  	lr =	sadd.s32 s0, s3;
	s0 =	sld [smem:$0x3F9E]  }
0x30: {  	s3 =	sld [smem:$0x3FA1]  }
0x31: {  	[smem:$0x3FAA] =	sst s10  }
0x32: {  	s10 =	sld [smem:$0x3FA8];
	_ =	sdelay $0x3  }
0x33: {  	p0 =	seq.s32 s10, $0x1;
	s10 =	sld [smem:$0x3FAA];
	_ =	sdelay $0x3  }
0x34: {  	[smem:$0x3FAA] =	sst s10  }
0x35: {  	s10 =	sld [smem:$0x3FA9];
	_ =	sdelay $0x3  }
0x36: {  	p1 =	seq.s32 s10, $0x1;
	s10 =	sld [smem:$0x3FAA];
	_ =	sdelay $0x3  }
0x37: {  	[smem:$0x3FAA] =	sst s10  }
0x38: {  	s10 =	sld [smem:$0x3FAB]  }
0x39: {  	_ = 	snop;
	(pc) =	sbr.ind lr, $3  }
0x3a: {  	_ = 	snop  }
0x3b: {  	_ = 	snop  }
0x3c: {  	p2 =	seq.s32 s10, $0x1;
	s10 =	sld [smem:$0x3FAA]  }
0x3d: {  	_ =	shalt  }
0x3e: {  	_ =	shalt  }
0x3f: {  	_ =	shalt  }
0x40: {  	_ =	shalt  }
0x41: {  	_ =	shalt  }
0x42: {  	_ =	shalt  }
0x43: {  	_ =	shalt  }
0x44: {  	_ =	shalt  }
0x45: {  	_ =	shalt  }
0x46: {  	_ =	shalt  }
0x47: {  	_ =	shalt  }
0x48: {  	_ =	shalt  }
0x49: {  	_ =	shalt  }
0x4a: {  	_ =	shalt  }
0x4b: {  	_ =	shalt  }
0x4c: {  	_ =	shalt  }
0x4d: {  	_ =	shalt  }
0x4e: {  	_ =	shalt  }
0x4f: {  	_ =	shalt  }
0x50: {  	_ =	shalt  }
0x51: {  	_ =	shalt  }
0x52: {  	_ =	shalt  }
0x53: {  	_ =	shalt  }
0x54: {  	_ =	shalt  }
0x55: {  	_ =	shalt  }
0x56: {  	_ =	shalt  }
0x57: {  	_ =	shalt  }
0x58: {  	_ =	shalt  }
0x59: {  	_ =	shalt  }
0x5a: {  	_ =	shalt  }
0x5b: {  	_ =	shalt  }
0x5c: {  	_ =	shalt  }
0x5d: {  	_ =	shalt  }
0x5e: {  	_ =	shalt  }
0x5f: {  	_ =	shalt  }
0x60: {  	_ =	shalt  }
0x61: {  	_ =	shalt  }
0x62: {  	_ =	shalt  }
0x63: {  	_ =	shalt  }
0x64: {  	_ =	shalt  }
0x65: {  	_ =	shalt  }
0x66: {  	_ =	shalt  }
0x67: {  	_ =	shalt  }
0x68: {  	_ =	shalt  }
0x69: {  	_ =	shalt  }
0x6a: {  	_ =	shalt  }
0x6b: {  	_ =	shalt  }
0x6c: {  	_ =	shalt  }
0x6d: {  	_ =	shalt  }
0x6e: {  	_ =	shalt  }
0x6f: {  	_ =	shalt  }
0x70: {  	_ =	shalt  }
0x71: {  	_ =	shalt  }
0x72: {  	_ =	shalt  }
0x73: {  	_ =	shalt  }
0x74: {  	_ =	shalt  }
0x75: {  	_ =	shalt  }
0x76: {  	_ =	shalt  }
0x77: {  	_ =	shalt  }
0x78: {  	_ =	shalt  }
0x79: {  	_ =	shalt  }
0x7a: {  	_ =	shalt  }
0x7b: {  	_ =	shalt  }
0x7c: {  	_ =	shalt  }
0x7d: {  	_ =	shalt  }
0x7e: {  	_ =	shalt  }
0x7f: {  	_ =	shalt  }
0x80: {  	_ =	shalt  }
0x81: {  	_ =	shalt  }
0x82: {  	_ =	shalt  }
0x83: {  	_ =	shalt  }
0x84: {  	_ =	shalt  }
0x85: {  	_ =	shalt  }
0x86: {  	_ =	shalt  }
0x87: {  	_ =	shalt  }
.Lfunc_end0:
.L_simem_size_0:
called_computation_lowered:
.L_overlay_start_0:
0x88: {  	s2 =	sld [smem:$0x3FD9]  }
0x89: {  	s3 =	sld [smem:$0x3FFE];
	_ =	sdelay $0x1  }
0x8a: {  	s1 =	srdreg.scid  }
0x8b: {  	s0 =	sand.u32 $0x1, s1  }
0x8c: {  	s14 =	sshll.u32 s0, $0xA;
	s2 =	sadd.s32 s3, s2  }
0x8d: {  	s2 =	sadd.s32 s2, s14  }
0x8e: {  	[smem:$0x3FB6] =	sst s2  }
0x8f: {  	_ = 	snop  }
0x90: {  	s2 =	sld [smem:$0x3FD0];
	_ =	sdelay $0x2  }
0x91: {  	s15 =	simm.s32 $0xB;
	s4 =	simm.s32 $0x10  }
0x92: {  	[smem:s4], [sflag:s15] =	dma.local [hbm:s2], $0x1  }
0x93: {  	_ =	swait.eq [sflag:s15], $0x1  }
0x94: {  	[sflag:s15] =	ssyncset.done $0x0  }
0x95: {  	s16 =	sld [smem:$0x10];
	[sflag:s15] =	ssyncadd.s32 $0xFFFFFFFF  }
0x96: {  	s17 =	sld [smem:$0x11];
	(tm) =	ssettm $0x1  }
0x97: {  	s18 =	sld [smem:$0x3FFB];
	_ =	sdelay $0x3  }
0x98: {  	_ =	strace s18  }
0x99: {  	s4 =	sld [smem:$0x3FFC];
	_ =	sdelay $0x3  }
0x9a: {  	_ =	strace s4  }
0x9b: {  	s4 =	sld [smem:$0x3FFD];
	_ =	sdelay $0x3  }
0x9c: {  	_ =	strace s4  }
0x9d: {  	_ =	strace $0x8FFFFFFF  }
0x9e: {  	s19 =	sld [smem:$0x3FDB];
	_ =	sdelay $0x1  }
0x9f: {  	s5 =	simm.s32 $_scs_section_size  }
0xa0: {  	s6 =	simm.s32 $_size__tile_overlayer_lowered;
	s7 =	simm.s32 $_tile_overlayer_lowered  }
0xa1: {  	s22 =	simm.s32 $0x1BFF;
	s21 =	sshll.u32 s7, $0x1;
	s4 =	sadd.s32 s5, s19  }
0xa2: {  	s8 =	simm.s32 $0x0;
	s20 =	sshll.u32 s6, $0x1;
	s6 =	sadd.s32 s21, s4  }
0xa3: {  	[timem:s8], [sflag:s22] =	dma.local [hbm:s6], s20  }
0xa4: {  	_ =	swait.ge [sflag:s22], s20  }
0xa5: {  	s5 =	ssub.s32 $0x0, s20;
	[sflag:s22] =	ssyncset.done $0x0  }
0xa6: {  	[sflag:s22] =	ssyncadd.s32 s5;
	_ =	sdelay $0x1  }
0xa7: {  	s23 =	simm.s32 $0x1B8B  }
0xa8: {  	_ =	swait.ge [sflag:s23], $0x1  }
0xa9: {  	[sflag:s23] =	ssyncset.done $0x0  }
0xaa: {  	s25 =	simm.s32 $0x1B8E;
	s24 =	sld [smem:$0x3FFE];
	[sflag:s23] =	ssyncadd.s32 $0xFFFFFFFF  }
0xab: {  	s26 =	simm.s32 $execute0_lowered;
	[smem:$0x3FD2] =	sst s25  }
0xac: {  	s6 =	sshll.u32 s26, $0x1;
	_ =	strace $0x80000046;
	[dreg:$0x1] =	wrdreg $0xFFFFFFFF  }
0xad: {  	s28 =	simm.s32 $_size_execute0_lowered;
	s4 =	sadd.s32 s4, s6;
	[dreg:$0x0] =	wrdreg $0x0  }
0xae: {  	s6 =	sshll.u32 s28, $0x1;
	[dreg:$0x2] =	wrdreg s4  }
0xaf: {  	[dreg:$0x3] =	wrdreg s6  }
0xb0: {  	[dreg:$0x4] =	wrdreg $0xC0  }
0xb1: {  	_ =	task [dreg:s8], $0x5FFFF  }
0xb2: {  	[dreg:$0x1] =	wrdreg $0xFFFFFFFF  }
0xb3: {  	[dreg:$0x0] =	wrdreg $0x60  }
0xb4: {  	[dreg:$0x2] =	wrdreg s16  }
0xb5: {  	[dreg:$0x3] =	wrdreg s24  }
0xb6: {  	[dreg:$0x4] =	wrdreg s17  }
0xb7: {  	[dreg:$0x5] =	wrdreg $0xA  }
0xb8: {  	_ =	task.clear_ibuf [dreg:s8], $0x6FFFF;
	_ =	strace $0x90000046  }
0xb9: {  	s29 =	simm.s32 $0xA;
	_ =	strace $0x80000048  }
0xba: {  	_ =	swait.ge [sflag:s29], $0x1  }
0xbb: {  	[sflag:s29] =	ssyncadd.s32 $0xFFFFFFFF  }
0xbc: {  	_ =	strace $0x90000048  }
0xbd: {  	_ =	sfence  }
0xbe: {  	s30 =	sld [smem:$0x0];
	_ =	sdelay $0x2  }
0xbf: {  	s31 =	sshll.u32 s1, $0xD;
	s1 =	sshrl.u32 s1, $0x2  }
0xc0: {  	s3 =	sand.u32 $0x4000, s31;
	s1 =	sadd.s32 s1, s30  }
0xc1: {  	s0 =	sor.u32 s3, s0;
	s1 =	sshll.u32 s1, $0x11  }
0xc2: {  	s0 =	sor.u32 s1, s0  }
0xc3: {  	s0 =	sadd.s32 $0x8F2B, s0  }
0xc4: {  	[sflag:s0] =	ssyncadd.remote.s32 $0x1  }
0xc5: {  	_ =	sfence.sel $0xFFFF  }
0xc6: {  	[dreg:$0x0] =	wrdreg $0xFFFFFFFF;
	(pc) =	sbr.abs _section_cstart, $3  }
0xc7: {  	[dreg:$0x1] =	wrdreg $0xFFFFFFFF  }
0xc8: {  	_ =	task.clear_ibuf [dreg:s8], $0x2FFFF;
	_ =	strace $0x9FFFFFFF  }
0xc9: {  	(tm) =	ssettm $0x7FFFFFFF  }
tec
execute0_lowered:
.L_overlay_start_1:
0x0: {  	(tag) =	ssettag $0x1  }
0x1: {  	s1 =	rddreg [dreg:$0x0]  }
0x2: {  	s0 =	rddreg [dreg:$0x1]  }
0x3: {  	s3 =	rddreg [dreg:$0x2]  }
0x4: {  	s5 =	simm.s32 $0x0;
	s2 =	srdreg.scid;
	s4 =	stileid.u32  }
0x5: {  	s12 =	simm.s32 $0x180;
	s13 =	simm.s32 $0x80;
	s14 =	simm.s32 $0x200  }
0x6: {  	s15 =	simm.s32 $0x100;
	s16 =	simm.s32 $0x280;
	s17 =	simm.s32 $0x1  }
0x7: {  	s18 =	simm.s32 $0x50;
	s19 =	simm.s32 $0x300;
	s21 =	simm.s32 $0x2  }
0x8: {  	s22 =	simm.s32 $0x2B00;
	s24 =	simm.s32 $0x3;
	s25 =	simm.s32 $0x5300  }
0x9: {  	s28 =	simm.s32 $0x4;
	s29 =	simm.s32 $0x5;
	s30 =	simm.s32 $0x6  }
0xa: {  	s31 =	simm.s32 $0x7;
	s2 =	sand.u32 $0x1, s2;
	s4 =	sshll.u32 s4, $0x1  }
0xb: {  	[smem:$0x7FF] =	sst s5;
	s4 =	sor.u32 s2, s4;
	s2 =	ssub.s32 $0x2, s2  }
0xc: {  	s5 =	sadd.s32 $0xB600, s0;
	s7 =	sadd.s32 $0x5800, s0;
	s26 =	sshrl.u32 s2, $0x1  }
0xd: {  	s8 =	sadd.s32 $0x32800, s0;
	s6 =	smul.u32 $0x1770, s4;
	s0 =	ssub.s32 s2, s26  }
0xe: {  	_ =	strace $0x80000047;
	s2 =	simm.s32 $0x0;
	s0 =	smax.u32 s0, $0x1  }
0xf: {  	s9 =	sadd.s32 $0x50, s6;
	s10 =	sadd.s32 $0xA0, s6;
	[dreg:$0x4] =	wrdreg s0  }
.LBB2_1:
0x10: {  	[dreg:$0x5] =	wrdreg s2;
	s2 =	simm.s32 $0x0  }
.LBB2_2:
0x11: {  	s11 =	smul.u32 $0xF0, s2;
	_ =	sdelay $0x1  }
0x12: {  	s4 =	sadd.s32 s6, s11  }
0x13: {  	s0 =	sshrl.u32 s4, $0x3  }
0x14: {  	s23 =	simm.s32 $0x0;
	s20 =	sadd.s32 s3, s0  }
0x15: {  	[tilespmem:s23], [sflag:$0x1] =	stream.linear.gather [hbm4b:s20+s23], $0x50, $0x38;
	[tilespmem:$0xF300] =	vst v63  }
0x16: {  	s0 =	sadd.s32 s7, s0  }
0x17: {  	[tilespmem:s12], [sflag:$0x1] =	stream.linear.gather [hbm4b:s0+s23], $0x50, $0x38;
	[tilespmem:$0xF300] =	vst v63  }
0x18: {  	s0 =	sadd.s32 s9, s11  }
0x19: {  	s20 =	sshrl.u32 s0, $0x3  }
0x1a: {  	s26 =	sadd.s32 s3, s20  }
0x1b: {  	[tilespmem:s13], [sflag:$0x2] =	stream.linear.gather [hbm4b:s26+s23], $0x50, $0x38;
	[tilespmem:$0xF300] =	vst v63  }
0x1c: {  	s11 =	sadd.s32 s10, s11;
	s20 =	sadd.s32 s7, s20  }
0x1d: {  	[tilespmem:s14], [sflag:$0x2] =	stream.linear.gather [hbm4b:s20+s23], $0x50, $0x38;
	[tilespmem:$0xF300] =	vst v63  }
0x1e: {  	s20 =	sshrl.u32 s11, $0x3  }
0x1f: {  	s26 =	sadd.s32 s3, s20  }
0x20: {  	[tilespmem:s15], [sflag:$0x3] =	stream.linear.gather [hbm4b:s26+s23], $0x50, $0x38;
	[tilespmem:$0xF300] =	vst v63  }
0x21: {  	s20 =	sadd.s32 s7, s20  }
0x22: {  	[tilespmem:s16], [sflag:$0x3] =	stream.linear.gather [hbm4b:s20+s23], $0x50, $0x38;
	[tilespmem:$0xF300] =	vst v63  }
0x23: {  	_ =	swait.ge [sflag:s17], $0x50  }
0x24: {  	[sflag:s17] =	ssyncset.done $0x0  }
0x25: {  	[sflag:s17] =	ssyncadd.s32 $0xFFFFFFB0  }
0x26: {  	_ =	swait.ge [sflag:s17], $0x50  }
0x27: {  	[sflag:s17] =	ssyncset.done $0x0  }
0x28: {  	[sflag:s17] =	ssyncadd.s32 $0xFFFFFFB0  }
0x29: {  	[tilespmem:s19], [sflag:$0x4] =	stream.indirect.gather [hbm4b:s1+s18], $0x80, s23, s18, $0xb8;
	[tilespmem:$0xF300] =	vst v63  }
0x2a: {  	s26 =	simm.s32 $0x7B00  }
0x2b: {  	[tilespmem:s26], [sflag:$0x4] =	stream.indirect.gather [hbm4b:s5+s18], $0x80, s12, s18, $0xb8;
	[tilespmem:$0xF300] =	vst v63  }
0x2c: {  	_ =	swait.ge [sflag:s21], $0x50  }
0x2d: {  	[sflag:s21] =	ssyncset.done $0x0  }
0x2e: {  	[sflag:s21] =	ssyncadd.s32 $0xFFFFFFB0  }
0x2f: {  	_ =	swait.ge [sflag:s21], $0x50  }
0x30: {  	[sflag:s21] =	ssyncset.done $0x0  }
0x31: {  	[sflag:s21] =	ssyncadd.s32 $0xFFFFFFB0  }
0x32: {  	[tilespmem:s22], [sflag:$0x5] =	stream.indirect.gather [hbm4b:s1+s18], $0x80, s13, s18, $0xb8;
	[tilespmem:$0xF300] =	vst v63  }
0x33: {  	s23 =	simm.s32 $0xA300  }
0x34: {  	[tilespmem:s23], [sflag:$0x5] =	stream.indirect.gather [hbm4b:s5+s18], $0x80, s14, s18, $0xb8;
	[tilespmem:$0xF300] =	vst v63  }
0x35: {  	_ =	swait.ge [sflag:s24], $0x50  }
0x36: {  	[sflag:s24] =	ssyncset.done $0x0  }
0x37: {  	[sflag:s24] =	ssyncadd.s32 $0xFFFFFFB0  }
0x38: {  	_ =	swait.ge [sflag:s24], $0x50  }
0x39: {  	[sflag:s24] =	ssyncset.done $0x0  }
0x3a: {  	[sflag:s24] =	ssyncadd.s32 $0xFFFFFFB0  }
0x3b: {  	[tilespmem:s25], [sflag:$0x6] =	stream.indirect.gather [hbm4b:s1+s18], $0x80, s15, s18, $0xb8;
	[tilespmem:$0xF300] =	vst v63  }
0x3c: {  	s26 =	simm.s32 $0xCB00  }
0x3d: {  	[tilespmem:s26], [sflag:$0x6] =	stream.indirect.gather [hbm4b:s5+s18], $0x80, s16, s18, $0xb8;
	[tilespmem:$0xF300] =	vst v63  }
0x3e: {  	_ =	swait.ge [sflag:s28], $0x2800  }
0x3f: {  	[sflag:s28] =	ssyncset.done $0x0  }
0x40: {  	[sflag:s28] =	ssyncadd.s32 $0xFFFFD800  }
0x41: {  	_ =	swait.ge [sflag:s28], $0x2800  }
0x42: {  	[sflag:s28] =	ssyncset.done $0x0  }
0x43: {  	s20 =	simm.s32 $0x0;
	[sflag:s28] =	ssyncadd.s32 $0xFFFFD800  }
0x44: {  	v7 =	vld [tilespmem:s20+$0x7B00]  }
0x45: {  	v11 =	vld [tilespmem:s20+$0x7B10]  }
0x46: {  	v5 =	vld [tilespmem:s20+$0x7B20]  }
0x47: {  	v4 =	vld [tilespmem:s20+$0x7B30]  }
0x48: {  	v3 =	vld [tilespmem:s20+$0x7B40]  }
0x49: {  	v2 =	vld [tilespmem:s20+$0x7B50]  }
0x4a: {  	v1 =	vld [tilespmem:s20+$0x7B60]  }
0x4b: {  	v0 =	vld [tilespmem:s20+$0x7B70]  }
0x4c: {  	v12 =	vld [tilespmem:s20+$0x300]  }
0x4d: {  	v13 =	vld [tilespmem:s20+$0x310]  }
0x4e: {  	v10 =	vld [tilespmem:s20+$0x320]  }
0x4f: {  	v9 =	vld [tilespmem:s20+$0x330]  }
0x50: {  	v8 =	vld [tilespmem:s20+$0x340]  }
0x51: {  	v6 =	vld [tilespmem:s20+$0x350];
	v12 =	vadd.f32 v7, v12  }
0x52: {  	s23 =	simm.s32 $0x200;
	v11 =	vadd.f32 v11, v13;
	v7 =	vld [tilespmem:s20+$0x360]  }
.LBB2_3:
0x53: {  	s26 =	sshra.s32 s23, $0x2;
	p0 =	sne.s32 s23, $0x9E00;
	[tilespmem:s20+$0x300] =	vst v12;
	v5 =	vadd.f32 v5, v10;
	v10 =	vld [tilespmem:s20+$0x370]  }
0x54: {  	v12 =	vld [tilespmem:s26+$0x7B00];
	[tilespmem:s20+$0x310] =	vst v11;
	v4 =	vadd.f32 v4, v9  }
0x55: {  	v11 =	vld [tilespmem:s26+$0x7B10];
	[tilespmem:s20+$0x320] =	vst v5;
	v3 =	vadd.f32 v3, v8  }
0x56: {  	v5 =	vld [tilespmem:s26+$0x7B20];
	[tilespmem:s20+$0x330] =	vst v4;
	v2 =	vadd.f32 v2, v6  }
0x57: {  	v4 =	vld [tilespmem:s26+$0x7B30];
	[tilespmem:s20+$0x340] =	vst v3;
	v1 =	vadd.f32 v1, v7  }
0x58: {  	v3 =	vld [tilespmem:s26+$0x7B40];
	[tilespmem:s20+$0x350] =	vst v2;
	v0 =	vadd.f32 v0, v10  }
0x59: {  	v2 =	vld [tilespmem:s26+$0x7B50];
	[tilespmem:s20+$0x360] =	vst v1  }
0x5a: {  	v1 =	vld [tilespmem:s26+$0x7B60];
	[tilespmem:s20+$0x370] =	vst v0;
	s20 =	smov.u32 s26  }
0x5b: {  	v0 =	vld [tilespmem:s20+$0x7B70]  }
0x5c: {  	v6 =	vld [tilespmem:s20+$0x300]  }
0x5d: {  	v7 =	vld [tilespmem:s20+$0x310]  }
.Ltmp0:
0x5e: {  	v10 =	vld [tilespmem:s20+$0x320];
	(pc) =	sbr.rel @p0 .LBB2_3-.Ltmp0, $4  }
0x5f: {  	v9 =	vld [tilespmem:s20+$0x330]  }
0x60: {  	v8 =	vld [tilespmem:s20+$0x340]  }
0x61: {  	v12 =	vadd.f32 v12, v6;
	v6 =	vld [tilespmem:s20+$0x350]  }
0x62: {  	s23 =	sadd.s32 $0x200, s23;
	v11 =	vadd.f32 v11, v7;
	v7 =	vld [tilespmem:s20+$0x360]  }
0x63: {  	[tilespmem:s20+$0x300] =	vst v12;
	v5 =	vadd.f32 v5, v10;
	v10 =	vld [tilespmem:s20+$0x370]  }
0x64: {  	[tilespmem:s20+$0x310] =	vst v11;
	v4 =	vadd.f32 v4, v9  }
0x65: {  	[tilespmem:s20+$0x320] =	vst v5;
	v3 =	vadd.f32 v3, v8  }
0x66: {  	[tilespmem:s20+$0x330] =	vst v4;
	v2 =	vadd.f32 v2, v6  }
0x67: {  	[tilespmem:s20+$0x340] =	vst v3;
	v1 =	vadd.f32 v1, v7  }
0x68: {  	[tilespmem:s20+$0x350] =	vst v2;
	v0 =	vadd.f32 v0, v10  }
0x69: {  	s4 =	sshll.u32 s4, $0x4;
	[tilespmem:s20+$0x360] =	vst v1  }
0x6a: {  	s26 =	simm.s32 $0x0;
	s4 =	sadd.s32 s8, s4;
	[tilespmem:s20+$0x370] =	vst v0  }
0x6b: {  	[hbm4b:s4+s26] =	stream.linear.scatter [tilespmem:s19], [sflag:$0x7], $0x2800, $0x38;
	[tilespmem:$0xF300] =	vst v63  }
0x6c: {  	_ =	swait.ge [sflag:s29], $0x2800  }
0x6d: {  	[sflag:s29] =	ssyncset.done $0x0  }
0x6e: {  	[sflag:s29] =	ssyncadd.s32 $0xFFFFD800  }
0x6f: {  	_ =	swait.ge [sflag:s29], $0x2800  }
0x70: {  	[sflag:s29] =	ssyncset.done $0x0  }
0x71: {  	s4 =	simm.s32 $0x0;
	[sflag:s29] =	ssyncadd.s32 $0xFFFFD800  }
0x72: {  	v7 =	vld [tilespmem:s4+$0xA300]  }
0x73: {  	v11 =	vld [tilespmem:s4+$0xA310]  }
0x74: {  	v5 =	vld [tilespmem:s4+$0xA320]  }
0x75: {  	v4 =	vld [tilespmem:s4+$0xA330]  }
0x76: {  	v3 =	vld [tilespmem:s4+$0xA340]  }
0x77: {  	v2 =	vld [tilespmem:s4+$0xA350]  }
0x78: {  	v1 =	vld [tilespmem:s4+$0xA360]  }
0x79: {  	v0 =	vld [tilespmem:s4+$0xA370]  }
0x7a: {  	v12 =	vld [tilespmem:s4+$0x2B00]  }
0x7b: {  	v13 =	vld [tilespmem:s4+$0x2B10]  }
0x7c: {  	v10 =	vld [tilespmem:s4+$0x2B20]  }
0x7d: {  	v9 =	vld [tilespmem:s4+$0x2B30]  }
0x7e: {  	v8 =	vld [tilespmem:s4+$0x2B40]  }
0x7f: {  	v6 =	vld [tilespmem:s4+$0x2B50];
	v12 =	vadd.f32 v7, v12  }
0x80: {  	s20 =	simm.s32 $0x200;
	v11 =	vadd.f32 v11, v13;
	v7 =	vld [tilespmem:s4+$0x2B60]  }
.LBB2_5:
0x81: {  	s23 =	sshra.s32 s20, $0x2;
	p0 =	sne.s32 s20, $0x9E00;
	[tilespmem:s4+$0x2B00] =	vst v12;
	v5 =	vadd.f32 v5, v10;
	v10 =	vld [tilespmem:s4+$0x2B70]  }
0x82: {  	v12 =	vld [tilespmem:s23+$0xA300];
	[tilespmem:s4+$0x2B10] =	vst v11;
	v4 =	vadd.f32 v4, v9  }
0x83: {  	v11 =	vld [tilespmem:s23+$0xA310];
	[tilespmem:s4+$0x2B20] =	vst v5;
	v3 =	vadd.f32 v3, v8  }
0x84: {  	v5 =	vld [tilespmem:s23+$0xA320];
	[tilespmem:s4+$0x2B30] =	vst v4;
	v2 =	vadd.f32 v2, v6  }
0x85: {  	v4 =	vld [tilespmem:s23+$0xA330];
	[tilespmem:s4+$0x2B40] =	vst v3;
	v1 =	vadd.f32 v1, v7  }
0x86: {  	v3 =	vld [tilespmem:s23+$0xA340];
	[tilespmem:s4+$0x2B50] =	vst v2;
	v0 =	vadd.f32 v0, v10  }
0x87: {  	v2 =	vld [tilespmem:s23+$0xA350];
	[tilespmem:s4+$0x2B60] =	vst v1  }
0x88: {  	v1 =	vld [tilespmem:s23+$0xA360];
	[tilespmem:s4+$0x2B70] =	vst v0;
	s4 =	smov.u32 s23  }
0x89: {  	v0 =	vld [tilespmem:s4+$0xA370]  }
0x8a: {  	v6 =	vld [tilespmem:s4+$0x2B00]  }
0x8b: {  	v7 =	vld [tilespmem:s4+$0x2B10]  }
.Ltmp1:
0x8c: {  	v10 =	vld [tilespmem:s4+$0x2B20];
	(pc) =	sbr.rel @p0 .LBB2_5-.Ltmp1, $4  }
0x8d: {  	v9 =	vld [tilespmem:s4+$0x2B30]  }
0x8e: {  	v8 =	vld [tilespmem:s4+$0x2B40]  }
0x8f: {  	v12 =	vadd.f32 v12, v6;
	v6 =	vld [tilespmem:s4+$0x2B50]  }
0x90: {  	s20 =	sadd.s32 $0x200, s20;
	v11 =	vadd.f32 v11, v7;
	v7 =	vld [tilespmem:s4+$0x2B60]  }
0x91: {  	[tilespmem:s4+$0x2B00] =	vst v12;
	v5 =	vadd.f32 v5, v10;
	v10 =	vld [tilespmem:s4+$0x2B70]  }
0x92: {  	[tilespmem:s4+$0x2B10] =	vst v11;
	v4 =	vadd.f32 v4, v9  }
0x93: {  	[tilespmem:s4+$0x2B20] =	vst v5;
	v3 =	vadd.f32 v3, v8  }
0x94: {  	[tilespmem:s4+$0x2B30] =	vst v4;
	v2 =	vadd.f32 v2, v6  }
0x95: {  	[tilespmem:s4+$0x2B40] =	vst v3;
	v1 =	vadd.f32 v1, v7  }
0x96: {  	[tilespmem:s4+$0x2B50] =	vst v2;
	v0 =	vadd.f32 v0, v10  }
0x97: {  	s0 =	sshll.u32 s0, $0x4;
	[tilespmem:s4+$0x2B60] =	vst v1  }
0x98: {  	s26 =	simm.s32 $0x0;
	s0 =	sadd.s32 s8, s0;
	[tilespmem:s4+$0x2B70] =	vst v0  }
0x99: {  	[hbm4b:s0+s26] =	stream.linear.scatter [tilespmem:s22], [sflag:$0x7], $0x2800, $0x38;
	[tilespmem:$0xF300] =	vst v63  }
0x9a: {  	_ =	swait.ge [sflag:s30], $0x2800  }
0x9b: {  	[sflag:s30] =	ssyncset.done $0x0  }
0x9c: {  	[sflag:s30] =	ssyncadd.s32 $0xFFFFD800  }
0x9d: {  	_ =	swait.ge [sflag:s30], $0x2800  }
0x9e: {  	[sflag:s30] =	ssyncset.done $0x0  }
0x9f: {  	s0 =	simm.s32 $0x0;
	[sflag:s30] =	ssyncadd.s32 $0xFFFFD800  }
0xa0: {  	v7 =	vld [tilespmem:s0+$0xCB00]  }
0xa1: {  	v11 =	vld [tilespmem:s0+$0xCB10]  }
0xa2: {  	v5 =	vld [tilespmem:s0+$0xCB20]  }
0xa3: {  	v4 =	vld [tilespmem:s0+$0xCB30]  }
0xa4: {  	v3 =	vld [tilespmem:s0+$0xCB40]  }
0xa5: {  	v2 =	vld [tilespmem:s0+$0xCB50]  }
0xa6: {  	v1 =	vld [tilespmem:s0+$0xCB60]  }
0xa7: {  	v0 =	vld [tilespmem:s0+$0xCB70]  }
0xa8: {  	v12 =	vld [tilespmem:s0+$0x5300]  }
0xa9: {  	v13 =	vld [tilespmem:s0+$0x5310]  }
0xaa: {  	v10 =	vld [tilespmem:s0+$0x5320]  }
0xab: {  	v9 =	vld [tilespmem:s0+$0x5330]  }
0xac: {  	v8 =	vld [tilespmem:s0+$0x5340]  }
0xad: {  	v6 =	vld [tilespmem:s0+$0x5350];
	v12 =	vadd.f32 v7, v12  }
0xae: {  	s4 =	simm.s32 $0x200;
	v11 =	vadd.f32 v11, v13;
	v7 =	vld [tilespmem:s0+$0x5360]  }
.LBB2_7:
0xaf: {  	s20 =	sshra.s32 s4, $0x2;
	p0 =	sne.s32 s4, $0x9E00;
	[tilespmem:s0+$0x5300] =	vst v12;
	v5 =	vadd.f32 v5, v10;
	v10 =	vld [tilespmem:s0+$0x5370]  }
0xb0: {  	v12 =	vld [tilespmem:s20+$0xCB00];
	[tilespmem:s0+$0x5310] =	vst v11;
	v4 =	vadd.f32 v4, v9  }
0xb1: {  	v11 =	vld [tilespmem:s20+$0xCB10];
	[tilespmem:s0+$0x5320] =	vst v5;
	v3 =	vadd.f32 v3, v8  }
0xb2: {  	v5 =	vld [tilespmem:s20+$0xCB20];
	[tilespmem:s0+$0x5330] =	vst v4;
	v2 =	vadd.f32 v2, v6  }
0xb3: {  	v4 =	vld [tilespmem:s20+$0xCB30];
	[tilespmem:s0+$0x5340] =	vst v3;
	v1 =	vadd.f32 v1, v7  }
0xb4: {  	v3 =	vld [tilespmem:s20+$0xCB40];
	[tilespmem:s0+$0x5350] =	vst v2;
	v0 =	vadd.f32 v0, v10  }
0xb5: {  	v2 =	vld [tilespmem:s20+$0xCB50];
	[tilespmem:s0+$0x5360] =	vst v1  }
0xb6: {  	v1 =	vld [tilespmem:s20+$0xCB60];
	[tilespmem:s0+$0x5370] =	vst v0;
	s0 =	smov.u32 s20  }
0xb7: {  	v0 =	vld [tilespmem:s0+$0xCB70]  }
0xb8: {  	v6 =	vld [tilespmem:s0+$0x5300]  }
0xb9: {  	v7 =	vld [tilespmem:s0+$0x5310]  }
.Ltmp2:
0xba: {  	v10 =	vld [tilespmem:s0+$0x5320];
	(pc) =	sbr.rel @p0 .LBB2_7-.Ltmp2, $4  }
0xbb: {  	v9 =	vld [tilespmem:s0+$0x5330]  }
0xbc: {  	v8 =	vld [tilespmem:s0+$0x5340]  }
0xbd: {  	v12 =	vadd.f32 v12, v6;
	v6 =	vld [tilespmem:s0+$0x5350]  }
0xbe: {  	s4 =	sadd.s32 $0x200, s4;
	v11 =	vadd.f32 v11, v7;
	v7 =	vld [tilespmem:s0+$0x5360]  }
0xbf: {  	[tilespmem:s0+$0x5300] =	vst v12;
	v5 =	vadd.f32 v5, v10;
	v63 =	vld [tilespmem:s0+$0x5370]  }
0xc0: {  	[tilespmem:s0+$0x5310] =	vst v11;
	v4 =	vadd.f32 v4, v9  }
0xc1: {  	[tilespmem:s0+$0x5320] =	vst v5;
	v3 =	vadd.f32 v3, v8  }
0xc2: {  	[tilespmem:s0+$0x5330] =	vst v4;
	v2 =	vadd.f32 v2, v6  }
0xc3: {  	[tilespmem:s0+$0x5340] =	vst v3;
	v1 =	vadd.f32 v1, v7  }
0xc4: {  	[tilespmem:s0+$0x5350] =	vst v2;
	v0 =	vadd.f32 v0, v63  }
0xc5: {  	s4 =	sshll.u32 s11, $0x4;
	[tilespmem:s0+$0x5360] =	vst v1  }
0xc6: {  	s26 =	simm.s32 $0x0;
	s23 =	sadd.s32 s8, s4;
	[tilespmem:s0+$0x5370] =	vst v0  }
0xc7: {  	[hbm4b:s23+s26] =	stream.linear.scatter [tilespmem:s25], [sflag:$0x7], $0x2800, $0x38;
	[tilespmem:$0xF300] =	vst v63  }
0xc8: {  	_ =	swait.ge [sflag:s31], $0x2800  }
0xc9: {  	[sflag:s31] =	ssyncset.done $0x0  }
0xca: {  	s2 =	sadd.s32 $0x1, s2;
	[sflag:s31] =	ssyncadd.s32 $0xFFFFD800  }
0xcb: {  	p0 =	sne.s32 s2, $0x19;
	_ =	swait.ge [sflag:s31], $0x2800  }
.Ltmp3:
0xcc: {  	[sflag:s31] =	ssyncset.done $0x0;
	(pc) =	sbr.rel @p0 .LBB2_2-.Ltmp3, $4  }
0xcd: {  	[sflag:s31] =	ssyncadd.s32 $0xFFFFD800  }
0xce: {  	_ =	swait.ge [sflag:s31], $0x2800  }
0xcf: {  	[sflag:s31] =	ssyncset.done $0x0  }
0xd0: {  	[sflag:s31] =	ssyncadd.s32 $0xFFFFD800  }
0xd1: {  	s2 =	rddreg [dreg:$0x5]  }
0xd2: {  	s0 =	rddreg [dreg:$0x4];
	s2 =	sadd.s32 $0x1, s2  }
0xd3: {  	p0 =	sne.s32 s2, s0  }
.Ltmp4:
0xd4: {  	_ = 	snop;
	(pc) =	sbr.rel @p0 .LBB2_1-.Ltmp4, $1  }
0xd5: {  	_ =	sdelay $0x3  }
0xd6: {  	_ =	sfence.sel $0x180000  }
0xd7: {  	[bflag:$0x0] =	sbarrier.arrive $0xFFFF  }
0xd8: {  	_ =	strace $0x90000047  }
0xd9: {  	s0 =	stileid.u32;
	[bflag:$0x2] =	sbarrier.arrive $0xFFFF  }
0xda: {  	p0 =	sne.s32 s0, $0x0;
	s0 =	rddreg [dreg:$0x3]  }
0xdb: {  	s0 =	sadd.s32 @!p0 $0x100000, s0  }
0xdc: {  	[sflag:s0] =	ssyncadd.tile.s32 @!p0 $0x1;
	_ =	shalt  }
.Lfunc_end2:
_tile_overlayer_lowered:
.L_overlay_start_2:
0xdd: {  	(tag) =	ssettag $0x2  }
0xde: {  	s0 =	rddreg [dreg:$0x0];
	s2 =	stileid.u32  }
0xdf: {  	s1 =	rddreg [dreg:$0x1];
	p0 =	sne.s32 s2, $0x0  }
0xe0: {  	s3 =	rddreg [dreg:$0x2];
	[bflag:$0x3] =	sbarrier.arrive $0xFFFF;
	s2 =	simm.s32 @!p0 $0x1C08  }
0xe1: {  	[timem:s3], [sflag:s2] =	dma.local @!p0 [hbm:s0], s1  }
0xe2: {  	s0 =	simm.s32 @!p0 $0x8  }
0xe3: {  	_ =	swait.ge @!p0 [sflag:s0], s1  }
0xe4: {  	s1 =	ssub.s32 @!p0 $0x0, s1;
	[sflag:s0] =	ssyncset.done @!p0 $0x0  }
0xe5: {  	[sflag:s0] =	ssyncadd.s32 @!p0 s1  }
0xe6: {  	[bflag:$0x3] =	sbarrier.arrive $0xFFFF  }
0xe7: {  	_ =	shalt  }

// kernel: kernel.15.cloned.1.call-start
scs
__scs_entry_jumppad:
0x0: {  	(pc) =	sbr.rel $0x88, $3  }
0x1: {  	(tag) =	ssettag $0x0;
	lr =	simm.s32 $0x1  }
0x2: {  	[smem:$0x3F8F] =	sst lr;
	_ =	strace $0xD0000000  }
0x3: {  	_ = 	snop  }
0x4: {  	_ = 	snop  }
0x5: {  	_ = 	snop  }
0x6: {  	_ = 	snop  }
0x7: {  	_ = 	snop  }
__scs_overlays_trampoline_lowered:
0x8: {  	[smem:$0x3F9E] =	sst s0  }
0x9: {  	[smem:$0x3F9F] =	sst s1  }
0xa: {  	[smem:$0x3FA0] =	sst s2  }
0xb: {  	[smem:$0x3FA1] =	sst s3  }
0xc: {  	[smem:$0x3FA2] =	sst s4  }
0xd: {  	[smem:$0x3FA3] =	sst s5  }
0xe: {  	[smem:$0x3FA4] =	sst s6  }
0xf: {  	[smem:$0x3FA5] =	sst s7  }
0x10: {  	[smem:$0x3FA6] =	sst s8  }
0x11: {  	[smem:$0x3FA7] =	sst s9;
	s0 =	simm.s32 @!p0 $0x0  }
0x12: {  	s1 =	sld [smem:$0x3F8D];
	s0 =	simm.s32 @p0 $0x1  }
0x13: {  	[smem:$0x3FA8] =	sst s0;
	s0 =	simm.s32 @!p1 $0x0  }
0x14: {  	s2 =	sld [smem:$0x3F8C];
	s0 =	simm.s32 @p1 $0x1  }
0x15: {  	[smem:$0x3FA9] =	sst s0;
	s0 =	simm.s32 @!p2 $0x0  }
0x16: {  	s3 =	sld [smem:$0x3FDB];
	s0 =	simm.s32 @p2 $0x1  }
0x17: {  	s4 =	simm.s32 $0x1BF5;
	[smem:$0x3FAB] =	sst s0  }
0x18: {  	s0 =	sld [smem:$0x3F8E];
	_ =	swait.ge [sflag:s4], $0x0  }
0x19: {  	s7 =	sld [smem:$0x3F8F]  }
0x1a: {  	s8 =	sadd.s32 $0xFFFFE003, lr  }
0x1b: {  	s9 =	sadd.s32 $0xFFFFFEF7, lr;
	s5 =	simm.s32 $0xFFFFFFFF;
	p2 =	slt.u32 s8, $0xFFFFF086  }
0x1c: {  	p1 =	slt.u32 s9, $0xF7A;
	s5 =	simm.s32 @!p2 $0x0  }
0x1d: {  	s5 =	simm.s32 @p1 $0x1;
	p0 =	seq.s32 s7, s2  }
0x1e: {  	s7 =	smul.u32 @!p0 $0xF7A, s2;
	p2 =	seq.s32 @!p0 s5, $0x0  }
0x1f: {  	s9 =	smul.u32 $0xF7A, s1;
	s8 =	simm.s32 @!p0 $0x1BF5;
	p2 =	por !p2, p0  }
0x20: {  	[sflag:s8] =	ssyncset.s32 @!p0 $0xFFFFF086;
	s6 =	sadd.s32 @!p0 s3, s7;
	s7 =	simm.s32 @!p0 $0x108  }
0x21: {  	s3 =	sadd.s32 s3, s9;
	s6 =	sadd.s32 @!p0 $0x88, s6;
	s7 =	simm.s32 @p2 $0x1082  }
0x22: {  	[simem:s7], [sflag:s8] =	dma.local @!p0 [hbm:s6], $0xF7A  }
0x23: {  	s9 =	sor.u32 $0xD0000000, s2;
	s6 =	simm.s32 $0x108;
	_ =	swait.ge @!p0 [sflag:s8], $0x0  }
0x24: {  	s3 =	sadd.s32 $0x88, s3;
	s6 =	simm.s32 @!p1 $0x1082;
	[sflag:s4] =	ssyncset.s32 $0xFFFFF086  }
0x25: {  	[simem:s6], [sflag:s4] =	dma.local [hbm:s3], $0xF7A  }
0x26: {  	[smem:$0x3F8F] =	sst s1;
	(tag) =	ssettag s2;
	_ =	strace s9  }
0x27: {  	s1 =	sld [smem:$0x3F9F]  }
0x28: {  	s2 =	sld [smem:$0x3FA0]  }
0x29: {  	s4 =	sld [smem:$0x3FA2]  }
0x2a: {  	p0 =	seq.s32 s5, $0x0;
	s5 =	sld [smem:$0x3FA3]  }
0x2b: {  	s6 =	sld [smem:$0x3FA4]  }
0x2c: {  	s7 =	sld [smem:$0x3FA5]  }
0x2d: {  	s3 =	simm.s32 $0x108;
	s8 =	sld [smem:$0x3FA6]  }
0x2e: {  	s3 =	simm.s32 @!p0 $0x1082;
	s9 =	sld [smem:$0x3FA7]  }
0x2f: {  	lr =	sadd.s32 s0, s3;
	s0 =	sld [smem:$0x3F9E]  }
0x30: {  	s3 =	sld [smem:$0x3FA1]  }
0x31: {  	[smem:$0x3FAA] =	sst s10  }
0x32: {  	s10 =	sld [smem:$0x3FA8];
	_ =	sdelay $0x3  }
0x33: {  	p0 =	seq.s32 s10, $0x1;
	s10 =	sld [smem:$0x3FAA];
	_ =	sdelay $0x3  }
0x34: {  	[smem:$0x3FAA] =	sst s10  }
0x35: {  	s10 =	sld [smem:$0x3FA9];
	_ =	sdelay $0x3  }
0x36: {  	p1 =	seq.s32 s10, $0x1;
	s10 =	sld [smem:$0x3FAA];
	_ =	sdelay $0x3  }
0x37: {  	[smem:$0x3FAA] =	sst s10  }
0x38: {  	s10 =	sld [smem:$0x3FAB]  }
0x39: {  	_ = 	snop;
	(pc) =	sbr.ind lr, $3  }
0x3a: {  	_ = 	snop  }
0x3b: {  	_ = 	snop  }
0x3c: {  	p2 =	seq.s32 s10, $0x1;
	s10 =	sld [smem:$0x3FAA]  }
0x3d: {  	_ =	shalt  }
0x3e: {  	_ =	shalt  }
0x3f: {  	_ =	shalt  }
0x40: {  	_ =	shalt  }
0x41: {  	_ =	shalt  }
0x42: {  	_ =	shalt  }
0x43: {  	_ =	shalt  }
0x44: {  	_ =	shalt  }
0x45: {  	_ =	shalt  }
0x46: {  	_ =	shalt  }
0x47: {  	_ =	shalt  }
0x48: {  	_ =	shalt  }
0x49: {  	_ =	shalt  }
0x4a: {  	_ =	shalt  }
0x4b: {  	_ =	shalt  }
0x4c: {  	_ =	shalt  }
0x4d: {  	_ =	shalt  }
0x4e: {  	_ =	shalt  }
0x4f: {  	_ =	shalt  }
0x50: {  	_ =	shalt  }
0x51: {  	_ =	shalt  }
0x52: {  	_ =	shalt  }
0x53: {  	_ =	shalt  }
0x54: {  	_ =	shalt  }
0x55: {  	_ =	shalt  }
0x56: {  	_ =	shalt  }
0x57: {  	_ =	shalt  }
0x58: {  	_ =	shalt  }
0x59: {  	_ =	shalt  }
0x5a: {  	_ =	shalt  }
0x5b: {  	_ =	shalt  }
0x5c: {  	_ =	shalt  }
0x5d: {  	_ =	shalt  }
0x5e: {  	_ =	shalt  }
0x5f: {  	_ =	shalt  }
0x60: {  	_ =	shalt  }
0x61: {  	_ =	shalt  }
0x62: {  	_ =	shalt  }
0x63: {  	_ =	shalt  }
0x64: {  	_ =	shalt  }
0x65: {  	_ =	shalt  }
0x66: {  	_ =	shalt  }
0x67: {  	_ =	shalt  }
0x68: {  	_ =	shalt  }
0x69: {  	_ =	shalt  }
0x6a: {  	_ =	shalt  }
0x6b: {  	_ =	shalt  }
0x6c: {  	_ =	shalt  }
0x6d: {  	_ =	shalt  }
0x6e: {  	_ =	shalt  }
0x6f: {  	_ =	shalt  }
0x70: {  	_ =	shalt  }
0x71: {  	_ =	shalt  }
0x72: {  	_ =	shalt  }
0x73: {  	_ =	shalt  }
0x74: {  	_ =	shalt  }
0x75: {  	_ =	shalt  }
0x76: {  	_ =	shalt  }
0x77: {  	_ =	shalt  }
0x78: {  	_ =	shalt  }
0x79: {  	_ =	shalt  }
0x7a: {  	_ =	shalt  }
0x7b: {  	_ =	shalt  }
0x7c: {  	_ =	shalt  }
0x7d: {  	_ =	shalt  }
0x7e: {  	_ =	shalt  }
0x7f: {  	_ =	shalt  }
0x80: {  	_ =	shalt  }
0x81: {  	_ =	shalt  }
0x82: {  	_ =	shalt  }
0x83: {  	_ =	shalt  }
0x84: {  	_ =	shalt  }
0x85: {  	_ =	shalt  }
0x86: {  	_ =	shalt  }
0x87: {  	_ =	shalt  }
.Lfunc_end0:
.L_simem_size_0:
called_computation.1_lowered:
.L_overlay_start_0:
0x88: {  	s2 =	sld [smem:$0x3FD9]  }
0x89: {  	s3 =	sld [smem:$0x3FFE];
	_ =	sdelay $0x1  }
0x8a: {  	s1 =	srdreg.scid  }
0x8b: {  	s0 =	sand.u32 $0x1, s1  }
0x8c: {  	s15 =	sshll.u32 s0, $0xA;
	s2 =	sadd.s32 s3, s2  }
0x8d: {  	s2 =	sadd.s32 s2, s15  }
0x8e: {  	[smem:$0x3FB6] =	sst s2  }
0x8f: {  	_ = 	snop  }
0x90: {  	s2 =	sld [smem:$0x3FD0];
	_ =	sdelay $0x2  }
0x91: {  	s16 =	simm.s32 $0xB;
	s4 =	simm.s32 $0x10  }
0x92: {  	[smem:s4], [sflag:s16] =	dma.local [hbm:s2], $0x1  }
0x93: {  	_ =	swait.eq [sflag:s16], $0x1  }
0x94: {  	[sflag:s16] =	ssyncset.done $0x0  }
0x95: {  	[sflag:s16] =	ssyncadd.s32 $0xFFFFFFFF  }
0x96: {  	s17 =	sld [smem:$0x10];
	(tm) =	ssettm $0x1  }
0x97: {  	s18 =	sld [smem:$0x3FFB];
	_ =	sdelay $0x3  }
0x98: {  	_ =	strace s18  }
0x99: {  	s2 =	sld [smem:$0x3FFC];
	_ =	sdelay $0x3  }
0x9a: {  	_ =	strace s2  }
0x9b: {  	s2 =	sld [smem:$0x3FFD];
	_ =	sdelay $0x3  }
0x9c: {  	_ =	strace s2  }
0x9d: {  	_ =	strace $0x8FFFFFFF  }
0x9e: {  	s19 =	sld [smem:$0x3FDB];
	_ =	sdelay $0x1  }
0x9f: {  	s20 =	simm.s32 $_scs_section_size  }
0xa0: {  	s5 =	simm.s32 $_size__tile_overlayer_lowered;
	s6 =	simm.s32 $_tile_overlayer_lowered  }
0xa1: {  	s7 =	simm.s32 $0x1BFF;
	s21 =	sshll.u32 s6, $0x1;
	s4 =	sadd.s32 s20, s19  }
0xa2: {  	s22 =	simm.s32 $0x0;
	s5 =	sshll.u32 s5, $0x1;
	s6 =	sadd.s32 s21, s4  }
0xa3: {  	[timem:s22], [sflag:s7] =	dma.local [hbm:s6], s5  }
0xa4: {  	_ =	swait.ge [sflag:s7], s5  }
0xa5: {  	s5 =	ssub.s32 $0x0, s5;
	[sflag:s7] =	ssyncset.done $0x0  }
0xa6: {  	[sflag:s7] =	ssyncadd.s32 s5;
	_ =	sdelay $0x1  }
0xa7: {  	s23 =	simm.s32 $0x1B8B  }
0xa8: {  	_ =	swait.ge [sflag:s23], $0x1  }
0xa9: {  	[sflag:s23] =	ssyncset.done $0x0  }
0xaa: {  	[sflag:s23] =	ssyncadd.s32 $0xFFFFFFFF  }
0xab: {  	s5 =	sld [smem:$0x0]  }
0xac: {  	s6 =	sand.u32 $0xFFFFFFFE, s1  }
0xad: {  	p0 =	sne.s32 s1, s6  }
0xae: {  	s6 =	sshll.u32 @p0 s6, $0xE  }
0xaf: {  	s6 =	sadd.s32 @p0 $0x11B8D, s6;
	s7 =	sshll.u32 @p0 s5, $0x11  }
0xb0: {  	s6 =	sor.u32 @p0 s7, s6  }
0xb1: {  	[sflag:s6] =	ssyncadd.remote.s32 @p0 $0x1;
	_ =	sdelay $0x1  }
0xb2: {  	s6 =	simm.s32 @p0 $0x1B8D  }
0xb3: {  	_ =	swait.eq @p0 [sflag:s6], $0x1  }
0xb4: {  	[sflag:s6] =	ssyncadd.s32 @p0 $0xFFFFFFFF  }
0xb5: {  	s7 =	sshll.u32 @!p0 s1, $0xE  }
0xb6: {  	s7 =	sor.u32 @!p0 $0x4000, s7;
	s6 =	simm.s32 @!p0 $0x1B8D  }
0xb7: {  	s5 =	sshll.u32 @!p0 s5, $0x11;
	s7 =	sadd.s32 @!p0 $0x11B8D, s7;
	_ =	swait.eq @!p0 [sflag:s6], $0x1  }
0xb8: {  	s5 =	sor.u32 @!p0 s5, s7;
	[sflag:s6] =	ssyncadd.s32 @!p0 $0xFFFFFFFF  }
0xb9: {  	s25 =	simm.s32 $0x1B8E;
	s24 =	sld [smem:$0x3FFE];
	[sflag:s5] =	ssyncadd.remote.s32 @!p0 $0x1  }
0xba: {  	s26 =	simm.s32 $execute0_lowered;
	[smem:$0x3FD2] =	sst s25  }
0xbb: {  	s6 =	sshll.u32 s26, $0x1;
	_ =	strace $0x80000049;
	[dreg:$0x1] =	wrdreg $0xFFFFFFFF  }
0xbc: {  	s28 =	simm.s32 $_size_execute0_lowered;
	s4 =	sadd.s32 s4, s6;
	[dreg:$0x0] =	wrdreg $0x0  }
0xbd: {  	s6 =	sshll.u32 s28, $0x1;
	[dreg:$0x2] =	wrdreg s4  }
0xbe: {  	[dreg:$0x3] =	wrdreg s6  }
0xbf: {  	[dreg:$0x4] =	wrdreg $0xC0  }
0xc0: {  	_ =	task [dreg:s22], $0x5FFFF  }
0xc1: {  	[dreg:$0x1] =	wrdreg $0xFFFFFFFF  }
0xc2: {  	[dreg:$0x0] =	wrdreg $0x60  }
0xc3: {  	[dreg:$0x2] =	wrdreg s17  }
0xc4: {  	[dreg:$0x3] =	wrdreg s24  }
0xc5: {  	[dreg:$0x4] =	wrdreg $0x9  }
0xc6: {  	_ =	task.clear_ibuf [dreg:s22], $0x5FFFF;
	_ =	strace $0x90000049  }
0xc7: {  	s29 =	simm.s32 $0x9;
	_ =	strace $0x8000004B  }
0xc8: {  	_ =	swait.ge [sflag:s29], $0x1  }
0xc9: {  	[sflag:s29] =	ssyncadd.s32 $0xFFFFFFFF  }
0xca: {  	_ =	strace $0x9000004B  }
0xcb: {  	_ =	sfence  }
0xcc: {  	s30 =	sld [smem:$0x0];
	_ =	sdelay $0x2  }
0xcd: {  	s31 =	sshll.u32 s1, $0xD;
	s1 =	sshrl.u32 s1, $0x2  }
0xce: {  	s4 =	sand.u32 $0x4000, s31;
	s1 =	sadd.s32 s1, s30  }
0xcf: {  	s0 =	sor.u32 s4, s0;
	s1 =	sshll.u32 s1, $0x11  }
0xd0: {  	s0 =	sor.u32 s1, s0  }
0xd1: {  	s0 =	sadd.s32 $0x8F2B, s0  }
0xd2: {  	[sflag:s0] =	ssyncadd.remote.s32 $0x1  }
0xd3: {  	_ =	sfence.sel $0xFFFF  }
0xd4: {  	[dreg:$0x0] =	wrdreg $0xFFFFFFFF;
	(pc) =	sbr.abs _section_cstart, $3  }
0xd5: {  	[dreg:$0x1] =	wrdreg $0xFFFFFFFF  }
0xd6: {  	_ =	task.clear_ibuf [dreg:s22], $0x2FFFF;
	_ =	strace $0x9FFFFFFF  }
0xd7: {  	(tm) =	ssettm $0x7FFFFFFF  }
tec
execute0_lowered:
.L_overlay_start_1:
0x0: {  	(tag) =	ssettag $0x1  }
0x1: {  	s1 =	rddreg [dreg:$0x0]  }
0x2: {  	s0 =	rddreg [dreg:$0x1];
	s4 =	simm.s32 $0x0  }
0x3: {  	s2 =	srdreg.scid;
	s3 =	stileid.u32;
	s18 =	simm.s32 $0x180  }
0x4: {  	s19 =	simm.s32 $0x80;
	s20 =	simm.s32 $0x200;
	s21 =	simm.s32 $0x100  }
0x5: {  	s28 =	simm.s32 $0x2;
	s29 =	simm.s32 $0x2B00;
	s31 =	simm.s32 $0x3  }
0x6: {  	s13 =	simm.s32 $0x6;
	s14 =	simm.s32 $0x7;
	[smem:$0x7FF] =	sst s4  }
0x7: {  	s2 =	sand.u32 $0x1, s2;
	s3 =	sshll.u32 s3, $0x1;
	s4 =	sadd.s32 $0xB600, s0  }
0x8: {  	s5 =	sadd.s32 $0x324800, s0;
	s3 =	sor.u32 s2, s3;
	s2 =	ssub.s32 $0x2, s2  }
0x9: {  	s7 =	sadd.s32 $0x320800, s0;
	s6 =	smul.u32 $0xFA0, s3;
	s22 =	sshrl.u32 s2, $0x1  }
0xa: {  	s8 =	sadd.s32 $0x328800, s0;
	_ =	strace $0x8000004A;
	s0 =	ssub.s32 s2, s22  }
0xb: {  	s22 =	simm.s32 $0x280;
	s9 =	sadd.s32 $0x50, s6;
	s23 =	sadd.s32 $0xF00, s6  }
0xc: {  	s10 =	sadd.s32 $0xA0, s6;
	s11 =	sadd.s32 $0xF50, s6;
	s0 =	smax.u32 s0, $0x1  }
0xd: {  	s24 =	sshrl.u32 s23, $0x3;
	s25 =	sshrl.u32 s11, $0x3;
	s2 =	sshll.u32 s23, $0x4  }
0xe: {  	s11 =	sshll.u32 s11, $0x4;
	[dreg:$0x9] =	wrdreg s0;
	s12 =	sadd.s32 s5, s24  }
0xf: {  	s23 =	simm.s32 $0x1;
	s3 =	sadd.s32 s7, s24;
	[dreg:$0x3] =	wrdreg s12  }
0x10: {  	s0 =	simm.s32 $0x5300;
	s26 =	sadd.s32 s5, s25;
	[dreg:$0x4] =	wrdreg s3  }
0x11: {  	s2 =	sadd.s32 s8, s2;
	s30 =	sadd.s32 s8, s11;
	[dreg:$0x5] =	wrdreg s26  }
0x12: {  	s24 =	simm.s32 $0x50;
	s11 =	simm.s32 $0x4;
	[dreg:$0x7] =	wrdreg s2  }
0x13: {  	s3 =	sadd.s32 s7, s25;
	[dreg:$0x8] =	wrdreg s30;
	s25 =	simm.s32 $0x300  }
0x14: {  	s12 =	simm.s32 $0x5;
	[dreg:$0x6] =	wrdreg s3;
	s3 =	simm.s32 $0x0  }
.LBB2_1:
0x15: {  	[dreg:$0xa] =	wrdreg s3;
	s16 =	simm.s32 $0x0  }
.LBB2_2:
0x16: {  	s2 =	smul.u32 $0xF0, s16;
	_ =	sdelay $0x1  }
0x17: {  	s3 =	sadd.s32 s6, s2  }
0x18: {  	s15 =	sshrl.u32 s3, $0x3  }
0x19: {  	s26 =	simm.s32 $0x0;
	s17 =	sadd.s32 s5, s15  }
0x1a: {  	[tilespmem:s26], [sflag:$0x1] =	stream.linear.gather [hbm4b:s17+s26], $0x50, $0x38;
	[tilespmem:$0xF300] =	vst v63  }
0x1b: {  	s15 =	sadd.s32 s7, s15  }
0x1c: {  	[tilespmem:s18], [sflag:$0x1] =	stream.linear.gather [hbm4b:s15+s26], $0x50, $0x38;
	[tilespmem:$0xF300] =	vst v63  }
0x1d: {  	s15 =	sadd.s32 s9, s2  }
0x1e: {  	s17 =	sshrl.u32 s15, $0x3  }
0x1f: {  	s30 =	sadd.s32 s5, s17  }
0x20: {  	[tilespmem:s19], [sflag:$0x2] =	stream.linear.gather [hbm4b:s30+s26], $0x50, $0x38;
	[tilespmem:$0xF300] =	vst v63  }
0x21: {  	s17 =	sadd.s32 s7, s17  }
0x22: {  	[tilespmem:s20], [sflag:$0x2] =	stream.linear.gather [hbm4b:s17+s26], $0x50, $0x38;
	[tilespmem:$0xF300] =	vst v63  }
0x23: {  	s17 =	sadd.s32 s10, s2  }
0x24: {  	s2 =	sshrl.u32 s17, $0x3  }
0x25: {  	s30 =	sadd.s32 s5, s2  }
0x26: {  	[tilespmem:s21], [sflag:$0x3] =	stream.linear.gather [hbm4b:s30+s26], $0x50, $0x38;
	[tilespmem:$0xF300] =	vst v63  }
0x27: {  	s2 =	sadd.s32 s7, s2  }
0x28: {  	[tilespmem:s22], [sflag:$0x3] =	stream.linear.gather [hbm4b:s2+s26], $0x50, $0x38;
	[tilespmem:$0xF300] =	vst v63  }
0x29: {  	_ =	swait.ge [sflag:s23], $0x50  }
0x2a: {  	[sflag:s23] =	ssyncset.done $0x0  }
0x2b: {  	[sflag:s23] =	ssyncadd.s32 $0xFFFFFFB0  }
0x2c: {  	_ =	swait.ge [sflag:s23], $0x50  }
0x2d: {  	[sflag:s23] =	ssyncset.done $0x0  }
0x2e: {  	[sflag:s23] =	ssyncadd.s32 $0xFFFFFFB0  }
0x2f: {  	[tilespmem:s25], [sflag:$0x4] =	stream.indirect.gather [hbm4b:s1+s24], $0x80, s26, s24, $0xb8;
	[tilespmem:$0xF300] =	vst v63  }
0x30: {  	s30 =	simm.s32 $0x7B00  }
0x31: {  	[tilespmem:s30], [sflag:$0x4] =	stream.indirect.gather [hbm4b:s4+s24], $0x80, s18, s24, $0xb8;
	[tilespmem:$0xF300] =	vst v63  }
0x32: {  	_ =	swait.ge [sflag:s28], $0x50  }
0x33: {  	[sflag:s28] =	ssyncset.done $0x0  }
0x34: {  	[sflag:s28] =	ssyncadd.s32 $0xFFFFFFB0  }
0x35: {  	_ =	swait.ge [sflag:s28], $0x50  }
0x36: {  	[sflag:s28] =	ssyncset.done $0x0  }
0x37: {  	[sflag:s28] =	ssyncadd.s32 $0xFFFFFFB0  }
0x38: {  	[tilespmem:s29], [sflag:$0x5] =	stream.indirect.gather [hbm4b:s1+s24], $0x80, s19, s24, $0xb8;
	[tilespmem:$0xF300] =	vst v63  }
0x39: {  	s26 =	simm.s32 $0xA300  }
0x3a: {  	[tilespmem:s26], [sflag:$0x5] =	stream.indirect.gather [hbm4b:s4+s24], $0x80, s20, s24, $0xb8;
	[tilespmem:$0xF300] =	vst v63  }
0x3b: {  	_ =	swait.ge [sflag:s31], $0x50  }
0x3c: {  	[sflag:s31] =	ssyncset.done $0x0  }
0x3d: {  	[sflag:s31] =	ssyncadd.s32 $0xFFFFFFB0  }
0x3e: {  	_ =	swait.ge [sflag:s31], $0x50  }
0x3f: {  	[sflag:s31] =	ssyncset.done $0x0  }
0x40: {  	[sflag:s31] =	ssyncadd.s32 $0xFFFFFFB0  }
0x41: {  	[tilespmem:s0], [sflag:$0x6] =	stream.indirect.gather [hbm4b:s1+s24], $0x80, s21, s24, $0xb8;
	[tilespmem:$0xF300] =	vst v63  }
0x42: {  	s30 =	simm.s32 $0xCB00  }
0x43: {  	[tilespmem:s30], [sflag:$0x6] =	stream.indirect.gather [hbm4b:s4+s24], $0x80, s22, s24, $0xb8;
	[tilespmem:$0xF300] =	vst v63  }
0x44: {  	_ =	swait.ge [sflag:s11], $0x2800  }
0x45: {  	[sflag:s11] =	ssyncset.done $0x0  }
0x46: {  	[sflag:s11] =	ssyncadd.s32 $0xFFFFD800  }
0x47: {  	_ =	swait.ge [sflag:s11], $0x2800  }
0x48: {  	[sflag:s11] =	ssyncset.done $0x0  }
0x49: {  	s2 =	simm.s32 $0x0;
	[sflag:s11] =	ssyncadd.s32 $0xFFFFD800  }
0x4a: {  	v7 =	vld [tilespmem:s2+$0x7B00]  }
0x4b: {  	v11 =	vld [tilespmem:s2+$0x7B10]  }
0x4c: {  	v5 =	vld [tilespmem:s2+$0x7B20]  }
0x4d: {  	v4 =	vld [tilespmem:s2+$0x7B30]  }
0x4e: {  	v3 =	vld [tilespmem:s2+$0x7B40]  }
0x4f: {  	v2 =	vld [tilespmem:s2+$0x7B50]  }
0x50: {  	v1 =	vld [tilespmem:s2+$0x7B60]  }
0x51: {  	v0 =	vld [tilespmem:s2+$0x7B70]  }
0x52: {  	v12 =	vld [tilespmem:s2+$0x300]  }
0x53: {  	v13 =	vld [tilespmem:s2+$0x310]  }
0x54: {  	v10 =	vld [tilespmem:s2+$0x320]  }
0x55: {  	v9 =	vld [tilespmem:s2+$0x330]  }
0x56: {  	v8 =	vld [tilespmem:s2+$0x340]  }
0x57: {  	v6 =	vld [tilespmem:s2+$0x350];
	v12 =	vadd.f32 v7, v12  }
0x58: {  	s26 =	simm.s32 $0x200;
	v11 =	vadd.f32 v11, v13;
	v7 =	vld [tilespmem:s2+$0x360]  }
.LBB2_3:
0x59: {  	s30 =	sshra.s32 s26, $0x2;
	p0 =	sne.s32 s26, $0x9E00;
	[tilespmem:s2+$0x300] =	vst v12;
	v5 =	vadd.f32 v5, v10;
	v10 =	vld [tilespmem:s2+$0x370]  }
0x5a: {  	v12 =	vld [tilespmem:s30+$0x7B00];
	[tilespmem:s2+$0x310] =	vst v11;
	v4 =	vadd.f32 v4, v9  }
0x5b: {  	v11 =	vld [tilespmem:s30+$0x7B10];
	[tilespmem:s2+$0x320] =	vst v5;
	v3 =	vadd.f32 v3, v8  }
0x5c: {  	v5 =	vld [tilespmem:s30+$0x7B20];
	[tilespmem:s2+$0x330] =	vst v4;
	v2 =	vadd.f32 v2, v6  }
0x5d: {  	v4 =	vld [tilespmem:s30+$0x7B30];
	[tilespmem:s2+$0x340] =	vst v3;
	v1 =	vadd.f32 v1, v7  }
0x5e: {  	v3 =	vld [tilespmem:s30+$0x7B40];
	[tilespmem:s2+$0x350] =	vst v2;
	v0 =	vadd.f32 v0, v10  }
0x5f: {  	v2 =	vld [tilespmem:s30+$0x7B50];
	[tilespmem:s2+$0x360] =	vst v1  }
0x60: {  	v1 =	vld [tilespmem:s30+$0x7B60];
	[tilespmem:s2+$0x370] =	vst v0;
	s2 =	smov.u32 s30  }
0x61: {  	v0 =	vld [tilespmem:s2+$0x7B70]  }
0x62: {  	v6 =	vld [tilespmem:s2+$0x300]  }
0x63: {  	v7 =	vld [tilespmem:s2+$0x310]  }
.Ltmp0:
0x64: {  	v10 =	vld [tilespmem:s2+$0x320];
	(pc) =	sbr.rel @p0 .LBB2_3-.Ltmp0, $4  }
0x65: {  	v9 =	vld [tilespmem:s2+$0x330]  }
0x66: {  	v8 =	vld [tilespmem:s2+$0x340]  }
0x67: {  	v12 =	vadd.f32 v12, v6;
	v6 =	vld [tilespmem:s2+$0x350]  }
0x68: {  	s26 =	sadd.s32 $0x200, s26;
	v11 =	vadd.f32 v11, v7;
	v7 =	vld [tilespmem:s2+$0x360]  }
0x69: {  	[tilespmem:s2+$0x300] =	vst v12;
	v5 =	vadd.f32 v5, v10;
	v10 =	vld [tilespmem:s2+$0x370]  }
0x6a: {  	[tilespmem:s2+$0x310] =	vst v11;
	v4 =	vadd.f32 v4, v9  }
0x6b: {  	[tilespmem:s2+$0x320] =	vst v5;
	v3 =	vadd.f32 v3, v8  }
0x6c: {  	[tilespmem:s2+$0x330] =	vst v4;
	v2 =	vadd.f32 v2, v6  }
0x6d: {  	[tilespmem:s2+$0x340] =	vst v3;
	v1 =	vadd.f32 v1, v7  }
0x6e: {  	[tilespmem:s2+$0x350] =	vst v2;
	v0 =	vadd.f32 v0, v10  }
0x6f: {  	s3 =	sshll.u32 s3, $0x4;
	[tilespmem:s2+$0x360] =	vst v1  }
0x70: {  	s30 =	simm.s32 $0x0;
	s26 =	sadd.s32 s8, s3;
	[tilespmem:s2+$0x370] =	vst v0  }
0x71: {  	[hbm4b:s26+s30] =	stream.linear.scatter [tilespmem:s25], [sflag:$0x7], $0x2800, $0x38;
	[tilespmem:$0xF300] =	vst v63  }
0x72: {  	_ =	swait.ge [sflag:s12], $0x2800  }
0x73: {  	[sflag:s12] =	ssyncset.done $0x0  }
0x74: {  	[sflag:s12] =	ssyncadd.s32 $0xFFFFD800  }
0x75: {  	_ =	swait.ge [sflag:s12], $0x2800  }
0x76: {  	[sflag:s12] =	ssyncset.done $0x0  }
0x77: {  	s2 =	simm.s32 $0x0;
	[sflag:s12] =	ssyncadd.s32 $0xFFFFD800  }
0x78: {  	v7 =	vld [tilespmem:s2+$0xA300]  }
0x79: {  	v11 =	vld [tilespmem:s2+$0xA310]  }
0x7a: {  	v5 =	vld [tilespmem:s2+$0xA320]  }
0x7b: {  	v4 =	vld [tilespmem:s2+$0xA330]  }
0x7c: {  	v3 =	vld [tilespmem:s2+$0xA340]  }
0x7d: {  	v2 =	vld [tilespmem:s2+$0xA350]  }
0x7e: {  	v1 =	vld [tilespmem:s2+$0xA360]  }
0x7f: {  	v0 =	vld [tilespmem:s2+$0xA370]  }
0x80: {  	v12 =	vld [tilespmem:s2+$0x2B00]  }
0x81: {  	v13 =	vld [tilespmem:s2+$0x2B10]  }
0x82: {  	v10 =	vld [tilespmem:s2+$0x2B20]  }
0x83: {  	v9 =	vld [tilespmem:s2+$0x2B30]  }
0x84: {  	v8 =	vld [tilespmem:s2+$0x2B40]  }
0x85: {  	v6 =	vld [tilespmem:s2+$0x2B50];
	v12 =	vadd.f32 v7, v12  }
0x86: {  	s3 =	simm.s32 $0x200;
	v11 =	vadd.f32 v11, v13;
	v7 =	vld [tilespmem:s2+$0x2B60]  }
.LBB2_5:
0x87: {  	s26 =	sshra.s32 s3, $0x2;
	p0 =	sne.s32 s3, $0x9E00;
	[tilespmem:s2+$0x2B00] =	vst v12;
	v5 =	vadd.f32 v5, v10;
	v10 =	vld [tilespmem:s2+$0x2B70]  }
0x88: {  	v12 =	vld [tilespmem:s26+$0xA300];
	[tilespmem:s2+$0x2B10] =	vst v11;
	v4 =	vadd.f32 v4, v9  }
0x89: {  	v11 =	vld [tilespmem:s26+$0xA310];
	[tilespmem:s2+$0x2B20] =	vst v5;
	v3 =	vadd.f32 v3, v8  }
0x8a: {  	v5 =	vld [tilespmem:s26+$0xA320];
	[tilespmem:s2+$0x2B30] =	vst v4;
	v2 =	vadd.f32 v2, v6  }
0x8b: {  	v4 =	vld [tilespmem:s26+$0xA330];
	[tilespmem:s2+$0x2B40] =	vst v3;
	v1 =	vadd.f32 v1, v7  }
0x8c: {  	v3 =	vld [tilespmem:s26+$0xA340];
	[tilespmem:s2+$0x2B50] =	vst v2;
	v0 =	vadd.f32 v0, v10  }
0x8d: {  	v2 =	vld [tilespmem:s26+$0xA350];
	[tilespmem:s2+$0x2B60] =	vst v1  }
0x8e: {  	v1 =	vld [tilespmem:s26+$0xA360];
	[tilespmem:s2+$0x2B70] =	vst v0;
	s2 =	smov.u32 s26  }
0x8f: {  	v0 =	vld [tilespmem:s2+$0xA370]  }
0x90: {  	v6 =	vld [tilespmem:s2+$0x2B00]  }
0x91: {  	v7 =	vld [tilespmem:s2+$0x2B10]  }
.Ltmp1:
0x92: {  	v10 =	vld [tilespmem:s2+$0x2B20];
	(pc) =	sbr.rel @p0 .LBB2_5-.Ltmp1, $4  }
0x93: {  	v9 =	vld [tilespmem:s2+$0x2B30]  }
0x94: {  	v8 =	vld [tilespmem:s2+$0x2B40]  }
0x95: {  	v12 =	vadd.f32 v12, v6;
	v6 =	vld [tilespmem:s2+$0x2B50]  }
0x96: {  	s3 =	sadd.s32 $0x200, s3;
	v11 =	vadd.f32 v11, v7;
	v7 =	vld [tilespmem:s2+$0x2B60]  }
0x97: {  	[tilespmem:s2+$0x2B00] =	vst v12;
	v5 =	vadd.f32 v5, v10;
	v10 =	vld [tilespmem:s2+$0x2B70]  }
0x98: {  	[tilespmem:s2+$0x2B10] =	vst v11;
	v4 =	vadd.f32 v4, v9  }
0x99: {  	[tilespmem:s2+$0x2B20] =	vst v5;
	v3 =	vadd.f32 v3, v8  }
0x9a: {  	[tilespmem:s2+$0x2B30] =	vst v4;
	v2 =	vadd.f32 v2, v6  }
0x9b: {  	[tilespmem:s2+$0x2B40] =	vst v3;
	v1 =	vadd.f32 v1, v7  }
0x9c: {  	[tilespmem:s2+$0x2B50] =	vst v2;
	v0 =	vadd.f32 v0, v10  }
0x9d: {  	s3 =	sshll.u32 s15, $0x4;
	[tilespmem:s2+$0x2B60] =	vst v1  }
0x9e: {  	s30 =	simm.s32 $0x0;
	s26 =	sadd.s32 s8, s3;
	[tilespmem:s2+$0x2B70] =	vst v0  }
0x9f: {  	[hbm4b:s26+s30] =	stream.linear.scatter [tilespmem:s29], [sflag:$0x7], $0x2800, $0x38;
	[tilespmem:$0xF300] =	vst v63  }
0xa0: {  	_ =	swait.ge [sflag:s13], $0x2800  }
0xa1: {  	[sflag:s13] =	ssyncset.done $0x0  }
0xa2: {  	[sflag:s13] =	ssyncadd.s32 $0xFFFFD800  }
0xa3: {  	_ =	swait.ge [sflag:s13], $0x2800  }
0xa4: {  	[sflag:s13] =	ssyncset.done $0x0  }
0xa5: {  	s2 =	simm.s32 $0x0;
	[sflag:s13] =	ssyncadd.s32 $0xFFFFD800  }
0xa6: {  	v7 =	vld [tilespmem:s2+$0xCB00]  }
0xa7: {  	v11 =	vld [tilespmem:s2+$0xCB10]  }
0xa8: {  	v5 =	vld [tilespmem:s2+$0xCB20]  }
0xa9: {  	v4 =	vld [tilespmem:s2+$0xCB30]  }
0xaa: {  	v3 =	vld [tilespmem:s2+$0xCB40]  }
0xab: {  	v2 =	vld [tilespmem:s2+$0xCB50]  }
0xac: {  	v1 =	vld [tilespmem:s2+$0xCB60]  }
0xad: {  	v0 =	vld [tilespmem:s2+$0xCB70]  }
0xae: {  	v12 =	vld [tilespmem:s2+$0x5300]  }
0xaf: {  	v13 =	vld [tilespmem:s2+$0x5310]  }
0xb0: {  	v10 =	vld [tilespmem:s2+$0x5320]  }
0xb1: {  	v9 =	vld [tilespmem:s2+$0x5330]  }
0xb2: {  	v8 =	vld [tilespmem:s2+$0x5340]  }
0xb3: {  	v6 =	vld [tilespmem:s2+$0x5350];
	v12 =	vadd.f32 v7, v12  }
0xb4: {  	s3 =	simm.s32 $0x200;
	v11 =	vadd.f32 v11, v13;
	v7 =	vld [tilespmem:s2+$0x5360]  }
.LBB2_7:
0xb5: {  	s15 =	sshra.s32 s3, $0x2;
	p0 =	sne.s32 s3, $0x9E00;
	[tilespmem:s2+$0x5300] =	vst v12;
	v5 =	vadd.f32 v5, v10;
	v10 =	vld [tilespmem:s2+$0x5370]  }
0xb6: {  	v12 =	vld [tilespmem:s15+$0xCB00];
	[tilespmem:s2+$0x5310] =	vst v11;
	v4 =	vadd.f32 v4, v9  }
0xb7: {  	v11 =	vld [tilespmem:s15+$0xCB10];
	[tilespmem:s2+$0x5320] =	vst v5;
	v3 =	vadd.f32 v3, v8  }
0xb8: {  	v5 =	vld [tilespmem:s15+$0xCB20];
	[tilespmem:s2+$0x5330] =	vst v4;
	v2 =	vadd.f32 v2, v6  }
0xb9: {  	v4 =	vld [tilespmem:s15+$0xCB30];
	[tilespmem:s2+$0x5340] =	vst v3;
	v1 =	vadd.f32 v1, v7  }
0xba: {  	v3 =	vld [tilespmem:s15+$0xCB40];
	[tilespmem:s2+$0x5350] =	vst v2;
	v0 =	vadd.f32 v0, v10  }
0xbb: {  	v2 =	vld [tilespmem:s15+$0xCB50];
	[tilespmem:s2+$0x5360] =	vst v1  }
0xbc: {  	v1 =	vld [tilespmem:s15+$0xCB60];
	[tilespmem:s2+$0x5370] =	vst v0;
	s2 =	smov.u32 s15  }
0xbd: {  	v0 =	vld [tilespmem:s2+$0xCB70]  }
0xbe: {  	v6 =	vld [tilespmem:s2+$0x5300]  }
0xbf: {  	v7 =	vld [tilespmem:s2+$0x5310]  }
.Ltmp2:
0xc0: {  	v10 =	vld [tilespmem:s2+$0x5320];
	(pc) =	sbr.rel @p0 .LBB2_7-.Ltmp2, $4  }
0xc1: {  	v9 =	vld [tilespmem:s2+$0x5330]  }
0xc2: {  	v8 =	vld [tilespmem:s2+$0x5340]  }
0xc3: {  	v12 =	vadd.f32 v12, v6;
	v6 =	vld [tilespmem:s2+$0x5350]  }
0xc4: {  	s3 =	sadd.s32 $0x200, s3;
	v11 =	vadd.f32 v11, v7;
	v7 =	vld [tilespmem:s2+$0x5360]  }
0xc5: {  	[tilespmem:s2+$0x5300] =	vst v12;
	v5 =	vadd.f32 v5, v10;
	v63 =	vld [tilespmem:s2+$0x5370]  }
0xc6: {  	[tilespmem:s2+$0x5310] =	vst v11;
	v4 =	vadd.f32 v4, v9  }
0xc7: {  	[tilespmem:s2+$0x5320] =	vst v5;
	v3 =	vadd.f32 v3, v8  }
0xc8: {  	[tilespmem:s2+$0x5330] =	vst v4;
	v2 =	vadd.f32 v2, v6  }
0xc9: {  	[tilespmem:s2+$0x5340] =	vst v3;
	v1 =	vadd.f32 v1, v7  }
0xca: {  	[tilespmem:s2+$0x5350] =	vst v2;
	v0 =	vadd.f32 v0, v63  }
0xcb: {  	s3 =	sshll.u32 s17, $0x4;
	[tilespmem:s2+$0x5360] =	vst v1  }
0xcc: {  	s30 =	simm.s32 $0x0;
	s26 =	sadd.s32 s8, s3;
	[tilespmem:s2+$0x5370] =	vst v0  }
0xcd: {  	[hbm4b:s26+s30] =	stream.linear.scatter [tilespmem:s0], [sflag:$0x7], $0x2800, $0x38;
	[tilespmem:$0xF300] =	vst v63  }
0xce: {  	_ =	swait.ge [sflag:s14], $0x2800  }
0xcf: {  	[sflag:s14] =	ssyncset.done $0x0  }
0xd0: {  	s16 =	sadd.s32 $0x1, s16;
	[sflag:s14] =	ssyncadd.s32 $0xFFFFD800  }
0xd1: {  	p0 =	sne.s32 s16, $0x10;
	_ =	swait.ge [sflag:s14], $0x2800  }
.Ltmp3:
0xd2: {  	[sflag:s14] =	ssyncset.done $0x0;
	(pc) =	sbr.rel @p0 .LBB2_2-.Ltmp3, $4  }
0xd3: {  	[sflag:s14] =	ssyncadd.s32 $0xFFFFD800  }
0xd4: {  	_ =	swait.ge [sflag:s14], $0x2800  }
0xd5: {  	[sflag:s14] =	ssyncset.done $0x0  }
0xd6: {  	[sflag:s14] =	ssyncadd.s32 $0xFFFFD800  }
0xd7: {  	s2 =	simm.s32 $0x0;
	s3 =	rddreg [dreg:$0x3]  }
0xd8: {  	[tilespmem:s2], [sflag:$0x1] =	stream.linear.gather [hbm4b:s3+s2], $0x50, $0x38;
	[tilespmem:$0xF300] =	vst v63  }
0xd9: {  	s15 =	rddreg [dreg:$0x4]  }
0xda: {  	[tilespmem:s18], [sflag:$0x1] =	stream.linear.gather [hbm4b:s15+s2], $0x50, $0x38;
	[tilespmem:$0xF300] =	vst v63  }
0xdb: {  	s16 =	rddreg [dreg:$0x5]  }
0xdc: {  	[tilespmem:s19], [sflag:$0x2] =	stream.linear.gather [hbm4b:s16+s2], $0x50, $0x38;
	[tilespmem:$0xF300] =	vst v63  }
0xdd: {  	s17 =	rddreg [dreg:$0x6]  }
0xde: {  	[tilespmem:s20], [sflag:$0x2] =	stream.linear.gather [hbm4b:s17+s2], $0x50, $0x38;
	[tilespmem:$0xF300] =	vst v63  }
0xdf: {  	_ =	swait.ge [sflag:s23], $0x50  }
0xe0: {  	[sflag:s23] =	ssyncset.done $0x0  }
0xe1: {  	[sflag:s23] =	ssyncadd.s32 $0xFFFFFFB0  }
0xe2: {  	_ =	swait.ge [sflag:s23], $0x50  }
0xe3: {  	[sflag:s23] =	ssyncset.done $0x0  }
0xe4: {  	[sflag:s23] =	ssyncadd.s32 $0xFFFFFFB0  }
0xe5: {  	[tilespmem:s25], [sflag:$0x4] =	stream.indirect.gather [hbm4b:s1+s24], $0x80, s2, s24, $0xb8;
	[tilespmem:$0xF300] =	vst v63  }
0xe6: {  	s26 =	simm.s32 $0x7B00  }
0xe7: {  	[tilespmem:s26], [sflag:$0x4] =	stream.indirect.gather [hbm4b:s4+s24], $0x80, s18, s24, $0xb8;
	[tilespmem:$0xF300] =	vst v63  }
0xe8: {  	_ =	swait.ge [sflag:s28], $0x50  }
0xe9: {  	[sflag:s28] =	ssyncset.done $0x0  }
0xea: {  	[sflag:s28] =	ssyncadd.s32 $0xFFFFFFB0  }
0xeb: {  	_ =	swait.ge [sflag:s28], $0x50  }
0xec: {  	[sflag:s28] =	ssyncset.done $0x0  }
0xed: {  	[sflag:s28] =	ssyncadd.s32 $0xFFFFFFB0  }
0xee: {  	[tilespmem:s29], [sflag:$0x5] =	stream.indirect.gather [hbm4b:s1+s24], $0x80, s19, s24, $0xb8;
	[tilespmem:$0xF300] =	vst v63  }
0xef: {  	s30 =	simm.s32 $0xA300  }
0xf0: {  	[tilespmem:s30], [sflag:$0x5] =	stream.indirect.gather [hbm4b:s4+s24], $0x80, s20, s24, $0xb8;
	[tilespmem:$0xF300] =	vst v63  }
0xf1: {  	_ =	swait.ge [sflag:s11], $0x2800  }
0xf2: {  	[sflag:s11] =	ssyncset.done $0x0  }
0xf3: {  	[sflag:s11] =	ssyncadd.s32 $0xFFFFD800  }
0xf4: {  	_ =	swait.ge [sflag:s11], $0x2800  }
0xf5: {  	[sflag:s11] =	ssyncset.done $0x0  }
0xf6: {  	s2 =	simm.s32 $0x0;
	[sflag:s11] =	ssyncadd.s32 $0xFFFFD800  }
0xf7: {  	v7 =	vld [tilespmem:s2+$0x7B00]  }
0xf8: {  	v11 =	vld [tilespmem:s2+$0x7B10]  }
0xf9: {  	v5 =	vld [tilespmem:s2+$0x7B20]  }
0xfa: {  	v4 =	vld [tilespmem:s2+$0x7B30]  }
0xfb: {  	v3 =	vld [tilespmem:s2+$0x7B40]  }
0xfc: {  	v2 =	vld [tilespmem:s2+$0x7B50]  }
0xfd: {  	v1 =	vld [tilespmem:s2+$0x7B60]  }
0xfe: {  	v0 =	vld [tilespmem:s2+$0x7B70]  }
0xff: {  	v12 =	vld [tilespmem:s2+$0x300]  }
0x100: {  	v13 =	vld [tilespmem:s2+$0x310]  }
0x101: {  	v10 =	vld [tilespmem:s2+$0x320]  }
0x102: {  	v9 =	vld [tilespmem:s2+$0x330]  }
0x103: {  	v8 =	vld [tilespmem:s2+$0x340]  }
0x104: {  	v6 =	vld [tilespmem:s2+$0x350];
	v12 =	vadd.f32 v7, v12  }
0x105: {  	s3 =	simm.s32 $0x200;
	v11 =	vadd.f32 v11, v13;
	v7 =	vld [tilespmem:s2+$0x360]  }
.LBB2_10:
0x106: {  	s15 =	sshra.s32 s3, $0x2;
	p0 =	sne.s32 s3, $0x9E00;
	[tilespmem:s2+$0x300] =	vst v12;
	v5 =	vadd.f32 v5, v10;
	v10 =	vld [tilespmem:s2+$0x370]  }
0x107: {  	v12 =	vld [tilespmem:s15+$0x7B00];
	[tilespmem:s2+$0x310] =	vst v11;
	v4 =	vadd.f32 v4, v9  }
0x108: {  	v11 =	vld [tilespmem:s15+$0x7B10];
	[tilespmem:s2+$0x320] =	vst v5;
	v3 =	vadd.f32 v3, v8  }
0x109: {  	v5 =	vld [tilespmem:s15+$0x7B20];
	[tilespmem:s2+$0x330] =	vst v4;
	v2 =	vadd.f32 v2, v6  }
0x10a: {  	v4 =	vld [tilespmem:s15+$0x7B30];
	[tilespmem:s2+$0x340] =	vst v3;
	v1 =	vadd.f32 v1, v7  }
0x10b: {  	v3 =	vld [tilespmem:s15+$0x7B40];
	[tilespmem:s2+$0x350] =	vst v2;
	v0 =	vadd.f32 v0, v10  }
0x10c: {  	v2 =	vld [tilespmem:s15+$0x7B50];
	[tilespmem:s2+$0x360] =	vst v1  }
0x10d: {  	v1 =	vld [tilespmem:s15+$0x7B60];
	[tilespmem:s2+$0x370] =	vst v0;
	s2 =	smov.u32 s15  }
0x10e: {  	v0 =	vld [tilespmem:s2+$0x7B70]  }
0x10f: {  	v6 =	vld [tilespmem:s2+$0x300]  }
0x110: {  	v7 =	vld [tilespmem:s2+$0x310]  }
.Ltmp4:
0x111: {  	v10 =	vld [tilespmem:s2+$0x320];
	(pc) =	sbr.rel @p0 .LBB2_10-.Ltmp4, $4  }
0x112: {  	v9 =	vld [tilespmem:s2+$0x330]  }
0x113: {  	v8 =	vld [tilespmem:s2+$0x340]  }
0x114: {  	v12 =	vadd.f32 v12, v6;
	v6 =	vld [tilespmem:s2+$0x350]  }
0x115: {  	s3 =	sadd.s32 $0x200, s3;
	v11 =	vadd.f32 v11, v7;
	v7 =	vld [tilespmem:s2+$0x360]  }
0x116: {  	[tilespmem:s2+$0x300] =	vst v12;
	v5 =	vadd.f32 v5, v10;
	v10 =	vld [tilespmem:s2+$0x370]  }
0x117: {  	[tilespmem:s2+$0x310] =	vst v11;
	v4 =	vadd.f32 v4, v9  }
0x118: {  	[tilespmem:s2+$0x320] =	vst v5;
	v3 =	vadd.f32 v3, v8  }
0x119: {  	[tilespmem:s2+$0x330] =	vst v4;
	v2 =	vadd.f32 v2, v6  }
0x11a: {  	[tilespmem:s2+$0x340] =	vst v3;
	v1 =	vadd.f32 v1, v7  }
0x11b: {  	[tilespmem:s2+$0x350] =	vst v2;
	v0 =	vadd.f32 v0, v10  }
0x11c: {  	[tilespmem:s2+$0x360] =	vst v1  }
0x11d: {  	s30 =	simm.s32 $0x0;
	s3 =	rddreg [dreg:$0x7];
	[tilespmem:s2+$0x370] =	vst v0  }
0x11e: {  	[hbm4b:s3+s30] =	stream.linear.scatter [tilespmem:s25], [sflag:$0x7], $0x2800, $0x38;
	[tilespmem:$0xF300] =	vst v63  }
0x11f: {  	_ =	swait.ge [sflag:s12], $0x2800  }
0x120: {  	[sflag:s12] =	ssyncset.done $0x0  }
0x121: {  	[sflag:s12] =	ssyncadd.s32 $0xFFFFD800  }
0x122: {  	_ =	swait.ge [sflag:s12], $0x2800  }
0x123: {  	[sflag:s12] =	ssyncset.done $0x0  }
0x124: {  	s2 =	simm.s32 $0x0;
	[sflag:s12] =	ssyncadd.s32 $0xFFFFD800  }
0x125: {  	v7 =	vld [tilespmem:s2+$0xA300]  }
0x126: {  	v11 =	vld [tilespmem:s2+$0xA310]  }
0x127: {  	v5 =	vld [tilespmem:s2+$0xA320]  }
0x128: {  	v4 =	vld [tilespmem:s2+$0xA330]  }
0x129: {  	v3 =	vld [tilespmem:s2+$0xA340]  }
0x12a: {  	v2 =	vld [tilespmem:s2+$0xA350]  }
0x12b: {  	v1 =	vld [tilespmem:s2+$0xA360]  }
0x12c: {  	v0 =	vld [tilespmem:s2+$0xA370]  }
0x12d: {  	v12 =	vld [tilespmem:s2+$0x2B00]  }
0x12e: {  	v13 =	vld [tilespmem:s2+$0x2B10]  }
0x12f: {  	v10 =	vld [tilespmem:s2+$0x2B20]  }
0x130: {  	v9 =	vld [tilespmem:s2+$0x2B30]  }
0x131: {  	v8 =	vld [tilespmem:s2+$0x2B40]  }
0x132: {  	v6 =	vld [tilespmem:s2+$0x2B50];
	v12 =	vadd.f32 v7, v12  }
0x133: {  	s3 =	simm.s32 $0x200;
	v11 =	vadd.f32 v11, v13;
	v7 =	vld [tilespmem:s2+$0x2B60]  }
.LBB2_12:
0x134: {  	s15 =	sshra.s32 s3, $0x2;
	p0 =	sne.s32 s3, $0x9E00;
	[tilespmem:s2+$0x2B00] =	vst v12;
	v5 =	vadd.f32 v5, v10;
	v10 =	vld [tilespmem:s2+$0x2B70]  }
0x135: {  	v12 =	vld [tilespmem:s15+$0xA300];
	[tilespmem:s2+$0x2B10] =	vst v11;
	v4 =	vadd.f32 v4, v9  }
0x136: {  	v11 =	vld [tilespmem:s15+$0xA310];
	[tilespmem:s2+$0x2B20] =	vst v5;
	v3 =	vadd.f32 v3, v8  }
0x137: {  	v5 =	vld [tilespmem:s15+$0xA320];
	[tilespmem:s2+$0x2B30] =	vst v4;
	v2 =	vadd.f32 v2, v6  }
0x138: {  	v4 =	vld [tilespmem:s15+$0xA330];
	[tilespmem:s2+$0x2B40] =	vst v3;
	v1 =	vadd.f32 v1, v7  }
0x139: {  	v3 =	vld [tilespmem:s15+$0xA340];
	[tilespmem:s2+$0x2B50] =	vst v2;
	v0 =	vadd.f32 v0, v10  }
0x13a: {  	v2 =	vld [tilespmem:s15+$0xA350];
	[tilespmem:s2+$0x2B60] =	vst v1  }
0x13b: {  	v1 =	vld [tilespmem:s15+$0xA360];
	[tilespmem:s2+$0x2B70] =	vst v0;
	s2 =	smov.u32 s15  }
0x13c: {  	v0 =	vld [tilespmem:s2+$0xA370]  }
0x13d: {  	v6 =	vld [tilespmem:s2+$0x2B00]  }
0x13e: {  	v7 =	vld [tilespmem:s2+$0x2B10]  }
.Ltmp5:
0x13f: {  	v10 =	vld [tilespmem:s2+$0x2B20];
	(pc) =	sbr.rel @p0 .LBB2_12-.Ltmp5, $4  }
0x140: {  	v9 =	vld [tilespmem:s2+$0x2B30]  }
0x141: {  	v8 =	vld [tilespmem:s2+$0x2B40]  }
0x142: {  	v12 =	vadd.f32 v12, v6;
	v6 =	vld [tilespmem:s2+$0x2B50]  }
0x143: {  	s3 =	sadd.s32 $0x200, s3;
	v11 =	vadd.f32 v11, v7;
	v7 =	vld [tilespmem:s2+$0x2B60]  }
0x144: {  	[tilespmem:s2+$0x2B00] =	vst v12;
	v5 =	vadd.f32 v5, v10;
	v63 =	vld [tilespmem:s2+$0x2B70]  }
0x145: {  	[tilespmem:s2+$0x2B10] =	vst v11;
	v4 =	vadd.f32 v4, v9  }
0x146: {  	[tilespmem:s2+$0x2B20] =	vst v5;
	v3 =	vadd.f32 v3, v8  }
0x147: {  	[tilespmem:s2+$0x2B30] =	vst v4;
	v2 =	vadd.f32 v2, v6  }
0x148: {  	[tilespmem:s2+$0x2B40] =	vst v3;
	v1 =	vadd.f32 v1, v7  }
0x149: {  	[tilespmem:s2+$0x2B50] =	vst v2;
	v0 =	vadd.f32 v0, v63  }
0x14a: {  	[tilespmem:s2+$0x2B60] =	vst v1  }
0x14b: {  	s17 =	simm.s32 $0x0;
	s3 =	rddreg [dreg:$0x8];
	[tilespmem:s2+$0x2B70] =	vst v0  }
0x14c: {  	[hbm4b:s3+s17] =	stream.linear.scatter [tilespmem:s29], [sflag:$0x7], $0x2800, $0x38;
	[tilespmem:$0xF300] =	vst v63  }
0x14d: {  	_ =	swait.ge [sflag:s14], $0x2800  }
0x14e: {  	[sflag:s14] =	ssyncset.done $0x0  }
0x14f: {  	[sflag:s14] =	ssyncadd.s32 $0xFFFFD800  }
0x150: {  	_ =	swait.ge [sflag:s14], $0x2800  }
0x151: {  	s26 =	rddreg [dreg:$0xa]  }
0x152: {  	s30 =	rddreg [dreg:$0x9];
	s3 =	sadd.s32 $0x1, s26  }
0x153: {  	p0 =	sne.s32 s3, s30  }
.Ltmp6:
0x154: {  	_ = 	snop;
	(pc) =	sbr.rel @p0 .LBB2_1-.Ltmp6, $3  }
0x155: {  	_ =	sdelay $0x1  }
0x156: {  	[sflag:s14] =	ssyncset.done $0x0  }
0x157: {  	[sflag:s14] =	ssyncadd.s32 $0xFFFFD800  }
0x158: {  	_ =	sfence.sel $0x180000  }
0x159: {  	[bflag:$0x0] =	sbarrier.arrive $0xFFFF  }
0x15a: {  	_ =	strace $0x9000004A  }
0x15b: {  	s0 =	stileid.u32;
	[bflag:$0x2] =	sbarrier.arrive $0xFFFF  }
0x15c: {  	p0 =	sne.s32 s0, $0x0;
	s0 =	rddreg [dreg:$0x2]  }
0x15d: {  	s0 =	sadd.s32 @!p0 $0x100000, s0  }
0x15e: {  	[sflag:s0] =	ssyncadd.tile.s32 @!p0 $0x1;
	_ =	shalt  }
.Lfunc_end2:
_tile_overlayer_lowered:
.L_overlay_start_2:
0x15f: {  	(tag) =	ssettag $0x2  }
0x160: {  	s0 =	rddreg [dreg:$0x0];
	s2 =	stileid.u32  }
0x161: {  	s1 =	rddreg [dreg:$0x1];
	p0 =	sne.s32 s2, $0x0  }
0x162: {  	s3 =	rddreg [dreg:$0x2];
	[bflag:$0x3] =	sbarrier.arrive $0xFFFF;
	s2 =	simm.s32 @!p0 $0x1C08  }
0x163: {  	[timem:s3], [sflag:s2] =	dma.local @!p0 [hbm:s0], s1  }
0x164: {  	s0 =	simm.s32 @!p0 $0x8  }
0x165: {  	_ =	swait.ge @!p0 [sflag:s0], s1  }
0x166: {  	s1 =	ssub.s32 @!p0 $0x0, s1;
	[sflag:s0] =	ssyncset.done @!p0 $0x0  }
0x167: {  	[sflag:s0] =	ssyncadd.s32 @!p0 s1  }
0x168: {  	[bflag:$0x3] =	sbarrier.arrive $0xFFFF  }
0x169: {  	_ =	shalt  }

// kernel: kernel.18.cloned.1.call-start
scs
__scs_entry_jumppad:
0x0: {  	(pc) =	sbr.rel $0x88, $3  }
0x1: {  	(tag) =	ssettag $0x0;
	lr =	simm.s32 $0x1  }
0x2: {  	[smem:$0x3F8F] =	sst lr;
	_ =	strace $0xD0000000  }
0x3: {  	_ = 	snop  }
0x4: {  	_ = 	snop  }
0x5: {  	_ = 	snop  }
0x6: {  	_ = 	snop  }
0x7: {  	_ = 	snop  }
__scs_overlays_trampoline_lowered:
0x8: {  	[smem:$0x3F9E] =	sst s0  }
0x9: {  	[smem:$0x3F9F] =	sst s1  }
0xa: {  	[smem:$0x3FA0] =	sst s2  }
0xb: {  	[smem:$0x3FA1] =	sst s3  }
0xc: {  	[smem:$0x3FA2] =	sst s4  }
0xd: {  	[smem:$0x3FA3] =	sst s5  }
0xe: {  	[smem:$0x3FA4] =	sst s6  }
0xf: {  	[smem:$0x3FA5] =	sst s7  }
0x10: {  	[smem:$0x3FA6] =	sst s8  }
0x11: {  	[smem:$0x3FA7] =	sst s9;
	s0 =	simm.s32 @!p0 $0x0  }
0x12: {  	s1 =	sld [smem:$0x3F8D];
	s0 =	simm.s32 @p0 $0x1  }
0x13: {  	[smem:$0x3FA8] =	sst s0;
	s0 =	simm.s32 @!p1 $0x0  }
0x14: {  	s2 =	sld [smem:$0x3F8C];
	s0 =	simm.s32 @p1 $0x1  }
0x15: {  	[smem:$0x3FA9] =	sst s0;
	s0 =	simm.s32 @!p2 $0x0  }
0x16: {  	s3 =	sld [smem:$0x3FDB];
	s0 =	simm.s32 @p2 $0x1  }
0x17: {  	s4 =	simm.s32 $0x1BF5;
	[smem:$0x3FAB] =	sst s0  }
0x18: {  	s0 =	sld [smem:$0x3F8E];
	_ =	swait.ge [sflag:s4], $0x0  }
0x19: {  	s7 =	sld [smem:$0x3F8F]  }
0x1a: {  	s8 =	sadd.s32 $0xFFFFE003, lr  }
0x1b: {  	s9 =	sadd.s32 $0xFFFFFEF7, lr;
	s5 =	simm.s32 $0xFFFFFFFF;
	p2 =	slt.u32 s8, $0xFFFFF086  }
0x1c: {  	p1 =	slt.u32 s9, $0xF7A;
	s5 =	simm.s32 @!p2 $0x0  }
0x1d: {  	s5 =	simm.s32 @p1 $0x1;
	p0 =	seq.s32 s7, s2  }
0x1e: {  	s7 =	smul.u32 @!p0 $0xF7A, s2;
	p2 =	seq.s32 @!p0 s5, $0x0  }
0x1f: {  	s9 =	smul.u32 $0xF7A, s1;
	s8 =	simm.s32 @!p0 $0x1BF5;
	p2 =	por !p2, p0  }
0x20: {  	[sflag:s8] =	ssyncset.s32 @!p0 $0xFFFFF086;
	s6 =	sadd.s32 @!p0 s3, s7;
	s7 =	simm.s32 @!p0 $0x108  }
0x21: {  	s3 =	sadd.s32 s3, s9;
	s6 =	sadd.s32 @!p0 $0x88, s6;
	s7 =	simm.s32 @p2 $0x1082  }
0x22: {  	[simem:s7], [sflag:s8] =	dma.local @!p0 [hbm:s6], $0xF7A  }
0x23: {  	s9 =	sor.u32 $0xD0000000, s2;
	s6 =	simm.s32 $0x108;
	_ =	swait.ge @!p0 [sflag:s8], $0x0  }
0x24: {  	s3 =	sadd.s32 $0x88, s3;
	s6 =	simm.s32 @!p1 $0x1082;
	[sflag:s4] =	ssyncset.s32 $0xFFFFF086  }
0x25: {  	[simem:s6], [sflag:s4] =	dma.local [hbm:s3], $0xF7A  }
0x26: {  	[smem:$0x3F8F] =	sst s1;
	(tag) =	ssettag s2;
	_ =	strace s9  }
0x27: {  	s1 =	sld [smem:$0x3F9F]  }
0x28: {  	s2 =	sld [smem:$0x3FA0]  }
0x29: {  	s4 =	sld [smem:$0x3FA2]  }
0x2a: {  	p0 =	seq.s32 s5, $0x0;
	s5 =	sld [smem:$0x3FA3]  }
0x2b: {  	s6 =	sld [smem:$0x3FA4]  }
0x2c: {  	s7 =	sld [smem:$0x3FA5]  }
0x2d: {  	s3 =	simm.s32 $0x108;
	s8 =	sld [smem:$0x3FA6]  }
0x2e: {  	s3 =	simm.s32 @!p0 $0x1082;
	s9 =	sld [smem:$0x3FA7]  }
0x2f: {  	lr =	sadd.s32 s0, s3;
	s0 =	sld [smem:$0x3F9E]  }
0x30: {  	s3 =	sld [smem:$0x3FA1]  }
0x31: {  	[smem:$0x3FAA] =	sst s10  }
0x32: {  	s10 =	sld [smem:$0x3FA8];
	_ =	sdelay $0x3  }
0x33: {  	p0 =	seq.s32 s10, $0x1;
	s10 =	sld [smem:$0x3FAA];
	_ =	sdelay $0x3  }
0x34: {  	[smem:$0x3FAA] =	sst s10  }
0x35: {  	s10 =	sld [smem:$0x3FA9];
	_ =	sdelay $0x3  }
0x36: {  	p1 =	seq.s32 s10, $0x1;
	s10 =	sld [smem:$0x3FAA];
	_ =	sdelay $0x3  }
0x37: {  	[smem:$0x3FAA] =	sst s10  }
0x38: {  	s10 =	sld [smem:$0x3FAB]  }
0x39: {  	_ = 	snop;
	(pc) =	sbr.ind lr, $3  }
0x3a: {  	_ = 	snop  }
0x3b: {  	_ = 	snop  }
0x3c: {  	p2 =	seq.s32 s10, $0x1;
	s10 =	sld [smem:$0x3FAA]  }
0x3d: {  	_ =	shalt  }
0x3e: {  	_ =	shalt  }
0x3f: {  	_ =	shalt  }
0x40: {  	_ =	shalt  }
0x41: {  	_ =	shalt  }
0x42: {  	_ =	shalt  }
0x43: {  	_ =	shalt  }
0x44: {  	_ =	shalt  }
0x45: {  	_ =	shalt  }
0x46: {  	_ =	shalt  }
0x47: {  	_ =	shalt  }
0x48: {  	_ =	shalt  }
0x49: {  	_ =	shalt  }
0x4a: {  	_ =	shalt  }
0x4b: {  	_ =	shalt  }
0x4c: {  	_ =	shalt  }
0x4d: {  	_ =	shalt  }
0x4e: {  	_ =	shalt  }
0x4f: {  	_ =	shalt  }
0x50: {  	_ =	shalt  }
0x51: {  	_ =	shalt  }
0x52: {  	_ =	shalt  }
0x53: {  	_ =	shalt  }
0x54: {  	_ =	shalt  }
0x55: {  	_ =	shalt  }
0x56: {  	_ =	shalt  }
0x57: {  	_ =	shalt  }
0x58: {  	_ =	shalt  }
0x59: {  	_ =	shalt  }
0x5a: {  	_ =	shalt  }
0x5b: {  	_ =	shalt  }
0x5c: {  	_ =	shalt  }
0x5d: {  	_ =	shalt  }
0x5e: {  	_ =	shalt  }
0x5f: {  	_ =	shalt  }
0x60: {  	_ =	shalt  }
0x61: {  	_ =	shalt  }
0x62: {  	_ =	shalt  }
0x63: {  	_ =	shalt  }
0x64: {  	_ =	shalt  }
0x65: {  	_ =	shalt  }
0x66: {  	_ =	shalt  }
0x67: {  	_ =	shalt  }
0x68: {  	_ =	shalt  }
0x69: {  	_ =	shalt  }
0x6a: {  	_ =	shalt  }
0x6b: {  	_ =	shalt  }
0x6c: {  	_ =	shalt  }
0x6d: {  	_ =	shalt  }
0x6e: {  	_ =	shalt  }
0x6f: {  	_ =	shalt  }
0x70: {  	_ =	shalt  }
0x71: {  	_ =	shalt  }
0x72: {  	_ =	shalt  }
0x73: {  	_ =	shalt  }
0x74: {  	_ =	shalt  }
0x75: {  	_ =	shalt  }
0x76: {  	_ =	shalt  }
0x77: {  	_ =	shalt  }
0x78: {  	_ =	shalt  }
0x79: {  	_ =	shalt  }
0x7a: {  	_ =	shalt  }
0x7b: {  	_ =	shalt  }
0x7c: {  	_ =	shalt  }
0x7d: {  	_ =	shalt  }
0x7e: {  	_ =	shalt  }
0x7f: {  	_ =	shalt  }
0x80: {  	_ =	shalt  }
0x81: {  	_ =	shalt  }
0x82: {  	_ =	shalt  }
0x83: {  	_ =	shalt  }
0x84: {  	_ =	shalt  }
0x85: {  	_ =	shalt  }
0x86: {  	_ =	shalt  }
0x87: {  	_ =	shalt  }
.Lfunc_end0:
.L_simem_size_0:
called_computation.2_lowered:
.L_overlay_start_0:
0x88: {  	s2 =	sld [smem:$0x3FD9]  }
0x89: {  	s3 =	sld [smem:$0x3FFE];
	_ =	sdelay $0x1  }
0x8a: {  	s1 =	srdreg.scid  }
0x8b: {  	s0 =	sand.u32 $0x1, s1  }
0x8c: {  	s15 =	sshll.u32 s0, $0xA;
	s2 =	sadd.s32 s3, s2  }
0x8d: {  	s2 =	sadd.s32 s2, s15  }
0x8e: {  	[smem:$0x3FB6] =	sst s2  }
0x8f: {  	_ = 	snop  }
0x90: {  	s2 =	sld [smem:$0x3FD0];
	_ =	sdelay $0x2  }
0x91: {  	s16 =	simm.s32 $0xB;
	s4 =	simm.s32 $0x10  }
0x92: {  	[smem:s4], [sflag:s16] =	dma.local [hbm:s2], $0x1  }
0x93: {  	_ =	swait.eq [sflag:s16], $0x1  }
0x94: {  	[sflag:s16] =	ssyncset.done $0x0  }
0x95: {  	[sflag:s16] =	ssyncadd.s32 $0xFFFFFFFF  }
0x96: {  	s17 =	sld [smem:$0x11];
	(tm) =	ssettm $0x1  }
0x97: {  	s18 =	sld [smem:$0x3FFB];
	_ =	sdelay $0x3  }
0x98: {  	_ =	strace s18  }
0x99: {  	s2 =	sld [smem:$0x3FFC];
	_ =	sdelay $0x3  }
0x9a: {  	_ =	strace s2  }
0x9b: {  	s2 =	sld [smem:$0x3FFD];
	_ =	sdelay $0x3  }
0x9c: {  	_ =	strace s2  }
0x9d: {  	_ =	strace $0x8FFFFFFF  }
0x9e: {  	s19 =	sld [smem:$0x3FDB];
	_ =	sdelay $0x1  }
0x9f: {  	s20 =	simm.s32 $_scs_section_size  }
0xa0: {  	s5 =	simm.s32 $_size__tile_overlayer_lowered;
	s6 =	simm.s32 $_tile_overlayer_lowered  }
0xa1: {  	s7 =	simm.s32 $0x1BFF;
	s21 =	sshll.u32 s6, $0x1;
	s4 =	sadd.s32 s20, s19  }
0xa2: {  	s22 =	simm.s32 $0x0;
	s5 =	sshll.u32 s5, $0x1;
	s6 =	sadd.s32 s21, s4  }
0xa3: {  	[timem:s22], [sflag:s7] =	dma.local [hbm:s6], s5  }
0xa4: {  	_ =	swait.ge [sflag:s7], s5  }
0xa5: {  	s5 =	ssub.s32 $0x0, s5;
	[sflag:s7] =	ssyncset.done $0x0  }
0xa6: {  	[sflag:s7] =	ssyncadd.s32 s5;
	_ =	sdelay $0x1  }
0xa7: {  	s23 =	simm.s32 $0x1B8B  }
0xa8: {  	_ =	swait.ge [sflag:s23], $0x1  }
0xa9: {  	[sflag:s23] =	ssyncset.done $0x0  }
0xaa: {  	[sflag:s23] =	ssyncadd.s32 $0xFFFFFFFF  }
0xab: {  	s5 =	sld [smem:$0x0]  }
0xac: {  	s6 =	sand.u32 $0xFFFFFFFE, s1  }
0xad: {  	p0 =	sne.s32 s1, s6  }
0xae: {  	s6 =	sshll.u32 @p0 s6, $0xE  }
0xaf: {  	s6 =	sadd.s32 @p0 $0x11B8D, s6;
	s7 =	sshll.u32 @p0 s5, $0x11  }
0xb0: {  	s6 =	sor.u32 @p0 s7, s6  }
0xb1: {  	[sflag:s6] =	ssyncadd.remote.s32 @p0 $0x1;
	_ =	sdelay $0x1  }
0xb2: {  	s6 =	simm.s32 @p0 $0x1B8D  }
0xb3: {  	_ =	swait.eq @p0 [sflag:s6], $0x1  }
0xb4: {  	[sflag:s6] =	ssyncadd.s32 @p0 $0xFFFFFFFF  }
0xb5: {  	s7 =	sshll.u32 @!p0 s1, $0xE  }
0xb6: {  	s7 =	sor.u32 @!p0 $0x4000, s7;
	s6 =	simm.s32 @!p0 $0x1B8D  }
0xb7: {  	s5 =	sshll.u32 @!p0 s5, $0x11;
	s7 =	sadd.s32 @!p0 $0x11B8D, s7;
	_ =	swait.eq @!p0 [sflag:s6], $0x1  }
0xb8: {  	s5 =	sor.u32 @!p0 s5, s7;
	[sflag:s6] =	ssyncadd.s32 @!p0 $0xFFFFFFFF  }
0xb9: {  	s25 =	simm.s32 $0x1B8E;
	s24 =	sld [smem:$0x3FFE];
	[sflag:s5] =	ssyncadd.remote.s32 @!p0 $0x1  }
0xba: {  	s26 =	simm.s32 $execute0_lowered;
	[smem:$0x3FD2] =	sst s25  }
0xbb: {  	s6 =	sshll.u32 s26, $0x1;
	_ =	strace $0x8000004C;
	[dreg:$0x1] =	wrdreg $0xFFFFFFFF  }
0xbc: {  	s28 =	simm.s32 $_size_execute0_lowered;
	s4 =	sadd.s32 s4, s6;
	[dreg:$0x0] =	wrdreg $0x0  }
0xbd: {  	s6 =	sshll.u32 s28, $0x1;
	[dreg:$0x2] =	wrdreg s4  }
0xbe: {  	[dreg:$0x3] =	wrdreg s6  }
0xbf: {  	[dreg:$0x4] =	wrdreg $0xC0  }
0xc0: {  	_ =	task [dreg:s22], $0x5FFFF  }
0xc1: {  	[dreg:$0x1] =	wrdreg $0xFFFFFFFF  }
0xc2: {  	[dreg:$0x0] =	wrdreg $0x60  }
0xc3: {  	[dreg:$0x2] =	wrdreg s17  }
0xc4: {  	[dreg:$0x3] =	wrdreg s24  }
0xc5: {  	[dreg:$0x4] =	wrdreg $0x51000  }
0xc6: {  	[dreg:$0x5] =	wrdreg $0xA  }
0xc7: {  	_ =	task.clear_ibuf [dreg:s22], $0x6FFFF;
	_ =	strace $0x9000004C  }
0xc8: {  	s29 =	simm.s32 $0xA;
	_ =	strace $0x8000004E  }
0xc9: {  	_ =	swait.ge [sflag:s29], $0x1  }
0xca: {  	[sflag:s29] =	ssyncadd.s32 $0xFFFFFFFF  }
0xcb: {  	_ =	strace $0x9000004E  }
0xcc: {  	_ =	sfence  }
0xcd: {  	s30 =	sld [smem:$0x0];
	_ =	sdelay $0x2  }
0xce: {  	s31 =	sshll.u32 s1, $0xD;
	s1 =	sshrl.u32 s1, $0x2  }
0xcf: {  	s4 =	sand.u32 $0x4000, s31;
	s1 =	sadd.s32 s1, s30  }
0xd0: {  	s0 =	sor.u32 s4, s0;
	s1 =	sshll.u32 s1, $0x11  }
0xd1: {  	s0 =	sor.u32 s1, s0  }
0xd2: {  	s0 =	sadd.s32 $0x8F2B, s0  }
0xd3: {  	[sflag:s0] =	ssyncadd.remote.s32 $0x1  }
0xd4: {  	_ =	sfence.sel $0xFFFF  }
0xd5: {  	[dreg:$0x0] =	wrdreg $0xFFFFFFFF;
	(pc) =	sbr.abs _section_cstart, $3  }
0xd6: {  	[dreg:$0x1] =	wrdreg $0xFFFFFFFF  }
0xd7: {  	_ =	task.clear_ibuf [dreg:s22], $0x2FFFF;
	_ =	strace $0x9FFFFFFF  }
0xd8: {  	(tm) =	ssettm $0x7FFFFFFF  }
0xd9: {  	_ =	shalt  }
tec
execute0_lowered:
.L_overlay_start_1:
0x0: {  	(tag) =	ssettag $0x1  }
0x1: {  	s0 =	srdreg.scid  }
0x2: {  	s6 =	rddreg [dreg:$0x0];
	s26 =	stileid.u32  }
0x3: {  	s8 =	rddreg [dreg:$0x1];
	s7 =	sand.u32 $0x1, s0;
	s13 =	smul.u32 $0x2800, s26  }
0x4: {  	s1 =	rddreg [dreg:$0x2];
	s12 =	sor.u32 $0x10, s26;
	s11 =	smul.u32 $0x138800, s7  }
0x5: {  	s28 =	simm.s32 $0x5;
	s16 =	sor.u32 $0x20, s26;
	s23 =	smul.u32 $0x2800, s12  }
0x6: {  	s29 =	simm.s32 $0x80;
	s17 =	sor.u32 $0x30, s26;
	s18 =	smul.u32 $0x2800, s16  }
0x7: {  	s30 =	simm.s32 $0x2900;
	s5 =	sor.u32 $0x40, s26;
	s25 =	smul.u32 $0x2800, s17  }
0x8: {  	s31 =	simm.s32 $0x1;
	s4 =	sor.u32 $0x50, s26;
	s19 =	smul.u32 $0x2800, s5  }
0x9: {  	s2 =	sshll.u32 s26, $0x1;
	s10 =	sadd.s32 $0x32800, s8;
	s20 =	smul.u32 $0x2800, s4  }
0xa: {  	s8 =	sadd.s32 $0x5800, s8;
	p0 =	sgt.u32 s26, $0xC;
	s5 =	smul.u32 $0xA000, s5  }
0xb: {  	s0 =	ssub.s32 $0x2, s7;
	s2 =	sor.u32 s7, s2;
	s4 =	smul.u32 $0xA000, s4  }
0xc: {  	s3 =	sshrl.u32 s0, $0x1;
	s9 =	smul.u32 $0x1770, s2;
	s2 =	sor.u32 $0x70, s26  }
0xd: {  	s0 =	ssub.s32 s0, s3;
	s3 =	sor.u32 $0x60, s26;
	s22 =	sadd.s32 s13, s11  }
0xe: {  	s24 =	sadd.s32 s11, s23;
	s13 =	sadd.s32 s11, s25;
	s25 =	smul.u32 $0x2800, s2  }
0xf: {  	s18 =	sadd.s32 s11, s18;
	s23 =	sadd.s32 s11, s20;
	s20 =	smul.u32 $0x2EE00, s26  }
0x10: {  	s5 =	sshrl.u32 s5, $0x2;
	s2 =	smul.u32 $0xA000, s2;
	s4 =	sshrl.u32 s4, $0x2  }
0x11: {  	s14 =	sadd.s32 $0x1720, s9;
	s9 =	sshrl.u32 s22, $0x3;
	s18 =	sshrl.u32 s18, $0x3  }
0x12: {  	s21 =	sshrl.u32 s13, $0x3;
	s22 =	sadd.s32 s11, s19;
	s15 =	sshll.u32 s14, $0x4  }
0x13: {  	s9 =	sadd.s32 s10, s9;
	s18 =	sadd.s32 s10, s18;
	s13 =	sshrl.u32 s22, $0x3  }
0x14: {  	s14 =	sshrl.u32 s14, $0x3;
	s2 =	sshrl.u32 s2, $0x2;
	[dreg:$0x4] =	wrdreg s9  }
0x15: {  	s9 =	sshrl.u32 s24, $0x3;
	[dreg:$0x6] =	wrdreg s18;
	s24 =	smul.u32 $0x2800, s3  }
0x16: {  	s18 =	sshrl.u32 s23, $0x3;
	s13 =	sadd.s32 s10, s13;
	s23 =	smul.u32 $0x1770, s7  }
0x17: {  	s7 =	smul.u32 $0x17700, s7;
	s9 =	sadd.s32 s10, s9;
	[dreg:$0x8] =	wrdreg s13  }
0x18: {  	s3 =	smul.u32 $0xA000, s3;
	s18 =	sadd.s32 s10, s18;
	[dreg:$0x5] =	wrdreg s9  }
0x19: {  	s9 =	sadd.s32 s10, s21;
	[dreg:$0x9] =	wrdreg s18;
	s19 =	sadd.s32 s11, s24  }
0x1a: {  	s11 =	sadd.s32 s11, s25;
	s21 =	smul.u32 $0x2EE0, s26;
	s24 =	sadd.s32 s6, s15  }
0x1b: {  	s6 =	sadd.s32 s20, s6;
	s15 =	simm.s32 $0x0;
	[dreg:$0x7] =	wrdreg s9  }
0x1c: {  	s3 =	sshrl.u32 s3, $0x2;
	s9 =	sshrl.u32 s19, $0x3;
	[dreg:$0xc] =	wrdreg s24  }
0x1d: {  	s11 =	sshrl.u32 s11, $0x3;
	s6 =	sadd.s32 s7, s6;
	[smem:$0x7FF] =	sst s15  }
0x1e: {  	s9 =	sadd.s32 s10, s9;
	s22 =	sadd.s32 s10, s11;
	s11 =	smul.u32 $0xA000, s12  }
0x1f: {  	s25 =	sadd.s32 s23, s21;
	s21 =	smul.u32 $0xA000, s16;
	[dreg:$0xa] =	wrdreg s9  }
0x20: {  	s12 =	sadd.s32 s8, s14;
	s23 =	smul.u32 $0xA000, s17;
	[dreg:$0xb] =	wrdreg s22  }
0x21: {  	s9 =	smul.u32 $0xA000, s26;
	s10 =	sadd.s32 $0x50, s25;
	s20 =	sshrl.u32 s25, $0x3  }
0x22: {  	s26 =	simm.s32 $0x100;
	s7 =	sshrl.u32 s10, $0x3;
	s14 =	sadd.s32 s20, s8  }
0x23: {  	_ =	strace $0x8000004D;
	s24 =	sshrl.u32 s11, $0x2;
	s25 =	sshrl.u32 s23, $0x2  }
0x24: {  	s20 =	sadd.s32 s5, s1;
	s23 =	sadd.s32 s2, s1;
	s2 =	simm.s32 $0x2  }
0x25: {  	s13 =	sadd.s32 s7, s8;
	s22 =	sshrl.u32 s9, $0x2;
	s7 =	sshrl.u32 s21, $0x2  }
0x26: {  	s17 =	sadd.s32 s24, s1;
	s19 =	sadd.s32 s25, s1;
	s21 =	sadd.s32 s4, s1  }
0x27: {  	s24 =	smax.u32 s0, $0x1;
	s25 =	sadd.s32 $0x500, s6;
	s8 =	simm.s32 $0x3  }
0x28: {  	s0 =	simm.s32 $0x50;
	s4 =	simm.s32 $0x0;
	s16 =	sadd.s32 s22, s1  }
0x29: {  	v0 =	vimm.f32 $0.0e+00;
	s18 =	sadd.s32 s7, s1;
	s22 =	sadd.s32 s3, s1;
	s3 =	simm.s32 $0x4  }
.LBB2_1:
0x2a: {  	s5 =	simm.s32 $0x0;
	s6 =	simm.s32 $0x200  }
.LBB2_2:
0x2b: {  	p1 =	sne.s32 s6, $0x9E00;
	[tilespmem:s5+$0x170] =	vst v0  }
0x2c: {  	[tilespmem:s5+$0x100] =	vst v0  }
0x2d: {  	[tilespmem:s5+$0x110] =	vst v0  }
.Ltmp0:
0x2e: {  	[tilespmem:s5+$0x120] =	vst v0;
	(pc) =	sbr.rel @p1 .LBB2_2-.Ltmp0, $4  }
0x2f: {  	[tilespmem:s5+$0x130] =	vst v0  }
0x30: {  	[tilespmem:s5+$0x140] =	vst v0  }
0x31: {  	[tilespmem:s5+$0x150] =	vst v0  }
0x32: {  	[tilespmem:s5+$0x160] =	vst v0;
	s5 =	sshra.s32 s6, $0x2;
	s6 =	sadd.s32 $0x200, s6  }
0x33: {  	[tilespmem:s5+$0x170] =	vst v0  }
0x34: {  	[tilespmem:s5+$0x100] =	vst v0  }
0x35: {  	[tilespmem:s5+$0x110] =	vst v0  }
0x36: {  	[tilespmem:s5+$0x120] =	vst v0  }
0x37: {  	[tilespmem:s5+$0x130] =	vst v0  }
0x38: {  	[tilespmem:s5+$0x140] =	vst v0  }
0x39: {  	[tilespmem:s5+$0x150] =	vst v0  }
0x3a: {  	[tilespmem:s5+$0x160] =	vst v0  }
0x3b: {  	[spmem:s16] =	stream.linear.scatter [tilespmem:s26], [sflag:$0x5], $0x2800, $0x38;
	[tilespmem:$0x18980] =	vst v63  }
0x3c: {  	_ =	swait.ge [sflag:s28], $0x2800  }
0x3d: {  	[sflag:s28] =	ssyncset.done $0x0  }
0x3e: {  	[sflag:s28] =	ssyncadd.s32 $0xFFFFD800  }
0x3f: {  	[spmem:s17] =	stream.linear.scatter [tilespmem:s26], [sflag:$0x5], $0x2800, $0x38;
	[tilespmem:$0x18980] =	vst v63  }
0x40: {  	_ =	swait.ge [sflag:s28], $0x2800  }
0x41: {  	[sflag:s28] =	ssyncset.done $0x0  }
0x42: {  	[sflag:s28] =	ssyncadd.s32 $0xFFFFD800  }
0x43: {  	[spmem:s18] =	stream.linear.scatter [tilespmem:s26], [sflag:$0x5], $0x2800, $0x38;
	[tilespmem:$0x18980] =	vst v63  }
0x44: {  	_ =	swait.ge [sflag:s28], $0x2800  }
0x45: {  	[sflag:s28] =	ssyncset.done $0x0  }
0x46: {  	[sflag:s28] =	ssyncadd.s32 $0xFFFFD800  }
0x47: {  	[spmem:s19] =	stream.linear.scatter [tilespmem:s26], [sflag:$0x5], $0x2800, $0x38;
	[tilespmem:$0x18980] =	vst v63  }
0x48: {  	_ =	swait.ge [sflag:s28], $0x2800  }
0x49: {  	[sflag:s28] =	ssyncset.done $0x0  }
0x4a: {  	[sflag:s28] =	ssyncadd.s32 $0xFFFFD800  }
0x4b: {  	[spmem:s20] =	stream.linear.scatter [tilespmem:s26], [sflag:$0x5], $0x2800, $0x38;
	[tilespmem:$0x18980] =	vst v63  }
0x4c: {  	_ =	swait.ge [sflag:s28], $0x2800  }
0x4d: {  	[sflag:s28] =	ssyncset.done $0x0  }
0x4e: {  	[sflag:s28] =	ssyncadd.s32 $0xFFFFD800  }
0x4f: {  	[spmem:s21] =	stream.linear.scatter [tilespmem:s26], [sflag:$0x5], $0x2800, $0x38;
	[tilespmem:$0x18980] =	vst v63  }
0x50: {  	_ =	swait.ge [sflag:s28], $0x2800  }
0x51: {  	[sflag:s28] =	ssyncset.done $0x0  }
0x52: {  	[sflag:s28] =	ssyncadd.s32 $0xFFFFD800  }
0x53: {  	[spmem:s22] =	stream.linear.scatter [tilespmem:s26], [sflag:$0x5], $0x2800, $0x38;
	[tilespmem:$0x18980] =	vst v63  }
0x54: {  	_ =	swait.ge [sflag:s28], $0x2800  }
0x55: {  	[sflag:s28] =	ssyncset.done $0x0  }
0x56: {  	s5 =	simm.s32 @!p0 $0x100;
	[sflag:s28] =	ssyncadd.s32 $0xFFFFD800  }
0x57: {  	[spmem:s23] =	stream.linear.scatter @!p0 [tilespmem:s5], [sflag:$0x5], $0x2800, $0x38;
	[tilespmem:$0x18980] =	vst v63  }
0x58: {  	s5 =	simm.s32 @!p0 $0x5  }
0x59: {  	_ =	swait.ge @!p0 [sflag:s5], $0x2800  }
0x5a: {  	[sflag:s5] =	ssyncset.done @!p0 $0x0  }
0x5b: {  	[sflag:s5] =	ssyncadd.s32 @!p0 $0xFFFFD800  }
0x5c: {  	s9 =	sadd.s32 $0x0, s14;
	[bflag:$0x0] =	sbarrier.arrive $0xFFFF  }
0x5d: {  	[tilespmem:s15], [sflag:$0x1] =	stream.linear.gather [hbm4b:s9+s15], $0x50, $0x38;
	[tilespmem:$0x18980] =	vst v63  }
0x5e: {  	s10 =	sadd.s32 $0xFFFFFB00, s25  }
0x5f: {  	[tilespmem:s26], [sflag:$0x3] =	stream.linear.gather [hbm4b:s10+s15], $0x2800, $0x38;
	[tilespmem:$0x18980] =	vst v63  }
0x60: {  	s11 =	sadd.s32 $0x0, s13  }
0x61: {  	[tilespmem:s29], [sflag:$0x2] =	stream.linear.gather [hbm4b:s11+s15], $0x50, $0x38;
	[tilespmem:$0x18980] =	vst v63  }
0x62: {  	_ = 	snop  }
0x63: {  	[tilespmem:s30], [sflag:$0x4] =	stream.linear.gather [hbm4b:s25+s15], $0x2800, $0x38;
	[tilespmem:$0x18980] =	vst v63  }
0x64: {  	_ =	swait.ge [sflag:s31], $0x50  }
0x65: {  	[sflag:s31] =	ssyncset.done $0x0  }
0x66: {  	[sflag:s31] =	ssyncadd.s32 $0xFFFFFFB0  }
0x67: {  	_ =	swait.ge [sflag:s8], $0x2800  }
0x68: {  	[sflag:s8] =	ssyncset.done $0x0  }
0x69: {  	[sflag:s8] =	ssyncadd.s32 $0xFFFFD800  }
0x6a: {  	[spmem:s1] =	stream.indirect.scatter.add.f32 [tilespmem:s26], [sflag:$0x5], $0x80, s15, s0, $0xb8;
	[tilespmem:$0x18980] =	vst v63  }
0x6b: {  	_ =	swait.ge [sflag:s28], $0x2800  }
0x6c: {  	[sflag:s28] =	ssyncset.done $0x0  }
0x6d: {  	[sflag:s28] =	ssyncadd.s32 $0xFFFFD800  }
0x6e: {  	_ =	swait.ge [sflag:s2], $0x50  }
0x6f: {  	[sflag:s2] =	ssyncset.done $0x0  }
0x70: {  	[sflag:s2] =	ssyncadd.s32 $0xFFFFFFB0  }
0x71: {  	_ =	swait.ge [sflag:s3], $0x2800  }
0x72: {  	[sflag:s3] =	ssyncset.done $0x0  }
0x73: {  	[sflag:s3] =	ssyncadd.s32 $0xFFFFD800  }
0x74: {  	[spmem:s1] =	stream.indirect.scatter.add.f32 [tilespmem:s30], [sflag:$0x5], $0x80, s29, s0, $0xb8;
	[tilespmem:$0x18980] =	vst v63  }
0x75: {  	s7 =	simm.s32 $0x28;
	_ =	swait.ge [sflag:s28], $0x2800  }
0x76: {  	s6 =	sadd.s32 $0xA00, s25;
	s5 =	simm.s32 $0x14;
	[sflag:s28] =	ssyncset.done $0x0  }
.LBB2_4:
0x77: {  	s9 =	sadd.s32 s5, s14  }
0x78: {  	[sflag:s28] =	ssyncadd.s32 $0xFFFFD800;
	s10 =	smov.u32 s7;
	s11 =	sadd.s32 $0x14, s7  }
0x79: {  	[tilespmem:s15], [sflag:$0x1] =	stream.linear.gather [hbm4b:s9+s15], $0x50, $0x38;
	[tilespmem:$0x18980] =	vst v63  }
0x7a: {  	p1 =	sne.s32 s7, $0x2D0;
	s7 =	sadd.s32 $0xFFFFFB00, s6  }
0x7b: {  	[tilespmem:s26], [sflag:$0x3] =	stream.linear.gather [hbm4b:s7+s15], $0x2800, $0x38;
	[tilespmem:$0x18980] =	vst v63  }
0x7c: {  	s7 =	sadd.s32 s5, s13;
	s5 =	smov.u32 s10  }
0x7d: {  	[tilespmem:s29], [sflag:$0x2] =	stream.linear.gather [hbm4b:s7+s15], $0x50, $0x38;
	[tilespmem:$0x18980] =	vst v63  }
0x7e: {  	_ = 	snop  }
0x7f: {  	[tilespmem:s30], [sflag:$0x4] =	stream.linear.gather [hbm4b:s6+s15], $0x2800, $0x38;
	[tilespmem:$0x18980] =	vst v63  }
0x80: {  	_ =	swait.ge [sflag:s31], $0x50  }
0x81: {  	[sflag:s31] =	ssyncset.done $0x0  }
0x82: {  	[sflag:s31] =	ssyncadd.s32 $0xFFFFFFB0  }
0x83: {  	_ =	swait.ge [sflag:s8], $0x2800  }
0x84: {  	[sflag:s8] =	ssyncset.done $0x0  }
0x85: {  	[sflag:s8] =	ssyncadd.s32 $0xFFFFD800  }
0x86: {  	[spmem:s1] =	stream.indirect.scatter.add.f32 [tilespmem:s26], [sflag:$0x5], $0x80, s15, s0, $0xb8;
	[tilespmem:$0x18980] =	vst v63  }
0x87: {  	_ =	swait.ge [sflag:s28], $0x2800  }
0x88: {  	[sflag:s28] =	ssyncset.done $0x0  }
0x89: {  	[sflag:s28] =	ssyncadd.s32 $0xFFFFD800  }
0x8a: {  	_ =	swait.ge [sflag:s2], $0x50  }
0x8b: {  	[sflag:s2] =	ssyncset.done $0x0  }
0x8c: {  	[sflag:s2] =	ssyncadd.s32 $0xFFFFFFB0  }
0x8d: {  	_ =	swait.ge [sflag:s3], $0x2800  }
.Ltmp1:
0x8e: {  	[sflag:s3] =	ssyncset.done $0x0;
	(pc) =	sbr.rel @p1 .LBB2_4-.Ltmp1, $4  }
0x8f: {  	[sflag:s3] =	ssyncadd.s32 $0xFFFFD800  }
0x90: {  	[spmem:s1] =	stream.indirect.scatter.add.f32 [tilespmem:s30], [sflag:$0x5], $0x80, s29, s0, $0xb8;
	[tilespmem:$0x18980] =	vst v63  }
0x91: {  	_ =	swait.ge [sflag:s28], $0x2800  }
0x92: {  	s7 =	smov.u32 s11;
	s6 =	sadd.s32 $0xA00, s6;
	[sflag:s28] =	ssyncset.done $0x0  }
0x93: {  	s7 =	sadd.s32 s5, s14;
	[sflag:s28] =	ssyncadd.s32 $0xFFFFD800  }
0x94: {  	[tilespmem:s15], [sflag:$0x1] =	stream.linear.gather [hbm4b:s7+s15], $0x50, $0x38;
	[tilespmem:$0x18980] =	vst v63  }
0x95: {  	s11 =	sadd.s32 $0xFFFFFB00, s6  }
0x96: {  	[tilespmem:s26], [sflag:$0x3] =	stream.linear.gather [hbm4b:s11+s15], $0x2800, $0x38;
	[tilespmem:$0x18980] =	vst v63  }
0x97: {  	s7 =	sadd.s32 s5, s13  }
0x98: {  	[tilespmem:s29], [sflag:$0x2] =	stream.linear.gather [hbm4b:s7+s15], $0x50, $0x38;
	[tilespmem:$0x18980] =	vst v63  }
0x99: {  	_ = 	snop  }
0x9a: {  	[tilespmem:s30], [sflag:$0x4] =	stream.linear.gather [hbm4b:s6+s15], $0x2800, $0x38;
	[tilespmem:$0x18980] =	vst v63  }
0x9b: {  	_ =	swait.ge [sflag:s31], $0x50  }
0x9c: {  	[sflag:s31] =	ssyncset.done $0x0  }
0x9d: {  	[sflag:s31] =	ssyncadd.s32 $0xFFFFFFB0  }
0x9e: {  	_ =	swait.ge [sflag:s8], $0x2800  }
0x9f: {  	[sflag:s8] =	ssyncset.done $0x0  }
0xa0: {  	[sflag:s8] =	ssyncadd.s32 $0xFFFFD800  }
0xa1: {  	[spmem:s1] =	stream.indirect.scatter.add.f32 [tilespmem:s26], [sflag:$0x5], $0x80, s15, s0, $0xb8;
	[tilespmem:$0x18980] =	vst v63  }
0xa2: {  	_ =	swait.ge [sflag:s28], $0x2800  }
0xa3: {  	[sflag:s28] =	ssyncset.done $0x0  }
0xa4: {  	[sflag:s28] =	ssyncadd.s32 $0xFFFFD800  }
0xa5: {  	_ =	swait.ge [sflag:s2], $0x50  }
0xa6: {  	[sflag:s2] =	ssyncset.done $0x0  }
0xa7: {  	[sflag:s2] =	ssyncadd.s32 $0xFFFFFFB0  }
0xa8: {  	_ =	swait.ge [sflag:s3], $0x2800  }
0xa9: {  	[sflag:s3] =	ssyncset.done $0x0  }
0xaa: {  	[sflag:s3] =	ssyncadd.s32 $0xFFFFD800  }
0xab: {  	[spmem:s1] =	stream.indirect.scatter.add.f32 [tilespmem:s30], [sflag:$0x5], $0x80, s29, s0, $0xb8;
	[tilespmem:$0x18980] =	vst v63  }
0xac: {  	_ =	swait.ge [sflag:s28], $0x2800  }
0xad: {  	[sflag:s28] =	ssyncset.done $0x0  }
0xae: {  	[sflag:s28] =	ssyncadd.s32 $0xFFFFD800  }
0xaf: {  	[tilespmem:s15], [sflag:$0x1] =	stream.linear.gather [hbm4b:s12+s15], $0x50, $0x38;
	[tilespmem:$0x18980] =	vst v63  }
0xb0: {  	s9 =	rddreg [dreg:$0xc]  }
0xb1: {  	[tilespmem:s26], [sflag:$0x3] =	stream.linear.gather [hbm4b:s9+s15], $0x2800, $0x38;
	[tilespmem:$0x18980] =	vst v63  }
0xb2: {  	_ =	swait.ge [sflag:s31], $0x50  }
0xb3: {  	[sflag:s31] =	ssyncset.done $0x0  }
0xb4: {  	[sflag:s31] =	ssyncadd.s32 $0xFFFFFFB0  }
0xb5: {  	_ =	swait.ge [sflag:s8], $0x2800  }
0xb6: {  	[sflag:s8] =	ssyncset.done $0x0  }
0xb7: {  	[sflag:s8] =	ssyncadd.s32 $0xFFFFD800  }
0xb8: {  	[spmem:s1] =	stream.indirect.scatter.add.f32 [tilespmem:s26], [sflag:$0x5], $0x80, s15, s0, $0xb8;
	[tilespmem:$0x18980] =	vst v63  }
0xb9: {  	_ =	swait.ge [sflag:s28], $0x2800  }
0xba: {  	[sflag:s28] =	ssyncset.done $0x0  }
0xbb: {  	[sflag:s28] =	ssyncadd.s32 $0xFFFFD800  }
0xbc: {  	[bflag:$0x0] =	sbarrier.arrive $0xFFFF  }
0xbd: {  	[tilespmem:s26], [sflag:$0x5] =	stream.linear.gather [spmem:s16], $0x2800, $0x38;
	[tilespmem:$0x18980] =	vst v63  }
0xbe: {  	_ =	swait.ge [sflag:s28], $0x2800  }
0xbf: {  	[sflag:s28] =	ssyncset.done $0x0  }
0xc0: {  	s10 =	rddreg [dreg:$0x4];
	[sflag:s28] =	ssyncadd.s32 $0xFFFFD800  }
0xc1: {  	[hbm4b:s10+s15] =	stream.linear.scatter [tilespmem:s26], [sflag:$0x5], $0x2800, $0x38;
	[tilespmem:$0x18980] =	vst v63  }
0xc2: {  	_ =	swait.ge [sflag:s28], $0x2800  }
0xc3: {  	[sflag:s28] =	ssyncset.done $0x0  }
0xc4: {  	[sflag:s28] =	ssyncadd.s32 $0xFFFFD800  }
0xc5: {  	[tilespmem:s26], [sflag:$0x5] =	stream.linear.gather [spmem:s17], $0x2800, $0x38;
	[tilespmem:$0x18980] =	vst v63  }
0xc6: {  	_ =	swait.ge [sflag:s28], $0x2800  }
0xc7: {  	[sflag:s28] =	ssyncset.done $0x0  }
0xc8: {  	s11 =	rddreg [dreg:$0x5];
	[sflag:s28] =	ssyncadd.s32 $0xFFFFD800  }
0xc9: {  	[hbm4b:s11+s15] =	stream.linear.scatter [tilespmem:s26], [sflag:$0x5], $0x2800, $0x38;
	[tilespmem:$0x18980] =	vst v63  }
0xca: {  	_ =	swait.ge [sflag:s28], $0x2800  }
0xcb: {  	[sflag:s28] =	ssyncset.done $0x0  }
0xcc: {  	[sflag:s28] =	ssyncadd.s32 $0xFFFFD800  }
0xcd: {  	[tilespmem:s26], [sflag:$0x5] =	stream.linear.gather [spmem:s18], $0x2800, $0x38;
	[tilespmem:$0x18980] =	vst v63  }
0xce: {  	_ =	swait.ge [sflag:s28], $0x2800  }
0xcf: {  	[sflag:s28] =	ssyncset.done $0x0  }
0xd0: {  	s6 =	rddreg [dreg:$0x6];
	[sflag:s28] =	ssyncadd.s32 $0xFFFFD800  }
0xd1: {  	[hbm4b:s6+s15] =	stream.linear.scatter [tilespmem:s26], [sflag:$0x5], $0x2800, $0x38;
	[tilespmem:$0x18980] =	vst v63  }
0xd2: {  	_ =	swait.ge [sflag:s28], $0x2800  }
0xd3: {  	[sflag:s28] =	ssyncset.done $0x0  }
0xd4: {  	[sflag:s28] =	ssyncadd.s32 $0xFFFFD800  }
0xd5: {  	[tilespmem:s26], [sflag:$0x5] =	stream.linear.gather [spmem:s19], $0x2800, $0x38;
	[tilespmem:$0x18980] =	vst v63  }
0xd6: {  	_ =	swait.ge [sflag:s28], $0x2800  }
0xd7: {  	[sflag:s28] =	ssyncset.done $0x0  }
0xd8: {  	s7 =	rddreg [dreg:$0x7];
	[sflag:s28] =	ssyncadd.s32 $0xFFFFD800  }
0xd9: {  	[hbm4b:s7+s15] =	stream.linear.scatter [tilespmem:s26], [sflag:$0x5], $0x2800, $0x38;
	[tilespmem:$0x18980] =	vst v63  }
0xda: {  	_ =	swait.ge [sflag:s28], $0x2800  }
0xdb: {  	[sflag:s28] =	ssyncset.done $0x0  }
0xdc: {  	[sflag:s28] =	ssyncadd.s32 $0xFFFFD800  }
0xdd: {  	[tilespmem:s26], [sflag:$0x5] =	stream.linear.gather [spmem:s20], $0x2800, $0x38;
	[tilespmem:$0x18980] =	vst v63  }
0xde: {  	_ =	swait.ge [sflag:s28], $0x2800  }
0xdf: {  	[sflag:s28] =	ssyncset.done $0x0  }
0xe0: {  	s9 =	rddreg [dreg:$0x8];
	[sflag:s28] =	ssyncadd.s32 $0xFFFFD800  }
0xe1: {  	[hbm4b:s9+s15] =	stream.linear.scatter [tilespmem:s26], [sflag:$0x5], $0x2800, $0x38;
	[tilespmem:$0x18980] =	vst v63  }
0xe2: {  	_ =	swait.ge [sflag:s28], $0x2800  }
0xe3: {  	[sflag:s28] =	ssyncset.done $0x0  }
0xe4: {  	[sflag:s28] =	ssyncadd.s32 $0xFFFFD800  }
0xe5: {  	[tilespmem:s26], [sflag:$0x5] =	stream.linear.gather [spmem:s21], $0x2800, $0x38;
	[tilespmem:$0x18980] =	vst v63  }
0xe6: {  	_ =	swait.ge [sflag:s28], $0x2800  }
0xe7: {  	[sflag:s28] =	ssyncset.done $0x0  }
0xe8: {  	s10 =	rddreg [dreg:$0x9];
	[sflag:s28] =	ssyncadd.s32 $0xFFFFD800  }
0xe9: {  	[hbm4b:s10+s15] =	stream.linear.scatter [tilespmem:s26], [sflag:$0x5], $0x2800, $0x38;
	[tilespmem:$0x18980] =	vst v63  }
0xea: {  	_ =	swait.ge [sflag:s28], $0x2800  }
0xeb: {  	[sflag:s28] =	ssyncset.done $0x0  }
0xec: {  	[sflag:s28] =	ssyncadd.s32 $0xFFFFD800  }
0xed: {  	[tilespmem:s26], [sflag:$0x5] =	stream.linear.gather [spmem:s22], $0x2800, $0x38;
	[tilespmem:$0x18980] =	vst v63  }
0xee: {  	_ =	swait.ge [sflag:s28], $0x2800  }
0xef: {  	[sflag:s28] =	ssyncset.done $0x0  }
0xf0: {  	s11 =	rddreg [dreg:$0xa];
	[sflag:s28] =	ssyncadd.s32 $0xFFFFD800  }
0xf1: {  	[hbm4b:s11+s15] =	stream.linear.scatter [tilespmem:s26], [sflag:$0x5], $0x2800, $0x38;
	[tilespmem:$0x18980] =	vst v63  }
0xf2: {  	_ =	swait.ge [sflag:s28], $0x2800  }
0xf3: {  	[sflag:s28] =	ssyncset.done $0x0  }
0xf4: {  	s5 =	simm.s32 @!p0 $0x100;
	s6 =	simm.s32 @!p0 $0x5;
	[sflag:s28] =	ssyncadd.s32 $0xFFFFD800  }
0xf5: {  	[tilespmem:s5], [sflag:$0x5] =	stream.linear.gather @!p0 [spmem:s23], $0x2800, $0x38;
	[tilespmem:$0x18980] =	vst v63  }
0xf6: {  	s4 =	sadd.s32 $0x1, s4;
	_ =	swait.ge @!p0 [sflag:s6], $0x2800  }
0xf7: {  	p1 =	sne.s32 s4, s24;
	s7 =	simm.s32 @!p0 $0x0;
	[sflag:s6] =	ssyncset.done @!p0 $0x0  }
.Ltmp2:
0xf8: {  	s9 =	rddreg [dreg:$0xb];
	[sflag:s6] =	ssyncadd.s32 @!p0 $0xFFFFD800;
	(pc) =	sbr.rel @p1 .LBB2_1-.Ltmp2, $4  }
0xf9: {  	[hbm4b:s9+s7] =	stream.linear.scatter @!p0 [tilespmem:s5], [sflag:$0x5], $0x2800, $0x38;
	[tilespmem:$0x18980] =	vst v63  }
0xfa: {  	_ =	swait.ge @!p0 [sflag:s6], $0x2800  }
0xfb: {  	[sflag:s6] =	ssyncset.done @!p0 $0x0  }
0xfc: {  	[sflag:s6] =	ssyncadd.s32 @!p0 $0xFFFFD800  }
0xfd: {  	_ =	sfence.sel $0x180000  }
0xfe: {  	[bflag:$0x0] =	sbarrier.arrive $0xFFFF  }
0xff: {  	_ =	strace $0x9000004D  }
0x100: {  	s0 =	stileid.u32;
	[bflag:$0x2] =	sbarrier.arrive $0xFFFF  }
0x101: {  	p0 =	sne.s32 s0, $0x0;
	s0 =	rddreg [dreg:$0x3]  }
0x102: {  	s0 =	sadd.s32 @!p0 $0x100000, s0  }
0x103: {  	[sflag:s0] =	ssyncadd.tile.s32 @!p0 $0x1;
	_ =	shalt  }
.Lfunc_end2:
_tile_overlayer_lowered:
.L_overlay_start_2:
0x104: {  	(tag) =	ssettag $0x2  }
0x105: {  	s0 =	rddreg [dreg:$0x0];
	s2 =	stileid.u32  }
0x106: {  	s1 =	rddreg [dreg:$0x1];
	p0 =	sne.s32 s2, $0x0  }
0x107: {  	s3 =	rddreg [dreg:$0x2];
	[bflag:$0x3] =	sbarrier.arrive $0xFFFF;
	s2 =	simm.s32 @!p0 $0x1C05  }
0x108: {  	[timem:s3], [sflag:s2] =	dma.local @!p0 [hbm:s0], s1  }
0x109: {  	s0 =	simm.s32 @!p0 $0x5  }
0x10a: {  	_ =	swait.ge @!p0 [sflag:s0], s1  }
0x10b: {  	s1 =	ssub.s32 @!p0 $0x0, s1;
	[sflag:s0] =	ssyncset.done @!p0 $0x0  }
0x10c: {  	[sflag:s0] =	ssyncadd.s32 @!p0 s1  }
0x10d: {  	[bflag:$0x3] =	sbarrier.arrive $0xFFFF  }
0x10e: {  	_ =	shalt  }

// kernel: kernel.21.cloned.1.call-start
scs
__scs_entry_jumppad:
0x0: {  	(pc) =	sbr.rel $0x88, $3  }
0x1: {  	(tag) =	ssettag $0x0;
	lr =	simm.s32 $0x1  }
0x2: {  	[smem:$0x3F8F] =	sst lr;
	_ =	strace $0xD0000000  }
0x3: {  	_ = 	snop  }
0x4: {  	_ = 	snop  }
0x5: {  	_ = 	snop  }
0x6: {  	_ = 	snop  }
0x7: {  	_ = 	snop  }
__scs_overlays_trampoline_lowered:
0x8: {  	[smem:$0x3F9E] =	sst s0  }
0x9: {  	[smem:$0x3F9F] =	sst s1  }
0xa: {  	[smem:$0x3FA0] =	sst s2  }
0xb: {  	[smem:$0x3FA1] =	sst s3  }
0xc: {  	[smem:$0x3FA2] =	sst s4  }
0xd: {  	[smem:$0x3FA3] =	sst s5  }
0xe: {  	[smem:$0x3FA4] =	sst s6  }
0xf: {  	[smem:$0x3FA5] =	sst s7  }
0x10: {  	[smem:$0x3FA6] =	sst s8  }
0x11: {  	[smem:$0x3FA7] =	sst s9;
	s0 =	simm.s32 @!p0 $0x0  }
0x12: {  	s1 =	sld [smem:$0x3F8D];
	s0 =	simm.s32 @p0 $0x1  }
0x13: {  	[smem:$0x3FA8] =	sst s0;
	s0 =	simm.s32 @!p1 $0x0  }
0x14: {  	s2 =	sld [smem:$0x3F8C];
	s0 =	simm.s32 @p1 $0x1  }
0x15: {  	[smem:$0x3FA9] =	sst s0;
	s0 =	simm.s32 @!p2 $0x0  }
0x16: {  	s3 =	sld [smem:$0x3FDB];
	s0 =	simm.s32 @p2 $0x1  }
0x17: {  	s4 =	simm.s32 $0x1BF5;
	[smem:$0x3FAB] =	sst s0  }
0x18: {  	s0 =	sld [smem:$0x3F8E];
	_ =	swait.ge [sflag:s4], $0x0  }
0x19: {  	s7 =	sld [smem:$0x3F8F]  }
0x1a: {  	s8 =	sadd.s32 $0xFFFFE003, lr  }
0x1b: {  	s9 =	sadd.s32 $0xFFFFFEF7, lr;
	s5 =	simm.s32 $0xFFFFFFFF;
	p2 =	slt.u32 s8, $0xFFFFF086  }
0x1c: {  	p1 =	slt.u32 s9, $0xF7A;
	s5 =	simm.s32 @!p2 $0x0  }
0x1d: {  	s5 =	simm.s32 @p1 $0x1;
	p0 =	seq.s32 s7, s2  }
0x1e: {  	s7 =	smul.u32 @!p0 $0xF7A, s2;
	p2 =	seq.s32 @!p0 s5, $0x0  }
0x1f: {  	s9 =	smul.u32 $0xF7A, s1;
	s8 =	simm.s32 @!p0 $0x1BF5;
	p2 =	por !p2, p0  }
0x20: {  	[sflag:s8] =	ssyncset.s32 @!p0 $0xFFFFF086;
	s6 =	sadd.s32 @!p0 s3, s7;
	s7 =	simm.s32 @!p0 $0x108  }
0x21: {  	s3 =	sadd.s32 s3, s9;
	s6 =	sadd.s32 @!p0 $0x88, s6;
	s7 =	simm.s32 @p2 $0x1082  }
0x22: {  	[simem:s7], [sflag:s8] =	dma.local @!p0 [hbm:s6], $0xF7A  }
0x23: {  	s9 =	sor.u32 $0xD0000000, s2;
	s6 =	simm.s32 $0x108;
	_ =	swait.ge @!p0 [sflag:s8], $0x0  }
0x24: {  	s3 =	sadd.s32 $0x88, s3;
	s6 =	simm.s32 @!p1 $0x1082;
	[sflag:s4] =	ssyncset.s32 $0xFFFFF086  }
0x25: {  	[simem:s6], [sflag:s4] =	dma.local [hbm:s3], $0xF7A  }
0x26: {  	[smem:$0x3F8F] =	sst s1;
	(tag) =	ssettag s2;
	_ =	strace s9  }
0x27: {  	s1 =	sld [smem:$0x3F9F]  }
0x28: {  	s2 =	sld [smem:$0x3FA0]  }
0x29: {  	s4 =	sld [smem:$0x3FA2]  }
0x2a: {  	p0 =	seq.s32 s5, $0x0;
	s5 =	sld [smem:$0x3FA3]  }
0x2b: {  	s6 =	sld [smem:$0x3FA4]  }
0x2c: {  	s7 =	sld [smem:$0x3FA5]  }
0x2d: {  	s3 =	simm.s32 $0x108;
	s8 =	sld [smem:$0x3FA6]  }
0x2e: {  	s3 =	simm.s32 @!p0 $0x1082;
	s9 =	sld [smem:$0x3FA7]  }
0x2f: {  	lr =	sadd.s32 s0, s3;
	s0 =	sld [smem:$0x3F9E]  }
0x30: {  	s3 =	sld [smem:$0x3FA1]  }
0x31: {  	[smem:$0x3FAA] =	sst s10  }
0x32: {  	s10 =	sld [smem:$0x3FA8];
	_ =	sdelay $0x3  }
0x33: {  	p0 =	seq.s32 s10, $0x1;
	s10 =	sld [smem:$0x3FAA];
	_ =	sdelay $0x3  }
0x34: {  	[smem:$0x3FAA] =	sst s10  }
0x35: {  	s10 =	sld [smem:$0x3FA9];
	_ =	sdelay $0x3  }
0x36: {  	p1 =	seq.s32 s10, $0x1;
	s10 =	sld [smem:$0x3FAA];
	_ =	sdelay $0x3  }
0x37: {  	[smem:$0x3FAA] =	sst s10  }
0x38: {  	s10 =	sld [smem:$0x3FAB]  }
0x39: {  	_ = 	snop;
	(pc) =	sbr.ind lr, $3  }
0x3a: {  	_ = 	snop  }
0x3b: {  	_ = 	snop  }
0x3c: {  	p2 =	seq.s32 s10, $0x1;
	s10 =	sld [smem:$0x3FAA]  }
0x3d: {  	_ =	shalt  }
0x3e: {  	_ =	shalt  }
0x3f: {  	_ =	shalt  }
0x40: {  	_ =	shalt  }
0x41: {  	_ =	shalt  }
0x42: {  	_ =	shalt  }
0x43: {  	_ =	shalt  }
0x44: {  	_ =	shalt  }
0x45: {  	_ =	shalt  }
0x46: {  	_ =	shalt  }
0x47: {  	_ =	shalt  }
0x48: {  	_ =	shalt  }
0x49: {  	_ =	shalt  }
0x4a: {  	_ =	shalt  }
0x4b: {  	_ =	shalt  }
0x4c: {  	_ =	shalt  }
0x4d: {  	_ =	shalt  }
0x4e: {  	_ =	shalt  }
0x4f: {  	_ =	shalt  }
0x50: {  	_ =	shalt  }
0x51: {  	_ =	shalt  }
0x52: {  	_ =	shalt  }
0x53: {  	_ =	shalt  }
0x54: {  	_ =	shalt  }
0x55: {  	_ =	shalt  }
0x56: {  	_ =	shalt  }
0x57: {  	_ =	shalt  }
0x58: {  	_ =	shalt  }
0x59: {  	_ =	shalt  }
0x5a: {  	_ =	shalt  }
0x5b: {  	_ =	shalt  }
0x5c: {  	_ =	shalt  }
0x5d: {  	_ =	shalt  }
0x5e: {  	_ =	shalt  }
0x5f: {  	_ =	shalt  }
0x60: {  	_ =	shalt  }
0x61: {  	_ =	shalt  }
0x62: {  	_ =	shalt  }
0x63: {  	_ =	shalt  }
0x64: {  	_ =	shalt  }
0x65: {  	_ =	shalt  }
0x66: {  	_ =	shalt  }
0x67: {  	_ =	shalt  }
0x68: {  	_ =	shalt  }
0x69: {  	_ =	shalt  }
0x6a: {  	_ =	shalt  }
0x6b: {  	_ =	shalt  }
0x6c: {  	_ =	shalt  }
0x6d: {  	_ =	shalt  }
0x6e: {  	_ =	shalt  }
0x6f: {  	_ =	shalt  }
0x70: {  	_ =	shalt  }
0x71: {  	_ =	shalt  }
0x72: {  	_ =	shalt  }
0x73: {  	_ =	shalt  }
0x74: {  	_ =	shalt  }
0x75: {  	_ =	shalt  }
0x76: {  	_ =	shalt  }
0x77: {  	_ =	shalt  }
0x78: {  	_ =	shalt  }
0x79: {  	_ =	shalt  }
0x7a: {  	_ =	shalt  }
0x7b: {  	_ =	shalt  }
0x7c: {  	_ =	shalt  }
0x7d: {  	_ =	shalt  }
0x7e: {  	_ =	shalt  }
0x7f: {  	_ =	shalt  }
0x80: {  	_ =	shalt  }
0x81: {  	_ =	shalt  }
0x82: {  	_ =	shalt  }
0x83: {  	_ =	shalt  }
0x84: {  	_ =	shalt  }
0x85: {  	_ =	shalt  }
0x86: {  	_ =	shalt  }
0x87: {  	_ =	shalt  }
.Lfunc_end0:
.L_simem_size_0:
called_computation.3_lowered:
.L_overlay_start_0:
0x88: {  	s2 =	sld [smem:$0x3FD9]  }
0x89: {  	s3 =	sld [smem:$0x3FFE];
	_ =	sdelay $0x1  }
0x8a: {  	s1 =	srdreg.scid  }
0x8b: {  	s0 =	sand.u32 $0x1, s1  }
0x8c: {  	s14 =	sshll.u32 s0, $0xA;
	s2 =	sadd.s32 s3, s2  }
0x8d: {  	s2 =	sadd.s32 s2, s14  }
0x8e: {  	[smem:$0x3FB6] =	sst s2  }
0x8f: {  	_ = 	snop  }
0x90: {  	s2 =	sld [smem:$0x3FD0];
	_ =	sdelay $0x2  }
0x91: {  	s15 =	simm.s32 $0xB;
	s4 =	simm.s32 $0x10  }
0x92: {  	[smem:s4], [sflag:s15] =	dma.local [hbm:s2], $0x1  }
0x93: {  	_ =	swait.eq [sflag:s15], $0x1  }
0x94: {  	[sflag:s15] =	ssyncset.done $0x0  }
0x95: {  	[sflag:s15] =	ssyncadd.s32 $0xFFFFFFFF  }
0x96: {  	s16 =	sld [smem:$0x11];
	(tm) =	ssettm $0x1  }
0x97: {  	s17 =	sld [smem:$0x3FFB];
	_ =	sdelay $0x3  }
0x98: {  	_ =	strace s17  }
0x99: {  	s3 =	sld [smem:$0x3FFC];
	_ =	sdelay $0x3  }
0x9a: {  	_ =	strace s3  }
0x9b: {  	s3 =	sld [smem:$0x3FFD];
	_ =	sdelay $0x3  }
0x9c: {  	_ =	strace s3  }
0x9d: {  	_ =	strace $0x8FFFFFFF  }
0x9e: {  	s18 =	sld [smem:$0x3FDB];
	_ =	sdelay $0x1  }
0x9f: {  	s19 =	simm.s32 $_scs_section_size  }
0xa0: {  	s5 =	simm.s32 $_size__tile_overlayer_lowered;
	s6 =	simm.s32 $_tile_overlayer_lowered  }
0xa1: {  	s22 =	simm.s32 $0x1BFF;
	s21 =	sshll.u32 s6, $0x1;
	s3 =	sadd.s32 s19, s18  }
0xa2: {  	s7 =	simm.s32 $0x0;
	s20 =	sshll.u32 s5, $0x1;
	s5 =	sadd.s32 s21, s3  }
0xa3: {  	[timem:s7], [sflag:s22] =	dma.local [hbm:s5], s20  }
0xa4: {  	_ =	swait.ge [sflag:s22], s20  }
0xa5: {  	s4 =	ssub.s32 $0x0, s20;
	[sflag:s22] =	ssyncset.done $0x0  }
0xa6: {  	[sflag:s22] =	ssyncadd.s32 s4;
	_ =	sdelay $0x1  }
0xa7: {  	s23 =	simm.s32 $0x1B8B  }
0xa8: {  	_ =	swait.ge [sflag:s23], $0x1  }
0xa9: {  	[sflag:s23] =	ssyncset.done $0x0  }
0xaa: {  	s25 =	simm.s32 $0x1B8E;
	s24 =	sld [smem:$0x3FFE];
	[sflag:s23] =	ssyncadd.s32 $0xFFFFFFFF  }
0xab: {  	s26 =	simm.s32 $execute0_lowered;
	[smem:$0x3FD2] =	sst s25  }
0xac: {  	s5 =	sshll.u32 s26, $0x1;
	_ =	strace $0x8000004F;
	[dreg:$0x1] =	wrdreg $0xFFFFFFFF  }
0xad: {  	s28 =	simm.s32 $_size_execute0_lowered;
	s3 =	sadd.s32 s3, s5;
	[dreg:$0x0] =	wrdreg $0x0  }
0xae: {  	s5 =	sshll.u32 s28, $0x1;
	[dreg:$0x2] =	wrdreg s3  }
0xaf: {  	[dreg:$0x3] =	wrdreg s5  }
0xb0: {  	[dreg:$0x4] =	wrdreg $0xC0  }
0xb1: {  	_ =	task [dreg:s7], $0x5FFFF  }
0xb2: {  	[dreg:$0x1] =	wrdreg $0xFFFFFFFF  }
0xb3: {  	[dreg:$0x0] =	wrdreg $0x60  }
0xb4: {  	[dreg:$0x2] =	wrdreg s16  }
0xb5: {  	[dreg:$0x3] =	wrdreg s24  }
0xb6: {  	[dreg:$0x4] =	wrdreg $0x51000  }
0xb7: {  	[dreg:$0x5] =	wrdreg $0x9  }
0xb8: {  	_ =	task.clear_ibuf [dreg:s7], $0x6FFFF;
	_ =	strace $0x9000004F  }
0xb9: {  	s29 =	simm.s32 $0x9;
	_ =	strace $0x80000051  }
0xba: {  	_ =	swait.ge [sflag:s29], $0x1  }
0xbb: {  	[sflag:s29] =	ssyncadd.s32 $0xFFFFFFFF  }
0xbc: {  	_ =	strace $0x90000051  }
0xbd: {  	_ =	sfence  }
0xbe: {  	s30 =	sld [smem:$0x0];
	_ =	sdelay $0x2  }
0xbf: {  	s31 =	sshll.u32 s1, $0xD;
	s1 =	sshrl.u32 s1, $0x2  }
0xc0: {  	s3 =	sand.u32 $0x4000, s31;
	s1 =	sadd.s32 s1, s30  }
0xc1: {  	s0 =	sor.u32 s3, s0;
	s1 =	sshll.u32 s1, $0x11  }
0xc2: {  	s0 =	sor.u32 s1, s0  }
0xc3: {  	s0 =	sadd.s32 $0x8F2B, s0  }
0xc4: {  	[sflag:s0] =	ssyncadd.remote.s32 $0x1  }
0xc5: {  	_ =	sfence.sel $0xFFFF  }
0xc6: {  	[dreg:$0x0] =	wrdreg $0xFFFFFFFF;
	(pc) =	sbr.abs _section_cstart, $3  }
0xc7: {  	[dreg:$0x1] =	wrdreg $0xFFFFFFFF  }
0xc8: {  	_ =	task.clear_ibuf [dreg:s7], $0x2FFFF;
	_ =	strace $0x9FFFFFFF  }
0xc9: {  	(tm) =	ssettm $0x7FFFFFFF  }
tec
execute0_lowered:
.L_overlay_start_1:
0x0: {  	(tag) =	ssettag $0x1  }
0x1: {  	s24 =	stileid.u32  }
0x2: {  	s20 =	srdreg.scid;
	s21 =	smul.u32 $0xA000, s24  }
0x3: {  	s8 =	sand.u32 $0x1, s20;
	s11 =	sor.u32 $0x10, s24;
	s20 =	smul.u32 $0x2800, s24  }
0x4: {  	s12 =	sor.u32 $0x20, s24;
	s6 =	smul.u32 $0xA000, s11  }
0x5: {  	s3 =	rddreg [dreg:$0x0];
	s14 =	sor.u32 $0x30, s24;
	s13 =	smul.u32 $0xA000, s12  }
0x6: {  	s4 =	rddreg [dreg:$0x1];
	s15 =	sor.u32 $0x40, s24;
	s22 =	smul.u32 $0xA000, s14  }
0x7: {  	s1 =	rddreg [dreg:$0x2];
	s17 =	sor.u32 $0x50, s24;
	s16 =	smul.u32 $0xA000, s15  }
0x8: {  	s2 =	simm.s32 $0x0;
	s28 =	simm.s32 $0x2900;
	s18 =	smul.u32 $0xA000, s17  }
0x9: {  	s29 =	simm.s32 $0x1;
	s30 =	simm.s32 $0x3;
	s19 =	smul.u32 $0x138800, s8  }
0xa: {  	s31 =	simm.s32 $0x50;
	[smem:$0x7FF] =	sst s2;
	s11 =	smul.u32 $0x2800, s11  }
0xb: {  	s0 =	sadd.s32 $0x320800, s4;
	s10 =	sadd.s32 $0x80A00, s4;
	s12 =	smul.u32 $0x2800, s12  }
0xc: {  	s26 =	sor.u32 $0x60, s24;
	p0 =	sgt.u32 s24, $0xC;
	s14 =	smul.u32 $0x2800, s14  }
0xd: {  	s5 =	ssub.s32 $0x2, s8;
	s4 =	sshrl.u32 s21, $0x2;
	s21 =	smul.u32 $0xA000, s26  }
0xe: {  	_ =	strace $0x80000050;
	s7 =	sshrl.u32 s5, $0x1;
	s26 =	smul.u32 $0x2800, s26  }
0xf: {  	s9 =	ssub.s32 s5, s7;
	s4 =	sadd.s32 s4, s1;
	s23 =	sshrl.u32 s6, $0x2  }
0x10: {  	s25 =	sshrl.u32 s13, $0x2;
	s7 =	sshrl.u32 s22, $0x2;
	s16 =	sshrl.u32 s16, $0x2  }
0x11: {  	s20 =	sadd.s32 s20, s19;
	s18 =	sshrl.u32 s18, $0x2;
	s22 =	sor.u32 $0x70, s24  }
0x12: {  	s11 =	sadd.s32 s19, s11;
	s12 =	sadd.s32 s19, s12;
	s13 =	smul.u32 $0x1F40, s24  }
0x13: {  	s5 =	sadd.s32 s23, s1;
	s6 =	sadd.s32 s25, s1;
	s7 =	sadd.s32 s7, s1  }
0x14: {  	s20 =	sshrl.u32 s20, $0x3;
	s11 =	sshrl.u32 s11, $0x3;
	s12 =	sshrl.u32 s12, $0x3  }
0x15: {  	s23 =	sadd.s32 s19, s14;
	s25 =	smul.u32 $0x2800, s17;
	s20 =	sadd.s32 s10, s20  }
0x16: {  	s26 =	sadd.s32 s19, s26;
	s11 =	sadd.s32 s10, s11;
	[dreg:$0x4] =	wrdreg s20  }
0x17: {  	s16 =	sadd.s32 s16, s1;
	s21 =	sshrl.u32 s21, $0x2;
	[dreg:$0x5] =	wrdreg s11  }
0x18: {  	s20 =	smul.u32 $0x2800, s15;
	s11 =	sadd.s32 s10, s12;
	s17 =	sadd.s32 s19, s25  }
0x19: {  	[dreg:$0x6] =	wrdreg s11;
	s11 =	sshrl.u32 s23, $0x3;
	s25 =	sshrl.u32 s17, $0x3  }
0x1a: {  	s17 =	sadd.s32 s18, s1;
	s18 =	sadd.s32 s21, s1;
	s12 =	sadd.s32 s19, s20  }
0x1b: {  	s20 =	smul.u32 $0x2800, s22;
	s11 =	sadd.s32 s10, s11;
	s12 =	sshrl.u32 s12, $0x3  }
0x1c: {  	[dreg:$0x7] =	wrdreg s11;
	s11 =	sadd.s32 s10, s25;
	s23 =	sadd.s32 s10, s12  }
0x1d: {  	[dreg:$0x9] =	wrdreg s11;
	s14 =	sadd.s32 s19, s20;
	s20 =	smul.u32 $0xA000, s22  }
0x1e: {  	s11 =	sshrl.u32 s26, $0x3;
	s22 =	smul.u32 $0x1F400, s24;
	[dreg:$0x8] =	wrdreg s23  }
0x1f: {  	s12 =	sshrl.u32 s14, $0x3;
	s11 =	sadd.s32 s10, s11;
	s14 =	smul.u32 $0xFA0, s8  }
0x20: {  	s24 =	simm.s32 $0x100;
	s8 =	smul.u32 $0xFA00, s8;
	[dreg:$0xa] =	wrdreg s11  }
0x21: {  	s15 =	sadd.s32 s10, s12;
	s11 =	sshrl.u32 s20, $0x2;
	s3 =	sadd.s32 s22, s3  }
0x22: {  	s20 =	smax.u32 s9, $0x1;
	s10 =	sadd.s32 s14, s13;
	s19 =	sadd.s32 s11, s1  }
0x23: {  	s3 =	sadd.s32 s8, s3;
	s8 =	simm.s32 $0x0;
	s23 =	sadd.s32 $0x50, s10  }
0x24: {  	s21 =	sadd.s32 $0x2EE500, s3;
	s26 =	sshrl.u32 s10, $0x3;
	s3 =	simm.s32 $0x4  }
0x25: {  	s25 =	sshrl.u32 s23, $0x3;
	s23 =	sadd.s32 s26, s0;
	s26 =	simm.s32 $0x80  }
0x26: {  	v0 =	vimm.f32 $0.0e+00;
	s22 =	sadd.s32 s25, s0;
	s25 =	simm.s32 $0x5;
	s0 =	simm.s32 $0x2  }
.LBB2_1:
0x27: {  	s9 =	simm.s32 $0x0;
	s10 =	simm.s32 $0x200  }
.LBB2_2:
0x28: {  	p1 =	sne.s32 s10, $0x9E00;
	[tilespmem:s9+$0x170] =	vst v0  }
0x29: {  	[tilespmem:s9+$0x100] =	vst v0  }
0x2a: {  	[tilespmem:s9+$0x110] =	vst v0  }
.Ltmp0:
0x2b: {  	[tilespmem:s9+$0x120] =	vst v0;
	(pc) =	sbr.rel @p1 .LBB2_2-.Ltmp0, $4  }
0x2c: {  	[tilespmem:s9+$0x130] =	vst v0  }
0x2d: {  	[tilespmem:s9+$0x140] =	vst v0  }
0x2e: {  	[tilespmem:s9+$0x150] =	vst v0  }
0x2f: {  	[tilespmem:s9+$0x160] =	vst v0;
	s9 =	sshra.s32 s10, $0x2;
	s10 =	sadd.s32 $0x200, s10  }
0x30: {  	[tilespmem:s9+$0x170] =	vst v0  }
0x31: {  	[tilespmem:s9+$0x100] =	vst v0  }
0x32: {  	[tilespmem:s9+$0x110] =	vst v0  }
0x33: {  	[tilespmem:s9+$0x120] =	vst v0  }
0x34: {  	[tilespmem:s9+$0x130] =	vst v0  }
0x35: {  	[tilespmem:s9+$0x140] =	vst v0  }
0x36: {  	[tilespmem:s9+$0x150] =	vst v0  }
0x37: {  	[tilespmem:s9+$0x160] =	vst v0  }
0x38: {  	[spmem:s4] =	stream.linear.scatter [tilespmem:s24], [sflag:$0x5], $0x2800, $0x38;
	[tilespmem:$0x18980] =	vst v63  }
0x39: {  	_ =	swait.ge [sflag:s25], $0x2800  }
0x3a: {  	[sflag:s25] =	ssyncset.done $0x0  }
0x3b: {  	[sflag:s25] =	ssyncadd.s32 $0xFFFFD800  }
0x3c: {  	[spmem:s5] =	stream.linear.scatter [tilespmem:s24], [sflag:$0x5], $0x2800, $0x38;
	[tilespmem:$0x18980] =	vst v63  }
0x3d: {  	_ =	swait.ge [sflag:s25], $0x2800  }
0x3e: {  	[sflag:s25] =	ssyncset.done $0x0  }
0x3f: {  	[sflag:s25] =	ssyncadd.s32 $0xFFFFD800  }
0x40: {  	[spmem:s6] =	stream.linear.scatter [tilespmem:s24], [sflag:$0x5], $0x2800, $0x38;
	[tilespmem:$0x18980] =	vst v63  }
0x41: {  	_ =	swait.ge [sflag:s25], $0x2800  }
0x42: {  	[sflag:s25] =	ssyncset.done $0x0  }
0x43: {  	[sflag:s25] =	ssyncadd.s32 $0xFFFFD800  }
0x44: {  	[spmem:s7] =	stream.linear.scatter [tilespmem:s24], [sflag:$0x5], $0x2800, $0x38;
	[tilespmem:$0x18980] =	vst v63  }
0x45: {  	_ =	swait.ge [sflag:s25], $0x2800  }
0x46: {  	[sflag:s25] =	ssyncset.done $0x0  }
0x47: {  	[sflag:s25] =	ssyncadd.s32 $0xFFFFD800  }
0x48: {  	[spmem:s16] =	stream.linear.scatter [tilespmem:s24], [sflag:$0x5], $0x2800, $0x38;
	[tilespmem:$0x18980] =	vst v63  }
0x49: {  	_ =	swait.ge [sflag:s25], $0x2800  }
0x4a: {  	[sflag:s25] =	ssyncset.done $0x0  }
0x4b: {  	[sflag:s25] =	ssyncadd.s32 $0xFFFFD800  }
0x4c: {  	[spmem:s17] =	stream.linear.scatter [tilespmem:s24], [sflag:$0x5], $0x2800, $0x38;
	[tilespmem:$0x18980] =	vst v63  }
0x4d: {  	_ =	swait.ge [sflag:s25], $0x2800  }
0x4e: {  	[sflag:s25] =	ssyncset.done $0x0  }
0x4f: {  	[sflag:s25] =	ssyncadd.s32 $0xFFFFD800  }
0x50: {  	[spmem:s18] =	stream.linear.scatter [tilespmem:s24], [sflag:$0x5], $0x2800, $0x38;
	[tilespmem:$0x18980] =	vst v63  }
0x51: {  	_ =	swait.ge [sflag:s25], $0x2800  }
0x52: {  	[sflag:s25] =	ssyncset.done $0x0  }
0x53: {  	s9 =	simm.s32 @!p0 $0x100;
	[sflag:s25] =	ssyncadd.s32 $0xFFFFD800  }
0x54: {  	[spmem:s19] =	stream.linear.scatter @!p0 [tilespmem:s9], [sflag:$0x5], $0x2800, $0x38;
	[tilespmem:$0x18980] =	vst v63  }
0x55: {  	s9 =	simm.s32 @!p0 $0x5  }
0x56: {  	_ =	swait.ge @!p0 [sflag:s9], $0x2800  }
0x57: {  	[sflag:s9] =	ssyncset.done @!p0 $0x0  }
0x58: {  	[sflag:s9] =	ssyncadd.s32 @!p0 $0xFFFFD800  }
0x59: {  	s12 =	sadd.s32 $0x0, s23;
	[bflag:$0x0] =	sbarrier.arrive $0xFFFF  }
0x5a: {  	[tilespmem:s2], [sflag:$0x1] =	stream.linear.gather [hbm4b:s12+s2], $0x50, $0x38;
	[tilespmem:$0x18980] =	vst v63  }
0x5b: {  	s13 =	sadd.s32 $0xFFFFFB00, s21  }
0x5c: {  	[tilespmem:s24], [sflag:$0x3] =	stream.linear.gather [hbm4b:s13+s2], $0x2800, $0x38;
	[tilespmem:$0x18980] =	vst v63  }
0x5d: {  	s14 =	sadd.s32 $0x0, s22  }
0x5e: {  	[tilespmem:s26], [sflag:$0x2] =	stream.linear.gather [hbm4b:s14+s2], $0x50, $0x38;
	[tilespmem:$0x18980] =	vst v63  }
0x5f: {  	_ = 	snop  }
0x60: {  	[tilespmem:s28], [sflag:$0x4] =	stream.linear.gather [hbm4b:s21+s2], $0x2800, $0x38;
	[tilespmem:$0x18980] =	vst v63  }
0x61: {  	_ =	swait.ge [sflag:s29], $0x50  }
0x62: {  	[sflag:s29] =	ssyncset.done $0x0  }
0x63: {  	[sflag:s29] =	ssyncadd.s32 $0xFFFFFFB0  }
0x64: {  	_ =	swait.ge [sflag:s30], $0x2800  }
0x65: {  	[sflag:s30] =	ssyncset.done $0x0  }
0x66: {  	[sflag:s30] =	ssyncadd.s32 $0xFFFFD800  }
0x67: {  	[spmem:s1] =	stream.indirect.scatter.add.f32 [tilespmem:s24], [sflag:$0x5], $0x80, s2, s31, $0xb8;
	[tilespmem:$0x18980] =	vst v63  }
0x68: {  	_ =	swait.ge [sflag:s25], $0x2800  }
0x69: {  	[sflag:s25] =	ssyncset.done $0x0  }
0x6a: {  	[sflag:s25] =	ssyncadd.s32 $0xFFFFD800  }
0x6b: {  	_ =	swait.ge [sflag:s0], $0x50  }
0x6c: {  	[sflag:s0] =	ssyncset.done $0x0  }
0x6d: {  	[sflag:s0] =	ssyncadd.s32 $0xFFFFFFB0  }
0x6e: {  	_ =	swait.ge [sflag:s3], $0x2800  }
0x6f: {  	[sflag:s3] =	ssyncset.done $0x0  }
0x70: {  	[sflag:s3] =	ssyncadd.s32 $0xFFFFD800  }
0x71: {  	[spmem:s1] =	stream.indirect.scatter.add.f32 [tilespmem:s28], [sflag:$0x5], $0x80, s26, s31, $0xb8;
	[tilespmem:$0x18980] =	vst v63  }
0x72: {  	s11 =	simm.s32 $0x28;
	_ =	swait.ge [sflag:s25], $0x2800  }
0x73: {  	s10 =	sadd.s32 $0xA00, s21;
	s9 =	simm.s32 $0x14;
	[sflag:s25] =	ssyncset.done $0x0  }
.LBB2_4:
0x74: {  	s12 =	sadd.s32 s9, s23  }
0x75: {  	[sflag:s25] =	ssyncadd.s32 $0xFFFFD800;
	s13 =	smov.u32 s11;
	s14 =	sadd.s32 $0x14, s11  }
0x76: {  	[tilespmem:s2], [sflag:$0x1] =	stream.linear.gather [hbm4b:s12+s2], $0x50, $0x38;
	[tilespmem:$0x18980] =	vst v63  }
0x77: {  	p1 =	sne.s32 s11, $0x1E0;
	s11 =	sadd.s32 $0xFFFFFB00, s10  }
0x78: {  	[tilespmem:s24], [sflag:$0x3] =	stream.linear.gather [hbm4b:s11+s2], $0x2800, $0x38;
	[tilespmem:$0x18980] =	vst v63  }
0x79: {  	s11 =	sadd.s32 s9, s22;
	s9 =	smov.u32 s13  }
0x7a: {  	[tilespmem:s26], [sflag:$0x2] =	stream.linear.gather [hbm4b:s11+s2], $0x50, $0x38;
	[tilespmem:$0x18980] =	vst v63  }
0x7b: {  	_ = 	snop  }
0x7c: {  	[tilespmem:s28], [sflag:$0x4] =	stream.linear.gather [hbm4b:s10+s2], $0x2800, $0x38;
	[tilespmem:$0x18980] =	vst v63  }
0x7d: {  	_ =	swait.ge [sflag:s29], $0x50  }
0x7e: {  	[sflag:s29] =	ssyncset.done $0x0  }
0x7f: {  	[sflag:s29] =	ssyncadd.s32 $0xFFFFFFB0  }
0x80: {  	_ =	swait.ge [sflag:s30], $0x2800  }
0x81: {  	[sflag:s30] =	ssyncset.done $0x0  }
0x82: {  	[sflag:s30] =	ssyncadd.s32 $0xFFFFD800  }
0x83: {  	[spmem:s1] =	stream.indirect.scatter.add.f32 [tilespmem:s24], [sflag:$0x5], $0x80, s2, s31, $0xb8;
	[tilespmem:$0x18980] =	vst v63  }
0x84: {  	_ =	swait.ge [sflag:s25], $0x2800  }
0x85: {  	[sflag:s25] =	ssyncset.done $0x0  }
0x86: {  	[sflag:s25] =	ssyncadd.s32 $0xFFFFD800  }
0x87: {  	_ =	swait.ge [sflag:s0], $0x50  }
0x88: {  	[sflag:s0] =	ssyncset.done $0x0  }
0x89: {  	[sflag:s0] =	ssyncadd.s32 $0xFFFFFFB0  }
0x8a: {  	_ =	swait.ge [sflag:s3], $0x2800  }
.Ltmp1:
0x8b: {  	[sflag:s3] =	ssyncset.done $0x0;
	(pc) =	sbr.rel @p1 .LBB2_4-.Ltmp1, $4  }
0x8c: {  	[sflag:s3] =	ssyncadd.s32 $0xFFFFD800  }
0x8d: {  	[spmem:s1] =	stream.indirect.scatter.add.f32 [tilespmem:s28], [sflag:$0x5], $0x80, s26, s31, $0xb8;
	[tilespmem:$0x18980] =	vst v63  }
0x8e: {  	_ =	swait.ge [sflag:s25], $0x2800  }
0x8f: {  	s11 =	smov.u32 s14;
	s10 =	sadd.s32 $0xA00, s10;
	[sflag:s25] =	ssyncset.done $0x0  }
0x90: {  	s11 =	sadd.s32 s9, s23;
	[sflag:s25] =	ssyncadd.s32 $0xFFFFD800  }
0x91: {  	[tilespmem:s2], [sflag:$0x1] =	stream.linear.gather [hbm4b:s11+s2], $0x50, $0x38;
	[tilespmem:$0x18980] =	vst v63  }
0x92: {  	s14 =	sadd.s32 $0xFFFFFB00, s10  }
0x93: {  	[tilespmem:s24], [sflag:$0x3] =	stream.linear.gather [hbm4b:s14+s2], $0x2800, $0x38;
	[tilespmem:$0x18980] =	vst v63  }
0x94: {  	s12 =	sadd.s32 s9, s22  }
0x95: {  	[tilespmem:s26], [sflag:$0x2] =	stream.linear.gather [hbm4b:s12+s2], $0x50, $0x38;
	[tilespmem:$0x18980] =	vst v63  }
0x96: {  	_ = 	snop  }
0x97: {  	[tilespmem:s28], [sflag:$0x4] =	stream.linear.gather [hbm4b:s10+s2], $0x2800, $0x38;
	[tilespmem:$0x18980] =	vst v63  }
0x98: {  	_ =	swait.ge [sflag:s29], $0x50  }
0x99: {  	[sflag:s29] =	ssyncset.done $0x0  }
0x9a: {  	[sflag:s29] =	ssyncadd.s32 $0xFFFFFFB0  }
0x9b: {  	_ =	swait.ge [sflag:s30], $0x2800  }
0x9c: {  	[sflag:s30] =	ssyncset.done $0x0  }
0x9d: {  	[sflag:s30] =	ssyncadd.s32 $0xFFFFD800  }
0x9e: {  	[spmem:s1] =	stream.indirect.scatter.add.f32 [tilespmem:s24], [sflag:$0x5], $0x80, s2, s31, $0xb8;
	[tilespmem:$0x18980] =	vst v63  }
0x9f: {  	_ =	swait.ge [sflag:s25], $0x2800  }
0xa0: {  	[sflag:s25] =	ssyncset.done $0x0  }
0xa1: {  	[sflag:s25] =	ssyncadd.s32 $0xFFFFD800  }
0xa2: {  	_ =	swait.ge [sflag:s0], $0x50  }
0xa3: {  	[sflag:s0] =	ssyncset.done $0x0  }
0xa4: {  	[sflag:s0] =	ssyncadd.s32 $0xFFFFFFB0  }
0xa5: {  	_ =	swait.ge [sflag:s3], $0x2800  }
0xa6: {  	[sflag:s3] =	ssyncset.done $0x0  }
0xa7: {  	[sflag:s3] =	ssyncadd.s32 $0xFFFFD800  }
0xa8: {  	[spmem:s1] =	stream.indirect.scatter.add.f32 [tilespmem:s28], [sflag:$0x5], $0x80, s26, s31, $0xb8;
	[tilespmem:$0x18980] =	vst v63  }
0xa9: {  	_ =	swait.ge [sflag:s25], $0x2800  }
0xaa: {  	[sflag:s25] =	ssyncset.done $0x0  }
0xab: {  	[sflag:s25] =	ssyncadd.s32 $0xFFFFD800  }
0xac: {  	[bflag:$0x0] =	sbarrier.arrive $0xFFFF  }
0xad: {  	[tilespmem:s24], [sflag:$0x5] =	stream.linear.gather [spmem:s4], $0x2800, $0x38;
	[tilespmem:$0x18980] =	vst v63  }
0xae: {  	_ =	swait.ge [sflag:s25], $0x2800  }
0xaf: {  	[sflag:s25] =	ssyncset.done $0x0  }
0xb0: {  	s13 =	rddreg [dreg:$0x4];
	[sflag:s25] =	ssyncadd.s32 $0xFFFFD800  }
0xb1: {  	[hbm4b:s13+s2] =	stream.linear.scatter [tilespmem:s24], [sflag:$0x5], $0x2800, $0x38;
	[tilespmem:$0x18980] =	vst v63  }
0xb2: {  	_ =	swait.ge [sflag:s25], $0x2800  }
0xb3: {  	[sflag:s25] =	ssyncset.done $0x0  }
0xb4: {  	[sflag:s25] =	ssyncadd.s32 $0xFFFFD800  }
0xb5: {  	[tilespmem:s24], [sflag:$0x5] =	stream.linear.gather [spmem:s5], $0x2800, $0x38;
	[tilespmem:$0x18980] =	vst v63  }
0xb6: {  	_ =	swait.ge [sflag:s25], $0x2800  }
0xb7: {  	[sflag:s25] =	ssyncset.done $0x0  }
0xb8: {  	s14 =	rddreg [dreg:$0x5];
	[sflag:s25] =	ssyncadd.s32 $0xFFFFD800  }
0xb9: {  	[hbm4b:s14+s2] =	stream.linear.scatter [tilespmem:s24], [sflag:$0x5], $0x2800, $0x38;
	[tilespmem:$0x18980] =	vst v63  }
0xba: {  	_ =	swait.ge [sflag:s25], $0x2800  }
0xbb: {  	[sflag:s25] =	ssyncset.done $0x0  }
0xbc: {  	[sflag:s25] =	ssyncadd.s32 $0xFFFFD800  }
0xbd: {  	[tilespmem:s24], [sflag:$0x5] =	stream.linear.gather [spmem:s6], $0x2800, $0x38;
	[tilespmem:$0x18980] =	vst v63  }
0xbe: {  	_ =	swait.ge [sflag:s25], $0x2800  }
0xbf: {  	[sflag:s25] =	ssyncset.done $0x0  }
0xc0: {  	s10 =	rddreg [dreg:$0x6];
	[sflag:s25] =	ssyncadd.s32 $0xFFFFD800  }
0xc1: {  	[hbm4b:s10+s2] =	stream.linear.scatter [tilespmem:s24], [sflag:$0x5], $0x2800, $0x38;
	[tilespmem:$0x18980] =	vst v63  }
0xc2: {  	_ =	swait.ge [sflag:s25], $0x2800  }
0xc3: {  	[sflag:s25] =	ssyncset.done $0x0  }
0xc4: {  	[sflag:s25] =	ssyncadd.s32 $0xFFFFD800  }
0xc5: {  	[tilespmem:s24], [sflag:$0x5] =	stream.linear.gather [spmem:s7], $0x2800, $0x38;
	[tilespmem:$0x18980] =	vst v63  }
0xc6: {  	_ =	swait.ge [sflag:s25], $0x2800  }
0xc7: {  	[sflag:s25] =	ssyncset.done $0x0  }
0xc8: {  	s11 =	rddreg [dreg:$0x7];
	[sflag:s25] =	ssyncadd.s32 $0xFFFFD800  }
0xc9: {  	[hbm4b:s11+s2] =	stream.linear.scatter [tilespmem:s24], [sflag:$0x5], $0x2800, $0x38;
	[tilespmem:$0x18980] =	vst v63  }
0xca: {  	_ =	swait.ge [sflag:s25], $0x2800  }
0xcb: {  	[sflag:s25] =	ssyncset.done $0x0  }
0xcc: {  	[sflag:s25] =	ssyncadd.s32 $0xFFFFD800  }
0xcd: {  	[tilespmem:s24], [sflag:$0x5] =	stream.linear.gather [spmem:s16], $0x2800, $0x38;
	[tilespmem:$0x18980] =	vst v63  }
0xce: {  	_ =	swait.ge [sflag:s25], $0x2800  }
0xcf: {  	[sflag:s25] =	ssyncset.done $0x0  }
0xd0: {  	s12 =	rddreg [dreg:$0x8];
	[sflag:s25] =	ssyncadd.s32 $0xFFFFD800  }
0xd1: {  	[hbm4b:s12+s2] =	stream.linear.scatter [tilespmem:s24], [sflag:$0x5], $0x2800, $0x38;
	[tilespmem:$0x18980] =	vst v63  }
0xd2: {  	_ =	swait.ge [sflag:s25], $0x2800  }
0xd3: {  	[sflag:s25] =	ssyncset.done $0x0  }
0xd4: {  	[sflag:s25] =	ssyncadd.s32 $0xFFFFD800  }
0xd5: {  	[tilespmem:s24], [sflag:$0x5] =	stream.linear.gather [spmem:s17], $0x2800, $0x38;
	[tilespmem:$0x18980] =	vst v63  }
0xd6: {  	_ =	swait.ge [sflag:s25], $0x2800  }
0xd7: {  	[sflag:s25] =	ssyncset.done $0x0  }
0xd8: {  	s13 =	rddreg [dreg:$0x9];
	[sflag:s25] =	ssyncadd.s32 $0xFFFFD800  }
0xd9: {  	[hbm4b:s13+s2] =	stream.linear.scatter [tilespmem:s24], [sflag:$0x5], $0x2800, $0x38;
	[tilespmem:$0x18980] =	vst v63  }
0xda: {  	_ =	swait.ge [sflag:s25], $0x2800  }
0xdb: {  	[sflag:s25] =	ssyncset.done $0x0  }
0xdc: {  	[sflag:s25] =	ssyncadd.s32 $0xFFFFD800  }
0xdd: {  	[tilespmem:s24], [sflag:$0x5] =	stream.linear.gather [spmem:s18], $0x2800, $0x38;
	[tilespmem:$0x18980] =	vst v63  }
0xde: {  	_ =	swait.ge [sflag:s25], $0x2800  }
0xdf: {  	[sflag:s25] =	ssyncset.done $0x0  }
0xe0: {  	s14 =	rddreg [dreg:$0xa];
	[sflag:s25] =	ssyncadd.s32 $0xFFFFD800  }
0xe1: {  	[hbm4b:s14+s2] =	stream.linear.scatter [tilespmem:s24], [sflag:$0x5], $0x2800, $0x38;
	[tilespmem:$0x18980] =	vst v63  }
0xe2: {  	_ =	swait.ge [sflag:s25], $0x2800  }
0xe3: {  	[sflag:s25] =	ssyncset.done $0x0  }
0xe4: {  	s9 =	simm.s32 @!p0 $0x100;
	s10 =	simm.s32 @!p0 $0x5;
	[sflag:s25] =	ssyncadd.s32 $0xFFFFD800  }
0xe5: {  	[tilespmem:s9], [sflag:$0x5] =	stream.linear.gather @!p0 [spmem:s19], $0x2800, $0x38;
	[tilespmem:$0x18980] =	vst v63  }
0xe6: {  	s8 =	sadd.s32 $0x1, s8;
	_ =	swait.ge @!p0 [sflag:s10], $0x2800  }
0xe7: {  	p1 =	sne.s32 s8, s20;
	[sflag:s10] =	ssyncset.done @!p0 $0x0  }
.Ltmp2:
0xe8: {  	s11 =	simm.s32 @!p0 $0x0;
	[sflag:s10] =	ssyncadd.s32 @!p0 $0xFFFFD800;
	(pc) =	sbr.rel @p1 .LBB2_1-.Ltmp2, $4  }
0xe9: {  	[hbm4b:s15+s11] =	stream.linear.scatter @!p0 [tilespmem:s9], [sflag:$0x5], $0x2800, $0x38;
	[tilespmem:$0x18980] =	vst v63  }
0xea: {  	_ =	swait.ge @!p0 [sflag:s10], $0x2800  }
0xeb: {  	[sflag:s10] =	ssyncset.done @!p0 $0x0  }
0xec: {  	[sflag:s10] =	ssyncadd.s32 @!p0 $0xFFFFD800  }
0xed: {  	_ =	sfence.sel $0x180000  }
0xee: {  	[bflag:$0x0] =	sbarrier.arrive $0xFFFF  }
0xef: {  	_ =	strace $0x90000050  }
0xf0: {  	s0 =	stileid.u32;
	[bflag:$0x2] =	sbarrier.arrive $0xFFFF  }
0xf1: {  	p0 =	sne.s32 s0, $0x0;
	s0 =	rddreg [dreg:$0x3]  }
0xf2: {  	s0 =	sadd.s32 @!p0 $0x100000, s0  }
0xf3: {  	[sflag:s0] =	ssyncadd.tile.s32 @!p0 $0x1;
	_ =	shalt  }
.Lfunc_end2:
_tile_overlayer_lowered:
.L_overlay_start_2:
0xf4: {  	(tag) =	ssettag $0x2  }
0xf5: {  	s0 =	rddreg [dreg:$0x0];
	s2 =	stileid.u32  }
0xf6: {  	s1 =	rddreg [dreg:$0x1];
	p0 =	sne.s32 s2, $0x0  }
0xf7: {  	s3 =	rddreg [dreg:$0x2];
	[bflag:$0x3] =	sbarrier.arrive $0xFFFF;
	s2 =	simm.s32 @!p0 $0x1C05  }
0xf8: {  	[timem:s3], [sflag:s2] =	dma.local @!p0 [hbm:s0], s1  }
0xf9: {  	s0 =	simm.s32 @!p0 $0x5  }
0xfa: {  	_ =	swait.ge @!p0 [sflag:s0], s1  }
0xfb: {  	s1 =	ssub.s32 @!p0 $0x0, s1;
	[sflag:s0] =	ssyncset.done @!p0 $0x0  }
0xfc: {  	[sflag:s0] =	ssyncadd.s32 @!p0 s1  }
0xfd: {  	[bflag:$0x3] =	sbarrier.arrive $0xFFFF  }
0xfe: {  	_ =	shalt  }

</sc_bundles>
